<compile_context>
chip_gen: v7x
topology: tpu7x:2x2x1
jax: 0.10.2.dev20260603
libtpu: 0.0.44.dev20260713+nightly
codegen_flags: <defaults>
</compile_context>

<pallas_src>
import dataclasses
import functools

import jax
import jax.numpy as jnp
from jax import lax
from jax.experimental import pallas as pl
from jax.experimental.pallas import tpu as pltpu
from jax.experimental.pallas import tpu_sc as plsc

N = 10000
E = 320000
D = 128
NC = 2
NS = 16
NW = NC * NS
EPW = E // NW
CHS = 50
NBUF = 5
GB = 40
NG = EPW // (GB * CHS)
NPAD = 10240
RPW = NPAD // NS
ZRS = 16
BR = 10000


def _mesh():
    return plsc.VectorSubcoreMesh(
        core_axis_name="c", subcore_axis_name="s", num_cores=NC, num_subcores=NS
    )



DEGR = 128
EPWP = DEGR * 128


def _sc_degree(dstp):
    cp = pltpu.CompilerParams()
    if "needs_layout_passes" in pltpu.CompilerParams.__dataclass_fields__:
        cp = dataclasses.replace(cp, needs_layout_passes=False)

    @functools.partial(
        pl.kernel,
        out_type=jax.ShapeDtypeStruct((NC, DEGR, 128), jnp.float32),
        mesh=_mesh(),
        compiler_params=cp,
        scratch_types=[
            pltpu.VMEM((DEGR, 128), jnp.int32),
            pltpu.VMEM((DEGR, 128), jnp.float32),
            pltpu.VMEM((1, 128), jnp.int32),
            pltpu.VMEM_SHARED((DEGR, 128), jnp.float32),
        ],
    )
    def k(dst_hbm, out_hbm, idx_v, tab_v, rid_v, acc_s):
        cid = lax.axis_index("c")
        sid = lax.axis_index("s")
        wid = cid * NS + sid

        zero16 = jnp.zeros((16,), jnp.float32)
        ones16 = jnp.ones((16,), jnp.float32)

        @pl.loop(0, DEGR)
        def _(r):
            for c in range(0, 128, 16):
                tab_v[r, pl.ds(c, 16)] = zero16

        for c in range(0, 128, 16):
            rid_v[0, pl.ds(c, 16)] = lax.iota(jnp.int32, 16) + c

        pltpu.sync_copy(dst_hbm.at[wid], idx_v)
        pltpu.sync_copy(tab_v.at[pl.ds(sid * 8, 8)], acc_s.at[pl.ds(sid * 8, 8)])
        plsc.subcore_barrier()

        @pl.loop(0, DEGR)
        def _(r):
            for c in range(0, 128, 16):
                d = idx_v[r, pl.ds(c, 16)]
                row = lax.shift_right_logical(d, 7)
                col = lax.bitwise_and(d, 127)
                plsc.addupdate_scatter(tab_v, [row, col], ones16)

        pltpu.sync_copy(tab_v, acc_s.at[rid_v.at[0]], add=True)
        plsc.subcore_barrier()
        pltpu.sync_copy(
            acc_s.at[pl.ds(sid * 8, 8)],
            out_hbm.at[cid, pl.ds(sid * 8, 8)],
        )

    return k(dstp)


def _sc_scatter(q, src3, dst3):

    @functools.partial(
        pl.kernel,
        out_type=jax.ShapeDtypeStruct((NC, NPAD, D), jnp.float32),
        mesh=_mesh(),
        scratch_types=[
            pltpu.VMEM((GB, CHS), jnp.int32),
            pltpu.VMEM((GB, CHS), jnp.int32),
            [pltpu.VMEM((CHS, D), jnp.float32) for _ in range(NBUF)],
            pltpu.VMEM((ZRS, D), jnp.float32),
            pltpu.VMEM_SHARED((NPAD, D), jnp.float32),
            [pltpu.SemaphoreType.DMA for _ in range(NBUF)],
            pltpu.SemaphoreType.DMA,
        ],
    )
    def k(q_hbm, src_hbm, dst_hbm, out_hbm, srcg_v, dstg_v, rows_v, zb_v,
          acc_s, sems, zsem):
        cid = lax.axis_index("c")
        sid = lax.axis_index("s")
        wid = cid * NS + sid

        @pl.loop(0, ZRS)
        def _(i):
            for j in range(0, D, 16):
                zb_v[i, pl.ds(j, 16)] = jnp.zeros((16,), jnp.float32)

        @pl.loop(0, RPW, step=ZRS)
        def _(r):
            pltpu.async_copy(zb_v, acc_s.at[pl.ds(sid * RPW + r, ZRS)], zsem)

        @pl.loop(0, RPW, step=ZRS)
        def _(r):
            pltpu.make_async_copy(
                zb_v, acc_s.at[pl.ds(sid * RPW + r, ZRS)], zsem
            ).wait()

        plsc.subcore_barrier()

        @pl.loop(0, NG)
        def _(g):
            pltpu.sync_copy(src_hbm.at[wid, g], srcg_v)
            pltpu.sync_copy(dst_hbm.at[wid, g], dstg_v)
            for b in range(NBUF):
                pltpu.async_copy(q_hbm.at[srcg_v.at[b]], rows_v[b], sems[b])

            @pl.loop(0, GB, step=NBUF)
            def _(j):
                for b in range(NBUF):
                    pltpu.make_async_copy(
                        q_hbm.at[srcg_v.at[j + b]], rows_v[b], sems[b]
                    ).wait()
                    pltpu.sync_copy(rows_v[b], acc_s.at[dstg_v.at[j + b]],
                                    add=True)

                    @pl.when(j + b + NBUF < GB)
                    def _():
                        pltpu.async_copy(
                            q_hbm.at[srcg_v.at[j + b + NBUF]], rows_v[b],
                            sems[b],
                        )

        plsc.subcore_barrier()
        pltpu.sync_copy(
            acc_s.at[pl.ds(sid * RPW, RPW)],
            out_hbm.at[cid, pl.ds(sid * RPW, RPW)],
        )

    return k(q, src3, dst3)



def _first_body(x_ref, w0_ref, w1_ref, b_ref, deg_ref, t0_ref, q_ref, norm_ref):
    deg = deg_ref[0] + deg_ref[1]
    norm = lax.rsqrt(jnp.maximum(deg, 1.0))
    norm_ref[...] = norm
    xb = x_ref[...]
    t0_ref[...] = (
        jnp.dot(xb, w0_ref[...], preferred_element_type=jnp.float32)
        + b_ref[...][None, :]
    )
    q_ref[...] = jnp.dot(xb, w1_ref[...], preferred_element_type=jnp.float32) * norm


def _tc_first(x, w0, w1, b, deg):
    return pl.pallas_call(
        _first_body,
        grid=(N // BR,),
        in_specs=[
            pl.BlockSpec((BR, D), lambda i: (i, 0)),
            pl.BlockSpec((D, D), lambda i: (0, 0)),
            pl.BlockSpec((D, D), lambda i: (0, 0)),
            pl.BlockSpec((D,), lambda i: (0,)),
            pl.BlockSpec((NC, BR, 1), lambda i: (0, i, 0)),
        ],
        out_specs=[
            pl.BlockSpec((BR, D), lambda i: (i, 0)),
            pl.BlockSpec((BR, D), lambda i: (i, 0)),
            pl.BlockSpec((BR, 1), lambda i: (i, 0)),
        ],
        out_shape=[
            jax.ShapeDtypeStruct((N, D), jnp.float32),
            jax.ShapeDtypeStruct((N, D), jnp.float32),
            jax.ShapeDtypeStruct((N, 1), jnp.float32),
        ],
    )(x, w0, w1, b, deg)


def _mid_body(t0p_ref, agg_ref, norm_ref, w0_ref, w1_ref, b_ref, t0_ref, q_ref):
    norm = norm_ref[...]
    h = jnp.tanh(t0p_ref[...] - (agg_ref[0] + agg_ref[1]) * norm)
    t0_ref[...] = (
        jnp.dot(h, w0_ref[...], preferred_element_type=jnp.float32)
        + b_ref[...][None, :]
    )
    q_ref[...] = jnp.dot(h, w1_ref[...], preferred_element_type=jnp.float32) * norm


def _tc_mid(t0p, agg, norm, w0, w1, b):
    return pl.pallas_call(
        _mid_body,
        grid=(N // BR,),
        in_specs=[
            pl.BlockSpec((BR, D), lambda i: (i, 0)),
            pl.BlockSpec((NC, BR, D), lambda i: (0, i, 0)),
            pl.BlockSpec((BR, 1), lambda i: (i, 0)),
            pl.BlockSpec((D, D), lambda i: (0, 0)),
            pl.BlockSpec((D, D), lambda i: (0, 0)),
            pl.BlockSpec((D,), lambda i: (0,)),
        ],
        out_specs=[
            pl.BlockSpec((BR, D), lambda i: (i, 0)),
            pl.BlockSpec((BR, D), lambda i: (i, 0)),
        ],
        out_shape=[
            jax.ShapeDtypeStruct((N, D), jnp.float32),
            jax.ShapeDtypeStruct((N, D), jnp.float32),
        ],
    )(t0p, agg, norm, w0, w1, b)


def _final_body(t0p_ref, agg_ref, norm_ref, out_ref):
    out_ref[...] = t0p_ref[...] - (agg_ref[0] + agg_ref[1]) * norm_ref[...]


def _tc_final(t0p, agg, norm):
    return pl.pallas_call(
        _final_body,
        grid=(N // BR,),
        in_specs=[
            pl.BlockSpec((BR, D), lambda i: (i, 0)),
            pl.BlockSpec((NC, BR, D), lambda i: (0, i, 0)),
            pl.BlockSpec((BR, 1), lambda i: (i, 0)),
        ],
        out_specs=pl.BlockSpec((BR, D), lambda i: (i, 0)),
        out_shape=jax.ShapeDtypeStruct((N, D), jnp.float32),
    )(t0p, agg, norm)



def kernel(x, edge_index, W1_0, W1_1, b1, W2_0, W2_1, b2, W3_0, W3_1, b3):
    src4 = edge_index[0].reshape(NW, NG, GB, CHS)
    dst4 = edge_index[1].reshape(NW, NG, GB, CHS)
    dstp = jnp.concatenate(
        [edge_index[1].reshape(NW, EPW),
         jnp.full((NW, EPWP - EPW), N, jnp.int32)], axis=1,
    ).reshape(NW, DEGR, 128)

    deg = _sc_degree(dstp).reshape(NC, DEGR * 128, 1)
    t0, q, norm = _tc_first(x, W1_0, W1_1, b1, deg)
    agg = _sc_scatter(q, src4, dst4)
    t0, q = _tc_mid(t0, agg, norm, W2_0, W2_1, b2)
    agg = _sc_scatter(q, src4, dst4)
    t0, q = _tc_mid(t0, agg, norm, W3_0, W3_1, b3)
    agg = _sc_scatter(q, src4, dst4)
    return _tc_final(t0, agg, norm)

# --- scband reference (transcript-rebuilt; emitter-appended) ---
"""Pipeline reference for scband-cheb-conv-2834678415937 (READ-ONLY COPY).

The authoritative reference and input builder live on the scoring server;
editing this copy changes nothing except your own understanding.
"""

import jax, jax.numpy as jnp
import numpy as np

N = 10000
E = 320000
D_IN = 128
D_HID = 128
D_OUT = 128
HID_LAYER = 1


def setup_inputs(seed: int = 0):
    key = jax.random.key(seed)
    ks = jax.random.split(key, 12)
    x = jax.random.normal(ks[0], (N, D_IN), dtype=jnp.float32)
    edge_index = jax.random.randint(ks[1], (2, E), 0, N, dtype=jnp.int32)
    s = 0.05
    inp = {
        'x': x,
        'edge_index': edge_index,
        'W1_0': jax.random.normal(ks[2], (D_IN, D_HID), dtype=jnp.float32) * s,
        'W1_1': jax.random.normal(ks[3], (D_IN, D_HID), dtype=jnp.float32) * s,
        'b1': jnp.zeros((D_HID,), dtype=jnp.float32),
        'W2_0': jax.random.normal(ks[4], (D_HID, D_HID), dtype=jnp.float32) * s,
        'W2_1': jax.random.normal(ks[5], (D_HID, D_HID), dtype=jnp.float32) * s,
        'b2': jnp.zeros((D_HID,), dtype=jnp.float32),
        'W3_0': jax.random.normal(ks[6], (D_HID, D_OUT), dtype=jnp.float32) * s,
        'W3_1': jax.random.normal(ks[7], (D_HID, D_OUT), dtype=jnp.float32) * s,
        'b3': jnp.zeros((D_OUT,), dtype=jnp.float32),
    }
    return inp


def reference(x, edge_index, W1_0, W1_1, b1, W2_0, W2_1, b2, W3_0, W3_1, b3):
    # DGL ChebConv with k=2 and lambda_max=2 (default):
    #   re_norm = 2/lambda_max = 1
    #   X_0 = X
    #   X_1 = -D^{-1/2} A D^{-1/2} X_0
    #   out = X_0 @ W0 + X_1 @ W1 + b
    src = edge_index[0]
    dst = edge_index[1]
    degs = jnp.bincount(dst, length=N).astype(jnp.float32)
    degs = jnp.clip(degs, 1.0, None)
    norm = degs ** -0.5

    def cheb_layer(h, W0, W1, b):
        msg = h[src] * norm[src][:, None]
        agg = jnp.zeros((N, h.shape[1]), dtype=h.dtype).at[dst].add(msg)
        x1 = -(agg * norm[:, None])
        return h @ W0 + x1 @ W1 + b

    h = jnp.tanh(cheb_layer(x, W1_0, W1_1, b1))
    for _ in range(HID_LAYER):
        h = jnp.tanh(cheb_layer(h, W2_0, W2_1, b2))
    h = cheb_layer(h, W3_0, W3_1, b3)
    return h

if __name__ == "__main__":
    import jax
    _d = setup_inputs()
    print(jax.jit(kernel)(*tuple(_d.values())))

</pallas_src>

<mosaic_0001>
#map = affine_map<(d0, d1) -> (0, 0)>
#map1 = affine_map<(d0, d1) -> (0, 0, 0, 0)>
#map2 = affine_map<(d0, d1) -> (0, 0, 0)>
module attributes {stable_mosaic.version = 14 : i64} {
  func.func @k(%arg0: i32, %arg1: i32, %arg2: memref<10000x128xf32, #tpu.memory_space<hbm>>, %arg3: memref<32x5x40x50xi32, #tpu.memory_space<hbm>>, %arg4: memref<32x5x40x50xi32, #tpu.memory_space<hbm>>, %arg5: memref<2x10240x128xf32, #tpu.memory_space<hbm>>, %arg6: memref<40x50xi32, #tpu.memory_space<vmem>>, %arg7: memref<40x50xi32, #tpu.memory_space<vmem>>, %arg8: memref<50x128xf32, #tpu.memory_space<vmem>>, %arg9: memref<50x128xf32, #tpu.memory_space<vmem>>, %arg10: memref<50x128xf32, #tpu.memory_space<vmem>>, %arg11: memref<50x128xf32, #tpu.memory_space<vmem>>, %arg12: memref<50x128xf32, #tpu.memory_space<vmem>>, %arg13: memref<16x128xf32, #tpu.memory_space<vmem>>, %arg14: memref<10240x128xf32, #tpu.memory_space<vmem_shared>>, %arg15: memref<!tpu.dma_semaphore, #tpu.memory_space<semaphore_mem>>, %arg16: memref<!tpu.dma_semaphore, #tpu.memory_space<semaphore_mem>>, %arg17: memref<!tpu.dma_semaphore, #tpu.memory_space<semaphore_mem>>, %arg18: memref<!tpu.dma_semaphore, #tpu.memory_space<semaphore_mem>>, %arg19: memref<!tpu.dma_semaphore, #tpu.memory_space<semaphore_mem>>, %arg20: memref<!tpu.dma_semaphore, #tpu.memory_space<semaphore_mem>>) attributes {dimension_semantics = [#tpu.dimension_semantics<core_parallel>, #tpu.dimension_semantics<subcore_parallel>], iteration_bounds = array<i64: 2, 16>, scalar_prefetch = 0 : i64, scratch_operands = 15 : i64, tpu.core_type = #tpu.core_type<sc_vector_subcore>, window_params = [{transform_indices = #map}, {transform_indices = #map1}, {transform_indices = #map1}, {transform_indices = #map2}]} {
    %mul3A = arith.constant 16 : i32
    %mul3A_0 = arith.muli %arg0, %mul3A : i32
    %add3A = arith.addi %mul3A_0, %arg1 : i32
    %scan3A = arith.constant 0 : i32
    %scan3A_1 = arith.constant 16 : i32
    %scan3A_2 = arith.addi %scan3A, %scan3A_1 : i32
    %scan3A_3 = arith.constant 1 : i32
    scf.for %scan3A_25 = %scan3A to %scan3A_2 step %scan3A_3  : i32 {
      %mul3A_26 = arith.constant 1 : i32
      %mul3A_27 = arith.muli %scan3A_25, %mul3A_26 : i32
      %add3A_28 = arith.constant 0 : i32
      %add3A_29 = arith.addi %add3A_28, %mul3A_27 : i32
      %broadcast_in_dim3A = arith.constant 0.000000e+00 : f32
      %broadcast_in_dim3A_30 = vector.broadcast %broadcast_in_dim3A : f32 to vector<16xf32>
      %swap3A = arith.index_cast %add3A_29 : i32 to index
      %swap3A_31 = arith.constant 0 : index
      %swap3A_32 = tpu.vector_load %arg13[%swap3A, %swap3A_31] {strides = array<i32>} : memref<16x128xf32, #tpu.memory_space<vmem>>, vector<1x16xf32>,
      %swap3A_33 = vector.shape_cast %swap3A_32 : vector<1x16xf32> to vector<16xf32>
      %swap3A_34 = vector.shape_cast %broadcast_in_dim3A_30 : vector<16xf32> to vector<1x16xf32>
      tpu.vector_store %arg13[%swap3A, %swap3A_31], %swap3A_34 {strides = array<i32>} : memref<16x128xf32, #tpu.memory_space<vmem>>, vector<1x16xf32>,
      %broadcast_in_dim3A_35 = arith.constant 0.000000e+00 : f32
      %broadcast_in_dim3A_36 = vector.broadcast %broadcast_in_dim3A_35 : f32 to vector<16xf32>
      %swap3A_37 = arith.index_cast %add3A_29 : i32 to index
      %swap3A_38 = arith.constant 16 : index
      %swap3A_39 = tpu.vector_load %arg13[%swap3A_37, %swap3A_38] {strides = array<i32>} : memref<16x128xf32, #tpu.memory_space<vmem>>, vector<1x16xf32>,
      %swap3A_40 = vector.shape_cast %swap3A_39 : vector<1x16xf32> to vector<16xf32>
      %swap3A_41 = vector.shape_cast %broadcast_in_dim3A_36 : vector<16xf32> to vector<1x16xf32>
      tpu.vector_store %arg13[%swap3A_37, %swap3A_38], %swap3A_41 {strides = array<i32>} : memref<16x128xf32, #tpu.memory_space<vmem>>, vector<1x16xf32>,
      %broadcast_in_dim3A_42 = arith.constant 0.000000e+00 : f32
      %broadcast_in_dim3A_43 = vector.broadcast %broadcast_in_dim3A_42 : f32 to vector<16xf32>
      %swap3A_44 = arith.index_cast %add3A_29 : i32 to index
      %swap3A_45 = arith.constant 32 : index
      %swap3A_46 = tpu.vector_load %arg13[%swap3A_44, %swap3A_45] {strides = array<i32>} : memref<16x128xf32, #tpu.memory_space<vmem>>, vector<1x16xf32>,
      %swap3A_47 = vector.shape_cast %swap3A_46 : vector<1x16xf32> to vector<16xf32>
      %swap3A_48 = vector.shape_cast %broadcast_in_dim3A_43 : vector<16xf32> to vector<1x16xf32>
      tpu.vector_store %arg13[%swap3A_44, %swap3A_45], %swap3A_48 {strides = array<i32>} : memref<16x128xf32, #tpu.memory_space<vmem>>, vector<1x16xf32>,
      %broadcast_in_dim3A_49 = arith.constant 0.000000e+00 : f32
      %broadcast_in_dim3A_50 = vector.broadcast %broadcast_in_dim3A_49 : f32 to vector<16xf32>
      %swap3A_51 = arith.index_cast %add3A_29 : i32 to index
      %swap3A_52 = arith.constant 48 : index
      %swap3A_53 = tpu.vector_load %arg13[%swap3A_51, %swap3A_52] {strides = array<i32>} : memref<16x128xf32, #tpu.memory_space<vmem>>, vector<1x16xf32>,
      %swap3A_54 = vector.shape_cast %swap3A_53 : vector<1x16xf32> to vector<16xf32>
      %swap3A_55 = vector.shape_cast %broadcast_in_dim3A_50 : vector<16xf32> to vector<1x16xf32>
      tpu.vector_store %arg13[%swap3A_51, %swap3A_52], %swap3A_55 {strides = array<i32>} : memref<16x128xf32, #tpu.memory_space<vmem>>, vector<1x16xf32>,
      %broadcast_in_dim3A_56 = arith.constant 0.000000e+00 : f32
      %broadcast_in_dim3A_57 = vector.broadcast %broadcast_in_dim3A_56 : f32 to vector<16xf32>
      %swap3A_58 = arith.index_cast %add3A_29 : i32 to index
      %swap3A_59 = arith.constant 64 : index
      %swap3A_60 = tpu.vector_load %arg13[%swap3A_58, %swap3A_59] {strides = array<i32>} : memref<16x128xf32, #tpu.memory_space<vmem>>, vector<1x16xf32>,
      %swap3A_61 = vector.shape_cast %swap3A_60 : vector<1x16xf32> to vector<16xf32>
      %swap3A_62 = vector.shape_cast %broadcast_in_dim3A_57 : vector<16xf32> to vector<1x16xf32>
      tpu.vector_store %arg13[%swap3A_58, %swap3A_59], %swap3A_62 {strides = array<i32>} : memref<16x128xf32, #tpu.memory_space<vmem>>, vector<1x16xf32>,
      %broadcast_in_dim3A_63 = arith.constant 0.000000e+00 : f32
      %broadcast_in_dim3A_64 = vector.broadcast %broadcast_in_dim3A_63 : f32 to vector<16xf32>
      %swap3A_65 = arith.index_cast %add3A_29 : i32 to index
      %swap3A_66 = arith.constant 80 : index
      %swap3A_67 = tpu.vector_load %arg13[%swap3A_65, %swap3A_66] {strides = array<i32>} : memref<16x128xf32, #tpu.memory_space<vmem>>, vector<1x16xf32>,
      %swap3A_68 = vector.shape_cast %swap3A_67 : vector<1x16xf32> to vector<16xf32>
      %swap3A_69 = vector.shape_cast %broadcast_in_dim3A_64 : vector<16xf32> to vector<1x16xf32>
      tpu.vector_store %arg13[%swap3A_65, %swap3A_66], %swap3A_69 {strides = array<i32>} : memref<16x128xf32, #tpu.memory_space<vmem>>, vector<1x16xf32>,
      %broadcast_in_dim3A_70 = arith.constant 0.000000e+00 : f32
      %broadcast_in_dim3A_71 = vector.broadcast %broadcast_in_dim3A_70 : f32 to vector<16xf32>
      %swap3A_72 = arith.index_cast %add3A_29 : i32 to index
      %swap3A_73 = arith.constant 96 : index
      %swap3A_74 = tpu.vector_load %arg13[%swap3A_72, %swap3A_73] {strides = array<i32>} : memref<16x128xf32, #tpu.memory_space<vmem>>, vector<1x16xf32>,
      %swap3A_75 = vector.shape_cast %swap3A_74 : vector<1x16xf32> to vector<16xf32>
      %swap3A_76 = vector.shape_cast %broadcast_in_dim3A_71 : vector<16xf32> to vector<1x16xf32>
      tpu.vector_store %arg13[%swap3A_72, %swap3A_73], %swap3A_76 {strides = array<i32>} : memref<16x128xf32, #tpu.memory_space<vmem>>, vector<1x16xf32>,
      %broadcast_in_dim3A_77 = arith.constant 0.000000e+00 : f32
      %broadcast_in_dim3A_78 = vector.broadcast %broadcast_in_dim3A_77 : f32 to vector<16xf32>
      %swap3A_79 = arith.index_cast %add3A_29 : i32 to index
      %swap3A_80 = arith.constant 112 : index
      %swap3A_81 = tpu.vector_load %arg13[%swap3A_79, %swap3A_80] {strides = array<i32>} : memref<16x128xf32, #tpu.memory_space<vmem>>, vector<1x16xf32>,
      %swap3A_82 = vector.shape_cast %swap3A_81 : vector<1x16xf32> to vector<16xf32>
      %swap3A_83 = vector.shape_cast %broadcast_in_dim3A_78 : vector<16xf32> to vector<1x16xf32>
      tpu.vector_store %arg13[%swap3A_79, %swap3A_80], %swap3A_83 {strides = array<i32>} : memref<16x128xf32, #tpu.memory_space<vmem>>, vector<1x16xf32>,
    }
    %scan3A_4 = arith.constant 16 : i32
    %scan3A_5 = arith.constant 0 : i32
    %scan3A_6 = arith.constant 40 : i32
    %scan3A_7 = arith.addi %scan3A_5, %scan3A_6 : i32
    %scan3A_8 = arith.constant 1 : i32
    scf.for %scan3A_25 = %scan3A_5 to %scan3A_7 step %scan3A_8  : i32 {
      %mul3A_26 = arith.constant 16 : i32
      %mul3A_27 = arith.muli %scan3A_25, %mul3A_26 : i32
      %add3A_28 = arith.constant 0 : i32
      %add3A_29 = arith.addi %add3A_28, %mul3A_27 : i32
      %mul3A_30 = arith.constant 640 : i32
      %mul3A_31 = arith.muli %arg1, %mul3A_30 : i32
      %add3A_32 = arith.addi %mul3A_31, %add3A_29 : i32
      %dma_start3A = arith.constant 0 : i32
      %dma_start3A_33 = tpu.memref_slice %arg14[%add3A_32, %dma_start3A] : memref<10240x128xf32, #tpu.memory_space<vmem_shared>> -> memref<16x128xf32, #tpu.memory_space<vmem_shared>>
      %dma_start3A_34 = arith.constant 0 : i32
      %dma_start3A_35 = tpu.memref_slice %arg14[%add3A_32, %dma_start3A_34] : memref<10240x128xf32, #tpu.memory_space<vmem_shared>> -> memref<16x128xf32, #tpu.memory_space<vmem_shared>>
      tpu.enqueue_dma source(%arg13 : memref<16x128xf32, #tpu.memory_space<vmem>>) target(%dma_start3A_35 : memref<16x128xf32, #tpu.memory_space<vmem_shared>>) target_semaphore(%arg20 : memref<!tpu.dma_semaphore, #tpu.memory_space<semaphore_mem>>)
    }
    %scan3A_9 = arith.constant 40 : i32
    %scan3A_10 = arith.constant 0 : i32
    %scan3A_11 = arith.constant 40 : i32
    %scan3A_12 = arith.addi %scan3A_10, %scan3A_11 : i32
    %scan3A_13 = arith.constant 1 : i32
    scf.for %scan3A_25 = %scan3A_10 to %scan3A_12 step %scan3A_13  : i32 {
      %mul3A_26 = arith.constant 16 : i32
      %mul3A_27 = arith.muli %scan3A_25, %mul3A_26 : i32
      %add3A_28 = arith.constant 0 : i32
      %add3A_29 = arith.addi %add3A_28, %mul3A_27 : i32
      %mul3A_30 = arith.constant 640 : i32
      %mul3A_31 = arith.muli %arg1, %mul3A_30 : i32
      %add3A_32 = arith.addi %mul3A_31, %add3A_29 : i32
      %dma_wait3A = arith.constant 0 : i32
      %dma_wait3A_33 = tpu.memref_slice %arg14[%add3A_32, %dma_wait3A] : memref<10240x128xf32, #tpu.memory_space<vmem_shared>> -> memref<16x128xf32, #tpu.memory_space<vmem_shared>>
      %dma_wait3A_34 = arith.constant 0 : i32
      %dma_wait3A_35 = tpu.memref_slice %arg14[%add3A_32, %dma_wait3A_34] : memref<10240x128xf32, #tpu.memory_space<vmem_shared>> -> memref<16x128xf32, #tpu.memory_space<vmem_shared>>
      tpu.wait_dma2 semaphore(%arg20 : memref<!tpu.dma_semaphore, #tpu.memory_space<semaphore_mem>>) src(%arg13 : memref<16x128xf32, #tpu.memory_space<vmem>>) dst(%dma_wait3A_35 : memref<16x128xf32, #tpu.memory_space<vmem_shared>>)
    }
    %scan3A_14 = arith.constant 40 : i32
    %barrier3A = arith.constant 0 : index
    tpu.barrier barrier_id(%barrier3A)
    %scan3A_15 = arith.constant 0 : i32
    %scan3A_16 = arith.constant 5 : i32
    %scan3A_17 = arith.addi %scan3A_15, %scan3A_16 : i32
    %scan3A_18 = arith.constant 1 : i32
    scf.for %scan3A_25 = %scan3A_15 to %scan3A_17 step %scan3A_18  : i32 {
      %mul3A_26 = arith.constant 1 : i32
      %mul3A_27 = arith.muli %scan3A_25, %mul3A_26 : i32
      %add3A_28 = arith.constant 0 : i32
      %add3A_29 = arith.addi %add3A_28, %mul3A_27 : i32
      "tpu.region"() ({
        %run_scoped3A = tpu.sem_alloc : memref<!tpu.dma_semaphore, #tpu.memory_space<semaphore_mem>>
        %dma_start3A_69 = arith.constant 0 : i32
        %dma_start3A_70 = arith.constant 0 : i32
        %dma_start3A_71 = tpu.memref_slice %arg3[%add3A, %add3A_29, %dma_start3A_69, %dma_start3A_70] : memref<32x5x40x50xi32, #tpu.memory_space<hbm>> -> memref<1x1x40x50xi32, #tpu.memory_space<hbm>>
        %dma_start3A_72 = tpu.memref_squeeze %dma_start3A_71 : memref<1x1x40x50xi32, #tpu.memory_space<hbm>> -> memref<40x50xi32, #tpu.memory_space<hbm>>
        %dma_start3A_73 = arith.constant 0 : i32
        %dma_start3A_74 = arith.constant 0 : i32
        %dma_start3A_75 = tpu.memref_slice %arg3[%add3A, %add3A_29, %dma_start3A_73, %dma_start3A_74] : memref<32x5x40x50xi32, #tpu.memory_space<hbm>> -> memref<1x1x40x50xi32, #tpu.memory_space<hbm>>
        %dma_start3A_76 = tpu.memref_squeeze %dma_start3A_75 : memref<1x1x40x50xi32, #tpu.memory_space<hbm>> -> memref<40x50xi32, #tpu.memory_space<hbm>>
        tpu.enqueue_dma source(%dma_start3A_76 : memref<40x50xi32, #tpu.memory_space<hbm>>) target(%arg6 : memref<40x50xi32, #tpu.memory_space<vmem>>) target_semaphore(%run_scoped3A : memref<!tpu.dma_semaphore, #tpu.memory_space<semaphore_mem>>)
        %dma_wait3A = arith.constant 0 : i32
        %dma_wait3A_77 = arith.constant 0 : i32
        %dma_wait3A_78 = tpu.memref_slice %arg3[%add3A, %add3A_29, %dma_wait3A, %dma_wait3A_77] : memref<32x5x40x50xi32, #tpu.memory_space<hbm>> -> memref<1x1x40x50xi32, #tpu.memory_space<hbm>>
        %dma_wait3A_79 = tpu.memref_squeeze %dma_wait3A_78 : memref<1x1x40x50xi32, #tpu.memory_space<hbm>> -> memref<40x50xi32, #tpu.memory_space<hbm>>
        %dma_wait3A_80 = arith.constant 0 : i32
        %dma_wait3A_81 = arith.constant 0 : i32
        %dma_wait3A_82 = tpu.memref_slice %arg3[%add3A, %add3A_29, %dma_wait3A_80, %dma_wait3A_81] : memref<32x5x40x50xi32, #tpu.memory_space<hbm>> -> memref<1x1x40x50xi32, #tpu.memory_space<hbm>>
        %dma_wait3A_83 = tpu.memref_squeeze %dma_wait3A_82 : memref<1x1x40x50xi32, #tpu.memory_space<hbm>> -> memref<40x50xi32, #tpu.memory_space<hbm>>
        tpu.wait_dma2 semaphore(%run_scoped3A : memref<!tpu.dma_semaphore, #tpu.memory_space<semaphore_mem>>) src(%dma_wait3A_83 : memref<40x50xi32, #tpu.memory_space<hbm>>) dst(%arg6 : memref<40x50xi32, #tpu.memory_space<vmem>>)
        tpu.yield
      }) : () -> ()
      "tpu.region"() ({
        %run_scoped3A = tpu.sem_alloc : memref<!tpu.dma_semaphore, #tpu.memory_space<semaphore_mem>>
        %dma_start3A_69 = arith.constant 0 : i32
        %dma_start3A_70 = arith.constant 0 : i32
        %dma_start3A_71 = tpu.memref_slice %arg4[%add3A, %add3A_29, %dma_start3A_69, %dma_start3A_70] : memref<32x5x40x50xi32, #tpu.memory_space<hbm>> -> memref<1x1x40x50xi32, #tpu.memory_space<hbm>>
        %dma_start3A_72 = tpu.memref_squeeze %dma_start3A_71 : memref<1x1x40x50xi32, #tpu.memory_space<hbm>> -> memref<40x50xi32, #tpu.memory_space<hbm>>
        %dma_start3A_73 = arith.constant 0 : i32
        %dma_start3A_74 = arith.constant 0 : i32
        %dma_start3A_75 = tpu.memref_slice %arg4[%add3A, %add3A_29, %dma_start3A_73, %dma_start3A_74] : memref<32x5x40x50xi32, #tpu.memory_space<hbm>> -> memref<1x1x40x50xi32, #tpu.memory_space<hbm>>
        %dma_start3A_76 = tpu.memref_squeeze %dma_start3A_75 : memref<1x1x40x50xi32, #tpu.memory_space<hbm>> -> memref<40x50xi32, #tpu.memory_space<hbm>>
        tpu.enqueue_dma source(%dma_start3A_76 : memref<40x50xi32, #tpu.memory_space<hbm>>) target(%arg7 : memref<40x50xi32, #tpu.memory_space<vmem>>) target_semaphore(%run_scoped3A : memref<!tpu.dma_semaphore, #tpu.memory_space<semaphore_mem>>)
        %dma_wait3A = arith.constant 0 : i32
        %dma_wait3A_77 = arith.constant 0 : i32
        %dma_wait3A_78 = tpu.memref_slice %arg4[%add3A, %add3A_29, %dma_wait3A, %dma_wait3A_77] : memref<32x5x40x50xi32, #tpu.memory_space<hbm>> -> memref<1x1x40x50xi32, #tpu.memory_space<hbm>>
        %dma_wait3A_79 = tpu.memref_squeeze %dma_wait3A_78 : memref<1x1x40x50xi32, #tpu.memory_space<hbm>> -> memref<40x50xi32, #tpu.memory_space<hbm>>
        %dma_wait3A_80 = arith.constant 0 : i32
        %dma_wait3A_81 = arith.constant 0 : i32
        %dma_wait3A_82 = tpu.memref_slice %arg4[%add3A, %add3A_29, %dma_wait3A_80, %dma_wait3A_81] : memref<32x5x40x50xi32, #tpu.memory_space<hbm>> -> memref<1x1x40x50xi32, #tpu.memory_space<hbm>>
        %dma_wait3A_83 = tpu.memref_squeeze %dma_wait3A_82 : memref<1x1x40x50xi32, #tpu.memory_space<hbm>> -> memref<40x50xi32, #tpu.memory_space<hbm>>
        tpu.wait_dma2 semaphore(%run_scoped3A : memref<!tpu.dma_semaphore, #tpu.memory_space<semaphore_mem>>) src(%dma_wait3A_83 : memref<40x50xi32, #tpu.memory_space<hbm>>) dst(%arg7 : memref<40x50xi32, #tpu.memory_space<vmem>>)
        tpu.yield
      }) : () -> ()
      %dma_start3A = arith.constant 0 : i32
      %dma_start3A_30 = arith.constant 0 : i32
      %dma_start3A_31 = tpu.memref_slice %arg6[%dma_start3A, %dma_start3A_30] : memref<40x50xi32, #tpu.memory_space<vmem>> -> memref<1x50xi32, #tpu.memory_space<vmem>>
      %dma_start3A_32 = tpu.memref_squeeze %dma_start3A_31 : memref<1x50xi32, #tpu.memory_space<vmem>> -> memref<50xi32, #tpu.memory_space<vmem>>
      %dma_start3A_33 = arith.constant 0 : i32
      %dma_start3A_34 = arith.constant 0 : i32
      %dma_start3A_35 = tpu.memref_slice %arg2[%dma_start3A_33, %dma_start3A_34] : memref<10000x128xf32, #tpu.memory_space<hbm>> -> memref<10000x128xf32, #tpu.memory_space<hbm>>
      tpu.enqueue_indirect_dma source(%dma_start3A_35 : memref<10000x128xf32, #tpu.memory_space<hbm>>) target(%arg8 : memref<50x128xf32, #tpu.memory_space<vmem>>) offsets(%dma_start3A_32 : memref<50xi32, #tpu.memory_space<vmem>>) semaphore(%arg15 : memref<!tpu.dma_semaphore, #tpu.memory_space<semaphore_mem>>)
      %dma_start3A_36 = arith.constant 1 : i32
      %dma_start3A_37 = arith.constant 0 : i32
      %dma_start3A_38 = tpu.memref_slice %arg6[%dma_start3A_36, %dma_start3A_37] : memref<40x50xi32, #tpu.memory_space<vmem>> -> memref<1x50xi32, #tpu.memory_space<vmem>>
      %dma_start3A_39 = tpu.memref_squeeze %dma_start3A_38 : memref<1x50xi32, #tpu.memory_space<vmem>> -> memref<50xi32, #tpu.memory_space<vmem>>
      %dma_start3A_40 = arith.constant 0 : i32
      %dma_start3A_41 = arith.constant 0 : i32
      %dma_start3A_42 = tpu.memref_slice %arg2[%dma_start3A_40, %dma_start3A_41] : memref<10000x128xf32, #tpu.memory_space<hbm>> -> memref<10000x128xf32, #tpu.memory_space<hbm>>
      tpu.enqueue_indirect_dma source(%dma_start3A_42 : memref<10000x128xf32, #tpu.memory_space<hbm>>) target(%arg9 : memref<50x128xf32, #tpu.memory_space<vmem>>) offsets(%dma_start3A_39 : memref<50xi32, #tpu.memory_space<vmem>>) semaphore(%arg16 : memref<!tpu.dma_semaphore, #tpu.memory_space<semaphore_mem>>)
      %dma_start3A_43 = arith.constant 2 : i32
      %dma_start3A_44 = arith.constant 0 : i32
      %dma_start3A_45 = tpu.memref_slice %arg6[%dma_start3A_43, %dma_start3A_44] : memref<40x50xi32, #tpu.memory_space<vmem>> -> memref<1x50xi32, #tpu.memory_space<vmem>>
      %dma_start3A_46 = tpu.memref_squeeze %dma_start3A_45 : memref<1x50xi32, #tpu.memory_space<vmem>> -> memref<50xi32, #tpu.memory_space<vmem>>
      %dma_start3A_47 = arith.constant 0 : i32
      %dma_start3A_48 = arith.constant 0 : i32
      %dma_start3A_49 = tpu.memref_slice %arg2[%dma_start3A_47, %dma_start3A_48] : memref<10000x128xf32, #tpu.memory_space<hbm>> -> memref<10000x128xf32, #tpu.memory_space<hbm>>
      tpu.enqueue_indirect_dma source(%dma_start3A_49 : memref<10000x128xf32, #tpu.memory_space<hbm>>) target(%arg10 : memref<50x128xf32, #tpu.memory_space<vmem>>) offsets(%dma_start3A_46 : memref<50xi32, #tpu.memory_space<vmem>>) semaphore(%arg17 : memref<!tpu.dma_semaphore, #tpu.memory_space<semaphore_mem>>)
      %dma_start3A_50 = arith.constant 3 : i32
      %dma_start3A_51 = arith.constant 0 : i32
      %dma_start3A_52 = tpu.memref_slice %arg6[%dma_start3A_50, %dma_start3A_51] : memref<40x50xi32, #tpu.memory_space<vmem>> -> memref<1x50xi32, #tpu.memory_space<vmem>>
      %dma_start3A_53 = tpu.memref_squeeze %dma_start3A_52 : memref<1x50xi32, #tpu.memory_space<vmem>> -> memref<50xi32, #tpu.memory_space<vmem>>
      %dma_start3A_54 = arith.constant 0 : i32
      %dma_start3A_55 = arith.constant 0 : i32
      %dma_start3A_56 = tpu.memref_slice %arg2[%dma_start3A_54, %dma_start3A_55] : memref<10000x128xf32, #tpu.memory_space<hbm>> -> memref<10000x128xf32, #tpu.memory_space<hbm>>
      tpu.enqueue_indirect_dma source(%dma_start3A_56 : memref<10000x128xf32, #tpu.memory_space<hbm>>) target(%arg11 : memref<50x128xf32, #tpu.memory_space<vmem>>) offsets(%dma_start3A_53 : memref<50xi32, #tpu.memory_space<vmem>>) semaphore(%arg18 : memref<!tpu.dma_semaphore, #tpu.memory_space<semaphore_mem>>)
      %dma_start3A_57 = arith.constant 4 : i32
      %dma_start3A_58 = arith.constant 0 : i32
      %dma_start3A_59 = tpu.memref_slice %arg6[%dma_start3A_57, %dma_start3A_58] : memref<40x50xi32, #tpu.memory_space<vmem>> -> memref<1x50xi32, #tpu.memory_space<vmem>>
      %dma_start3A_60 = tpu.memref_squeeze %dma_start3A_59 : memref<1x50xi32, #tpu.memory_space<vmem>> -> memref<50xi32, #tpu.memory_space<vmem>>
      %dma_start3A_61 = arith.constant 0 : i32
      %dma_start3A_62 = arith.constant 0 : i32
      %dma_start3A_63 = tpu.memref_slice %arg2[%dma_start3A_61, %dma_start3A_62] : memref<10000x128xf32, #tpu.memory_space<hbm>> -> memref<10000x128xf32, #tpu.memory_space<hbm>>
      tpu.enqueue_indirect_dma source(%dma_start3A_63 : memref<10000x128xf32, #tpu.memory_space<hbm>>) target(%arg12 : memref<50x128xf32, #tpu.memory_space<vmem>>) offsets(%dma_start3A_60 : memref<50xi32, #tpu.memory_space<vmem>>) semaphore(%arg19 : memref<!tpu.dma_semaphore, #tpu.memory_space<semaphore_mem>>)
      %scan3A_64 = arith.constant 0 : i32
      %scan3A_65 = arith.constant 8 : i32
      %scan3A_66 = arith.addi %scan3A_64, %scan3A_65 : i32
      %scan3A_67 = arith.constant 1 : i32
      scf.for %scan3A_69 = %scan3A_64 to %scan3A_66 step %scan3A_67  : i32 {
        %mul3A_70 = arith.constant 5 : i32
        %mul3A_71 = arith.muli %scan3A_69, %mul3A_70 : i32
        %add3A_72 = arith.constant 0 : i32
        %add3A_73 = arith.addi %add3A_72, %mul3A_71 : i32
        %add3A_74 = arith.constant 0 : i32
        %add3A_75 = arith.addi %add3A_73, %add3A_74 : i32
        %dma_wait3A = arith.constant 0 : i32
        %dma_wait3A_76 = tpu.memref_slice %arg6[%add3A_75, %dma_wait3A] : memref<40x50xi32, #tpu.memory_space<vmem>> -> memref<1x50xi32, #tpu.memory_space<vmem>>
        %dma_wait3A_77 = tpu.memref_squeeze %dma_wait3A_76 : memref<1x50xi32, #tpu.memory_space<vmem>> -> memref<50xi32, #tpu.memory_space<vmem>>
        %dma_wait3A_78 = arith.constant 0 : i32
        %dma_wait3A_79 = arith.constant 0 : i32
        %dma_wait3A_80 = tpu.memref_slice %arg2[%dma_wait3A_78, %dma_wait3A_79] : memref<10000x128xf32, #tpu.memory_space<hbm>> -> memref<10000x128xf32, #tpu.memory_space<hbm>>
        tpu.wait_indirect_dma semaphore(%arg15 : memref<!tpu.dma_semaphore, #tpu.memory_space<semaphore_mem>>) src(%dma_wait3A_80 : memref<10000x128xf32, #tpu.memory_space<hbm>>) dst(%arg8 : memref<50x128xf32, #tpu.memory_space<vmem>>)
        %add3A_81 = arith.constant 0 : i32
        %add3A_82 = arith.addi %add3A_73, %add3A_81 : i32
        "tpu.region"() ({
          %run_scoped3A = tpu.sem_alloc : memref<!tpu.dma_semaphore, #tpu.memory_space<semaphore_mem>>
          %dma_start3A_165 = arith.constant 0 : i32
          %dma_start3A_166 = tpu.memref_slice %arg7[%add3A_82, %dma_start3A_165] : memref<40x50xi32, #tpu.memory_space<vmem>> -> memref<1x50xi32, #tpu.memory_space<vmem>>
          %dma_start3A_167 = tpu.memref_squeeze %dma_start3A_166 : memref<1x50xi32, #tpu.memory_space<vmem>> -> memref<50xi32, #tpu.memory_space<vmem>>
          %dma_start3A_168 = arith.constant 0 : i32
          %dma_start3A_169 = arith.constant 0 : i32
          %dma_start3A_170 = tpu.memref_slice %arg14[%dma_start3A_168, %dma_start3A_169] : memref<10240x128xf32, #tpu.memory_space<vmem_shared>> -> memref<10240x128xf32, #tpu.memory_space<vmem_shared>>
          tpu.enqueue_indirect_dma source(%arg8 : memref<50x128xf32, #tpu.memory_space<vmem>>) target(%dma_start3A_170 : memref<10240x128xf32, #tpu.memory_space<vmem_shared>>) offsets(%dma_start3A_167 : memref<50xi32, #tpu.memory_space<vmem>>) semaphore(%run_scoped3A : memref<!tpu.dma_semaphore, #tpu.memory_space<semaphore_mem>>) {add = true}
          %dma_wait3A_171 = arith.constant 0 : i32
          %dma_wait3A_172 = tpu.memref_slice %arg7[%add3A_82, %dma_wait3A_171] : memref<40x50xi32, #tpu.memory_space<vmem>> -> memref<1x50xi32, #tpu.memory_space<vmem>>
          %dma_wait3A_173 = tpu.memref_squeeze %dma_wait3A_172 : memref<1x50xi32, #tpu.memory_space<vmem>> -> memref<50xi32, #tpu.memory_space<vmem>>
          %dma_wait3A_174 = arith.constant 0 : i32
          %dma_wait3A_175 = arith.constant 0 : i32
          %dma_wait3A_176 = tpu.memref_slice %arg14[%dma_wait3A_174, %dma_wait3A_175] : memref<10240x128xf32, #tpu.memory_space<vmem_shared>> -> memref<10240x128xf32, #tpu.memory_space<vmem_shared>>
          tpu.wait_indirect_dma semaphore(%run_scoped3A : memref<!tpu.dma_semaphore, #tpu.memory_space<semaphore_mem>>) src(%arg8 : memref<50x128xf32, #tpu.memory_space<vmem>>) dst(%dma_wait3A_176 : memref<10240x128xf32, #tpu.memory_space<vmem_shared>>)
          tpu.yield
        }) : () -> ()
        %add3A_83 = arith.constant 0 : i32
        %add3A_84 = arith.addi %add3A_73, %add3A_83 : i32
        %add3A_85 = arith.constant 5 : i32
        %add3A_86 = arith.addi %add3A_84, %add3A_85 : i32
        %lt3A = arith.constant 40 : i32
        %lt3A_87 = arith.cmpi slt, %add3A_86, %lt3A : i32
        %convert_element_type3A = arith.extui %lt3A_87 : i1 to i32
        %cond3A = arith.constant 0 : i32
        %cond3A_88 = arith.cmpi ne, %convert_element_type3A, %cond3A : i32
        scf.if %cond3A_88 {
          %add3A_165 = arith.constant 0 : i32
          %add3A_166 = arith.addi %add3A_73, %add3A_165 : i32
          %add3A_167 = arith.constant 5 : i32
          %add3A_168 = arith.addi %add3A_166, %add3A_167 : i32
          %dma_start3A_169 = arith.constant 0 : i32
          %dma_start3A_170 = tpu.memref_slice %arg6[%add3A_168, %dma_start3A_169] : memref<40x50xi32, #tpu.memory_space<vmem>> -> memref<1x50xi32, #tpu.memory_space<vmem>>
          %dma_start3A_171 = tpu.memref_squeeze %dma_start3A_170 : memref<1x50xi32, #tpu.memory_space<vmem>> -> memref<50xi32, #tpu.memory_space<vmem>>
          %dma_start3A_172 = arith.constant 0 : i32
          %dma_start3A_173 = arith.constant 0 : i32
          %dma_start3A_174 = tpu.memref_slice %arg2[%dma_start3A_172, %dma_start3A_173] : memref<10000x128xf32, #tpu.memory_space<hbm>> -> memref<10000x128xf32, #tpu.memory_space<hbm>>
          tpu.enqueue_indirect_dma source(%dma_start3A_174 : memref<10000x128xf32, #tpu.memory_space<hbm>>) target(%arg8 : memref<50x128xf32, #tpu.memory_space<vmem>>) offsets(%dma_start3A_171 : memref<50xi32, #tpu.memory_space<vmem>>) semaphore(%arg15 : memref<!tpu.dma_semaphore, #tpu.memory_space<semaphore_mem>>)
        } else {
        }
        %add3A_89 = arith.constant 1 : i32
        %add3A_90 = arith.addi %add3A_73, %add3A_89 : i32
        %dma_wait3A_91 = arith.constant 0 : i32
        %dma_wait3A_92 = tpu.memref_slice %arg6[%add3A_90, %dma_wait3A_91] : memref<40x50xi32, #tpu.memory_space<vmem>> -> memref<1x50xi32, #tpu.memory_space<vmem>>
        %dma_wait3A_93 = tpu.memref_squeeze %dma_wait3A_92 : memref<1x50xi32, #tpu.memory_space<vmem>> -> memref<50xi32, #tpu.memory_space<vmem>>
        %dma_wait3A_94 = arith.constant 0 : i32
        %dma_wait3A_95 = arith.constant 0 : i32
        %dma_wait3A_96 = tpu.memref_slice %arg2[%dma_wait3A_94, %dma_wait3A_95] : memref<10000x128xf32, #tpu.memory_space<hbm>> -> memref<10000x128xf32, #tpu.memory_space<hbm>>
        tpu.wait_indirect_dma semaphore(%arg16 : memref<!tpu.dma_semaphore, #tpu.memory_space<semaphore_mem>>) src(%dma_wait3A_96 : memref<10000x128xf32, #tpu.memory_space<hbm>>) dst(%arg9 : memref<50x128xf32, #tpu.memory_space<vmem>>)
        %add3A_97 = arith.constant 1 : i32
        %add3A_98 = arith.addi %add3A_73, %add3A_97 : i32
        "tpu.region"() ({
          %run_scoped3A = tpu.sem_alloc : memref<!tpu.dma_semaphore, #tpu.memory_space<semaphore_mem>>
          %dma_start3A_165 = arith.constant 0 : i32
          %dma_start3A_166 = tpu.memref_slice %arg7[%add3A_98, %dma_start3A_165] : memref<40x50xi32, #tpu.memory_space<vmem>> -> memref<1x50xi32, #tpu.memory_space<vmem>>
          %dma_start3A_167 = tpu.memref_squeeze %dma_start3A_166 : memref<1x50xi32, #tpu.memory_space<vmem>> -> memref<50xi32, #tpu.memory_space<vmem>>
          %dma_start3A_168 = arith.constant 0 : i32
          %dma_start3A_169 = arith.constant 0 : i32
          %dma_start3A_170 = tpu.memref_slice %arg14[%dma_start3A_168, %dma_start3A_169] : memref<10240x128xf32, #tpu.memory_space<vmem_shared>> -> memref<10240x128xf32, #tpu.memory_space<vmem_shared>>
          tpu.enqueue_indirect_dma source(%arg9 : memref<50x128xf32, #tpu.memory_space<vmem>>) target(%dma_start3A_170 : memref<10240x128xf32, #tpu.memory_space<vmem_shared>>) offsets(%dma_start3A_167 : memref<50xi32, #tpu.memory_space<vmem>>) semaphore(%run_scoped3A : memref<!tpu.dma_semaphore, #tpu.memory_space<semaphore_mem>>) {add = true}
          %dma_wait3A_171 = arith.constant 0 : i32
          %dma_wait3A_172 = tpu.memref_slice %arg7[%add3A_98, %dma_wait3A_171] : memref<40x50xi32, #tpu.memory_space<vmem>> -> memref<1x50xi32, #tpu.memory_space<vmem>>
          %dma_wait3A_173 = tpu.memref_squeeze %dma_wait3A_172 : memref<1x50xi32, #tpu.memory_space<vmem>> -> memref<50xi32, #tpu.memory_space<vmem>>
          %dma_wait3A_174 = arith.constant 0 : i32
          %dma_wait3A_175 = arith.constant 0 : i32
          %dma_wait3A_176 = tpu.memref_slice %arg14[%dma_wait3A_174, %dma_wait3A_175] : memref<10240x128xf32, #tpu.memory_space<vmem_shared>> -> memref<10240x128xf32, #tpu.memory_space<vmem_shared>>
          tpu.wait_indirect_dma semaphore(%run_scoped3A : memref<!tpu.dma_semaphore, #tpu.memory_space<semaphore_mem>>) src(%arg9 : memref<50x128xf32, #tpu.memory_space<vmem>>) dst(%dma_wait3A_176 : memref<10240x128xf32, #tpu.memory_space<vmem_shared>>)
          tpu.yield
        }) : () -> ()
        %add3A_99 = arith.constant 1 : i32
        %add3A_100 = arith.addi %add3A_73, %add3A_99 : i32
        %add3A_101 = arith.constant 5 : i32
        %add3A_102 = arith.addi %add3A_100, %add3A_101 : i32
        %lt3A_103 = arith.constant 40 : i32
        %lt3A_104 = arith.cmpi slt, %add3A_102, %lt3A_103 : i32
        %convert_element_type3A_105 = arith.extui %lt3A_104 : i1 to i32
        %cond3A_106 = arith.constant 0 : i32
        %cond3A_107 = arith.cmpi ne, %convert_element_type3A_105, %cond3A_106 : i32
        scf.if %cond3A_107 {
          %add3A_165 = arith.constant 1 : i32
          %add3A_166 = arith.addi %add3A_73, %add3A_165 : i32
          %add3A_167 = arith.constant 5 : i32
          %add3A_168 = arith.addi %add3A_166, %add3A_167 : i32
          %dma_start3A_169 = arith.constant 0 : i32
          %dma_start3A_170 = tpu.memref_slice %arg6[%add3A_168, %dma_start3A_169] : memref<40x50xi32, #tpu.memory_space<vmem>> -> memref<1x50xi32, #tpu.memory_space<vmem>>
          %dma_start3A_171 = tpu.memref_squeeze %dma_start3A_170 : memref<1x50xi32, #tpu.memory_space<vmem>> -> memref<50xi32, #tpu.memory_space<vmem>>
          %dma_start3A_172 = arith.constant 0 : i32
          %dma_start3A_173 = arith.constant 0 : i32
          %dma_start3A_174 = tpu.memref_slice %arg2[%dma_start3A_172, %dma_start3A_173] : memref<10000x128xf32, #tpu.memory_space<hbm>> -> memref<10000x128xf32, #tpu.memory_space<hbm>>
          tpu.enqueue_indirect_dma source(%dma_start3A_174 : memref<10000x128xf32, #tpu.memory_space<hbm>>) target(%arg9 : memref<50x128xf32, #tpu.memory_space<vmem>>) offsets(%dma_start3A_171 : memref<50xi32, #tpu.memory_space<vmem>>) semaphore(%arg16 : memref<!tpu.dma_semaphore, #tpu.memory_space<semaphore_mem>>)
        } else {
        }
        %add3A_108 = arith.constant 2 : i32
        %add3A_109 = arith.addi %add3A_73, %add3A_108 : i32
        %dma_wait3A_110 = arith.constant 0 : i32
        %dma_wait3A_111 = tpu.memref_slice %arg6[%add3A_109, %dma_wait3A_110] : memref<40x50xi32, #tpu.memory_space<vmem>> -> memref<1x50xi32, #tpu.memory_space<vmem>>
        %dma_wait3A_112 = tpu.memref_squeeze %dma_wait3A_111 : memref<1x50xi32, #tpu.memory_space<vmem>> -> memref<50xi32, #tpu.memory_space<vmem>>
        %dma_wait3A_113 = arith.constant 0 : i32
        %dma_wait3A_114 = arith.constant 0 : i32
        %dma_wait3A_115 = tpu.memref_slice %arg2[%dma_wait3A_113, %dma_wait3A_114] : memref<10000x128xf32, #tpu.memory_space<hbm>> -> memref<10000x128xf32, #tpu.memory_space<hbm>>
        tpu.wait_indirect_dma semaphore(%arg17 : memref<!tpu.dma_semaphore, #tpu.memory_space<semaphore_mem>>) src(%dma_wait3A_115 : memref<10000x128xf32, #tpu.memory_space<hbm>>) dst(%arg10 : memref<50x128xf32, #tpu.memory_space<vmem>>)
        %add3A_116 = arith.constant 2 : i32
        %add3A_117 = arith.addi %add3A_73, %add3A_116 : i32
        "tpu.region"() ({
          %run_scoped3A = tpu.sem_alloc : memref<!tpu.dma_semaphore, #tpu.memory_space<semaphore_mem>>
          %dma_start3A_165 = arith.constant 0 : i32
          %dma_start3A_166 = tpu.memref_slice %arg7[%add3A_117, %dma_start3A_165] : memref<40x50xi32, #tpu.memory_space<vmem>> -> memref<1x50xi32, #tpu.memory_space<vmem>>
          %dma_start3A_167 = tpu.memref_squeeze %dma_start3A_166 : memref<1x50xi32, #tpu.memory_space<vmem>> -> memref<50xi32, #tpu.memory_space<vmem>>
          %dma_start3A_168 = arith.constant 0 : i32
          %dma_start3A_169 = arith.constant 0 : i32
          %dma_start3A_170 = tpu.memref_slice %arg14[%dma_start3A_168, %dma_start3A_169] : memref<10240x128xf32, #tpu.memory_space<vmem_shared>> -> memref<10240x128xf32, #tpu.memory_space<vmem_shared>>
          tpu.enqueue_indirect_dma source(%arg10 : memref<50x128xf32, #tpu.memory_space<vmem>>) target(%dma_start3A_170 : memref<10240x128xf32, #tpu.memory_space<vmem_shared>>) offsets(%dma_start3A_167 : memref<50xi32, #tpu.memory_space<vmem>>) semaphore(%run_scoped3A : memref<!tpu.dma_semaphore, #tpu.memory_space<semaphore_mem>>) {add = true}
          %dma_wait3A_171 = arith.constant 0 : i32
          %dma_wait3A_172 = tpu.memref_slice %arg7[%add3A_117, %dma_wait3A_171] : memref<40x50xi32, #tpu.memory_space<vmem>> -> memref<1x50xi32, #tpu.memory_space<vmem>>
          %dma_wait3A_173 = tpu.memref_squeeze %dma_wait3A_172 : memref<1x50xi32, #tpu.memory_space<vmem>> -> memref<50xi32, #tpu.memory_space<vmem>>
          %dma_wait3A_174 = arith.constant 0 : i32
          %dma_wait3A_175 = arith.constant 0 : i32
          %dma_wait3A_176 = tpu.memref_slice %arg14[%dma_wait3A_174, %dma_wait3A_175] : memref<10240x128xf32, #tpu.memory_space<vmem_shared>> -> memref<10240x128xf32, #tpu.memory_space<vmem_shared>>
          tpu.wait_indirect_dma semaphore(%run_scoped3A : memref<!tpu.dma_semaphore, #tpu.memory_space<semaphore_mem>>) src(%arg10 : memref<50x128xf32, #tpu.memory_space<vmem>>) dst(%dma_wait3A_176 : memref<10240x128xf32, #tpu.memory_space<vmem_shared>>)
          tpu.yield
        }) : () -> ()
        %add3A_118 = arith.constant 2 : i32
        %add3A_119 = arith.addi %add3A_73, %add3A_118 : i32
        %add3A_120 = arith.constant 5 : i32
        %add3A_121 = arith.addi %add3A_119, %add3A_120 : i32
        %lt3A_122 = arith.constant 40 : i32
        %lt3A_123 = arith.cmpi slt, %add3A_121, %lt3A_122 : i32
        %convert_element_type3A_124 = arith.extui %lt3A_123 : i1 to i32
        %cond3A_125 = arith.constant 0 : i32
        %cond3A_126 = arith.cmpi ne, %convert_element_type3A_124, %cond3A_125 : i32
        scf.if %cond3A_126 {
          %add3A_165 = arith.constant 2 : i32
          %add3A_166 = arith.addi %add3A_73, %add3A_165 : i32
          %add3A_167 = arith.constant 5 : i32
          %add3A_168 = arith.addi %add3A_166, %add3A_167 : i32
          %dma_start3A_169 = arith.constant 0 : i32
          %dma_start3A_170 = tpu.memref_slice %arg6[%add3A_168, %dma_start3A_169] : memref<40x50xi32, #tpu.memory_space<vmem>> -> memref<1x50xi32, #tpu.memory_space<vmem>>
          %dma_start3A_171 = tpu.memref_squeeze %dma_start3A_170 : memref<1x50xi32, #tpu.memory_space<vmem>> -> memref<50xi32, #tpu.memory_space<vmem>>
          %dma_start3A_172 = arith.constant 0 : i32
          %dma_start3A_173 = arith.constant 0 : i32
          %dma_start3A_174 = tpu.memref_slice %arg2[%dma_start3A_172, %dma_start3A_173] : memref<10000x128xf32, #tpu.memory_space<hbm>> -> memref<10000x128xf32, #tpu.memory_space<hbm>>
          tpu.enqueue_indirect_dma source(%dma_start3A_174 : memref<10000x128xf32, #tpu.memory_space<hbm>>) target(%arg10 : memref<50x128xf32, #tpu.memory_space<vmem>>) offsets(%dma_start3A_171 : memref<50xi32, #tpu.memory_space<vmem>>) semaphore(%arg17 : memref<!tpu.dma_semaphore, #tpu.memory_space<semaphore_mem>>)
        } else {
        }
        %add3A_127 = arith.constant 3 : i32
        %add3A_128 = arith.addi %add3A_73, %add3A_127 : i32
        %dma_wait3A_129 = arith.constant 0 : i32
        %dma_wait3A_130 = tpu.memref_slice %arg6[%add3A_128, %dma_wait3A_129] : memref<40x50xi32, #tpu.memory_space<vmem>> -> memref<1x50xi32, #tpu.memory_space<vmem>>
        %dma_wait3A_131 = tpu.memref_squeeze %dma_wait3A_130 : memref<1x50xi32, #tpu.memory_space<vmem>> -> memref<50xi32, #tpu.memory_space<vmem>>
        %dma_wait3A_132 = arith.constant 0 : i32
        %dma_wait3A_133 = arith.constant 0 : i32
        %dma_wait3A_134 = tpu.memref_slice %arg2[%dma_wait3A_132, %dma_wait3A_133] : memref<10000x128xf32, #tpu.memory_space<hbm>> -> memref<10000x128xf32, #tpu.memory_space<hbm>>
        tpu.wait_indirect_dma semaphore(%arg18 : memref<!tpu.dma_semaphore, #tpu.memory_space<semaphore_mem>>) src(%dma_wait3A_134 : memref<10000x128xf32, #tpu.memory_space<hbm>>) dst(%arg11 : memref<50x128xf32, #tpu.memory_space<vmem>>)
        %add3A_135 = arith.constant 3 : i32
        %add3A_136 = arith.addi %add3A_73, %add3A_135 : i32
        "tpu.region"() ({
          %run_scoped3A = tpu.sem_alloc : memref<!tpu.dma_semaphore, #tpu.memory_space<semaphore_mem>>
          %dma_start3A_165 = arith.constant 0 : i32
          %dma_start3A_166 = tpu.memref_slice %arg7[%add3A_136, %dma_start3A_165] : memref<40x50xi32, #tpu.memory_space<vmem>> -> memref<1x50xi32, #tpu.memory_space<vmem>>
          %dma_start3A_167 = tpu.memref_squeeze %dma_start3A_166 : memref<1x50xi32, #tpu.memory_space<vmem>> -> memref<50xi32, #tpu.memory_space<vmem>>
          %dma_start3A_168 = arith.constant 0 : i32
          %dma_start3A_169 = arith.constant 0 : i32
          %dma_start3A_170 = tpu.memref_slice %arg14[%dma_start3A_168, %dma_start3A_169] : memref<10240x128xf32, #tpu.memory_space<vmem_shared>> -> memref<10240x128xf32, #tpu.memory_space<vmem_shared>>
          tpu.enqueue_indirect_dma source(%arg11 : memref<50x128xf32, #tpu.memory_space<vmem>>) target(%dma_start3A_170 : memref<10240x128xf32, #tpu.memory_space<vmem_shared>>) offsets(%dma_start3A_167 : memref<50xi32, #tpu.memory_space<vmem>>) semaphore(%run_scoped3A : memref<!tpu.dma_semaphore, #tpu.memory_space<semaphore_mem>>) {add = true}
          %dma_wait3A_171 = arith.constant 0 : i32
          %dma_wait3A_172 = tpu.memref_slice %arg7[%add3A_136, %dma_wait3A_171] : memref<40x50xi32, #tpu.memory_space<vmem>> -> memref<1x50xi32, #tpu.memory_space<vmem>>
          %dma_wait3A_173 = tpu.memref_squeeze %dma_wait3A_172 : memref<1x50xi32, #tpu.memory_space<vmem>> -> memref<50xi32, #tpu.memory_space<vmem>>
          %dma_wait3A_174 = arith.constant 0 : i32
          %dma_wait3A_175 = arith.constant 0 : i32
          %dma_wait3A_176 = tpu.memref_slice %arg14[%dma_wait3A_174, %dma_wait3A_175] : memref<10240x128xf32, #tpu.memory_space<vmem_shared>> -> memref<10240x128xf32, #tpu.memory_space<vmem_shared>>
          tpu.wait_indirect_dma semaphore(%run_scoped3A : memref<!tpu.dma_semaphore, #tpu.memory_space<semaphore_mem>>) src(%arg11 : memref<50x128xf32, #tpu.memory_space<vmem>>) dst(%dma_wait3A_176 : memref<10240x128xf32, #tpu.memory_space<vmem_shared>>)
          tpu.yield
        }) : () -> ()
        %add3A_137 = arith.constant 3 : i32
        %add3A_138 = arith.addi %add3A_73, %add3A_137 : i32
        %add3A_139 = arith.constant 5 : i32
        %add3A_140 = arith.addi %add3A_138, %add3A_139 : i32
        %lt3A_141 = arith.constant 40 : i32
        %lt3A_142 = arith.cmpi slt, %add3A_140, %lt3A_141 : i32
        %convert_element_type3A_143 = arith.extui %lt3A_142 : i1 to i32
        %cond3A_144 = arith.constant 0 : i32
        %cond3A_145 = arith.cmpi ne, %convert_element_type3A_143, %cond3A_144 : i32
        scf.if %cond3A_145 {
          %add3A_165 = arith.constant 3 : i32
          %add3A_166 = arith.addi %add3A_73, %add3A_165 : i32
          %add3A_167 = arith.constant 5 : i32
          %add3A_168 = arith.addi %add3A_166, %add3A_167 : i32
          %dma_start3A_169 = arith.constant 0 : i32
          %dma_start3A_170 = tpu.memref_slice %arg6[%add3A_168, %dma_start3A_169] : memref<40x50xi32, #tpu.memory_space<vmem>> -> memref<1x50xi32, #tpu.memory_space<vmem>>
          %dma_start3A_171 = tpu.memref_squeeze %dma_start3A_170 : memref<1x50xi32, #tpu.memory_space<vmem>> -> memref<50xi32, #tpu.memory_space<vmem>>
          %dma_start3A_172 = arith.constant 0 : i32
          %dma_start3A_173 = arith.constant 0 : i32
          %dma_start3A_174 = tpu.memref_slice %arg2[%dma_start3A_172, %dma_start3A_173] : memref<10000x128xf32, #tpu.memory_space<hbm>> -> memref<10000x128xf32, #tpu.memory_space<hbm>>
          tpu.enqueue_indirect_dma source(%dma_start3A_174 : memref<10000x128xf32, #tpu.memory_space<hbm>>) target(%arg11 : memref<50x128xf32, #tpu.memory_space<vmem>>) offsets(%dma_start3A_171 : memref<50xi32, #tpu.memory_space<vmem>>) semaphore(%arg18 : memref<!tpu.dma_semaphore, #tpu.memory_space<semaphore_mem>>)
        } else {
        }
        %add3A_146 = arith.constant 4 : i32
        %add3A_147 = arith.addi %add3A_73, %add3A_146 : i32
        %dma_wait3A_148 = arith.constant 0 : i32
        %dma_wait3A_149 = tpu.memref_slice %arg6[%add3A_147, %dma_wait3A_148] : memref<40x50xi32, #tpu.memory_space<vmem>> -> memref<1x50xi32, #tpu.memory_space<vmem>>
        %dma_wait3A_150 = tpu.memref_squeeze %dma_wait3A_149 : memref<1x50xi32, #tpu.memory_space<vmem>> -> memref<50xi32, #tpu.memory_space<vmem>>
        %dma_wait3A_151 = arith.constant 0 : i32
        %dma_wait3A_152 = arith.constant 0 : i32
        %dma_wait3A_153 = tpu.memref_slice %arg2[%dma_wait3A_151, %dma_wait3A_152] : memref<10000x128xf32, #tpu.memory_space<hbm>> -> memref<10000x128xf32, #tpu.memory_space<hbm>>
        tpu.wait_indirect_dma semaphore(%arg19 : memref<!tpu.dma_semaphore, #tpu.memory_space<semaphore_mem>>) src(%dma_wait3A_153 : memref<10000x128xf32, #tpu.memory_space<hbm>>) dst(%arg12 : memref<50x128xf32, #tpu.memory_space<vmem>>)
        %add3A_154 = arith.constant 4 : i32
        %add3A_155 = arith.addi %add3A_73, %add3A_154 : i32
        "tpu.region"() ({
          %run_scoped3A = tpu.sem_alloc : memref<!tpu.dma_semaphore, #tpu.memory_space<semaphore_mem>>
          %dma_start3A_165 = arith.constant 0 : i32
          %dma_start3A_166 = tpu.memref_slice %arg7[%add3A_155, %dma_start3A_165] : memref<40x50xi32, #tpu.memory_space<vmem>> -> memref<1x50xi32, #tpu.memory_space<vmem>>
          %dma_start3A_167 = tpu.memref_squeeze %dma_start3A_166 : memref<1x50xi32, #tpu.memory_space<vmem>> -> memref<50xi32, #tpu.memory_space<vmem>>
          %dma_start3A_168 = arith.constant 0 : i32
          %dma_start3A_169 = arith.constant 0 : i32
          %dma_start3A_170 = tpu.memref_slice %arg14[%dma_start3A_168, %dma_start3A_169] : memref<10240x128xf32, #tpu.memory_space<vmem_shared>> -> memref<10240x128xf32, #tpu.memory_space<vmem_shared>>
          tpu.enqueue_indirect_dma source(%arg12 : memref<50x128xf32, #tpu.memory_space<vmem>>) target(%dma_start3A_170 : memref<10240x128xf32, #tpu.memory_space<vmem_shared>>) offsets(%dma_start3A_167 : memref<50xi32, #tpu.memory_space<vmem>>) semaphore(%run_scoped3A : memref<!tpu.dma_semaphore, #tpu.memory_space<semaphore_mem>>) {add = true}
          %dma_wait3A_171 = arith.constant 0 : i32
          %dma_wait3A_172 = tpu.memref_slice %arg7[%add3A_155, %dma_wait3A_171] : memref<40x50xi32, #tpu.memory_space<vmem>> -> memref<1x50xi32, #tpu.memory_space<vmem>>
          %dma_wait3A_173 = tpu.memref_squeeze %dma_wait3A_172 : memref<1x50xi32, #tpu.memory_space<vmem>> -> memref<50xi32, #tpu.memory_space<vmem>>
          %dma_wait3A_174 = arith.constant 0 : i32
          %dma_wait3A_175 = arith.constant 0 : i32
          %dma_wait3A_176 = tpu.memref_slice %arg14[%dma_wait3A_174, %dma_wait3A_175] : memref<10240x128xf32, #tpu.memory_space<vmem_shared>> -> memref<10240x128xf32, #tpu.memory_space<vmem_shared>>
          tpu.wait_indirect_dma semaphore(%run_scoped3A : memref<!tpu.dma_semaphore, #tpu.memory_space<semaphore_mem>>) src(%arg12 : memref<50x128xf32, #tpu.memory_space<vmem>>) dst(%dma_wait3A_176 : memref<10240x128xf32, #tpu.memory_space<vmem_shared>>)
          tpu.yield
        }) : () -> ()
        %add3A_156 = arith.constant 4 : i32
        %add3A_157 = arith.addi %add3A_73, %add3A_156 : i32
        %add3A_158 = arith.constant 5 : i32
        %add3A_159 = arith.addi %add3A_157, %add3A_158 : i32
        %lt3A_160 = arith.constant 40 : i32
        %lt3A_161 = arith.cmpi slt, %add3A_159, %lt3A_160 : i32
        %convert_element_type3A_162 = arith.extui %lt3A_161 : i1 to i32
        %cond3A_163 = arith.constant 0 : i32
        %cond3A_164 = arith.cmpi ne, %convert_element_type3A_162, %cond3A_163 : i32
        scf.if %cond3A_164 {
          %add3A_165 = arith.constant 4 : i32
          %add3A_166 = arith.addi %add3A_73, %add3A_165 : i32
          %add3A_167 = arith.constant 5 : i32
          %add3A_168 = arith.addi %add3A_166, %add3A_167 : i32
          %dma_start3A_169 = arith.constant 0 : i32
          %dma_start3A_170 = tpu.memref_slice %arg6[%add3A_168, %dma_start3A_169] : memref<40x50xi32, #tpu.memory_space<vmem>> -> memref<1x50xi32, #tpu.memory_space<vmem>>
          %dma_start3A_171 = tpu.memref_squeeze %dma_start3A_170 : memref<1x50xi32, #tpu.memory_space<vmem>> -> memref<50xi32, #tpu.memory_space<vmem>>
          %dma_start3A_172 = arith.constant 0 : i32
          %dma_start3A_173 = arith.constant 0 : i32
          %dma_start3A_174 = tpu.memref_slice %arg2[%dma_start3A_172, %dma_start3A_173] : memref<10000x128xf32, #tpu.memory_space<hbm>> -> memref<10000x128xf32, #tpu.memory_space<hbm>>
          tpu.enqueue_indirect_dma source(%dma_start3A_174 : memref<10000x128xf32, #tpu.memory_space<hbm>>) target(%arg12 : memref<50x128xf32, #tpu.memory_space<vmem>>) offsets(%dma_start3A_171 : memref<50xi32, #tpu.memory_space<vmem>>) semaphore(%arg19 : memref<!tpu.dma_semaphore, #tpu.memory_space<semaphore_mem>>)
        } else {
        }
      }
      %scan3A_68 = arith.constant 8 : i32
    }
    %scan3A_19 = arith.constant 5 : i32
    %barrier3A_20 = arith.constant 0 : index
    tpu.barrier barrier_id(%barrier3A_20)
    %mul3A_21 = arith.constant 640 : i32
    %mul3A_22 = arith.muli %arg1, %mul3A_21 : i32
    %mul3A_23 = arith.constant 640 : i32
    %mul3A_24 = arith.muli %arg1, %mul3A_23 : i32
    "tpu.region"() ({
      %run_scoped3A = tpu.sem_alloc : memref<!tpu.dma_semaphore, #tpu.memory_space<semaphore_mem>>
      %dma_start3A = arith.constant 0 : i32
      %dma_start3A_25 = tpu.memref_slice %arg5[%arg0, %mul3A_24, %dma_start3A] : memref<2x10240x128xf32, #tpu.memory_space<hbm>> -> memref<1x640x128xf32, #tpu.memory_space<hbm>>
      %dma_start3A_26 = tpu.memref_squeeze %dma_start3A_25 : memref<1x640x128xf32, #tpu.memory_space<hbm>> -> memref<640x128xf32, #tpu.memory_space<hbm>>
      %dma_start3A_27 = arith.constant 0 : i32
      %dma_start3A_28 = tpu.memref_slice %arg14[%mul3A_22, %dma_start3A_27] : memref<10240x128xf32, #tpu.memory_space<vmem_shared>> -> memref<640x128xf32, #tpu.memory_space<vmem_shared>>
      tpu.enqueue_dma source(%dma_start3A_28 : memref<640x128xf32, #tpu.memory_space<vmem_shared>>) target(%dma_start3A_26 : memref<640x128xf32, #tpu.memory_space<hbm>>) target_semaphore(%run_scoped3A : memref<!tpu.dma_semaphore, #tpu.memory_space<semaphore_mem>>)
      %dma_wait3A = arith.constant 0 : i32
      %dma_wait3A_29 = tpu.memref_slice %arg5[%arg0, %mul3A_24, %dma_wait3A] : memref<2x10240x128xf32, #tpu.memory_space<hbm>> -> memref<1x640x128xf32, #tpu.memory_space<hbm>>
      %dma_wait3A_30 = tpu.memref_squeeze %dma_wait3A_29 : memref<1x640x128xf32, #tpu.memory_space<hbm>> -> memref<640x128xf32, #tpu.memory_space<hbm>>
      %dma_wait3A_31 = arith.constant 0 : i32
      %dma_wait3A_32 = tpu.memref_slice %arg14[%mul3A_22, %dma_wait3A_31] : memref<10240x128xf32, #tpu.memory_space<vmem_shared>> -> memref<640x128xf32, #tpu.memory_space<vmem_shared>>
      tpu.wait_dma2 semaphore(%run_scoped3A : memref<!tpu.dma_semaphore, #tpu.memory_space<semaphore_mem>>) src(%dma_wait3A_32 : memref<640x128xf32, #tpu.memory_space<vmem_shared>>) dst(%dma_wait3A_30 : memref<640x128xf32, #tpu.memory_space<hbm>>)
      tpu.yield
    }) : () -> ()
    return
  }
}

#map = affine_map<(d0, d1) -> (0, 0)>
#map1 = affine_map<(d0, d1) -> (0, 0, 0, 0)>
#map2 = affine_map<(d0, d1) -> (0, 0, 0)>
module attributes {stable_mosaic.version = 14 : i64} {
  func.func @k(%arg0: i32, %arg1: i32, %arg2: memref<10000x128xf32, #tpu.memory_space<hbm>>, %arg3: memref<32x5x40x50xi32, #tpu.memory_space<hbm>>, %arg4: memref<32x5x40x50xi32, #tpu.memory_space<hbm>>, %arg5: memref<2x10240x128xf32, #tpu.memory_space<hbm>>, %arg6: memref<40x50xi32, #tpu.memory_space<vmem>>, %arg7: memref<40x50xi32, #tpu.memory_space<vmem>>, %arg8: memref<50x128xf32, #tpu.memory_space<vmem>>, %arg9: memref<50x128xf32, #tpu.memory_space<vmem>>, %arg10: memref<50x128xf32, #tpu.memory_space<vmem>>, %arg11: memref<50x128xf32, #tpu.memory_space<vmem>>, %arg12: memref<50x128xf32, #tpu.memory_space<vmem>>, %arg13: memref<16x128xf32, #tpu.memory_space<vmem>>, %arg14: memref<10240x128xf32, #tpu.memory_space<vmem_shared>>, %arg15: memref<!tpu.dma_semaphore, #tpu.memory_space<semaphore_mem>>, %arg16: memref<!tpu.dma_semaphore, #tpu.memory_space<semaphore_mem>>, %arg17: memref<!tpu.dma_semaphore, #tpu.memory_space<semaphore_mem>>, %arg18: memref<!tpu.dma_semaphore, #tpu.memory_space<semaphore_mem>>, %arg19: memref<!tpu.dma_semaphore, #tpu.memory_space<semaphore_mem>>, %arg20: memref<!tpu.dma_semaphore, #tpu.memory_space<semaphore_mem>>) attributes {dimension_semantics = [#tpu.dimension_semantics<core_parallel>, #tpu.dimension_semantics<subcore_parallel>], iteration_bounds = array<i64: 2, 16>, scalar_prefetch = 0 : i64, scratch_operands = 15 : i64, tpu.core_type = #tpu.core_type<sc_vector_subcore>, window_params = [{transform_indices = #map}, {transform_indices = #map1}, {transform_indices = #map1}, {transform_indices = #map2}]} {
    %mul3A = arith.constant 16 : i32
    %mul3A_0 = arith.muli %arg0, %mul3A : i32
    %add3A = arith.addi %mul3A_0, %arg1 : i32
    %scan3A = arith.constant 0 : i32
    %scan3A_1 = arith.constant 16 : i32
    %scan3A_2 = arith.addi %scan3A, %scan3A_1 : i32
    %scan3A_3 = arith.constant 1 : i32
    scf.for %scan3A_25 = %scan3A to %scan3A_2 step %scan3A_3  : i32 {
      %mul3A_26 = arith.constant 1 : i32
      %mul3A_27 = arith.muli %scan3A_25, %mul3A_26 : i32
      %add3A_28 = arith.constant 0 : i32
      %add3A_29 = arith.addi %add3A_28, %mul3A_27 : i32
      %broadcast_in_dim3A = arith.constant 0.000000e+00 : f32
      %broadcast_in_dim3A_30 = vector.broadcast %broadcast_in_dim3A : f32 to vector<16xf32>
      %swap3A = arith.index_cast %add3A_29 : i32 to index
      %swap3A_31 = arith.constant 0 : index
      %swap3A_32 = tpu.vector_load %arg13[%swap3A, %swap3A_31] {strides = array<i32>} : memref<16x128xf32, #tpu.memory_space<vmem>>, vector<1x16xf32>,
      %swap3A_33 = vector.shape_cast %swap3A_32 : vector<1x16xf32> to vector<16xf32>
      %swap3A_34 = vector.shape_cast %broadcast_in_dim3A_30 : vector<16xf32> to vector<1x16xf32>
      tpu.vector_store %arg13[%swap3A, %swap3A_31], %swap3A_34 {strides = array<i32>} : memref<16x128xf32, #tpu.memory_space<vmem>>, vector<1x16xf32>,
      %broadcast_in_dim3A_35 = arith.constant 0.000000e+00 : f32
      %broadcast_in_dim3A_36 = vector.broadcast %broadcast_in_dim3A_35 : f32 to vector<16xf32>
      %swap3A_37 = arith.index_cast %add3A_29 : i32 to index
      %swap3A_38 = arith.constant 16 : index
      %swap3A_39 = tpu.vector_load %arg13[%swap3A_37, %swap3A_38] {strides = array<i32>} : memref<16x128xf32, #tpu.memory_space<vmem>>, vector<1x16xf32>,
      %swap3A_40 = vector.shape_cast %swap3A_39 : vector<1x16xf32> to vector<16xf32>
      %swap3A_41 = vector.shape_cast %broadcast_in_dim3A_36 : vector<16xf32> to vector<1x16xf32>
      tpu.vector_store %arg13[%swap3A_37, %swap3A_38], %swap3A_41 {strides = array<i32>} : memref<16x128xf32, #tpu.memory_space<vmem>>, vector<1x16xf32>,
      %broadcast_in_dim3A_42 = arith.constant 0.000000e+00 : f32
      %broadcast_in_dim3A_43 = vector.broadcast %broadcast_in_dim3A_42 : f32 to vector<16xf32>
      %swap3A_44 = arith.index_cast %add3A_29 : i32 to index
      %swap3A_45 = arith.constant 32 : index
      %swap3A_46 = tpu.vector_load %arg13[%swap3A_44, %swap3A_45] {strides = array<i32>} : memref<16x128xf32, #tpu.memory_space<vmem>>, vector<1x16xf32>,
      %swap3A_47 = vector.shape_cast %swap3A_46 : vector<1x16xf32> to vector<16xf32>
      %swap3A_48 = vector.shape_cast %broadcast_in_dim3A_43 : vector<16xf32> to vector<1x16xf32>
      tpu.vector_store %arg13[%swap3A_44, %swap3A_45], %swap3A_48 {strides = array<i32>} : memref<16x128xf32, #tpu.memory_space<vmem>>, vector<1x16xf32>,
      %broadcast_in_dim3A_49 = arith.constant 0.000000e+00 : f32
      %broadcast_in_dim3A_50 = vector.broadcast %broadcast_in_dim3A_49 : f32 to vector<16xf32>
      %swap3A_51 = arith.index_cast %add3A_29 : i32 to index
      %swap3A_52 = arith.constant 48 : index
      %swap3A_53 = tpu.vector_load %arg13[%swap3A_51, %swap3A_52] {strides = array<i32>} : memref<16x128xf32, #tpu.memory_space<vmem>>, vector<1x16xf32>,
      %swap3A_54 = vector.shape_cast %swap3A_53 : vector<1x16xf32> to vector<16xf32>
      %swap3A_55 = vector.shape_cast %broadcast_in_dim3A_50 : vector<16xf32> to vector<1x16xf32>
      tpu.vector_store %arg13[%swap3A_51, %swap3A_52], %swap3A_55 {strides = array<i32>} : memref<16x128xf32, #tpu.memory_space<vmem>>, vector<1x16xf32>,
      %broadcast_in_dim3A_56 = arith.constant 0.000000e+00 : f32
      %broadcast_in_dim3A_57 = vector.broadcast %broadcast_in_dim3A_56 : f32 to vector<16xf32>
      %swap3A_58 = arith.index_cast %add3A_29 : i32 to index
      %swap3A_59 = arith.constant 64 : index
      %swap3A_60 = tpu.vector_load %arg13[%swap3A_58, %swap3A_59] {strides = array<i32>} : memref<16x128xf32, #tpu.memory_space<vmem>>, vector<1x16xf32>,
      %swap3A_61 = vector.shape_cast %swap3A_60 : vector<1x16xf32> to vector<16xf32>
      %swap3A_62 = vector.shape_cast %broadcast_in_dim3A_57 : vector<16xf32> to vector<1x16xf32>
      tpu.vector_store %arg13[%swap3A_58, %swap3A_59], %swap3A_62 {strides = array<i32>} : memref<16x128xf32, #tpu.memory_space<vmem>>, vector<1x16xf32>,
      %broadcast_in_dim3A_63 = arith.constant 0.000000e+00 : f32
      %broadcast_in_dim3A_64 = vector.broadcast %broadcast_in_dim3A_63 : f32 to vector<16xf32>
      %swap3A_65 = arith.index_cast %add3A_29 : i32 to index
      %swap3A_66 = arith.constant 80 : index
      %swap3A_67 = tpu.vector_load %arg13[%swap3A_65, %swap3A_66] {strides = array<i32>} : memref<16x128xf32, #tpu.memory_space<vmem>>, vector<1x16xf32>,
      %swap3A_68 = vector.shape_cast %swap3A_67 : vector<1x16xf32> to vector<16xf32>
      %swap3A_69 = vector.shape_cast %broadcast_in_dim3A_64 : vector<16xf32> to vector<1x16xf32>
      tpu.vector_store %arg13[%swap3A_65, %swap3A_66], %swap3A_69 {strides = array<i32>} : memref<16x128xf32, #tpu.memory_space<vmem>>, vector<1x16xf32>,
      %broadcast_in_dim3A_70 = arith.constant 0.000000e+00 : f32
      %broadcast_in_dim3A_71 = vector.broadcast %broadcast_in_dim3A_70 : f32 to vector<16xf32>
      %swap3A_72 = arith.index_cast %add3A_29 : i32 to index
      %swap3A_73 = arith.constant 96 : index
      %swap3A_74 = tpu.vector_load %arg13[%swap3A_72, %swap3A_73] {strides = array<i32>} : memref<16x128xf32, #tpu.memory_space<vmem>>, vector<1x16xf32>,
      %swap3A_75 = vector.shape_cast %swap3A_74 : vector<1x16xf32> to vector<16xf32>
      %swap3A_76 = vector.shape_cast %broadcast_in_dim3A_71 : vector<16xf32> to vector<1x16xf32>
      tpu.vector_store %arg13[%swap3A_72, %swap3A_73], %swap3A_76 {strides = array<i32>} : memref<16x128xf32, #tpu.memory_space<vmem>>, vector<1x16xf32>,
      %broadcast_in_dim3A_77 = arith.constant 0.000000e+00 : f32
      %broadcast_in_dim3A_78 = vector.broadcast %broadcast_in_dim3A_77 : f32 to vector<16xf32>
      %swap3A_79 = arith.index_cast %add3A_29 : i32 to index
      %swap3A_80 = arith.constant 112 : index
      %swap3A_81 = tpu.vector_load %arg13[%swap3A_79, %swap3A_80] {strides = array<i32>} : memref<16x128xf32, #tpu.memory_space<vmem>>, vector<1x16xf32>,
      %swap3A_82 = vector.shape_cast %swap3A_81 : vector<1x16xf32> to vector<16xf32>
      %swap3A_83 = vector.shape_cast %broadcast_in_dim3A_78 : vector<16xf32> to vector<1x16xf32>
      tpu.vector_store %arg13[%swap3A_79, %swap3A_80], %swap3A_83 {strides = array<i32>} : memref<16x128xf32, #tpu.memory_space<vmem>>, vector<1x16xf32>,
    }
    %scan3A_4 = arith.constant 16 : i32
    %scan3A_5 = arith.constant 0 : i32
    %scan3A_6 = arith.constant 40 : i32
    %scan3A_7 = arith.addi %scan3A_5, %scan3A_6 : i32
    %scan3A_8 = arith.constant 1 : i32
    scf.for %scan3A_25 = %scan3A_5 to %scan3A_7 step %scan3A_8  : i32 {
      %mul3A_26 = arith.constant 16 : i32
      %mul3A_27 = arith.muli %scan3A_25, %mul3A_26 : i32
      %add3A_28 = arith.constant 0 : i32
      %add3A_29 = arith.addi %add3A_28, %mul3A_27 : i32
      %mul3A_30 = arith.constant 640 : i32
      %mul3A_31 = arith.muli %arg1, %mul3A_30 : i32
      %add3A_32 = arith.addi %mul3A_31, %add3A_29 : i32
      %dma_start3A = arith.constant 0 : i32
      %dma_start3A_33 = tpu.memref_slice %arg14[%add3A_32, %dma_start3A] : memref<10240x128xf32, #tpu.memory_space<vmem_shared>> -> memref<16x128xf32, #tpu.memory_space<vmem_shared>>
      %dma_start3A_34 = arith.constant 0 : i32
      %dma_start3A_35 = tpu.memref_slice %arg14[%add3A_32, %dma_start3A_34] : memref<10240x128xf32, #tpu.memory_space<vmem_shared>> -> memref<16x128xf32, #tpu.memory_space<vmem_shared>>
      tpu.enqueue_dma source(%arg13 : memref<16x128xf32, #tpu.memory_space<vmem>>) target(%dma_start3A_35 : memref<16x128xf32, #tpu.memory_space<vmem_shared>>) target_semaphore(%arg20 : memref<!tpu.dma_semaphore, #tpu.memory_space<semaphore_mem>>)
    }
    %scan3A_9 = arith.constant 40 : i32
    %scan3A_10 = arith.constant 0 : i32
    %scan3A_11 = arith.constant 40 : i32
    %scan3A_12 = arith.addi %scan3A_10, %scan3A_11 : i32
    %scan3A_13 = arith.constant 1 : i32
    scf.for %scan3A_25 = %scan3A_10 to %scan3A_12 step %scan3A_13  : i32 {
      %mul3A_26 = arith.constant 16 : i32
      %mul3A_27 = arith.muli %scan3A_25, %mul3A_26 : i32
      %add3A_28 = arith.constant 0 : i32
      %add3A_29 = arith.addi %add3A_28, %mul3A_27 : i32
      %mul3A_30 = arith.constant 640 : i32
      %mul3A_31 = arith.muli %arg1, %mul3A_30 : i32
      %add3A_32 = arith.addi %mul3A_31, %add3A_29 : i32
      %dma_wait3A = arith.constant 0 : i32
      %dma_wait3A_33 = tpu.memref_slice %arg14[%add3A_32, %dma_wait3A] : memref<10240x128xf32, #tpu.memory_space<vmem_shared>> -> memref<16x128xf32, #tpu.memory_space<vmem_shared>>
      %dma_wait3A_34 = arith.constant 0 : i32
      %dma_wait3A_35 = tpu.memref_slice %arg14[%add3A_32, %dma_wait3A_34] : memref<10240x128xf32, #tpu.memory_space<vmem_shared>> -> memref<16x128xf32, #tpu.memory_space<vmem_shared>>
      tpu.wait_dma2 semaphore(%arg20 : memref<!tpu.dma_semaphore, #tpu.memory_space<semaphore_mem>>) src(%arg13 : memref<16x128xf32, #tpu.memory_space<vmem>>) dst(%dma_wait3A_35 : memref<16x128xf32, #tpu.memory_space<vmem_shared>>)
    }
    %scan3A_14 = arith.constant 40 : i32
    %barrier3A = arith.constant 0 : index
    tpu.barrier barrier_id(%barrier3A)
    %scan3A_15 = arith.constant 0 : i32
    %scan3A_16 = arith.constant 5 : i32
    %scan3A_17 = arith.addi %scan3A_15, %scan3A_16 : i32
    %scan3A_18 = arith.constant 1 : i32
    scf.for %scan3A_25 = %scan3A_15 to %scan3A_17 step %scan3A_18  : i32 {
      %mul3A_26 = arith.constant 1 : i32
      %mul3A_27 = arith.muli %scan3A_25, %mul3A_26 : i32
      %add3A_28 = arith.constant 0 : i32
      %add3A_29 = arith.addi %add3A_28, %mul3A_27 : i32
      "tpu.region"() ({
        %run_scoped3A = tpu.sem_alloc : memref<!tpu.dma_semaphore, #tpu.memory_space<semaphore_mem>>
        %dma_start3A_69 = arith.constant 0 : i32
        %dma_start3A_70 = arith.constant 0 : i32
        %dma_start3A_71 = tpu.memref_slice %arg3[%add3A, %add3A_29, %dma_start3A_69, %dma_start3A_70] : memref<32x5x40x50xi32, #tpu.memory_space<hbm>> -> memref<1x1x40x50xi32, #tpu.memory_space<hbm>>
        %dma_start3A_72 = tpu.memref_squeeze %dma_start3A_71 : memref<1x1x40x50xi32, #tpu.memory_space<hbm>> -> memref<40x50xi32, #tpu.memory_space<hbm>>
        %dma_start3A_73 = arith.constant 0 : i32
        %dma_start3A_74 = arith.constant 0 : i32
        %dma_start3A_75 = tpu.memref_slice %arg3[%add3A, %add3A_29, %dma_start3A_73, %dma_start3A_74] : memref<32x5x40x50xi32, #tpu.memory_space<hbm>> -> memref<1x1x40x50xi32, #tpu.memory_space<hbm>>
        %dma_start3A_76 = tpu.memref_squeeze %dma_start3A_75 : memref<1x1x40x50xi32, #tpu.memory_space<hbm>> -> memref<40x50xi32, #tpu.memory_space<hbm>>
        tpu.enqueue_dma source(%dma_start3A_76 : memref<40x50xi32, #tpu.memory_space<hbm>>) target(%arg6 : memref<40x50xi32, #tpu.memory_space<vmem>>) target_semaphore(%run_scoped3A : memref<!tpu.dma_semaphore, #tpu.memory_space<semaphore_mem>>)
        %dma_wait3A = arith.constant 0 : i32
        %dma_wait3A_77 = arith.constant 0 : i32
        %dma_wait3A_78 = tpu.memref_slice %arg3[%add3A, %add3A_29, %dma_wait3A, %dma_wait3A_77] : memref<32x5x40x50xi32, #tpu.memory_space<hbm>> -> memref<1x1x40x50xi32, #tpu.memory_space<hbm>>
        %dma_wait3A_79 = tpu.memref_squeeze %dma_wait3A_78 : memref<1x1x40x50xi32, #tpu.memory_space<hbm>> -> memref<40x50xi32, #tpu.memory_space<hbm>>
        %dma_wait3A_80 = arith.constant 0 : i32
        %dma_wait3A_81 = arith.constant 0 : i32
        %dma_wait3A_82 = tpu.memref_slice %arg3[%add3A, %add3A_29, %dma_wait3A_80, %dma_wait3A_81] : memref<32x5x40x50xi32, #tpu.memory_space<hbm>> -> memref<1x1x40x50xi32, #tpu.memory_space<hbm>>
        %dma_wait3A_83 = tpu.memref_squeeze %dma_wait3A_82 : memref<1x1x40x50xi32, #tpu.memory_space<hbm>> -> memref<40x50xi32, #tpu.memory_space<hbm>>
        tpu.wait_dma2 semaphore(%run_scoped3A : memref<!tpu.dma_semaphore, #tpu.memory_space<semaphore_mem>>) src(%dma_wait3A_83 : memref<40x50xi32, #tpu.memory_space<hbm>>) dst(%arg6 : memref<40x50xi32, #tpu.memory_space<vmem>>)
        tpu.yield
      }) : () -> ()
      "tpu.region"() ({
        %run_scoped3A = tpu.sem_alloc : memref<!tpu.dma_semaphore, #tpu.memory_space<semaphore_mem>>
        %dma_start3A_69 = arith.constant 0 : i32
        %dma_start3A_70 = arith.constant 0 : i32
        %dma_start3A_71 = tpu.memref_slice %arg4[%add3A, %add3A_29, %dma_start3A_69, %dma_start3A_70] : memref<32x5x40x50xi32, #tpu.memory_space<hbm>> -> memref<1x1x40x50xi32, #tpu.memory_space<hbm>>
        %dma_start3A_72 = tpu.memref_squeeze %dma_start3A_71 : memref<1x1x40x50xi32, #tpu.memory_space<hbm>> -> memref<40x50xi32, #tpu.memory_space<hbm>>
        %dma_start3A_73 = arith.constant 0 : i32
        %dma_start3A_74 = arith.constant 0 : i32
        %dma_start3A_75 = tpu.memref_slice %arg4[%add3A, %add3A_29, %dma_start3A_73, %dma_start3A_74] : memref<32x5x40x50xi32, #tpu.memory_space<hbm>> -> memref<1x1x40x50xi32, #tpu.memory_space<hbm>>
        %dma_start3A_76 = tpu.memref_squeeze %dma_start3A_75 : memref<1x1x40x50xi32, #tpu.memory_space<hbm>> -> memref<40x50xi32, #tpu.memory_space<hbm>>
        tpu.enqueue_dma source(%dma_start3A_76 : memref<40x50xi32, #tpu.memory_space<hbm>>) target(%arg7 : memref<40x50xi32, #tpu.memory_space<vmem>>) target_semaphore(%run_scoped3A : memref<!tpu.dma_semaphore, #tpu.memory_space<semaphore_mem>>)
        %dma_wait3A = arith.constant 0 : i32
        %dma_wait3A_77 = arith.constant 0 : i32
        %dma_wait3A_78 = tpu.memref_slice %arg4[%add3A, %add3A_29, %dma_wait3A, %dma_wait3A_77] : memref<32x5x40x50xi32, #tpu.memory_space<hbm>> -> memref<1x1x40x50xi32, #tpu.memory_space<hbm>>
        %dma_wait3A_79 = tpu.memref_squeeze %dma_wait3A_78 : memref<1x1x40x50xi32, #tpu.memory_space<hbm>> -> memref<40x50xi32, #tpu.memory_space<hbm>>
        %dma_wait3A_80 = arith.constant 0 : i32
        %dma_wait3A_81 = arith.constant 0 : i32
        %dma_wait3A_82 = tpu.memref_slice %arg4[%add3A, %add3A_29, %dma_wait3A_80, %dma_wait3A_81] : memref<32x5x40x50xi32, #tpu.memory_space<hbm>> -> memref<1x1x40x50xi32, #tpu.memory_space<hbm>>
        %dma_wait3A_83 = tpu.memref_squeeze %dma_wait3A_82 : memref<1x1x40x50xi32, #tpu.memory_space<hbm>> -> memref<40x50xi32, #tpu.memory_space<hbm>>
        tpu.wait_dma2 semaphore(%run_scoped3A : memref<!tpu.dma_semaphore, #tpu.memory_space<semaphore_mem>>) src(%dma_wait3A_83 : memref<40x50xi32, #tpu.memory_space<hbm>>) dst(%arg7 : memref<40x50xi32, #tpu.memory_space<vmem>>)
        tpu.yield
      }) : () -> ()
      %dma_start3A = arith.constant 0 : i32
      %dma_start3A_30 = arith.constant 0 : i32
      %dma_start3A_31 = tpu.memref_slice %arg6[%dma_start3A, %dma_start3A_30] : memref<40x50xi32, #tpu.memory_space<vmem>> -> memref<1x50xi32, #tpu.memory_space<vmem>>
      %dma_start3A_32 = tpu.memref_squeeze %dma_start3A_31 : memref<1x50xi32, #tpu.memory_space<vmem>> -> memref<50xi32, #tpu.memory_space<vmem>>
      %dma_start3A_33 = arith.constant 0 : i32
      %dma_start3A_34 = arith.constant 0 : i32
      %dma_start3A_35 = tpu.memref_slice %arg2[%dma_start3A_33, %dma_start3A_34] : memref<10000x128xf32, #tpu.memory_space<hbm>> -> memref<10000x128xf32, #tpu.memory_space<hbm>>
      tpu.enqueue_indirect_dma source(%dma_start3A_35 : memref<10000x128xf32, #tpu.memory_space<hbm>>) target(%arg8 : memref<50x128xf32, #tpu.memory_space<vmem>>) offsets(%dma_start3A_32 : memref<50xi32, #tpu.memory_space<vmem>>) semaphore(%arg15 : memref<!tpu.dma_semaphore, #tpu.memory_space<semaphore_mem>>)
      %dma_start3A_36 = arith.constant 1 : i32
      %dma_start3A_37 = arith.constant 0 : i32
      %dma_start3A_38 = tpu.memref_slice %arg6[%dma_start3A_36, %dma_start3A_37] : memref<40x50xi32, #tpu.memory_space<vmem>> -> memref<1x50xi32, #tpu.memory_space<vmem>>
      %dma_start3A_39 = tpu.memref_squeeze %dma_start3A_38 : memref<1x50xi32, #tpu.memory_space<vmem>> -> memref<50xi32, #tpu.memory_space<vmem>>
      %dma_start3A_40 = arith.constant 0 : i32
      %dma_start3A_41 = arith.constant 0 : i32
      %dma_start3A_42 = tpu.memref_slice %arg2[%dma_start3A_40, %dma_start3A_41] : memref<10000x128xf32, #tpu.memory_space<hbm>> -> memref<10000x128xf32, #tpu.memory_space<hbm>>
      tpu.enqueue_indirect_dma source(%dma_start3A_42 : memref<10000x128xf32, #tpu.memory_space<hbm>>) target(%arg9 : memref<50x128xf32, #tpu.memory_space<vmem>>) offsets(%dma_start3A_39 : memref<50xi32, #tpu.memory_space<vmem>>) semaphore(%arg16 : memref<!tpu.dma_semaphore, #tpu.memory_space<semaphore_mem>>)
      %dma_start3A_43 = arith.constant 2 : i32
      %dma_start3A_44 = arith.constant 0 : i32
      %dma_start3A_45 = tpu.memref_slice %arg6[%dma_start3A_43, %dma_start3A_44] : memref<40x50xi32, #tpu.memory_space<vmem>> -> memref<1x50xi32, #tpu.memory_space<vmem>>
      %dma_start3A_46 = tpu.memref_squeeze %dma_start3A_45 : memref<1x50xi32, #tpu.memory_space<vmem>> -> memref<50xi32, #tpu.memory_space<vmem>>
      %dma_start3A_47 = arith.constant 0 : i32
      %dma_start3A_48 = arith.constant 0 : i32
      %dma_start3A_49 = tpu.memref_slice %arg2[%dma_start3A_47, %dma_start3A_48] : memref<10000x128xf32, #tpu.memory_space<hbm>> -> memref<10000x128xf32, #tpu.memory_space<hbm>>
      tpu.enqueue_indirect_dma source(%dma_start3A_49 : memref<10000x128xf32, #tpu.memory_space<hbm>>) target(%arg10 : memref<50x128xf32, #tpu.memory_space<vmem>>) offsets(%dma_start3A_46 : memref<50xi32, #tpu.memory_space<vmem>>) semaphore(%arg17 : memref<!tpu.dma_semaphore, #tpu.memory_space<semaphore_mem>>)
      %dma_start3A_50 = arith.constant 3 : i32
      %dma_start3A_51 = arith.constant 0 : i32
      %dma_start3A_52 = tpu.memref_slice %arg6[%dma_start3A_50, %dma_start3A_51] : memref<40x50xi32, #tpu.memory_space<vmem>> -> memref<1x50xi32, #tpu.memory_space<vmem>>
      %dma_start3A_53 = tpu.memref_squeeze %dma_start3A_52 : memref<1x50xi32, #tpu.memory_space<vmem>> -> memref<50xi32, #tpu.memory_space<vmem>>
      %dma_start3A_54 = arith.constant 0 : i32
      %dma_start3A_55 = arith.constant 0 : i32
      %dma_start3A_56 = tpu.memref_slice %arg2[%dma_start3A_54, %dma_start3A_55] : memref<10000x128xf32, #tpu.memory_space<hbm>> -> memref<10000x128xf32, #tpu.memory_space<hbm>>
      tpu.enqueue_indirect_dma source(%dma_start3A_56 : memref<10000x128xf32, #tpu.memory_space<hbm>>) target(%arg11 : memref<50x128xf32, #tpu.memory_space<vmem>>) offsets(%dma_start3A_53 : memref<50xi32, #tpu.memory_space<vmem>>) semaphore(%arg18 : memref<!tpu.dma_semaphore, #tpu.memory_space<semaphore_mem>>)
      %dma_start3A_57 = arith.constant 4 : i32
      %dma_start3A_58 = arith.constant 0 : i32
      %dma_start3A_59 = tpu.memref_slice %arg6[%dma_start3A_57, %dma_start3A_58] : memref<40x50xi32, #tpu.memory_space<vmem>> -> memref<1x50xi32, #tpu.memory_space<vmem>>
      %dma_start3A_60 = tpu.memref_squeeze %dma_start3A_59 : memref<1x50xi32, #tpu.memory_space<vmem>> -> memref<50xi32, #tpu.memory_space<vmem>>
      %dma_start3A_61 = arith.constant 0 : i32
      %dma_start3A_62 = arith.constant 0 : i32
      %dma_start3A_63 = tpu.memref_slice %arg2[%dma_start3A_61, %dma_start3A_62] : memref<10000x128xf32, #tpu.memory_space<hbm>> -> memref<10000x128xf32, #tpu.memory_space<hbm>>
      tpu.enqueue_indirect_dma source(%dma_start3A_63 : memref<10000x128xf32, #tpu.memory_space<hbm>>) target(%arg12 : memref<50x128xf32, #tpu.memory_space<vmem>>) offsets(%dma_start3A_60 : memref<50xi32, #tpu.memory_space<vmem>>) semaphore(%arg19 : memref<!tpu.dma_semaphore, #tpu.memory_space<semaphore_mem>>)
      %scan3A_64 = arith.constant 0 : i32
      %scan3A_65 = arith.constant 8 : i32
      %scan3A_66 = arith.addi %scan3A_64, %scan3A_65 : i32
      %scan3A_67 = arith.constant 1 : i32
      scf.for %scan3A_69 = %scan3A_64 to %scan3A_66 step %scan3A_67  : i32 {
        %mul3A_70 = arith.constant 5 : i32
        %mul3A_71 = arith.muli %scan3A_69, %mul3A_70 : i32
        %add3A_72 = arith.constant 0 : i32
        %add3A_73 = arith.addi %add3A_72, %mul3A_71 : i32
        %add3A_74 = arith.constant 0 : i32
        %add3A_75 = arith.addi %add3A_73, %add3A_74 : i32
        %dma_wait3A = arith.constant 0 : i32
        %dma_wait3A_76 = tpu.memref_slice %arg6[%add3A_75, %dma_wait3A] : memref<40x50xi32, #tpu.memory_space<vmem>> -> memref<1x50xi32, #tpu.memory_space<vmem>>
        %dma_wait3A_77 = tpu.memref_squeeze %dma_wait3A_76 : memref<1x50xi32, #tpu.memory_space<vmem>> -> memref<50xi32, #tpu.memory_space<vmem>>
        %dma_wait3A_78 = arith.constant 0 : i32
        %dma_wait3A_79 = arith.constant 0 : i32
        %dma_wait3A_80 = tpu.memref_slice %arg2[%dma_wait3A_78, %dma_wait3A_79] : memref<10000x128xf32, #tpu.memory_space<hbm>> -> memref<10000x128xf32, #tpu.memory_space<hbm>>
        tpu.wait_indirect_dma semaphore(%arg15 : memref<!tpu.dma_semaphore, #tpu.memory_space<semaphore_mem>>) src(%dma_wait3A_80 : memref<10000x128xf32, #tpu.memory_space<hbm>>) dst(%arg8 : memref<50x128xf32, #tpu.memory_space<vmem>>)
        %add3A_81 = arith.constant 0 : i32
        %add3A_82 = arith.addi %add3A_73, %add3A_81 : i32
        "tpu.region"() ({
          %run_scoped3A = tpu.sem_alloc : memref<!tpu.dma_semaphore, #tpu.memory_space<semaphore_mem>>
          %dma_start3A_165 = arith.constant 0 : i32
          %dma_start3A_166 = tpu.memref_slice %arg7[%add3A_82, %dma_start3A_165] : memref<40x50xi32, #tpu.memory_space<vmem>> -> memref<1x50xi32, #tpu.memory_space<vmem>>
          %dma_start3A_167 = tpu.memref_squeeze %dma_start3A_166 : memref<1x50xi32, #tpu.memory_space<vmem>> -> memref<50xi32, #tpu.memory_space<vmem>>
          %dma_start3A_168 = arith.constant 0 : i32
          %dma_start3A_169 = arith.constant 0 : i32
          %dma_start3A_170 = tpu.memref_slice %arg14[%dma_start3A_168, %dma_start3A_169] : memref<10240x128xf32, #tpu.memory_space<vmem_shared>> -> memref<10240x128xf32, #tpu.memory_space<vmem_shared>>
          tpu.enqueue_indirect_dma source(%arg8 : memref<50x128xf32, #tpu.memory_space<vmem>>) target(%dma_start3A_170 : memref<10240x128xf32, #tpu.memory_space<vmem_shared>>) offsets(%dma_start3A_167 : memref<50xi32, #tpu.memory_space<vmem>>) semaphore(%run_scoped3A : memref<!tpu.dma_semaphore, #tpu.memory_space<semaphore_mem>>) {add = true}
          %dma_wait3A_171 = arith.constant 0 : i32
          %dma_wait3A_172 = tpu.memref_slice %arg7[%add3A_82, %dma_wait3A_171] : memref<40x50xi32, #tpu.memory_space<vmem>> -> memref<1x50xi32, #tpu.memory_space<vmem>>
          %dma_wait3A_173 = tpu.memref_squeeze %dma_wait3A_172 : memref<1x50xi32, #tpu.memory_space<vmem>> -> memref<50xi32, #tpu.memory_space<vmem>>
          %dma_wait3A_174 = arith.constant 0 : i32
          %dma_wait3A_175 = arith.constant 0 : i32
          %dma_wait3A_176 = tpu.memref_slice %arg14[%dma_wait3A_174, %dma_wait3A_175] : memref<10240x128xf32, #tpu.memory_space<vmem_shared>> -> memref<10240x128xf32, #tpu.memory_space<vmem_shared>>
          tpu.wait_indirect_dma semaphore(%run_scoped3A : memref<!tpu.dma_semaphore, #tpu.memory_space<semaphore_mem>>) src(%arg8 : memref<50x128xf32, #tpu.memory_space<vmem>>) dst(%dma_wait3A_176 : memref<10240x128xf32, #tpu.memory_space<vmem_shared>>)
          tpu.yield
        }) : () -> ()
        %add3A_83 = arith.constant 0 : i32
        %add3A_84 = arith.addi %add3A_73, %add3A_83 : i32
        %add3A_85 = arith.constant 5 : i32
        %add3A_86 = arith.addi %add3A_84, %add3A_85 : i32
        %lt3A = arith.constant 40 : i32
        %lt3A_87 = arith.cmpi slt, %add3A_86, %lt3A : i32
        %convert_element_type3A = arith.extui %lt3A_87 : i1 to i32
        %cond3A = arith.constant 0 : i32
        %cond3A_88 = arith.cmpi ne, %convert_element_type3A, %cond3A : i32
        scf.if %cond3A_88 {
          %add3A_165 = arith.constant 0 : i32
          %add3A_166 = arith.addi %add3A_73, %add3A_165 : i32
          %add3A_167 = arith.constant 5 : i32
          %add3A_168 = arith.addi %add3A_166, %add3A_167 : i32
          %dma_start3A_169 = arith.constant 0 : i32
          %dma_start3A_170 = tpu.memref_slice %arg6[%add3A_168, %dma_start3A_169] : memref<40x50xi32, #tpu.memory_space<vmem>> -> memref<1x50xi32, #tpu.memory_space<vmem>>
          %dma_start3A_171 = tpu.memref_squeeze %dma_start3A_170 : memref<1x50xi32, #tpu.memory_space<vmem>> -> memref<50xi32, #tpu.memory_space<vmem>>
          %dma_start3A_172 = arith.constant 0 : i32
          %dma_start3A_173 = arith.constant 0 : i32
          %dma_start3A_174 = tpu.memref_slice %arg2[%dma_start3A_172, %dma_start3A_173] : memref<10000x128xf32, #tpu.memory_space<hbm>> -> memref<10000x128xf32, #tpu.memory_space<hbm>>
          tpu.enqueue_indirect_dma source(%dma_start3A_174 : memref<10000x128xf32, #tpu.memory_space<hbm>>) target(%arg8 : memref<50x128xf32, #tpu.memory_space<vmem>>) offsets(%dma_start3A_171 : memref<50xi32, #tpu.memory_space<vmem>>) semaphore(%arg15 : memref<!tpu.dma_semaphore, #tpu.memory_space<semaphore_mem>>)
        } else {
        }
        %add3A_89 = arith.constant 1 : i32
        %add3A_90 = arith.addi %add3A_73, %add3A_89 : i32
        %dma_wait3A_91 = arith.constant 0 : i32
        %dma_wait3A_92 = tpu.memref_slice %arg6[%add3A_90, %dma_wait3A_91] : memref<40x50xi32, #tpu.memory_space<vmem>> -> memref<1x50xi32, #tpu.memory_space<vmem>>
        %dma_wait3A_93 = tpu.memref_squeeze %dma_wait3A_92 : memref<1x50xi32, #tpu.memory_space<vmem>> -> memref<50xi32, #tpu.memory_space<vmem>>
        %dma_wait3A_94 = arith.constant 0 : i32
        %dma_wait3A_95 = arith.constant 0 : i32
        %dma_wait3A_96 = tpu.memref_slice %arg2[%dma_wait3A_94, %dma_wait3A_95] : memref<10000x128xf32, #tpu.memory_space<hbm>> -> memref<10000x128xf32, #tpu.memory_space<hbm>>
        tpu.wait_indirect_dma semaphore(%arg16 : memref<!tpu.dma_semaphore, #tpu.memory_space<semaphore_mem>>) src(%dma_wait3A_96 : memref<10000x128xf32, #tpu.memory_space<hbm>>) dst(%arg9 : memref<50x128xf32, #tpu.memory_space<vmem>>)
        %add3A_97 = arith.constant 1 : i32
        %add3A_98 = arith.addi %add3A_73, %add3A_97 : i32
        "tpu.region"() ({
          %run_scoped3A = tpu.sem_alloc : memref<!tpu.dma_semaphore, #tpu.memory_space<semaphore_mem>>
          %dma_start3A_165 = arith.constant 0 : i32
          %dma_start3A_166 = tpu.memref_slice %arg7[%add3A_98, %dma_start3A_165] : memref<40x50xi32, #tpu.memory_space<vmem>> -> memref<1x50xi32, #tpu.memory_space<vmem>>
          %dma_start3A_167 = tpu.memref_squeeze %dma_start3A_166 : memref<1x50xi32, #tpu.memory_space<vmem>> -> memref<50xi32, #tpu.memory_space<vmem>>
          %dma_start3A_168 = arith.constant 0 : i32
          %dma_start3A_169 = arith.constant 0 : i32
          %dma_start3A_170 = tpu.memref_slice %arg14[%dma_start3A_168, %dma_start3A_169] : memref<10240x128xf32, #tpu.memory_space<vmem_shared>> -> memref<10240x128xf32, #tpu.memory_space<vmem_shared>>
          tpu.enqueue_indirect_dma source(%arg9 : memref<50x128xf32, #tpu.memory_space<vmem>>) target(%dma_start3A_170 : memref<10240x128xf32, #tpu.memory_space<vmem_shared>>) offsets(%dma_start3A_167 : memref<50xi32, #tpu.memory_space<vmem>>) semaphore(%run_scoped3A : memref<!tpu.dma_semaphore, #tpu.memory_space<semaphore_mem>>) {add = true}
          %dma_wait3A_171 = arith.constant 0 : i32
          %dma_wait3A_172 = tpu.memref_slice %arg7[%add3A_98, %dma_wait3A_171] : memref<40x50xi32, #tpu.memory_space<vmem>> -> memref<1x50xi32, #tpu.memory_space<vmem>>
          %dma_wait3A_173 = tpu.memref_squeeze %dma_wait3A_172 : memref<1x50xi32, #tpu.memory_space<vmem>> -> memref<50xi32, #tpu.memory_space<vmem>>
          %dma_wait3A_174 = arith.constant 0 : i32
          %dma_wait3A_175 = arith.constant 0 : i32
          %dma_wait3A_176 = tpu.memref_slice %arg14[%dma_wait3A_174, %dma_wait3A_175] : memref<10240x128xf32, #tpu.memory_space<vmem_shared>> -> memref<10240x128xf32, #tpu.memory_space<vmem_shared>>
          tpu.wait_indirect_dma semaphore(%run_scoped3A : memref<!tpu.dma_semaphore, #tpu.memory_space<semaphore_mem>>) src(%arg9 : memref<50x128xf32, #tpu.memory_space<vmem>>) dst(%dma_wait3A_176 : memref<10240x128xf32, #tpu.memory_space<vmem_shared>>)
          tpu.yield
        }) : () -> ()
        %add3A_99 = arith.constant 1 : i32
        %add3A_100 = arith.addi %add3A_73, %add3A_99 : i32
        %add3A_101 = arith.constant 5 : i32
        %add3A_102 = arith.addi %add3A_100, %add3A_101 : i32
        %lt3A_103 = arith.constant 40 : i32
        %lt3A_104 = arith.cmpi slt, %add3A_102, %lt3A_103 : i32
        %convert_element_type3A_105 = arith.extui %lt3A_104 : i1 to i32
        %cond3A_106 = arith.constant 0 : i32
        %cond3A_107 = arith.cmpi ne, %convert_element_type3A_105, %cond3A_106 : i32
        scf.if %cond3A_107 {
          %add3A_165 = arith.constant 1 : i32
          %add3A_166 = arith.addi %add3A_73, %add3A_165 : i32
          %add3A_167 = arith.constant 5 : i32
          %add3A_168 = arith.addi %add3A_166, %add3A_167 : i32
          %dma_start3A_169 = arith.constant 0 : i32
          %dma_start3A_170 = tpu.memref_slice %arg6[%add3A_168, %dma_start3A_169] : memref<40x50xi32, #tpu.memory_space<vmem>> -> memref<1x50xi32, #tpu.memory_space<vmem>>
          %dma_start3A_171 = tpu.memref_squeeze %dma_start3A_170 : memref<1x50xi32, #tpu.memory_space<vmem>> -> memref<50xi32, #tpu.memory_space<vmem>>
          %dma_start3A_172 = arith.constant 0 : i32
          %dma_start3A_173 = arith.constant 0 : i32
          %dma_start3A_174 = tpu.memref_slice %arg2[%dma_start3A_172, %dma_start3A_173] : memref<10000x128xf32, #tpu.memory_space<hbm>> -> memref<10000x128xf32, #tpu.memory_space<hbm>>
          tpu.enqueue_indirect_dma source(%dma_start3A_174 : memref<10000x128xf32, #tpu.memory_space<hbm>>) target(%arg9 : memref<50x128xf32, #tpu.memory_space<vmem>>) offsets(%dma_start3A_171 : memref<50xi32, #tpu.memory_space<vmem>>) semaphore(%arg16 : memref<!tpu.dma_semaphore, #tpu.memory_space<semaphore_mem>>)
        } else {
        }
        %add3A_108 = arith.constant 2 : i32
        %add3A_109 = arith.addi %add3A_73, %add3A_108 : i32
        %dma_wait3A_110 = arith.constant 0 : i32
        %dma_wait3A_111 = tpu.memref_slice %arg6[%add3A_109, %dma_wait3A_110] : memref<40x50xi32, #tpu.memory_space<vmem>> -> memref<1x50xi32, #tpu.memory_space<vmem>>
        %dma_wait3A_112 = tpu.memref_squeeze %dma_wait3A_111 : memref<1x50xi32, #tpu.memory_space<vmem>> -> memref<50xi32, #tpu.memory_space<vmem>>
        %dma_wait3A_113 = arith.constant 0 : i32
        %dma_wait3A_114 = arith.constant 0 : i32
        %dma_wait3A_115 = tpu.memref_slice %arg2[%dma_wait3A_113, %dma_wait3A_114] : memref<10000x128xf32, #tpu.memory_space<hbm>> -> memref<10000x128xf32, #tpu.memory_space<hbm>>
        tpu.wait_indirect_dma semaphore(%arg17 : memref<!tpu.dma_semaphore, #tpu.memory_space<semaphore_mem>>) src(%dma_wait3A_115 : memref<10000x128xf32, #tpu.memory_space<hbm>>) dst(%arg10 : memref<50x128xf32, #tpu.memory_space<vmem>>)
        %add3A_116 = arith.constant 2 : i32
        %add3A_117 = arith.addi %add3A_73, %add3A_116 : i32
        "tpu.region"() ({
          %run_scoped3A = tpu.sem_alloc : memref<!tpu.dma_semaphore, #tpu.memory_space<semaphore_mem>>
          %dma_start3A_165 = arith.constant 0 : i32
          %dma_start3A_166 = tpu.memref_slice %arg7[%add3A_117, %dma_start3A_165] : memref<40x50xi32, #tpu.memory_space<vmem>> -> memref<1x50xi32, #tpu.memory_space<vmem>>
          %dma_start3A_167 = tpu.memref_squeeze %dma_start3A_166 : memref<1x50xi32, #tpu.memory_space<vmem>> -> memref<50xi32, #tpu.memory_space<vmem>>
          %dma_start3A_168 = arith.constant 0 : i32
          %dma_start3A_169 = arith.constant 0 : i32
          %dma_start3A_170 = tpu.memref_slice %arg14[%dma_start3A_168, %dma_start3A_169] : memref<10240x128xf32, #tpu.memory_space<vmem_shared>> -> memref<10240x128xf32, #tpu.memory_space<vmem_shared>>
          tpu.enqueue_indirect_dma source(%arg10 : memref<50x128xf32, #tpu.memory_space<vmem>>) target(%dma_start3A_170 : memref<10240x128xf32, #tpu.memory_space<vmem_shared>>) offsets(%dma_start3A_167 : memref<50xi32, #tpu.memory_space<vmem>>) semaphore(%run_scoped3A : memref<!tpu.dma_semaphore, #tpu.memory_space<semaphore_mem>>) {add = true}
          %dma_wait3A_171 = arith.constant 0 : i32
          %dma_wait3A_172 = tpu.memref_slice %arg7[%add3A_117, %dma_wait3A_171] : memref<40x50xi32, #tpu.memory_space<vmem>> -> memref<1x50xi32, #tpu.memory_space<vmem>>
          %dma_wait3A_173 = tpu.memref_squeeze %dma_wait3A_172 : memref<1x50xi32, #tpu.memory_space<vmem>> -> memref<50xi32, #tpu.memory_space<vmem>>
          %dma_wait3A_174 = arith.constant 0 : i32
          %dma_wait3A_175 = arith.constant 0 : i32
          %dma_wait3A_176 = tpu.memref_slice %arg14[%dma_wait3A_174, %dma_wait3A_175] : memref<10240x128xf32, #tpu.memory_space<vmem_shared>> -> memref<10240x128xf32, #tpu.memory_space<vmem_shared>>
          tpu.wait_indirect_dma semaphore(%run_scoped3A : memref<!tpu.dma_semaphore, #tpu.memory_space<semaphore_mem>>) src(%arg10 : memref<50x128xf32, #tpu.memory_space<vmem>>) dst(%dma_wait3A_176 : memref<10240x128xf32, #tpu.memory_space<vmem_shared>>)
          tpu.yield
        }) : () -> ()
        %add3A_118 = arith.constant 2 : i32
        %add3A_119 = arith.addi %add3A_73, %add3A_118 : i32
        %add3A_120 = arith.constant 5 : i32
        %add3A_121 = arith.addi %add3A_119, %add3A_120 : i32
        %lt3A_122 = arith.constant 40 : i32
        %lt3A_123 = arith.cmpi slt, %add3A_121, %lt3A_122 : i32
        %convert_element_type3A_124 = arith.extui %lt3A_123 : i1 to i32
        %cond3A_125 = arith.constant 0 : i32
        %cond3A_126 = arith.cmpi ne, %convert_element_type3A_124, %cond3A_125 : i32
        scf.if %cond3A_126 {
          %add3A_165 = arith.constant 2 : i32
          %add3A_166 = arith.addi %add3A_73, %add3A_165 : i32
          %add3A_167 = arith.constant 5 : i32
          %add3A_168 = arith.addi %add3A_166, %add3A_167 : i32
          %dma_start3A_169 = arith.constant 0 : i32
          %dma_start3A_170 = tpu.memref_slice %arg6[%add3A_168, %dma_start3A_169] : memref<40x50xi32, #tpu.memory_space<vmem>> -> memref<1x50xi32, #tpu.memory_space<vmem>>
          %dma_start3A_171 = tpu.memref_squeeze %dma_start3A_170 : memref<1x50xi32, #tpu.memory_space<vmem>> -> memref<50xi32, #tpu.memory_space<vmem>>
          %dma_start3A_172 = arith.constant 0 : i32
          %dma_start3A_173 = arith.constant 0 : i32
          %dma_start3A_174 = tpu.memref_slice %arg2[%dma_start3A_172, %dma_start3A_173] : memref<10000x128xf32, #tpu.memory_space<hbm>> -> memref<10000x128xf32, #tpu.memory_space<hbm>>
          tpu.enqueue_indirect_dma source(%dma_start3A_174 : memref<10000x128xf32, #tpu.memory_space<hbm>>) target(%arg10 : memref<50x128xf32, #tpu.memory_space<vmem>>) offsets(%dma_start3A_171 : memref<50xi32, #tpu.memory_space<vmem>>) semaphore(%arg17 : memref<!tpu.dma_semaphore, #tpu.memory_space<semaphore_mem>>)
        } else {
        }
        %add3A_127 = arith.constant 3 : i32
        %add3A_128 = arith.addi %add3A_73, %add3A_127 : i32
        %dma_wait3A_129 = arith.constant 0 : i32
        %dma_wait3A_130 = tpu.memref_slice %arg6[%add3A_128, %dma_wait3A_129] : memref<40x50xi32, #tpu.memory_space<vmem>> -> memref<1x50xi32, #tpu.memory_space<vmem>>
        %dma_wait3A_131 = tpu.memref_squeeze %dma_wait3A_130 : memref<1x50xi32, #tpu.memory_space<vmem>> -> memref<50xi32, #tpu.memory_space<vmem>>
        %dma_wait3A_132 = arith.constant 0 : i32
        %dma_wait3A_133 = arith.constant 0 : i32
        %dma_wait3A_134 = tpu.memref_slice %arg2[%dma_wait3A_132, %dma_wait3A_133] : memref<10000x128xf32, #tpu.memory_space<hbm>> -> memref<10000x128xf32, #tpu.memory_space<hbm>>
        tpu.wait_indirect_dma semaphore(%arg18 : memref<!tpu.dma_semaphore, #tpu.memory_space<semaphore_mem>>) src(%dma_wait3A_134 : memref<10000x128xf32, #tpu.memory_space<hbm>>) dst(%arg11 : memref<50x128xf32, #tpu.memory_space<vmem>>)
        %add3A_135 = arith.constant 3 : i32
        %add3A_136 = arith.addi %add3A_73, %add3A_135 : i32
        "tpu.region"() ({
          %run_scoped3A = tpu.sem_alloc : memref<!tpu.dma_semaphore, #tpu.memory_space<semaphore_mem>>
          %dma_start3A_165 = arith.constant 0 : i32
          %dma_start3A_166 = tpu.memref_slice %arg7[%add3A_136, %dma_start3A_165] : memref<40x50xi32, #tpu.memory_space<vmem>> -> memref<1x50xi32, #tpu.memory_space<vmem>>
          %dma_start3A_167 = tpu.memref_squeeze %dma_start3A_166 : memref<1x50xi32, #tpu.memory_space<vmem>> -> memref<50xi32, #tpu.memory_space<vmem>>
          %dma_start3A_168 = arith.constant 0 : i32
          %dma_start3A_169 = arith.constant 0 : i32
          %dma_start3A_170 = tpu.memref_slice %arg14[%dma_start3A_168, %dma_start3A_169] : memref<10240x128xf32, #tpu.memory_space<vmem_shared>> -> memref<10240x128xf32, #tpu.memory_space<vmem_shared>>
          tpu.enqueue_indirect_dma source(%arg11 : memref<50x128xf32, #tpu.memory_space<vmem>>) target(%dma_start3A_170 : memref<10240x128xf32, #tpu.memory_space<vmem_shared>>) offsets(%dma_start3A_167 : memref<50xi32, #tpu.memory_space<vmem>>) semaphore(%run_scoped3A : memref<!tpu.dma_semaphore, #tpu.memory_space<semaphore_mem>>) {add = true}
          %dma_wait3A_171 = arith.constant 0 : i32
          %dma_wait3A_172 = tpu.memref_slice %arg7[%add3A_136, %dma_wait3A_171] : memref<40x50xi32, #tpu.memory_space<vmem>> -> memref<1x50xi32, #tpu.memory_space<vmem>>
          %dma_wait3A_173 = tpu.memref_squeeze %dma_wait3A_172 : memref<1x50xi32, #tpu.memory_space<vmem>> -> memref<50xi32, #tpu.memory_space<vmem>>
          %dma_wait3A_174 = arith.constant 0 : i32
          %dma_wait3A_175 = arith.constant 0 : i32
          %dma_wait3A_176 = tpu.memref_slice %arg14[%dma_wait3A_174, %dma_wait3A_175] : memref<10240x128xf32, #tpu.memory_space<vmem_shared>> -> memref<10240x128xf32, #tpu.memory_space<vmem_shared>>
          tpu.wait_indirect_dma semaphore(%run_scoped3A : memref<!tpu.dma_semaphore, #tpu.memory_space<semaphore_mem>>) src(%arg11 : memref<50x128xf32, #tpu.memory_space<vmem>>) dst(%dma_wait3A_176 : memref<10240x128xf32, #tpu.memory_space<vmem_shared>>)
          tpu.yield
        }) : () -> ()
        %add3A_137 = arith.constant 3 : i32
        %add3A_138 = arith.addi %add3A_73, %add3A_137 : i32
        %add3A_139 = arith.constant 5 : i32
        %add3A_140 = arith.addi %add3A_138, %add3A_139 : i32
        %lt3A_141 = arith.constant 40 : i32
        %lt3A_142 = arith.cmpi slt, %add3A_140, %lt3A_141 : i32
        %convert_element_type3A_143 = arith.extui %lt3A_142 : i1 to i32
        %cond3A_144 = arith.constant 0 : i32
        %cond3A_145 = arith.cmpi ne, %convert_element_type3A_143, %cond3A_144 : i32
        scf.if %cond3A_145 {
          %add3A_165 = arith.constant 3 : i32
          %add3A_166 = arith.addi %add3A_73, %add3A_165 : i32
          %add3A_167 = arith.constant 5 : i32
          %add3A_168 = arith.addi %add3A_166, %add3A_167 : i32
          %dma_start3A_169 = arith.constant 0 : i32
          %dma_start3A_170 = tpu.memref_slice %arg6[%add3A_168, %dma_start3A_169] : memref<40x50xi32, #tpu.memory_space<vmem>> -> memref<1x50xi32, #tpu.memory_space<vmem>>
          %dma_start3A_171 = tpu.memref_squeeze %dma_start3A_170 : memref<1x50xi32, #tpu.memory_space<vmem>> -> memref<50xi32, #tpu.memory_space<vmem>>
          %dma_start3A_172 = arith.constant 0 : i32
          %dma_start3A_173 = arith.constant 0 : i32
          %dma_start3A_174 = tpu.memref_slice %arg2[%dma_start3A_172, %dma_start3A_173] : memref<10000x128xf32, #tpu.memory_space<hbm>> -> memref<10000x128xf32, #tpu.memory_space<hbm>>
          tpu.enqueue_indirect_dma source(%dma_start3A_174 : memref<10000x128xf32, #tpu.memory_space<hbm>>) target(%arg11 : memref<50x128xf32, #tpu.memory_space<vmem>>) offsets(%dma_start3A_171 : memref<50xi32, #tpu.memory_space<vmem>>) semaphore(%arg18 : memref<!tpu.dma_semaphore, #tpu.memory_space<semaphore_mem>>)
        } else {
        }
        %add3A_146 = arith.constant 4 : i32
        %add3A_147 = arith.addi %add3A_73, %add3A_146 : i32
        %dma_wait3A_148 = arith.constant 0 : i32
        %dma_wait3A_149 = tpu.memref_slice %arg6[%add3A_147, %dma_wait3A_148] : memref<40x50xi32, #tpu.memory_space<vmem>> -> memref<1x50xi32, #tpu.memory_space<vmem>>
        %dma_wait3A_150 = tpu.memref_squeeze %dma_wait3A_149 : memref<1x50xi32, #tpu.memory_space<vmem>> -> memref<50xi32, #tpu.memory_space<vmem>>
        %dma_wait3A_151 = arith.constant 0 : i32
        %dma_wait3A_152 = arith.constant 0 : i32
        %dma_wait3A_153 = tpu.memref_slice %arg2[%dma_wait3A_151, %dma_wait3A_152] : memref<10000x128xf32, #tpu.memory_space<hbm>> -> memref<10000x128xf32, #tpu.memory_space<hbm>>
        tpu.wait_indirect_dma semaphore(%arg19 : memref<!tpu.dma_semaphore, #tpu.memory_space<semaphore_mem>>) src(%dma_wait3A_153 : memref<10000x128xf32, #tpu.memory_space<hbm>>) dst(%arg12 : memref<50x128xf32, #tpu.memory_space<vmem>>)
        %add3A_154 = arith.constant 4 : i32
        %add3A_155 = arith.addi %add3A_73, %add3A_154 : i32
        "tpu.region"() ({
          %run_scoped3A = tpu.sem_alloc : memref<!tpu.dma_semaphore, #tpu.memory_space<semaphore_mem>>
          %dma_start3A_165 = arith.constant 0 : i32
          %dma_start3A_166 = tpu.memref_slice %arg7[%add3A_155, %dma_start3A_165] : memref<40x50xi32, #tpu.memory_space<vmem>> -> memref<1x50xi32, #tpu.memory_space<vmem>>
          %dma_start3A_167 = tpu.memref_squeeze %dma_start3A_166 : memref<1x50xi32, #tpu.memory_space<vmem>> -> memref<50xi32, #tpu.memory_space<vmem>>
          %dma_start3A_168 = arith.constant 0 : i32
          %dma_start3A_169 = arith.constant 0 : i32
          %dma_start3A_170 = tpu.memref_slice %arg14[%dma_start3A_168, %dma_start3A_169] : memref<10240x128xf32, #tpu.memory_space<vmem_shared>> -> memref<10240x128xf32, #tpu.memory_space<vmem_shared>>
          tpu.enqueue_indirect_dma source(%arg12 : memref<50x128xf32, #tpu.memory_space<vmem>>) target(%dma_start3A_170 : memref<10240x128xf32, #tpu.memory_space<vmem_shared>>) offsets(%dma_start3A_167 : memref<50xi32, #tpu.memory_space<vmem>>) semaphore(%run_scoped3A : memref<!tpu.dma_semaphore, #tpu.memory_space<semaphore_mem>>) {add = true}
          %dma_wait3A_171 = arith.constant 0 : i32
          %dma_wait3A_172 = tpu.memref_slice %arg7[%add3A_155, %dma_wait3A_171] : memref<40x50xi32, #tpu.memory_space<vmem>> -> memref<1x50xi32, #tpu.memory_space<vmem>>
          %dma_wait3A_173 = tpu.memref_squeeze %dma_wait3A_172 : memref<1x50xi32, #tpu.memory_space<vmem>> -> memref<50xi32, #tpu.memory_space<vmem>>
          %dma_wait3A_174 = arith.constant 0 : i32
          %dma_wait3A_175 = arith.constant 0 : i32
          %dma_wait3A_176 = tpu.memref_slice %arg14[%dma_wait3A_174, %dma_wait3A_175] : memref<10240x128xf32, #tpu.memory_space<vmem_shared>> -> memref<10240x128xf32, #tpu.memory_space<vmem_shared>>
          tpu.wait_indirect_dma semaphore(%run_scoped3A : memref<!tpu.dma_semaphore, #tpu.memory_space<semaphore_mem>>) src(%arg12 : memref<50x128xf32, #tpu.memory_space<vmem>>) dst(%dma_wait3A_176 : memref<10240x128xf32, #tpu.memory_space<vmem_shared>>)
          tpu.yield
        }) : () -> ()
        %add3A_156 = arith.constant 4 : i32
        %add3A_157 = arith.addi %add3A_73, %add3A_156 : i32
        %add3A_158 = arith.constant 5 : i32
        %add3A_159 = arith.addi %add3A_157, %add3A_158 : i32
        %lt3A_160 = arith.constant 40 : i32
        %lt3A_161 = arith.cmpi slt, %add3A_159, %lt3A_160 : i32
        %convert_element_type3A_162 = arith.extui %lt3A_161 : i1 to i32
        %cond3A_163 = arith.constant 0 : i32
        %cond3A_164 = arith.cmpi ne, %convert_element_type3A_162, %cond3A_163 : i32
        scf.if %cond3A_164 {
          %add3A_165 = arith.constant 4 : i32
          %add3A_166 = arith.addi %add3A_73, %add3A_165 : i32
          %add3A_167 = arith.constant 5 : i32
          %add3A_168 = arith.addi %add3A_166, %add3A_167 : i32
          %dma_start3A_169 = arith.constant 0 : i32
          %dma_start3A_170 = tpu.memref_slice %arg6[%add3A_168, %dma_start3A_169] : memref<40x50xi32, #tpu.memory_space<vmem>> -> memref<1x50xi32, #tpu.memory_space<vmem>>
          %dma_start3A_171 = tpu.memref_squeeze %dma_start3A_170 : memref<1x50xi32, #tpu.memory_space<vmem>> -> memref<50xi32, #tpu.memory_space<vmem>>
          %dma_start3A_172 = arith.constant 0 : i32
          %dma_start3A_173 = arith.constant 0 : i32
          %dma_start3A_174 = tpu.memref_slice %arg2[%dma_start3A_172, %dma_start3A_173] : memref<10000x128xf32, #tpu.memory_space<hbm>> -> memref<10000x128xf32, #tpu.memory_space<hbm>>
          tpu.enqueue_indirect_dma source(%dma_start3A_174 : memref<10000x128xf32, #tpu.memory_space<hbm>>) target(%arg12 : memref<50x128xf32, #tpu.memory_space<vmem>>) offsets(%dma_start3A_171 : memref<50xi32, #tpu.memory_space<vmem>>) semaphore(%arg19 : memref<!tpu.dma_semaphore, #tpu.memory_space<semaphore_mem>>)
        } else {
        }
      }
      %scan3A_68 = arith.constant 8 : i32
    }
    %scan3A_19 = arith.constant 5 : i32
    %barrier3A_20 = arith.constant 0 : index
    tpu.barrier barrier_id(%barrier3A_20)
    %mul3A_21 = arith.constant 640 : i32
    %mul3A_22 = arith.muli %arg1, %mul3A_21 : i32
    %mul3A_23 = arith.constant 640 : i32
    %mul3A_24 = arith.muli %arg1, %mul3A_23 : i32
    "tpu.region"() ({
      %run_scoped3A = tpu.sem_alloc : memref<!tpu.dma_semaphore, #tpu.memory_space<semaphore_mem>>
      %dma_start3A = arith.constant 0 : i32
      %dma_start3A_25 = tpu.memref_slice %arg5[%arg0, %mul3A_24, %dma_start3A] : memref<2x10240x128xf32, #tpu.memory_space<hbm>> -> memref<1x640x128xf32, #tpu.memory_space<hbm>>
      %dma_start3A_26 = tpu.memref_squeeze %dma_start3A_25 : memref<1x640x128xf32, #tpu.memory_space<hbm>> -> memref<640x128xf32, #tpu.memory_space<hbm>>
      %dma_start3A_27 = arith.constant 0 : i32
      %dma_start3A_28 = tpu.memref_slice %arg14[%mul3A_22, %dma_start3A_27] : memref<10240x128xf32, #tpu.memory_space<vmem_shared>> -> memref<640x128xf32, #tpu.memory_space<vmem_shared>>
      tpu.enqueue_dma source(%dma_start3A_28 : memref<640x128xf32, #tpu.memory_space<vmem_shared>>) target(%dma_start3A_26 : memref<640x128xf32, #tpu.memory_space<hbm>>) target_semaphore(%run_scoped3A : memref<!tpu.dma_semaphore, #tpu.memory_space<semaphore_mem>>)
      %dma_wait3A = arith.constant 0 : i32
      %dma_wait3A_29 = tpu.memref_slice %arg5[%arg0, %mul3A_24, %dma_wait3A] : memref<2x10240x128xf32, #tpu.memory_space<hbm>> -> memref<1x640x128xf32, #tpu.memory_space<hbm>>
      %dma_wait3A_30 = tpu.memref_squeeze %dma_wait3A_29 : memref<1x640x128xf32, #tpu.memory_space<hbm>> -> memref<640x128xf32, #tpu.memory_space<hbm>>
      %dma_wait3A_31 = arith.constant 0 : i32
      %dma_wait3A_32 = tpu.memref_slice %arg14[%mul3A_22, %dma_wait3A_31] : memref<10240x128xf32, #tpu.memory_space<vmem_shared>> -> memref<640x128xf32, #tpu.memory_space<vmem_shared>>
      tpu.wait_dma2 semaphore(%run_scoped3A : memref<!tpu.dma_semaphore, #tpu.memory_space<semaphore_mem>>) src(%dma_wait3A_32 : memref<640x128xf32, #tpu.memory_space<vmem_shared>>) dst(%dma_wait3A_30 : memref<640x128xf32, #tpu.memory_space<hbm>>)
      tpu.yield
    }) : () -> ()
    return
  }
}

#map = affine_map<(d0, d1) -> (0, 0, 0)>
module attributes {stable_mosaic.version = 14 : i64} {
  func.func @k(%arg0: i32, %arg1: i32, %arg2: memref<32x128x128xi32, #tpu.memory_space<hbm>>, %arg3: memref<2x128x128xf32, #tpu.memory_space<hbm>>, %arg4: memref<128x128xi32, #tpu.memory_space<vmem>>, %arg5: memref<128x128xf32, #tpu.memory_space<vmem>>, %arg6: memref<1x128xi32, #tpu.memory_space<vmem>>, %arg7: memref<128x128xf32, #tpu.memory_space<vmem_shared>>) attributes {dimension_semantics = [#tpu.dimension_semantics<core_parallel>, #tpu.dimension_semantics<subcore_parallel>], iteration_bounds = array<i64: 2, 16>, scalar_prefetch = 0 : i64, scratch_operands = 4 : i64, tpu.core_type = #tpu.core_type<sc_vector_subcore>, window_params = [{transform_indices = #map}, {transform_indices = #map}]} {
    %mul3A = arith.constant 16 : i32
    %mul3A_0 = arith.muli %arg0, %mul3A : i32
    %add3A = arith.addi %mul3A_0, %arg1 : i32
    %broadcast_in_dim3A = arith.constant 0.000000e+00 : f32
    %broadcast_in_dim3A_1 = vector.broadcast %broadcast_in_dim3A : f32 to vector<16xf32>
    %broadcast_in_dim3A_2 = arith.constant 1.000000e+00 : f32
    %broadcast_in_dim3A_3 = vector.broadcast %broadcast_in_dim3A_2 : f32 to vector<16xf32>
    %scan3A = arith.constant 0 : i32
    %scan3A_4 = arith.constant 128 : i32
    %scan3A_5 = arith.addi %scan3A, %scan3A_4 : i32
    %scan3A_6 = arith.constant 1 : i32
    scf.for %scan3A_84 = %scan3A to %scan3A_5 step %scan3A_6  : i32 {
      %mul3A_85 = arith.constant 1 : i32
      %mul3A_86 = arith.muli %scan3A_84, %mul3A_85 : i32
      %add3A_87 = arith.constant 0 : i32
      %add3A_88 = arith.addi %add3A_87, %mul3A_86 : i32
      %swap3A_89 = arith.index_cast %add3A_88 : i32 to index
      %swap3A_90 = arith.constant 0 : index
      %swap3A_91 = tpu.vector_load %arg5[%swap3A_89, %swap3A_90] {strides = array<i32>} : memref<128x128xf32, #tpu.memory_space<vmem>>, vector<16xf32>,
      tpu.vector_store %arg5[%swap3A_89, %swap3A_90], %broadcast_in_dim3A_1 {strides = array<i32>} : memref<128x128xf32, #tpu.memory_space<vmem>>, vector<16xf32>,
      %swap3A_92 = arith.index_cast %add3A_88 : i32 to index
      %swap3A_93 = arith.constant 16 : index
      %swap3A_94 = tpu.vector_load %arg5[%swap3A_92, %swap3A_93] {strides = array<i32>} : memref<128x128xf32, #tpu.memory_space<vmem>>, vector<16xf32>,
      tpu.vector_store %arg5[%swap3A_92, %swap3A_93], %broadcast_in_dim3A_1 {strides = array<i32>} : memref<128x128xf32, #tpu.memory_space<vmem>>, vector<16xf32>,
      %swap3A_95 = arith.index_cast %add3A_88 : i32 to index
      %swap3A_96 = arith.constant 32 : index
      %swap3A_97 = tpu.vector_load %arg5[%swap3A_95, %swap3A_96] {strides = array<i32>} : memref<128x128xf32, #tpu.memory_space<vmem>>, vector<16xf32>,
      tpu.vector_store %arg5[%swap3A_95, %swap3A_96], %broadcast_in_dim3A_1 {strides = array<i32>} : memref<128x128xf32, #tpu.memory_space<vmem>>, vector<16xf32>,
      %swap3A_98 = arith.index_cast %add3A_88 : i32 to index
      %swap3A_99 = arith.constant 48 : index
      %swap3A_100 = tpu.vector_load %arg5[%swap3A_98, %swap3A_99] {strides = array<i32>} : memref<128x128xf32, #tpu.memory_space<vmem>>, vector<16xf32>,
      tpu.vector_store %arg5[%swap3A_98, %swap3A_99], %broadcast_in_dim3A_1 {strides = array<i32>} : memref<128x128xf32, #tpu.memory_space<vmem>>, vector<16xf32>,
      %swap3A_101 = arith.index_cast %add3A_88 : i32 to index
      %swap3A_102 = arith.constant 64 : index
      %swap3A_103 = tpu.vector_load %arg5[%swap3A_101, %swap3A_102] {strides = array<i32>} : memref<128x128xf32, #tpu.memory_space<vmem>>, vector<16xf32>,
      tpu.vector_store %arg5[%swap3A_101, %swap3A_102], %broadcast_in_dim3A_1 {strides = array<i32>} : memref<128x128xf32, #tpu.memory_space<vmem>>, vector<16xf32>,
      %swap3A_104 = arith.index_cast %add3A_88 : i32 to index
      %swap3A_105 = arith.constant 80 : index
      %swap3A_106 = tpu.vector_load %arg5[%swap3A_104, %swap3A_105] {strides = array<i32>} : memref<128x128xf32, #tpu.memory_space<vmem>>, vector<16xf32>,
      tpu.vector_store %arg5[%swap3A_104, %swap3A_105], %broadcast_in_dim3A_1 {strides = array<i32>} : memref<128x128xf32, #tpu.memory_space<vmem>>, vector<16xf32>,
      %swap3A_107 = arith.index_cast %add3A_88 : i32 to index
      %swap3A_108 = arith.constant 96 : index
      %swap3A_109 = tpu.vector_load %arg5[%swap3A_107, %swap3A_108] {strides = array<i32>} : memref<128x128xf32, #tpu.memory_space<vmem>>, vector<16xf32>,
      tpu.vector_store %arg5[%swap3A_107, %swap3A_108], %broadcast_in_dim3A_1 {strides = array<i32>} : memref<128x128xf32, #tpu.memory_space<vmem>>, vector<16xf32>,
      %swap3A_110 = arith.index_cast %add3A_88 : i32 to index
      %swap3A_111 = arith.constant 112 : index
      %swap3A_112 = tpu.vector_load %arg5[%swap3A_110, %swap3A_111] {strides = array<i32>} : memref<128x128xf32, #tpu.memory_space<vmem>>, vector<16xf32>,
      tpu.vector_store %arg5[%swap3A_110, %swap3A_111], %broadcast_in_dim3A_1 {strides = array<i32>} : memref<128x128xf32, #tpu.memory_space<vmem>>, vector<16xf32>,
    }
    %scan3A_7 = arith.constant 128 : i32
    %iota3A = tpu.iota {dimensions = array<i32: 0>} : vector<16xi32>
    %add3A_8 = arith.constant 0 : i32
    %add3A_9 = vector.broadcast %add3A_8 : i32 to vector<16xi32>
    %add3A_10 = arith.addi %iota3A, %add3A_9 : vector<16xi32>
    %swap3A = arith.constant 0 : i32
    %swap3A_11 = arith.index_cast %swap3A : i32 to index
    %swap3A_12 = arith.constant 0 : index
    %swap3A_13 = tpu.vector_load %arg6[%swap3A_11, %swap3A_12] {strides = array<i32>} : memref<1x128xi32, #tpu.memory_space<vmem>>, vector<16xi32>,
    tpu.vector_store %arg6[%swap3A_11, %swap3A_12], %add3A_10 {strides = array<i32>} : memref<1x128xi32, #tpu.memory_space<vmem>>, vector<16xi32>,
    %iota3A_14 = tpu.iota {dimensions = array<i32: 0>} : vector<16xi32>
    %add3A_15 = arith.constant 16 : i32
    %add3A_16 = vector.broadcast %add3A_15 : i32 to vector<16xi32>
    %add3A_17 = arith.addi %iota3A_14, %add3A_16 : vector<16xi32>
    %swap3A_18 = arith.constant 0 : i32
    %swap3A_19 = arith.index_cast %swap3A_18 : i32 to index
    %swap3A_20 = arith.constant 16 : index
    %swap3A_21 = tpu.vector_load %arg6[%swap3A_19, %swap3A_20] {strides = array<i32>} : memref<1x128xi32, #tpu.memory_space<vmem>>, vector<16xi32>,
    tpu.vector_store %arg6[%swap3A_19, %swap3A_20], %add3A_17 {strides = array<i32>} : memref<1x128xi32, #tpu.memory_space<vmem>>, vector<16xi32>,
    %iota3A_22 = tpu.iota {dimensions = array<i32: 0>} : vector<16xi32>
    %add3A_23 = arith.constant 32 : i32
    %add3A_24 = vector.broadcast %add3A_23 : i32 to vector<16xi32>
    %add3A_25 = arith.addi %iota3A_22, %add3A_24 : vector<16xi32>
    %swap3A_26 = arith.constant 0 : i32
    %swap3A_27 = arith.index_cast %swap3A_26 : i32 to index
    %swap3A_28 = arith.constant 32 : index
    %swap3A_29 = tpu.vector_load %arg6[%swap3A_27, %swap3A_28] {strides = array<i32>} : memref<1x128xi32, #tpu.memory_space<vmem>>, vector<16xi32>,
    tpu.vector_store %arg6[%swap3A_27, %swap3A_28], %add3A_25 {strides = array<i32>} : memref<1x128xi32, #tpu.memory_space<vmem>>, vector<16xi32>,
    %iota3A_30 = tpu.iota {dimensions = array<i32: 0>} : vector<16xi32>
    %add3A_31 = arith.constant 48 : i32
    %add3A_32 = vector.broadcast %add3A_31 : i32 to vector<16xi32>
    %add3A_33 = arith.addi %iota3A_30, %add3A_32 : vector<16xi32>
    %swap3A_34 = arith.constant 0 : i32
    %swap3A_35 = arith.index_cast %swap3A_34 : i32 to index
    %swap3A_36 = arith.constant 48 : index
    %swap3A_37 = tpu.vector_load %arg6[%swap3A_35, %swap3A_36] {strides = array<i32>} : memref<1x128xi32, #tpu.memory_space<vmem>>, vector<16xi32>,
    tpu.vector_store %arg6[%swap3A_35, %swap3A_36], %add3A_33 {strides = array<i32>} : memref<1x128xi32, #tpu.memory_space<vmem>>, vector<16xi32>,
    %iota3A_38 = tpu.iota {dimensions = array<i32: 0>} : vector<16xi32>
    %add3A_39 = arith.constant 64 : i32
    %add3A_40 = vector.broadcast %add3A_39 : i32 to vector<16xi32>
    %add3A_41 = arith.addi %iota3A_38, %add3A_40 : vector<16xi32>
    %swap3A_42 = arith.constant 0 : i32
    %swap3A_43 = arith.index_cast %swap3A_42 : i32 to index
    %swap3A_44 = arith.constant 64 : index
    %swap3A_45 = tpu.vector_load %arg6[%swap3A_43, %swap3A_44] {strides = array<i32>} : memref<1x128xi32, #tpu.memory_space<vmem>>, vector<16xi32>,
    tpu.vector_store %arg6[%swap3A_43, %swap3A_44], %add3A_41 {strides = array<i32>} : memref<1x128xi32, #tpu.memory_space<vmem>>, vector<16xi32>,
    %iota3A_46 = tpu.iota {dimensions = array<i32: 0>} : vector<16xi32>
    %add3A_47 = arith.constant 80 : i32
    %add3A_48 = vector.broadcast %add3A_47 : i32 to vector<16xi32>
    %add3A_49 = arith.addi %iota3A_46, %add3A_48 : vector<16xi32>
    %swap3A_50 = arith.constant 0 : i32
    %swap3A_51 = arith.index_cast %swap3A_50 : i32 to index
    %swap3A_52 = arith.constant 80 : index
    %swap3A_53 = tpu.vector_load %arg6[%swap3A_51, %swap3A_52] {strides = array<i32>} : memref<1x128xi32, #tpu.memory_space<vmem>>, vector<16xi32>,
    tpu.vector_store %arg6[%swap3A_51, %swap3A_52], %add3A_49 {strides = array<i32>} : memref<1x128xi32, #tpu.memory_space<vmem>>, vector<16xi32>,
    %iota3A_54 = tpu.iota {dimensions = array<i32: 0>} : vector<16xi32>
    %add3A_55 = arith.constant 96 : i32
    %add3A_56 = vector.broadcast %add3A_55 : i32 to vector<16xi32>
    %add3A_57 = arith.addi %iota3A_54, %add3A_56 : vector<16xi32>
    %swap3A_58 = arith.constant 0 : i32
    %swap3A_59 = arith.index_cast %swap3A_58 : i32 to index
    %swap3A_60 = arith.constant 96 : index
    %swap3A_61 = tpu.vector_load %arg6[%swap3A_59, %swap3A_60] {strides = array<i32>} : memref<1x128xi32, #tpu.memory_space<vmem>>, vector<16xi32>,
    tpu.vector_store %arg6[%swap3A_59, %swap3A_60], %add3A_57 {strides = array<i32>} : memref<1x128xi32, #tpu.memory_space<vmem>>, vector<16xi32>,
    %iota3A_62 = tpu.iota {dimensions = array<i32: 0>} : vector<16xi32>
    %add3A_63 = arith.constant 112 : i32
    %add3A_64 = vector.broadcast %add3A_63 : i32 to vector<16xi32>
    %add3A_65 = arith.addi %iota3A_62, %add3A_64 : vector<16xi32>
    %swap3A_66 = arith.constant 0 : i32
    %swap3A_67 = arith.index_cast %swap3A_66 : i32 to index
    %swap3A_68 = arith.constant 112 : index
    %swap3A_69 = tpu.vector_load %arg6[%swap3A_67, %swap3A_68] {strides = array<i32>} : memref<1x128xi32, #tpu.memory_space<vmem>>, vector<16xi32>,
    tpu.vector_store %arg6[%swap3A_67, %swap3A_68], %add3A_65 {strides = array<i32>} : memref<1x128xi32, #tpu.memory_space<vmem>>, vector<16xi32>,
    "tpu.region"() ({
      %run_scoped3A_84 = tpu.sem_alloc : memref<!tpu.dma_semaphore, #tpu.memory_space<semaphore_mem>>
      %dma_start3A = arith.constant 0 : i32
      %dma_start3A_85 = arith.constant 0 : i32
      %dma_start3A_86 = tpu.memref_slice %arg2[%add3A, %dma_start3A, %dma_start3A_85] : memref<32x128x128xi32, #tpu.memory_space<hbm>> -> memref<1x128x128xi32, #tpu.memory_space<hbm>>
      %dma_start3A_87 = tpu.memref_squeeze %dma_start3A_86 : memref<1x128x128xi32, #tpu.memory_space<hbm>> -> memref<128x128xi32, #tpu.memory_space<hbm>>
      %dma_start3A_88 = arith.constant 0 : i32
      %dma_start3A_89 = arith.constant 0 : i32
      %dma_start3A_90 = tpu.memref_slice %arg2[%add3A, %dma_start3A_88, %dma_start3A_89] : memref<32x128x128xi32, #tpu.memory_space<hbm>> -> memref<1x128x128xi32, #tpu.memory_space<hbm>>
      %dma_start3A_91 = tpu.memref_squeeze %dma_start3A_90 : memref<1x128x128xi32, #tpu.memory_space<hbm>> -> memref<128x128xi32, #tpu.memory_space<hbm>>
      tpu.enqueue_dma source(%dma_start3A_91 : memref<128x128xi32, #tpu.memory_space<hbm>>) target(%arg4 : memref<128x128xi32, #tpu.memory_space<vmem>>) target_semaphore(%run_scoped3A_84 : memref<!tpu.dma_semaphore, #tpu.memory_space<semaphore_mem>>)
      %dma_wait3A = arith.constant 0 : i32
      %dma_wait3A_92 = arith.constant 0 : i32
      %dma_wait3A_93 = tpu.memref_slice %arg2[%add3A, %dma_wait3A, %dma_wait3A_92] : memref<32x128x128xi32, #tpu.memory_space<hbm>> -> memref<1x128x128xi32, #tpu.memory_space<hbm>>
      %dma_wait3A_94 = tpu.memref_squeeze %dma_wait3A_93 : memref<1x128x128xi32, #tpu.memory_space<hbm>> -> memref<128x128xi32, #tpu.memory_space<hbm>>
      %dma_wait3A_95 = arith.constant 0 : i32
      %dma_wait3A_96 = arith.constant 0 : i32
      %dma_wait3A_97 = tpu.memref_slice %arg2[%add3A, %dma_wait3A_95, %dma_wait3A_96] : memref<32x128x128xi32, #tpu.memory_space<hbm>> -> memref<1x128x128xi32, #tpu.memory_space<hbm>>
      %dma_wait3A_98 = tpu.memref_squeeze %dma_wait3A_97 : memref<1x128x128xi32, #tpu.memory_space<hbm>> -> memref<128x128xi32, #tpu.memory_space<hbm>>
      tpu.wait_dma2 semaphore(%run_scoped3A_84 : memref<!tpu.dma_semaphore, #tpu.memory_space<semaphore_mem>>) src(%dma_wait3A_98 : memref<128x128xi32, #tpu.memory_space<hbm>>) dst(%arg4 : memref<128x128xi32, #tpu.memory_space<vmem>>)
      tpu.yield
    }) : () -> ()
    %mul3A_70 = arith.constant 8 : i32
    %mul3A_71 = arith.muli %arg1, %mul3A_70 : i32
    %mul3A_72 = arith.constant 8 : i32
    %mul3A_73 = arith.muli %arg1, %mul3A_72 : i32
    "tpu.region"() ({
      %run_scoped3A_84 = tpu.sem_alloc : memref<!tpu.dma_semaphore, #tpu.memory_space<semaphore_mem>>
      %dma_start3A = arith.constant 0 : i32
      %dma_start3A_85 = tpu.memref_slice %arg5[%mul3A_71, %dma_start3A] : memref<128x128xf32, #tpu.memory_space<vmem>> -> memref<8x128xf32, #tpu.memory_space<vmem>>
      %dma_start3A_86 = arith.constant 0 : i32
      %dma_start3A_87 = tpu.memref_slice %arg7[%mul3A_73, %dma_start3A_86] : memref<128x128xf32, #tpu.memory_space<vmem_shared>> -> memref<8x128xf32, #tpu.memory_space<vmem_shared>>
      %dma_start3A_88 = arith.constant 0 : i32
      %dma_start3A_89 = tpu.memref_slice %arg7[%mul3A_73, %dma_start3A_88] : memref<128x128xf32, #tpu.memory_space<vmem_shared>> -> memref<8x128xf32, #tpu.memory_space<vmem_shared>>
      %dma_start3A_90 = arith.constant 0 : i32
      %dma_start3A_91 = tpu.memref_slice %arg5[%mul3A_71, %dma_start3A_90] : memref<128x128xf32, #tpu.memory_space<vmem>> -> memref<8x128xf32, #tpu.memory_space<vmem>>
      tpu.enqueue_dma source(%dma_start3A_91 : memref<8x128xf32, #tpu.memory_space<vmem>>) target(%dma_start3A_89 : memref<8x128xf32, #tpu.memory_space<vmem_shared>>) target_semaphore(%run_scoped3A_84 : memref<!tpu.dma_semaphore, #tpu.memory_space<semaphore_mem>>)
      %dma_wait3A = arith.constant 0 : i32
      %dma_wait3A_92 = tpu.memref_slice %arg5[%mul3A_71, %dma_wait3A] : memref<128x128xf32, #tpu.memory_space<vmem>> -> memref<8x128xf32, #tpu.memory_space<vmem>>
      %dma_wait3A_93 = arith.constant 0 : i32
      %dma_wait3A_94 = tpu.memref_slice %arg7[%mul3A_73, %dma_wait3A_93] : memref<128x128xf32, #tpu.memory_space<vmem_shared>> -> memref<8x128xf32, #tpu.memory_space<vmem_shared>>
      %dma_wait3A_95 = arith.constant 0 : i32
      %dma_wait3A_96 = tpu.memref_slice %arg7[%mul3A_73, %dma_wait3A_95] : memref<128x128xf32, #tpu.memory_space<vmem_shared>> -> memref<8x128xf32, #tpu.memory_space<vmem_shared>>
      %dma_wait3A_97 = arith.constant 0 : i32
      %dma_wait3A_98 = tpu.memref_slice %arg5[%mul3A_71, %dma_wait3A_97] : memref<128x128xf32, #tpu.memory_space<vmem>> -> memref<8x128xf32, #tpu.memory_space<vmem>>
      tpu.wait_dma2 semaphore(%run_scoped3A_84 : memref<!tpu.dma_semaphore, #tpu.memory_space<semaphore_mem>>) src(%dma_wait3A_98 : memref<8x128xf32, #tpu.memory_space<vmem>>) dst(%dma_wait3A_96 : memref<8x128xf32, #tpu.memory_space<vmem_shared>>)
      tpu.yield
    }) : () -> ()
    %barrier3A = arith.constant 0 : index
    tpu.barrier barrier_id(%barrier3A)
    %scan3A_74 = arith.constant 0 : i32
    %scan3A_75 = arith.constant 128 : i32
    %scan3A_76 = arith.addi %scan3A_74, %scan3A_75 : i32
    %scan3A_77 = arith.constant 1 : i32
    scf.for %scan3A_84 = %scan3A_74 to %scan3A_76 step %scan3A_77  : i32 {
      %mul3A_85 = arith.constant 1 : i32
      %mul3A_86 = arith.muli %scan3A_84, %mul3A_85 : i32
      %add3A_87 = arith.constant 0 : i32
      %add3A_88 = arith.addi %add3A_87, %mul3A_86 : i32
      %get3A = arith.index_cast %add3A_88 : i32 to index
      %get3A_89 = arith.constant 0 : index
      %get3A_90 = tpu.vector_load %arg4[%get3A, %get3A_89] {strides = array<i32>} : memref<128x128xi32, #tpu.memory_space<vmem>>, vector<16xi32>,
      %shift_right_logical3A = arith.constant 7 : i32
      %shift_right_logical3A_91 = vector.broadcast %shift_right_logical3A : i32 to vector<16xi32>
      %shift_right_logical3A_92 = arith.shrui %get3A_90, %shift_right_logical3A_91 : vector<16xi32>
      %and3A = arith.constant 127 : i32
      %and3A_93 = vector.broadcast %and3A : i32 to vector<16xi32>
      %and3A_94 = arith.andi %get3A_90, %and3A_93 : vector<16xi32>
      tpu.vector_store_idx %arg5[%shift_right_logical3A_92, %and3A_94], %broadcast_in_dim3A_3 {add = true} : memref<128x128xf32, #tpu.memory_space<vmem>>[vector<16xi32>, vector<16xi32>], vector<16xf32>,
      %get3A_95 = arith.index_cast %add3A_88 : i32 to index
      %get3A_96 = arith.constant 16 : index
      %get3A_97 = tpu.vector_load %arg4[%get3A_95, %get3A_96] {strides = array<i32>} : memref<128x128xi32, #tpu.memory_space<vmem>>, vector<16xi32>,
      %shift_right_logical3A_98 = arith.constant 7 : i32
      %shift_right_logical3A_99 = vector.broadcast %shift_right_logical3A_98 : i32 to vector<16xi32>
      %shift_right_logical3A_100 = arith.shrui %get3A_97, %shift_right_logical3A_99 : vector<16xi32>
      %and3A_101 = arith.constant 127 : i32
      %and3A_102 = vector.broadcast %and3A_101 : i32 to vector<16xi32>
      %and3A_103 = arith.andi %get3A_97, %and3A_102 : vector<16xi32>
      tpu.vector_store_idx %arg5[%shift_right_logical3A_100, %and3A_103], %broadcast_in_dim3A_3 {add = true} : memref<128x128xf32, #tpu.memory_space<vmem>>[vector<16xi32>, vector<16xi32>], vector<16xf32>,
      %get3A_104 = arith.index_cast %add3A_88 : i32 to index
      %get3A_105 = arith.constant 32 : index
      %get3A_106 = tpu.vector_load %arg4[%get3A_104, %get3A_105] {strides = array<i32>} : memref<128x128xi32, #tpu.memory_space<vmem>>, vector<16xi32>,
      %shift_right_logical3A_107 = arith.constant 7 : i32
      %shift_right_logical3A_108 = vector.broadcast %shift_right_logical3A_107 : i32 to vector<16xi32>
      %shift_right_logical3A_109 = arith.shrui %get3A_106, %shift_right_logical3A_108 : vector<16xi32>
      %and3A_110 = arith.constant 127 : i32
      %and3A_111 = vector.broadcast %and3A_110 : i32 to vector<16xi32>
      %and3A_112 = arith.andi %get3A_106, %and3A_111 : vector<16xi32>
      tpu.vector_store_idx %arg5[%shift_right_logical3A_109, %and3A_112], %broadcast_in_dim3A_3 {add = true} : memref<128x128xf32, #tpu.memory_space<vmem>>[vector<16xi32>, vector<16xi32>], vector<16xf32>,
      %get3A_113 = arith.index_cast %add3A_88 : i32 to index
      %get3A_114 = arith.constant 48 : index
      %get3A_115 = tpu.vector_load %arg4[%get3A_113, %get3A_114] {strides = array<i32>} : memref<128x128xi32, #tpu.memory_space<vmem>>, vector<16xi32>,
      %shift_right_logical3A_116 = arith.constant 7 : i32
      %shift_right_logical3A_117 = vector.broadcast %shift_right_logical3A_116 : i32 to vector<16xi32>
      %shift_right_logical3A_118 = arith.shrui %get3A_115, %shift_right_logical3A_117 : vector<16xi32>
      %and3A_119 = arith.constant 127 : i32
      %and3A_120 = vector.broadcast %and3A_119 : i32 to vector<16xi32>
      %and3A_121 = arith.andi %get3A_115, %and3A_120 : vector<16xi32>
      tpu.vector_store_idx %arg5[%shift_right_logical3A_118, %and3A_121], %broadcast_in_dim3A_3 {add = true} : memref<128x128xf32, #tpu.memory_space<vmem>>[vector<16xi32>, vector<16xi32>], vector<16xf32>,
      %get3A_122 = arith.index_cast %add3A_88 : i32 to index
      %get3A_123 = arith.constant 64 : index
      %get3A_124 = tpu.vector_load %arg4[%get3A_122, %get3A_123] {strides = array<i32>} : memref<128x128xi32, #tpu.memory_space<vmem>>, vector<16xi32>,
      %shift_right_logical3A_125 = arith.constant 7 : i32
      %shift_right_logical3A_126 = vector.broadcast %shift_right_logical3A_125 : i32 to vector<16xi32>
      %shift_right_logical3A_127 = arith.shrui %get3A_124, %shift_right_logical3A_126 : vector<16xi32>
      %and3A_128 = arith.constant 127 : i32
      %and3A_129 = vector.broadcast %and3A_128 : i32 to vector<16xi32>
      %and3A_130 = arith.andi %get3A_124, %and3A_129 : vector<16xi32>
      tpu.vector_store_idx %arg5[%shift_right_logical3A_127, %and3A_130], %broadcast_in_dim3A_3 {add = true} : memref<128x128xf32, #tpu.memory_space<vmem>>[vector<16xi32>, vector<16xi32>], vector<16xf32>,
      %get3A_131 = arith.index_cast %add3A_88 : i32 to index
      %get3A_132 = arith.constant 80 : index
      %get3A_133 = tpu.vector_load %arg4[%get3A_131, %get3A_132] {strides = array<i32>} : memref<128x128xi32, #tpu.memory_space<vmem>>, vector<16xi32>,
      %shift_right_logical3A_134 = arith.constant 7 : i32
      %shift_right_logical3A_135 = vector.broadcast %shift_right_logical3A_134 : i32 to vector<16xi32>
      %shift_right_logical3A_136 = arith.shrui %get3A_133, %shift_right_logical3A_135 : vector<16xi32>
      %and3A_137 = arith.constant 127 : i32
      %and3A_138 = vector.broadcast %and3A_137 : i32 to vector<16xi32>
      %and3A_139 = arith.andi %get3A_133, %and3A_138 : vector<16xi32>
      tpu.vector_store_idx %arg5[%shift_right_logical3A_136, %and3A_139], %broadcast_in_dim3A_3 {add = true} : memref<128x128xf32, #tpu.memory_space<vmem>>[vector<16xi32>, vector<16xi32>], vector<16xf32>,
      %get3A_140 = arith.index_cast %add3A_88 : i32 to index
      %get3A_141 = arith.constant 96 : index
      %get3A_142 = tpu.vector_load %arg4[%get3A_140, %get3A_141] {strides = array<i32>} : memref<128x128xi32, #tpu.memory_space<vmem>>, vector<16xi32>,
      %shift_right_logical3A_143 = arith.constant 7 : i32
      %shift_right_logical3A_144 = vector.broadcast %shift_right_logical3A_143 : i32 to vector<16xi32>
      %shift_right_logical3A_145 = arith.shrui %get3A_142, %shift_right_logical3A_144 : vector<16xi32>
      %and3A_146 = arith.constant 127 : i32
      %and3A_147 = vector.broadcast %and3A_146 : i32 to vector<16xi32>
      %and3A_148 = arith.andi %get3A_142, %and3A_147 : vector<16xi32>
      tpu.vector_store_idx %arg5[%shift_right_logical3A_145, %and3A_148], %broadcast_in_dim3A_3 {add = true} : memref<128x128xf32, #tpu.memory_space<vmem>>[vector<16xi32>, vector<16xi32>], vector<16xf32>,
      %get3A_149 = arith.index_cast %add3A_88 : i32 to index
      %get3A_150 = arith.constant 112 : index
      %get3A_151 = tpu.vector_load %arg4[%get3A_149, %get3A_150] {strides = array<i32>} : memref<128x128xi32, #tpu.memory_space<vmem>>, vector<16xi32>,
      %shift_right_logical3A_152 = arith.constant 7 : i32
      %shift_right_logical3A_153 = vector.broadcast %shift_right_logical3A_152 : i32 to vector<16xi32>
      %shift_right_logical3A_154 = arith.shrui %get3A_151, %shift_right_logical3A_153 : vector<16xi32>
      %and3A_155 = arith.constant 127 : i32
      %and3A_156 = vector.broadcast %and3A_155 : i32 to vector<16xi32>
      %and3A_157 = arith.andi %get3A_151, %and3A_156 : vector<16xi32>
      tpu.vector_store_idx %arg5[%shift_right_logical3A_154, %and3A_157], %broadcast_in_dim3A_3 {add = true} : memref<128x128xf32, #tpu.memory_space<vmem>>[vector<16xi32>, vector<16xi32>], vector<16xf32>,
    }
    %scan3A_78 = arith.constant 128 : i32
    %run_scoped3A = arith.constant 0 : i32
    "tpu.region"() ({
      %run_scoped3A_84 = tpu.sem_alloc : memref<!tpu.dma_semaphore, #tpu.memory_space<semaphore_mem>>
      %dma_start3A = arith.constant 0 : i32
      %dma_start3A_85 = tpu.memref_slice %arg6[%run_scoped3A, %dma_start3A] : memref<1x128xi32, #tpu.memory_space<vmem>> -> memref<1x128xi32, #tpu.memory_space<vmem>>
      %dma_start3A_86 = tpu.memref_squeeze %dma_start3A_85 : memref<1x128xi32, #tpu.memory_space<vmem>> -> memref<128xi32, #tpu.memory_space<vmem>>
      %dma_start3A_87 = arith.constant 0 : i32
      %dma_start3A_88 = arith.constant 0 : i32
      %dma_start3A_89 = tpu.memref_slice %arg7[%dma_start3A_87, %dma_start3A_88] : memref<128x128xf32, #tpu.memory_space<vmem_shared>> -> memref<128x128xf32, #tpu.memory_space<vmem_shared>>
      tpu.enqueue_indirect_dma source(%arg5 : memref<128x128xf32, #tpu.memory_space<vmem>>) target(%dma_start3A_89 : memref<128x128xf32, #tpu.memory_space<vmem_shared>>) offsets(%dma_start3A_86 : memref<128xi32, #tpu.memory_space<vmem>>) semaphore(%run_scoped3A_84 : memref<!tpu.dma_semaphore, #tpu.memory_space<semaphore_mem>>) {add = true}
      %dma_wait3A = arith.constant 0 : i32
      %dma_wait3A_90 = tpu.memref_slice %arg6[%run_scoped3A, %dma_wait3A] : memref<1x128xi32, #tpu.memory_space<vmem>> -> memref<1x128xi32, #tpu.memory_space<vmem>>
      %dma_wait3A_91 = tpu.memref_squeeze %dma_wait3A_90 : memref<1x128xi32, #tpu.memory_space<vmem>> -> memref<128xi32, #tpu.memory_space<vmem>>
      %dma_wait3A_92 = arith.constant 0 : i32
      %dma_wait3A_93 = arith.constant 0 : i32
      %dma_wait3A_94 = tpu.memref_slice %arg7[%dma_wait3A_92, %dma_wait3A_93] : memref<128x128xf32, #tpu.memory_space<vmem_shared>> -> memref<128x128xf32, #tpu.memory_space<vmem_shared>>
      tpu.wait_indirect_dma semaphore(%run_scoped3A_84 : memref<!tpu.dma_semaphore, #tpu.memory_space<semaphore_mem>>) src(%arg5 : memref<128x128xf32, #tpu.memory_space<vmem>>) dst(%dma_wait3A_94 : memref<128x128xf32, #tpu.memory_space<vmem_shared>>)
      tpu.yield
    }) : () -> ()
    %barrier3A_79 = arith.constant 0 : index
    tpu.barrier barrier_id(%barrier3A_79)
    %mul3A_80 = arith.constant 8 : i32
    %mul3A_81 = arith.muli %arg1, %mul3A_80 : i32
    %mul3A_82 = arith.constant 8 : i32
    %mul3A_83 = arith.muli %arg1, %mul3A_82 : i32
    "tpu.region"() ({
      %run_scoped3A_84 = tpu.sem_alloc : memref<!tpu.dma_semaphore, #tpu.memory_space<semaphore_mem>>
      %dma_start3A = arith.constant 0 : i32
      %dma_start3A_85 = tpu.memref_slice %arg3[%arg0, %mul3A_83, %dma_start3A] : memref<2x128x128xf32, #tpu.memory_space<hbm>> -> memref<1x8x128xf32, #tpu.memory_space<hbm>>
      %dma_start3A_86 = tpu.memref_squeeze %dma_start3A_85 : memref<1x8x128xf32, #tpu.memory_space<hbm>> -> memref<8x128xf32, #tpu.memory_space<hbm>>
      %dma_start3A_87 = arith.constant 0 : i32
      %dma_start3A_88 = tpu.memref_slice %arg7[%mul3A_81, %dma_start3A_87] : memref<128x128xf32, #tpu.memory_space<vmem_shared>> -> memref<8x128xf32, #tpu.memory_space<vmem_shared>>
      tpu.enqueue_dma source(%dma_start3A_88 : memref<8x128xf32, #tpu.memory_space<vmem_shared>>) target(%dma_start3A_86 : memref<8x128xf32, #tpu.memory_space<hbm>>) target_semaphore(%run_scoped3A_84 : memref<!tpu.dma_semaphore, #tpu.memory_space<semaphore_mem>>)
      %dma_wait3A = arith.constant 0 : i32
      %dma_wait3A_89 = tpu.memref_slice %arg3[%arg0, %mul3A_83, %dma_wait3A] : memref<2x128x128xf32, #tpu.memory_space<hbm>> -> memref<1x8x128xf32, #tpu.memory_space<hbm>>
      %dma_wait3A_90 = tpu.memref_squeeze %dma_wait3A_89 : memref<1x8x128xf32, #tpu.memory_space<hbm>> -> memref<8x128xf32, #tpu.memory_space<hbm>>
      %dma_wait3A_91 = arith.constant 0 : i32
      %dma_wait3A_92 = tpu.memref_slice %arg7[%mul3A_81, %dma_wait3A_91] : memref<128x128xf32, #tpu.memory_space<vmem_shared>> -> memref<8x128xf32, #tpu.memory_space<vmem_shared>>
      tpu.wait_dma2 semaphore(%run_scoped3A_84 : memref<!tpu.dma_semaphore, #tpu.memory_space<semaphore_mem>>) src(%dma_wait3A_92 : memref<8x128xf32, #tpu.memory_space<vmem_shared>>) dst(%dma_wait3A_90 : memref<8x128xf32, #tpu.memory_space<hbm>>)
      tpu.yield
    }) : () -> ()
    return
  }
}

#map = affine_map<(d0, d1) -> (0, 0)>
#map1 = affine_map<(d0, d1) -> (0, 0, 0, 0)>
#map2 = affine_map<(d0, d1) -> (0, 0, 0)>
module attributes {stable_mosaic.version = 14 : i64} {
  func.func @k(%arg0: i32, %arg1: i32, %arg2: memref<10000x128xf32, #tpu.memory_space<hbm>>, %arg3: memref<32x5x40x50xi32, #tpu.memory_space<hbm>>, %arg4: memref<32x5x40x50xi32, #tpu.memory_space<hbm>>, %arg5: memref<2x10240x128xf32, #tpu.memory_space<hbm>>, %arg6: memref<40x50xi32, #tpu.memory_space<vmem>>, %arg7: memref<40x50xi32, #tpu.memory_space<vmem>>, %arg8: memref<50x128xf32, #tpu.memory_space<vmem>>, %arg9: memref<50x128xf32, #tpu.memory_space<vmem>>, %arg10: memref<50x128xf32, #tpu.memory_space<vmem>>, %arg11: memref<50x128xf32, #tpu.memory_space<vmem>>, %arg12: memref<50x128xf32, #tpu.memory_space<vmem>>, %arg13: memref<16x128xf32, #tpu.memory_space<vmem>>, %arg14: memref<10240x128xf32, #tpu.memory_space<vmem_shared>>, %arg15: memref<!tpu.dma_semaphore, #tpu.memory_space<semaphore_mem>>, %arg16: memref<!tpu.dma_semaphore, #tpu.memory_space<semaphore_mem>>, %arg17: memref<!tpu.dma_semaphore, #tpu.memory_space<semaphore_mem>>, %arg18: memref<!tpu.dma_semaphore, #tpu.memory_space<semaphore_mem>>, %arg19: memref<!tpu.dma_semaphore, #tpu.memory_space<semaphore_mem>>, %arg20: memref<!tpu.dma_semaphore, #tpu.memory_space<semaphore_mem>>) attributes {dimension_semantics = [#tpu.dimension_semantics<core_parallel>, #tpu.dimension_semantics<subcore_parallel>], iteration_bounds = array<i64: 2, 16>, scalar_prefetch = 0 : i64, scratch_operands = 15 : i64, tpu.core_type = #tpu.core_type<sc_vector_subcore>, window_params = [{transform_indices = #map}, {transform_indices = #map1}, {transform_indices = #map1}, {transform_indices = #map2}]} {
    %mul3A = arith.constant 16 : i32
    %mul3A_0 = arith.muli %arg0, %mul3A : i32
    %add3A = arith.addi %mul3A_0, %arg1 : i32
    %scan3A = arith.constant 0 : i32
    %scan3A_1 = arith.constant 16 : i32
    %scan3A_2 = arith.addi %scan3A, %scan3A_1 : i32
    %scan3A_3 = arith.constant 1 : i32
    scf.for %scan3A_25 = %scan3A to %scan3A_2 step %scan3A_3  : i32 {
      %mul3A_26 = arith.constant 1 : i32
      %mul3A_27 = arith.muli %scan3A_25, %mul3A_26 : i32
      %add3A_28 = arith.constant 0 : i32
      %add3A_29 = arith.addi %add3A_28, %mul3A_27 : i32
      %broadcast_in_dim3A = arith.constant 0.000000e+00 : f32
      %broadcast_in_dim3A_30 = vector.broadcast %broadcast_in_dim3A : f32 to vector<16xf32>
      %swap3A = arith.index_cast %add3A_29 : i32 to index
      %swap3A_31 = arith.constant 0 : index
      %swap3A_32 = tpu.vector_load %arg13[%swap3A, %swap3A_31] {strides = array<i32>} : memref<16x128xf32, #tpu.memory_space<vmem>>, vector<1x16xf32>,
      %swap3A_33 = vector.shape_cast %swap3A_32 : vector<1x16xf32> to vector<16xf32>
      %swap3A_34 = vector.shape_cast %broadcast_in_dim3A_30 : vector<16xf32> to vector<1x16xf32>
      tpu.vector_store %arg13[%swap3A, %swap3A_31], %swap3A_34 {strides = array<i32>} : memref<16x128xf32, #tpu.memory_space<vmem>>, vector<1x16xf32>,
      %broadcast_in_dim3A_35 = arith.constant 0.000000e+00 : f32
      %broadcast_in_dim3A_36 = vector.broadcast %broadcast_in_dim3A_35 : f32 to vector<16xf32>
      %swap3A_37 = arith.index_cast %add3A_29 : i32 to index
      %swap3A_38 = arith.constant 16 : index
      %swap3A_39 = tpu.vector_load %arg13[%swap3A_37, %swap3A_38] {strides = array<i32>} : memref<16x128xf32, #tpu.memory_space<vmem>>, vector<1x16xf32>,
      %swap3A_40 = vector.shape_cast %swap3A_39 : vector<1x16xf32> to vector<16xf32>
      %swap3A_41 = vector.shape_cast %broadcast_in_dim3A_36 : vector<16xf32> to vector<1x16xf32>
      tpu.vector_store %arg13[%swap3A_37, %swap3A_38], %swap3A_41 {strides = array<i32>} : memref<16x128xf32, #tpu.memory_space<vmem>>, vector<1x16xf32>,
      %broadcast_in_dim3A_42 = arith.constant 0.000000e+00 : f32
      %broadcast_in_dim3A_43 = vector.broadcast %broadcast_in_dim3A_42 : f32 to vector<16xf32>
      %swap3A_44 = arith.index_cast %add3A_29 : i32 to index
      %swap3A_45 = arith.constant 32 : index
      %swap3A_46 = tpu.vector_load %arg13[%swap3A_44, %swap3A_45] {strides = array<i32>} : memref<16x128xf32, #tpu.memory_space<vmem>>, vector<1x16xf32>,
      %swap3A_47 = vector.shape_cast %swap3A_46 : vector<1x16xf32> to vector<16xf32>
      %swap3A_48 = vector.shape_cast %broadcast_in_dim3A_43 : vector<16xf32> to vector<1x16xf32>
      tpu.vector_store %arg13[%swap3A_44, %swap3A_45], %swap3A_48 {strides = array<i32>} : memref<16x128xf32, #tpu.memory_space<vmem>>, vector<1x16xf32>,
      %broadcast_in_dim3A_49 = arith.constant 0.000000e+00 : f32
      %broadcast_in_dim3A_50 = vector.broadcast %broadcast_in_dim3A_49 : f32 to vector<16xf32>
      %swap3A_51 = arith.index_cast %add3A_29 : i32 to index
      %swap3A_52 = arith.constant 48 : index
      %swap3A_53 = tpu.vector_load %arg13[%swap3A_51, %swap3A_52] {strides = array<i32>} : memref<16x128xf32, #tpu.memory_space<vmem>>, vector<1x16xf32>,
      %swap3A_54 = vector.shape_cast %swap3A_53 : vector<1x16xf32> to vector<16xf32>
      %swap3A_55 = vector.shape_cast %broadcast_in_dim3A_50 : vector<16xf32> to vector<1x16xf32>
      tpu.vector_store %arg13[%swap3A_51, %swap3A_52], %swap3A_55 {strides = array<i32>} : memref<16x128xf32, #tpu.memory_space<vmem>>, vector<1x16xf32>,
      %broadcast_in_dim3A_56 = arith.constant 0.000000e+00 : f32
      %broadcast_in_dim3A_57 = vector.broadcast %broadcast_in_dim3A_56 : f32 to vector<16xf32>
      %swap3A_58 = arith.index_cast %add3A_29 : i32 to index
      %swap3A_59 = arith.constant 64 : index
      %swap3A_60 = tpu.vector_load %arg13[%swap3A_58, %swap3A_59] {strides = array<i32>} : memref<16x128xf32, #tpu.memory_space<vmem>>, vector<1x16xf32>,
      %swap3A_61 = vector.shape_cast %swap3A_60 : vector<1x16xf32> to vector<16xf32>
      %swap3A_62 = vector.shape_cast %broadcast_in_dim3A_57 : vector<16xf32> to vector<1x16xf32>
      tpu.vector_store %arg13[%swap3A_58, %swap3A_59], %swap3A_62 {strides = array<i32>} : memref<16x128xf32, #tpu.memory_space<vmem>>, vector<1x16xf32>,
      %broadcast_in_dim3A_63 = arith.constant 0.000000e+00 : f32
      %broadcast_in_dim3A_64 = vector.broadcast %broadcast_in_dim3A_63 : f32 to vector<16xf32>
      %swap3A_65 = arith.index_cast %add3A_29 : i32 to index
      %swap3A_66 = arith.constant 80 : index
      %swap3A_67 = tpu.vector_load %arg13[%swap3A_65, %swap3A_66] {strides = array<i32>} : memref<16x128xf32, #tpu.memory_space<vmem>>, vector<1x16xf32>,
      %swap3A_68 = vector.shape_cast %swap3A_67 : vector<1x16xf32> to vector<16xf32>
      %swap3A_69 = vector.shape_cast %broadcast_in_dim3A_64 : vector<16xf32> to vector<1x16xf32>
      tpu.vector_store %arg13[%swap3A_65, %swap3A_66], %swap3A_69 {strides = array<i32>} : memref<16x128xf32, #tpu.memory_space<vmem>>, vector<1x16xf32>,
      %broadcast_in_dim3A_70 = arith.constant 0.000000e+00 : f32
      %broadcast_in_dim3A_71 = vector.broadcast %broadcast_in_dim3A_70 : f32 to vector<16xf32>
      %swap3A_72 = arith.index_cast %add3A_29 : i32 to index
      %swap3A_73 = arith.constant 96 : index
      %swap3A_74 = tpu.vector_load %arg13[%swap3A_72, %swap3A_73] {strides = array<i32>} : memref<16x128xf32, #tpu.memory_space<vmem>>, vector<1x16xf32>,
      %swap3A_75 = vector.shape_cast %swap3A_74 : vector<1x16xf32> to vector<16xf32>
      %swap3A_76 = vector.shape_cast %broadcast_in_dim3A_71 : vector<16xf32> to vector<1x16xf32>
      tpu.vector_store %arg13[%swap3A_72, %swap3A_73], %swap3A_76 {strides = array<i32>} : memref<16x128xf32, #tpu.memory_space<vmem>>, vector<1x16xf32>,
      %broadcast_in_dim3A_77 = arith.constant 0.000000e+00 : f32
      %broadcast_in_dim3A_78 = vector.broadcast %broadcast_in_dim3A_77 : f32 to vector<16xf32>
      %swap3A_79 = arith.index_cast %add3A_29 : i32 to index
      %swap3A_80 = arith.constant 112 : index
      %swap3A_81 = tpu.vector_load %arg13[%swap3A_79, %swap3A_80] {strides = array<i32>} : memref<16x128xf32, #tpu.memory_space<vmem>>, vector<1x16xf32>,
      %swap3A_82 = vector.shape_cast %swap3A_81 : vector<1x16xf32> to vector<16xf32>
      %swap3A_83 = vector.shape_cast %broadcast_in_dim3A_78 : vector<16xf32> to vector<1x16xf32>
      tpu.vector_store %arg13[%swap3A_79, %swap3A_80], %swap3A_83 {strides = array<i32>} : memref<16x128xf32, #tpu.memory_space<vmem>>, vector<1x16xf32>,
    }
    %scan3A_4 = arith.constant 16 : i32
    %scan3A_5 = arith.constant 0 : i32
    %scan3A_6 = arith.constant 40 : i32
    %scan3A_7 = arith.addi %scan3A_5, %scan3A_6 : i32
    %scan3A_8 = arith.constant 1 : i32
    scf.for %scan3A_25 = %scan3A_5 to %scan3A_7 step %scan3A_8  : i32 {
      %mul3A_26 = arith.constant 16 : i32
      %mul3A_27 = arith.muli %scan3A_25, %mul3A_26 : i32
      %add3A_28 = arith.constant 0 : i32
      %add3A_29 = arith.addi %add3A_28, %mul3A_27 : i32
      %mul3A_30 = arith.constant 640 : i32
      %mul3A_31 = arith.muli %arg1, %mul3A_30 : i32
      %add3A_32 = arith.addi %mul3A_31, %add3A_29 : i32
      %dma_start3A = arith.constant 0 : i32
      %dma_start3A_33 = tpu.memref_slice %arg14[%add3A_32, %dma_start3A] : memref<10240x128xf32, #tpu.memory_space<vmem_shared>> -> memref<16x128xf32, #tpu.memory_space<vmem_shared>>
      %dma_start3A_34 = arith.constant 0 : i32
      %dma_start3A_35 = tpu.memref_slice %arg14[%add3A_32, %dma_start3A_34] : memref<10240x128xf32, #tpu.memory_space<vmem_shared>> -> memref<16x128xf32, #tpu.memory_space<vmem_shared>>
      tpu.enqueue_dma source(%arg13 : memref<16x128xf32, #tpu.memory_space<vmem>>) target(%dma_start3A_35 : memref<16x128xf32, #tpu.memory_space<vmem_shared>>) target_semaphore(%arg20 : memref<!tpu.dma_semaphore, #tpu.memory_space<semaphore_mem>>)
    }
    %scan3A_9 = arith.constant 40 : i32
    %scan3A_10 = arith.constant 0 : i32
    %scan3A_11 = arith.constant 40 : i32
    %scan3A_12 = arith.addi %scan3A_10, %scan3A_11 : i32
    %scan3A_13 = arith.constant 1 : i32
    scf.for %scan3A_25 = %scan3A_10 to %scan3A_12 step %scan3A_13  : i32 {
      %mul3A_26 = arith.constant 16 : i32
      %mul3A_27 = arith.muli %scan3A_25, %mul3A_26 : i32
      %add3A_28 = arith.constant 0 : i32
      %add3A_29 = arith.addi %add3A_28, %mul3A_27 : i32
      %mul3A_30 = arith.constant 640 : i32
      %mul3A_31 = arith.muli %arg1, %mul3A_30 : i32
      %add3A_32 = arith.addi %mul3A_31, %add3A_29 : i32
      %dma_wait3A = arith.constant 0 : i32
      %dma_wait3A_33 = tpu.memref_slice %arg14[%add3A_32, %dma_wait3A] : memref<10240x128xf32, #tpu.memory_space<vmem_shared>> -> memref<16x128xf32, #tpu.memory_space<vmem_shared>>
      %dma_wait3A_34 = arith.constant 0 : i32
      %dma_wait3A_35 = tpu.memref_slice %arg14[%add3A_32, %dma_wait3A_34] : memref<10240x128xf32, #tpu.memory_space<vmem_shared>> -> memref<16x128xf32, #tpu.memory_space<vmem_shared>>
      tpu.wait_dma2 semaphore(%arg20 : memref<!tpu.dma_semaphore, #tpu.memory_space<semaphore_mem>>) src(%arg13 : memref<16x128xf32, #tpu.memory_space<vmem>>) dst(%dma_wait3A_35 : memref<16x128xf32, #tpu.memory_space<vmem_shared>>)
    }
    %scan3A_14 = arith.constant 40 : i32
    %barrier3A = arith.constant 0 : index
    tpu.barrier barrier_id(%barrier3A)
    %scan3A_15 = arith.constant 0 : i32
    %scan3A_16 = arith.constant 5 : i32
    %scan3A_17 = arith.addi %scan3A_15, %scan3A_16 : i32
    %scan3A_18 = arith.constant 1 : i32
    scf.for %scan3A_25 = %scan3A_15 to %scan3A_17 step %scan3A_18  : i32 {
      %mul3A_26 = arith.constant 1 : i32
      %mul3A_27 = arith.muli %scan3A_25, %mul3A_26 : i32
      %add3A_28 = arith.constant 0 : i32
      %add3A_29 = arith.addi %add3A_28, %mul3A_27 : i32
      "tpu.region"() ({
        %run_scoped3A = tpu.sem_alloc : memref<!tpu.dma_semaphore, #tpu.memory_space<semaphore_mem>>
        %dma_start3A_69 = arith.constant 0 : i32
        %dma_start3A_70 = arith.constant 0 : i32
        %dma_start3A_71 = tpu.memref_slice %arg3[%add3A, %add3A_29, %dma_start3A_69, %dma_start3A_70] : memref<32x5x40x50xi32, #tpu.memory_space<hbm>> -> memref<1x1x40x50xi32, #tpu.memory_space<hbm>>
        %dma_start3A_72 = tpu.memref_squeeze %dma_start3A_71 : memref<1x1x40x50xi32, #tpu.memory_space<hbm>> -> memref<40x50xi32, #tpu.memory_space<hbm>>
        %dma_start3A_73 = arith.constant 0 : i32
        %dma_start3A_74 = arith.constant 0 : i32
        %dma_start3A_75 = tpu.memref_slice %arg3[%add3A, %add3A_29, %dma_start3A_73, %dma_start3A_74] : memref<32x5x40x50xi32, #tpu.memory_space<hbm>> -> memref<1x1x40x50xi32, #tpu.memory_space<hbm>>
        %dma_start3A_76 = tpu.memref_squeeze %dma_start3A_75 : memref<1x1x40x50xi32, #tpu.memory_space<hbm>> -> memref<40x50xi32, #tpu.memory_space<hbm>>
        tpu.enqueue_dma source(%dma_start3A_76 : memref<40x50xi32, #tpu.memory_space<hbm>>) target(%arg6 : memref<40x50xi32, #tpu.memory_space<vmem>>) target_semaphore(%run_scoped3A : memref<!tpu.dma_semaphore, #tpu.memory_space<semaphore_mem>>)
        %dma_wait3A = arith.constant 0 : i32
        %dma_wait3A_77 = arith.constant 0 : i32
        %dma_wait3A_78 = tpu.memref_slice %arg3[%add3A, %add3A_29, %dma_wait3A, %dma_wait3A_77] : memref<32x5x40x50xi32, #tpu.memory_space<hbm>> -> memref<1x1x40x50xi32, #tpu.memory_space<hbm>>
        %dma_wait3A_79 = tpu.memref_squeeze %dma_wait3A_78 : memref<1x1x40x50xi32, #tpu.memory_space<hbm>> -> memref<40x50xi32, #tpu.memory_space<hbm>>
        %dma_wait3A_80 = arith.constant 0 : i32
        %dma_wait3A_81 = arith.constant 0 : i32
        %dma_wait3A_82 = tpu.memref_slice %arg3[%add3A, %add3A_29, %dma_wait3A_80, %dma_wait3A_81] : memref<32x5x40x50xi32, #tpu.memory_space<hbm>> -> memref<1x1x40x50xi32, #tpu.memory_space<hbm>>
        %dma_wait3A_83 = tpu.memref_squeeze %dma_wait3A_82 : memref<1x1x40x50xi32, #tpu.memory_space<hbm>> -> memref<40x50xi32, #tpu.memory_space<hbm>>
        tpu.wait_dma2 semaphore(%run_scoped3A : memref<!tpu.dma_semaphore, #tpu.memory_space<semaphore_mem>>) src(%dma_wait3A_83 : memref<40x50xi32, #tpu.memory_space<hbm>>) dst(%arg6 : memref<40x50xi32, #tpu.memory_space<vmem>>)
        tpu.yield
      }) : () -> ()
      "tpu.region"() ({
        %run_scoped3A = tpu.sem_alloc : memref<!tpu.dma_semaphore, #tpu.memory_space<semaphore_mem>>
        %dma_start3A_69 = arith.constant 0 : i32
        %dma_start3A_70 = arith.constant 0 : i32
        %dma_start3A_71 = tpu.memref_slice %arg4[%add3A, %add3A_29, %dma_start3A_69, %dma_start3A_70] : memref<32x5x40x50xi32, #tpu.memory_space<hbm>> -> memref<1x1x40x50xi32, #tpu.memory_space<hbm>>
        %dma_start3A_72 = tpu.memref_squeeze %dma_start3A_71 : memref<1x1x40x50xi32, #tpu.memory_space<hbm>> -> memref<40x50xi32, #tpu.memory_space<hbm>>
        %dma_start3A_73 = arith.constant 0 : i32
        %dma_start3A_74 = arith.constant 0 : i32
        %dma_start3A_75 = tpu.memref_slice %arg4[%add3A, %add3A_29, %dma_start3A_73, %dma_start3A_74] : memref<32x5x40x50xi32, #tpu.memory_space<hbm>> -> memref<1x1x40x50xi32, #tpu.memory_space<hbm>>
        %dma_start3A_76 = tpu.memref_squeeze %dma_start3A_75 : memref<1x1x40x50xi32, #tpu.memory_space<hbm>> -> memref<40x50xi32, #tpu.memory_space<hbm>>
        tpu.enqueue_dma source(%dma_start3A_76 : memref<40x50xi32, #tpu.memory_space<hbm>>) target(%arg7 : memref<40x50xi32, #tpu.memory_space<vmem>>) target_semaphore(%run_scoped3A : memref<!tpu.dma_semaphore, #tpu.memory_space<semaphore_mem>>)
        %dma_wait3A = arith.constant 0 : i32
        %dma_wait3A_77 = arith.constant 0 : i32
        %dma_wait3A_78 = tpu.memref_slice %arg4[%add3A, %add3A_29, %dma_wait3A, %dma_wait3A_77] : memref<32x5x40x50xi32, #tpu.memory_space<hbm>> -> memref<1x1x40x50xi32, #tpu.memory_space<hbm>>
        %dma_wait3A_79 = tpu.memref_squeeze %dma_wait3A_78 : memref<1x1x40x50xi32, #tpu.memory_space<hbm>> -> memref<40x50xi32, #tpu.memory_space<hbm>>
        %dma_wait3A_80 = arith.constant 0 : i32
        %dma_wait3A_81 = arith.constant 0 : i32
        %dma_wait3A_82 = tpu.memref_slice %arg4[%add3A, %add3A_29, %dma_wait3A_80, %dma_wait3A_81] : memref<32x5x40x50xi32, #tpu.memory_space<hbm>> -> memref<1x1x40x50xi32, #tpu.memory_space<hbm>>
        %dma_wait3A_83 = tpu.memref_squeeze %dma_wait3A_82 : memref<1x1x40x50xi32, #tpu.memory_space<hbm>> -> memref<40x50xi32, #tpu.memory_space<hbm>>
        tpu.wait_dma2 semaphore(%run_scoped3A : memref<!tpu.dma_semaphore, #tpu.memory_space<semaphore_mem>>) src(%dma_wait3A_83 : memref<40x50xi32, #tpu.memory_space<hbm>>) dst(%arg7 : memref<40x50xi32, #tpu.memory_space<vmem>>)
        tpu.yield
      }) : () -> ()
      %dma_start3A = arith.constant 0 : i32
      %dma_start3A_30 = arith.constant 0 : i32
      %dma_start3A_31 = tpu.memref_slice %arg6[%dma_start3A, %dma_start3A_30] : memref<40x50xi32, #tpu.memory_space<vmem>> -> memref<1x50xi32, #tpu.memory_space<vmem>>
      %dma_start3A_32 = tpu.memref_squeeze %dma_start3A_31 : memref<1x50xi32, #tpu.memory_space<vmem>> -> memref<50xi32, #tpu.memory_space<vmem>>
      %dma_start3A_33 = arith.constant 0 : i32
      %dma_start3A_34 = arith.constant 0 : i32
      %dma_start3A_35 = tpu.memref_slice %arg2[%dma_start3A_33, %dma_start3A_34] : memref<10000x128xf32, #tpu.memory_space<hbm>> -> memref<10000x128xf32, #tpu.memory_space<hbm>>
      tpu.enqueue_indirect_dma source(%dma_start3A_35 : memref<10000x128xf32, #tpu.memory_space<hbm>>) target(%arg8 : memref<50x128xf32, #tpu.memory_space<vmem>>) offsets(%dma_start3A_32 : memref<50xi32, #tpu.memory_space<vmem>>) semaphore(%arg15 : memref<!tpu.dma_semaphore, #tpu.memory_space<semaphore_mem>>)
      %dma_start3A_36 = arith.constant 1 : i32
      %dma_start3A_37 = arith.constant 0 : i32
      %dma_start3A_38 = tpu.memref_slice %arg6[%dma_start3A_36, %dma_start3A_37] : memref<40x50xi32, #tpu.memory_space<vmem>> -> memref<1x50xi32, #tpu.memory_space<vmem>>
      %dma_start3A_39 = tpu.memref_squeeze %dma_start3A_38 : memref<1x50xi32, #tpu.memory_space<vmem>> -> memref<50xi32, #tpu.memory_space<vmem>>
      %dma_start3A_40 = arith.constant 0 : i32
      %dma_start3A_41 = arith.constant 0 : i32
      %dma_start3A_42 = tpu.memref_slice %arg2[%dma_start3A_40, %dma_start3A_41] : memref<10000x128xf32, #tpu.memory_space<hbm>> -> memref<10000x128xf32, #tpu.memory_space<hbm>>
      tpu.enqueue_indirect_dma source(%dma_start3A_42 : memref<10000x128xf32, #tpu.memory_space<hbm>>) target(%arg9 : memref<50x128xf32, #tpu.memory_space<vmem>>) offsets(%dma_start3A_39 : memref<50xi32, #tpu.memory_space<vmem>>) semaphore(%arg16 : memref<!tpu.dma_semaphore, #tpu.memory_space<semaphore_mem>>)
      %dma_start3A_43 = arith.constant 2 : i32
      %dma_start3A_44 = arith.constant 0 : i32
      %dma_start3A_45 = tpu.memref_slice %arg6[%dma_start3A_43, %dma_start3A_44] : memref<40x50xi32, #tpu.memory_space<vmem>> -> memref<1x50xi32, #tpu.memory_space<vmem>>
      %dma_start3A_46 = tpu.memref_squeeze %dma_start3A_45 : memref<1x50xi32, #tpu.memory_space<vmem>> -> memref<50xi32, #tpu.memory_space<vmem>>
      %dma_start3A_47 = arith.constant 0 : i32
      %dma_start3A_48 = arith.constant 0 : i32
      %dma_start3A_49 = tpu.memref_slice %arg2[%dma_start3A_47, %dma_start3A_48] : memref<10000x128xf32, #tpu.memory_space<hbm>> -> memref<10000x128xf32, #tpu.memory_space<hbm>>
      tpu.enqueue_indirect_dma source(%dma_start3A_49 : memref<10000x128xf32, #tpu.memory_space<hbm>>) target(%arg10 : memref<50x128xf32, #tpu.memory_space<vmem>>) offsets(%dma_start3A_46 : memref<50xi32, #tpu.memory_space<vmem>>) semaphore(%arg17 : memref<!tpu.dma_semaphore, #tpu.memory_space<semaphore_mem>>)
      %dma_start3A_50 = arith.constant 3 : i32
      %dma_start3A_51 = arith.constant 0 : i32
      %dma_start3A_52 = tpu.memref_slice %arg6[%dma_start3A_50, %dma_start3A_51] : memref<40x50xi32, #tpu.memory_space<vmem>> -> memref<1x50xi32, #tpu.memory_space<vmem>>
      %dma_start3A_53 = tpu.memref_squeeze %dma_start3A_52 : memref<1x50xi32, #tpu.memory_space<vmem>> -> memref<50xi32, #tpu.memory_space<vmem>>
      %dma_start3A_54 = arith.constant 0 : i32
      %dma_start3A_55 = arith.constant 0 : i32
      %dma_start3A_56 = tpu.memref_slice %arg2[%dma_start3A_54, %dma_start3A_55] : memref<10000x128xf32, #tpu.memory_space<hbm>> -> memref<10000x128xf32, #tpu.memory_space<hbm>>
      tpu.enqueue_indirect_dma source(%dma_start3A_56 : memref<10000x128xf32, #tpu.memory_space<hbm>>) target(%arg11 : memref<50x128xf32, #tpu.memory_space<vmem>>) offsets(%dma_start3A_53 : memref<50xi32, #tpu.memory_space<vmem>>) semaphore(%arg18 : memref<!tpu.dma_semaphore, #tpu.memory_space<semaphore_mem>>)
      %dma_start3A_57 = arith.constant 4 : i32
      %dma_start3A_58 = arith.constant 0 : i32
      %dma_start3A_59 = tpu.memref_slice %arg6[%dma_start3A_57, %dma_start3A_58] : memref<40x50xi32, #tpu.memory_space<vmem>> -> memref<1x50xi32, #tpu.memory_space<vmem>>
      %dma_start3A_60 = tpu.memref_squeeze %dma_start3A_59 : memref<1x50xi32, #tpu.memory_space<vmem>> -> memref<50xi32, #tpu.memory_space<vmem>>
      %dma_start3A_61 = arith.constant 0 : i32
      %dma_start3A_62 = arith.constant 0 : i32
      %dma_start3A_63 = tpu.memref_slice %arg2[%dma_start3A_61, %dma_start3A_62] : memref<10000x128xf32, #tpu.memory_space<hbm>> -> memref<10000x128xf32, #tpu.memory_space<hbm>>
      tpu.enqueue_indirect_dma source(%dma_start3A_63 : memref<10000x128xf32, #tpu.memory_space<hbm>>) target(%arg12 : memref<50x128xf32, #tpu.memory_space<vmem>>) offsets(%dma_start3A_60 : memref<50xi32, #tpu.memory_space<vmem>>) semaphore(%arg19 : memref<!tpu.dma_semaphore, #tpu.memory_space<semaphore_mem>>)
      %scan3A_64 = arith.constant 0 : i32
      %scan3A_65 = arith.constant 8 : i32
      %scan3A_66 = arith.addi %scan3A_64, %scan3A_65 : i32
      %scan3A_67 = arith.constant 1 : i32
      scf.for %scan3A_69 = %scan3A_64 to %scan3A_66 step %scan3A_67  : i32 {
        %mul3A_70 = arith.constant 5 : i32
        %mul3A_71 = arith.muli %scan3A_69, %mul3A_70 : i32
        %add3A_72 = arith.constant 0 : i32
        %add3A_73 = arith.addi %add3A_72, %mul3A_71 : i32
        %add3A_74 = arith.constant 0 : i32
        %add3A_75 = arith.addi %add3A_73, %add3A_74 : i32
        %dma_wait3A = arith.constant 0 : i32
        %dma_wait3A_76 = tpu.memref_slice %arg6[%add3A_75, %dma_wait3A] : memref<40x50xi32, #tpu.memory_space<vmem>> -> memref<1x50xi32, #tpu.memory_space<vmem>>
        %dma_wait3A_77 = tpu.memref_squeeze %dma_wait3A_76 : memref<1x50xi32, #tpu.memory_space<vmem>> -> memref<50xi32, #tpu.memory_space<vmem>>
        %dma_wait3A_78 = arith.constant 0 : i32
        %dma_wait3A_79 = arith.constant 0 : i32
        %dma_wait3A_80 = tpu.memref_slice %arg2[%dma_wait3A_78, %dma_wait3A_79] : memref<10000x128xf32, #tpu.memory_space<hbm>> -> memref<10000x128xf32, #tpu.memory_space<hbm>>
        tpu.wait_indirect_dma semaphore(%arg15 : memref<!tpu.dma_semaphore, #tpu.memory_space<semaphore_mem>>) src(%dma_wait3A_80 : memref<10000x128xf32, #tpu.memory_space<hbm>>) dst(%arg8 : memref<50x128xf32, #tpu.memory_space<vmem>>)
        %add3A_81 = arith.constant 0 : i32
        %add3A_82 = arith.addi %add3A_73, %add3A_81 : i32
        "tpu.region"() ({
          %run_scoped3A = tpu.sem_alloc : memref<!tpu.dma_semaphore, #tpu.memory_space<semaphore_mem>>
          %dma_start3A_165 = arith.constant 0 : i32
          %dma_start3A_166 = tpu.memref_slice %arg7[%add3A_82, %dma_start3A_165] : memref<40x50xi32, #tpu.memory_space<vmem>> -> memref<1x50xi32, #tpu.memory_space<vmem>>
          %dma_start3A_167 = tpu.memref_squeeze %dma_start3A_166 : memref<1x50xi32, #tpu.memory_space<vmem>> -> memref<50xi32, #tpu.memory_space<vmem>>
          %dma_start3A_168 = arith.constant 0 : i32
          %dma_start3A_169 = arith.constant 0 : i32
          %dma_start3A_170 = tpu.memref_slice %arg14[%dma_start3A_168, %dma_start3A_169] : memref<10240x128xf32, #tpu.memory_space<vmem_shared>> -> memref<10240x128xf32, #tpu.memory_space<vmem_shared>>
          tpu.enqueue_indirect_dma source(%arg8 : memref<50x128xf32, #tpu.memory_space<vmem>>) target(%dma_start3A_170 : memref<10240x128xf32, #tpu.memory_space<vmem_shared>>) offsets(%dma_start3A_167 : memref<50xi32, #tpu.memory_space<vmem>>) semaphore(%run_scoped3A : memref<!tpu.dma_semaphore, #tpu.memory_space<semaphore_mem>>) {add = true}
          %dma_wait3A_171 = arith.constant 0 : i32
          %dma_wait3A_172 = tpu.memref_slice %arg7[%add3A_82, %dma_wait3A_171] : memref<40x50xi32, #tpu.memory_space<vmem>> -> memref<1x50xi32, #tpu.memory_space<vmem>>
          %dma_wait3A_173 = tpu.memref_squeeze %dma_wait3A_172 : memref<1x50xi32, #tpu.memory_space<vmem>> -> memref<50xi32, #tpu.memory_space<vmem>>
          %dma_wait3A_174 = arith.constant 0 : i32
          %dma_wait3A_175 = arith.constant 0 : i32
          %dma_wait3A_176 = tpu.memref_slice %arg14[%dma_wait3A_174, %dma_wait3A_175] : memref<10240x128xf32, #tpu.memory_space<vmem_shared>> -> memref<10240x128xf32, #tpu.memory_space<vmem_shared>>
          tpu.wait_indirect_dma semaphore(%run_scoped3A : memref<!tpu.dma_semaphore, #tpu.memory_space<semaphore_mem>>) src(%arg8 : memref<50x128xf32, #tpu.memory_space<vmem>>) dst(%dma_wait3A_176 : memref<10240x128xf32, #tpu.memory_space<vmem_shared>>)
          tpu.yield
        }) : () -> ()
        %add3A_83 = arith.constant 0 : i32
        %add3A_84 = arith.addi %add3A_73, %add3A_83 : i32
        %add3A_85 = arith.constant 5 : i32
        %add3A_86 = arith.addi %add3A_84, %add3A_85 : i32
        %lt3A = arith.constant 40 : i32
        %lt3A_87 = arith.cmpi slt, %add3A_86, %lt3A : i32
        %convert_element_type3A = arith.extui %lt3A_87 : i1 to i32
        %cond3A = arith.constant 0 : i32
        %cond3A_88 = arith.cmpi ne, %convert_element_type3A, %cond3A : i32
        scf.if %cond3A_88 {
          %add3A_165 = arith.constant 0 : i32
          %add3A_166 = arith.addi %add3A_73, %add3A_165 : i32
          %add3A_167 = arith.constant 5 : i32
          %add3A_168 = arith.addi %add3A_166, %add3A_167 : i32
          %dma_start3A_169 = arith.constant 0 : i32
          %dma_start3A_170 = tpu.memref_slice %arg6[%add3A_168, %dma_start3A_169] : memref<40x50xi32, #tpu.memory_space<vmem>> -> memref<1x50xi32, #tpu.memory_space<vmem>>
          %dma_start3A_171 = tpu.memref_squeeze %dma_start3A_170 : memref<1x50xi32, #tpu.memory_space<vmem>> -> memref<50xi32, #tpu.memory_space<vmem>>
          %dma_start3A_172 = arith.constant 0 : i32
          %dma_start3A_173 = arith.constant 0 : i32
          %dma_start3A_174 = tpu.memref_slice %arg2[%dma_start3A_172, %dma_start3A_173] : memref<10000x128xf32, #tpu.memory_space<hbm>> -> memref<10000x128xf32, #tpu.memory_space<hbm>>
          tpu.enqueue_indirect_dma source(%dma_start3A_174 : memref<10000x128xf32, #tpu.memory_space<hbm>>) target(%arg8 : memref<50x128xf32, #tpu.memory_space<vmem>>) offsets(%dma_start3A_171 : memref<50xi32, #tpu.memory_space<vmem>>) semaphore(%arg15 : memref<!tpu.dma_semaphore, #tpu.memory_space<semaphore_mem>>)
        } else {
        }
        %add3A_89 = arith.constant 1 : i32
        %add3A_90 = arith.addi %add3A_73, %add3A_89 : i32
        %dma_wait3A_91 = arith.constant 0 : i32
        %dma_wait3A_92 = tpu.memref_slice %arg6[%add3A_90, %dma_wait3A_91] : memref<40x50xi32, #tpu.memory_space<vmem>> -> memref<1x50xi32, #tpu.memory_space<vmem>>
        %dma_wait3A_93 = tpu.memref_squeeze %dma_wait3A_92 : memref<1x50xi32, #tpu.memory_space<vmem>> -> memref<50xi32, #tpu.memory_space<vmem>>
        %dma_wait3A_94 = arith.constant 0 : i32
        %dma_wait3A_95 = arith.constant 0 : i32
        %dma_wait3A_96 = tpu.memref_slice %arg2[%dma_wait3A_94, %dma_wait3A_95] : memref<10000x128xf32, #tpu.memory_space<hbm>> -> memref<10000x128xf32, #tpu.memory_space<hbm>>
        tpu.wait_indirect_dma semaphore(%arg16 : memref<!tpu.dma_semaphore, #tpu.memory_space<semaphore_mem>>) src(%dma_wait3A_96 : memref<10000x128xf32, #tpu.memory_space<hbm>>) dst(%arg9 : memref<50x128xf32, #tpu.memory_space<vmem>>)
        %add3A_97 = arith.constant 1 : i32
        %add3A_98 = arith.addi %add3A_73, %add3A_97 : i32
        "tpu.region"() ({
          %run_scoped3A = tpu.sem_alloc : memref<!tpu.dma_semaphore, #tpu.memory_space<semaphore_mem>>
          %dma_start3A_165 = arith.constant 0 : i32
          %dma_start3A_166 = tpu.memref_slice %arg7[%add3A_98, %dma_start3A_165] : memref<40x50xi32, #tpu.memory_space<vmem>> -> memref<1x50xi32, #tpu.memory_space<vmem>>
          %dma_start3A_167 = tpu.memref_squeeze %dma_start3A_166 : memref<1x50xi32, #tpu.memory_space<vmem>> -> memref<50xi32, #tpu.memory_space<vmem>>
          %dma_start3A_168 = arith.constant 0 : i32
          %dma_start3A_169 = arith.constant 0 : i32
          %dma_start3A_170 = tpu.memref_slice %arg14[%dma_start3A_168, %dma_start3A_169] : memref<10240x128xf32, #tpu.memory_space<vmem_shared>> -> memref<10240x128xf32, #tpu.memory_space<vmem_shared>>
          tpu.enqueue_indirect_dma source(%arg9 : memref<50x128xf32, #tpu.memory_space<vmem>>) target(%dma_start3A_170 : memref<10240x128xf32, #tpu.memory_space<vmem_shared>>) offsets(%dma_start3A_167 : memref<50xi32, #tpu.memory_space<vmem>>) semaphore(%run_scoped3A : memref<!tpu.dma_semaphore, #tpu.memory_space<semaphore_mem>>) {add = true}
          %dma_wait3A_171 = arith.constant 0 : i32
          %dma_wait3A_172 = tpu.memref_slice %arg7[%add3A_98, %dma_wait3A_171] : memref<40x50xi32, #tpu.memory_space<vmem>> -> memref<1x50xi32, #tpu.memory_space<vmem>>
          %dma_wait3A_173 = tpu.memref_squeeze %dma_wait3A_172 : memref<1x50xi32, #tpu.memory_space<vmem>> -> memref<50xi32, #tpu.memory_space<vmem>>
          %dma_wait3A_174 = arith.constant 0 : i32
          %dma_wait3A_175 = arith.constant 0 : i32
          %dma_wait3A_176 = tpu.memref_slice %arg14[%dma_wait3A_174, %dma_wait3A_175] : memref<10240x128xf32, #tpu.memory_space<vmem_shared>> -> memref<10240x128xf32, #tpu.memory_space<vmem_shared>>
          tpu.wait_indirect_dma semaphore(%run_scoped3A : memref<!tpu.dma_semaphore, #tpu.memory_space<semaphore_mem>>) src(%arg9 : memref<50x128xf32, #tpu.memory_space<vmem>>) dst(%dma_wait3A_176 : memref<10240x128xf32, #tpu.memory_space<vmem_shared>>)
          tpu.yield
        }) : () -> ()
        %add3A_99 = arith.constant 1 : i32
        %add3A_100 = arith.addi %add3A_73, %add3A_99 : i32
        %add3A_101 = arith.constant 5 : i32
        %add3A_102 = arith.addi %add3A_100, %add3A_101 : i32
        %lt3A_103 = arith.constant 40 : i32
        %lt3A_104 = arith.cmpi slt, %add3A_102, %lt3A_103 : i32
        %convert_element_type3A_105 = arith.extui %lt3A_104 : i1 to i32
        %cond3A_106 = arith.constant 0 : i32
        %cond3A_107 = arith.cmpi ne, %convert_element_type3A_105, %cond3A_106 : i32
        scf.if %cond3A_107 {
          %add3A_165 = arith.constant 1 : i32
          %add3A_166 = arith.addi %add3A_73, %add3A_165 : i32
          %add3A_167 = arith.constant 5 : i32
          %add3A_168 = arith.addi %add3A_166, %add3A_167 : i32
          %dma_start3A_169 = arith.constant 0 : i32
          %dma_start3A_170 = tpu.memref_slice %arg6[%add3A_168, %dma_start3A_169] : memref<40x50xi32, #tpu.memory_space<vmem>> -> memref<1x50xi32, #tpu.memory_space<vmem>>
          %dma_start3A_171 = tpu.memref_squeeze %dma_start3A_170 : memref<1x50xi32, #tpu.memory_space<vmem>> -> memref<50xi32, #tpu.memory_space<vmem>>
          %dma_start3A_172 = arith.constant 0 : i32
          %dma_start3A_173 = arith.constant 0 : i32
          %dma_start3A_174 = tpu.memref_slice %arg2[%dma_start3A_172, %dma_start3A_173] : memref<10000x128xf32, #tpu.memory_space<hbm>> -> memref<10000x128xf32, #tpu.memory_space<hbm>>
          tpu.enqueue_indirect_dma source(%dma_start3A_174 : memref<10000x128xf32, #tpu.memory_space<hbm>>) target(%arg9 : memref<50x128xf32, #tpu.memory_space<vmem>>) offsets(%dma_start3A_171 : memref<50xi32, #tpu.memory_space<vmem>>) semaphore(%arg16 : memref<!tpu.dma_semaphore, #tpu.memory_space<semaphore_mem>>)
        } else {
        }
        %add3A_108 = arith.constant 2 : i32
        %add3A_109 = arith.addi %add3A_73, %add3A_108 : i32
        %dma_wait3A_110 = arith.constant 0 : i32
        %dma_wait3A_111 = tpu.memref_slice %arg6[%add3A_109, %dma_wait3A_110] : memref<40x50xi32, #tpu.memory_space<vmem>> -> memref<1x50xi32, #tpu.memory_space<vmem>>
        %dma_wait3A_112 = tpu.memref_squeeze %dma_wait3A_111 : memref<1x50xi32, #tpu.memory_space<vmem>> -> memref<50xi32, #tpu.memory_space<vmem>>
        %dma_wait3A_113 = arith.constant 0 : i32
        %dma_wait3A_114 = arith.constant 0 : i32
        %dma_wait3A_115 = tpu.memref_slice %arg2[%dma_wait3A_113, %dma_wait3A_114] : memref<10000x128xf32, #tpu.memory_space<hbm>> -> memref<10000x128xf32, #tpu.memory_space<hbm>>
        tpu.wait_indirect_dma semaphore(%arg17 : memref<!tpu.dma_semaphore, #tpu.memory_space<semaphore_mem>>) src(%dma_wait3A_115 : memref<10000x128xf32, #tpu.memory_space<hbm>>) dst(%arg10 : memref<50x128xf32, #tpu.memory_space<vmem>>)
        %add3A_116 = arith.constant 2 : i32
        %add3A_117 = arith.addi %add3A_73, %add3A_116 : i32
        "tpu.region"() ({
          %run_scoped3A = tpu.sem_alloc : memref<!tpu.dma_semaphore, #tpu.memory_space<semaphore_mem>>
          %dma_start3A_165 = arith.constant 0 : i32
          %dma_start3A_166 = tpu.memref_slice %arg7[%add3A_117, %dma_start3A_165] : memref<40x50xi32, #tpu.memory_space<vmem>> -> memref<1x50xi32, #tpu.memory_space<vmem>>
          %dma_start3A_167 = tpu.memref_squeeze %dma_start3A_166 : memref<1x50xi32, #tpu.memory_space<vmem>> -> memref<50xi32, #tpu.memory_space<vmem>>
          %dma_start3A_168 = arith.constant 0 : i32
          %dma_start3A_169 = arith.constant 0 : i32
          %dma_start3A_170 = tpu.memref_slice %arg14[%dma_start3A_168, %dma_start3A_169] : memref<10240x128xf32, #tpu.memory_space<vmem_shared>> -> memref<10240x128xf32, #tpu.memory_space<vmem_shared>>
          tpu.enqueue_indirect_dma source(%arg10 : memref<50x128xf32, #tpu.memory_space<vmem>>) target(%dma_start3A_170 : memref<10240x128xf32, #tpu.memory_space<vmem_shared>>) offsets(%dma_start3A_167 : memref<50xi32, #tpu.memory_space<vmem>>) semaphore(%run_scoped3A : memref<!tpu.dma_semaphore, #tpu.memory_space<semaphore_mem>>) {add = true}
          %dma_wait3A_171 = arith.constant 0 : i32
          %dma_wait3A_172 = tpu.memref_slice %arg7[%add3A_117, %dma_wait3A_171] : memref<40x50xi32, #tpu.memory_space<vmem>> -> memref<1x50xi32, #tpu.memory_space<vmem>>
          %dma_wait3A_173 = tpu.memref_squeeze %dma_wait3A_172 : memref<1x50xi32, #tpu.memory_space<vmem>> -> memref<50xi32, #tpu.memory_space<vmem>>
          %dma_wait3A_174 = arith.constant 0 : i32
          %dma_wait3A_175 = arith.constant 0 : i32
          %dma_wait3A_176 = tpu.memref_slice %arg14[%dma_wait3A_174, %dma_wait3A_175] : memref<10240x128xf32, #tpu.memory_space<vmem_shared>> -> memref<10240x128xf32, #tpu.memory_space<vmem_shared>>
          tpu.wait_indirect_dma semaphore(%run_scoped3A : memref<!tpu.dma_semaphore, #tpu.memory_space<semaphore_mem>>) src(%arg10 : memref<50x128xf32, #tpu.memory_space<vmem>>) dst(%dma_wait3A_176 : memref<10240x128xf32, #tpu.memory_space<vmem_shared>>)
          tpu.yield
        }) : () -> ()
        %add3A_118 = arith.constant 2 : i32
        %add3A_119 = arith.addi %add3A_73, %add3A_118 : i32
        %add3A_120 = arith.constant 5 : i32
        %add3A_121 = arith.addi %add3A_119, %add3A_120 : i32
        %lt3A_122 = arith.constant 40 : i32
        %lt3A_123 = arith.cmpi slt, %add3A_121, %lt3A_122 : i32
        %convert_element_type3A_124 = arith.extui %lt3A_123 : i1 to i32
        %cond3A_125 = arith.constant 0 : i32
        %cond3A_126 = arith.cmpi ne, %convert_element_type3A_124, %cond3A_125 : i32
        scf.if %cond3A_126 {
          %add3A_165 = arith.constant 2 : i32
          %add3A_166 = arith.addi %add3A_73, %add3A_165 : i32
          %add3A_167 = arith.constant 5 : i32
          %add3A_168 = arith.addi %add3A_166, %add3A_167 : i32
          %dma_start3A_169 = arith.constant 0 : i32
          %dma_start3A_170 = tpu.memref_slice %arg6[%add3A_168, %dma_start3A_169] : memref<40x50xi32, #tpu.memory_space<vmem>> -> memref<1x50xi32, #tpu.memory_space<vmem>>
          %dma_start3A_171 = tpu.memref_squeeze %dma_start3A_170 : memref<1x50xi32, #tpu.memory_space<vmem>> -> memref<50xi32, #tpu.memory_space<vmem>>
          %dma_start3A_172 = arith.constant 0 : i32
          %dma_start3A_173 = arith.constant 0 : i32
          %dma_start3A_174 = tpu.memref_slice %arg2[%dma_start3A_172, %dma_start3A_173] : memref<10000x128xf32, #tpu.memory_space<hbm>> -> memref<10000x128xf32, #tpu.memory_space<hbm>>
          tpu.enqueue_indirect_dma source(%dma_start3A_174 : memref<10000x128xf32, #tpu.memory_space<hbm>>) target(%arg10 : memref<50x128xf32, #tpu.memory_space<vmem>>) offsets(%dma_start3A_171 : memref<50xi32, #tpu.memory_space<vmem>>) semaphore(%arg17 : memref<!tpu.dma_semaphore, #tpu.memory_space<semaphore_mem>>)
        } else {
        }
        %add3A_127 = arith.constant 3 : i32
        %add3A_128 = arith.addi %add3A_73, %add3A_127 : i32
        %dma_wait3A_129 = arith.constant 0 : i32
        %dma_wait3A_130 = tpu.memref_slice %arg6[%add3A_128, %dma_wait3A_129] : memref<40x50xi32, #tpu.memory_space<vmem>> -> memref<1x50xi32, #tpu.memory_space<vmem>>
        %dma_wait3A_131 = tpu.memref_squeeze %dma_wait3A_130 : memref<1x50xi32, #tpu.memory_space<vmem>> -> memref<50xi32, #tpu.memory_space<vmem>>
        %dma_wait3A_132 = arith.constant 0 : i32
        %dma_wait3A_133 = arith.constant 0 : i32
        %dma_wait3A_134 = tpu.memref_slice %arg2[%dma_wait3A_132, %dma_wait3A_133] : memref<10000x128xf32, #tpu.memory_space<hbm>> -> memref<10000x128xf32, #tpu.memory_space<hbm>>
        tpu.wait_indirect_dma semaphore(%arg18 : memref<!tpu.dma_semaphore, #tpu.memory_space<semaphore_mem>>) src(%dma_wait3A_134 : memref<10000x128xf32, #tpu.memory_space<hbm>>) dst(%arg11 : memref<50x128xf32, #tpu.memory_space<vmem>>)
        %add3A_135 = arith.constant 3 : i32
        %add3A_136 = arith.addi %add3A_73, %add3A_135 : i32
        "tpu.region"() ({
          %run_scoped3A = tpu.sem_alloc : memref<!tpu.dma_semaphore, #tpu.memory_space<semaphore_mem>>
          %dma_start3A_165 = arith.constant 0 : i32
          %dma_start3A_166 = tpu.memref_slice %arg7[%add3A_136, %dma_start3A_165] : memref<40x50xi32, #tpu.memory_space<vmem>> -> memref<1x50xi32, #tpu.memory_space<vmem>>
          %dma_start3A_167 = tpu.memref_squeeze %dma_start3A_166 : memref<1x50xi32, #tpu.memory_space<vmem>> -> memref<50xi32, #tpu.memory_space<vmem>>
          %dma_start3A_168 = arith.constant 0 : i32
          %dma_start3A_169 = arith.constant 0 : i32
          %dma_start3A_170 = tpu.memref_slice %arg14[%dma_start3A_168, %dma_start3A_169] : memref<10240x128xf32, #tpu.memory_space<vmem_shared>> -> memref<10240x128xf32, #tpu.memory_space<vmem_shared>>
          tpu.enqueue_indirect_dma source(%arg11 : memref<50x128xf32, #tpu.memory_space<vmem>>) target(%dma_start3A_170 : memref<10240x128xf32, #tpu.memory_space<vmem_shared>>) offsets(%dma_start3A_167 : memref<50xi32, #tpu.memory_space<vmem>>) semaphore(%run_scoped3A : memref<!tpu.dma_semaphore, #tpu.memory_space<semaphore_mem>>) {add = true}
          %dma_wait3A_171 = arith.constant 0 : i32
          %dma_wait3A_172 = tpu.memref_slice %arg7[%add3A_136, %dma_wait3A_171] : memref<40x50xi32, #tpu.memory_space<vmem>> -> memref<1x50xi32, #tpu.memory_space<vmem>>
          %dma_wait3A_173 = tpu.memref_squeeze %dma_wait3A_172 : memref<1x50xi32, #tpu.memory_space<vmem>> -> memref<50xi32, #tpu.memory_space<vmem>>
          %dma_wait3A_174 = arith.constant 0 : i32
          %dma_wait3A_175 = arith.constant 0 : i32
          %dma_wait3A_176 = tpu.memref_slice %arg14[%dma_wait3A_174, %dma_wait3A_175] : memref<10240x128xf32, #tpu.memory_space<vmem_shared>> -> memref<10240x128xf32, #tpu.memory_space<vmem_shared>>
          tpu.wait_indirect_dma semaphore(%run_scoped3A : memref<!tpu.dma_semaphore, #tpu.memory_space<semaphore_mem>>) src(%arg11 : memref<50x128xf32, #tpu.memory_space<vmem>>) dst(%dma_wait3A_176 : memref<10240x128xf32, #tpu.memory_space<vmem_shared>>)
          tpu.yield
        }) : () -> ()
        %add3A_137 = arith.constant 3 : i32
        %add3A_138 = arith.addi %add3A_73, %add3A_137 : i32
        %add3A_139 = arith.constant 5 : i32
        %add3A_140 = arith.addi %add3A_138, %add3A_139 : i32
        %lt3A_141 = arith.constant 40 : i32
        %lt3A_142 = arith.cmpi slt, %add3A_140, %lt3A_141 : i32
        %convert_element_type3A_143 = arith.extui %lt3A_142 : i1 to i32
        %cond3A_144 = arith.constant 0 : i32
        %cond3A_145 = arith.cmpi ne, %convert_element_type3A_143, %cond3A_144 : i32
        scf.if %cond3A_145 {
          %add3A_165 = arith.constant 3 : i32
          %add3A_166 = arith.addi %add3A_73, %add3A_165 : i32
          %add3A_167 = arith.constant 5 : i32
          %add3A_168 = arith.addi %add3A_166, %add3A_167 : i32
          %dma_start3A_169 = arith.constant 0 : i32
          %dma_start3A_170 = tpu.memref_slice %arg6[%add3A_168, %dma_start3A_169] : memref<40x50xi32, #tpu.memory_space<vmem>> -> memref<1x50xi32, #tpu.memory_space<vmem>>
          %dma_start3A_171 = tpu.memref_squeeze %dma_start3A_170 : memref<1x50xi32, #tpu.memory_space<vmem>> -> memref<50xi32, #tpu.memory_space<vmem>>
          %dma_start3A_172 = arith.constant 0 : i32
          %dma_start3A_173 = arith.constant 0 : i32
          %dma_start3A_174 = tpu.memref_slice %arg2[%dma_start3A_172, %dma_start3A_173] : memref<10000x128xf32, #tpu.memory_space<hbm>> -> memref<10000x128xf32, #tpu.memory_space<hbm>>
          tpu.enqueue_indirect_dma source(%dma_start3A_174 : memref<10000x128xf32, #tpu.memory_space<hbm>>) target(%arg11 : memref<50x128xf32, #tpu.memory_space<vmem>>) offsets(%dma_start3A_171 : memref<50xi32, #tpu.memory_space<vmem>>) semaphore(%arg18 : memref<!tpu.dma_semaphore, #tpu.memory_space<semaphore_mem>>)
        } else {
        }
        %add3A_146 = arith.constant 4 : i32
        %add3A_147 = arith.addi %add3A_73, %add3A_146 : i32
        %dma_wait3A_148 = arith.constant 0 : i32
        %dma_wait3A_149 = tpu.memref_slice %arg6[%add3A_147, %dma_wait3A_148] : memref<40x50xi32, #tpu.memory_space<vmem>> -> memref<1x50xi32, #tpu.memory_space<vmem>>
        %dma_wait3A_150 = tpu.memref_squeeze %dma_wait3A_149 : memref<1x50xi32, #tpu.memory_space<vmem>> -> memref<50xi32, #tpu.memory_space<vmem>>
        %dma_wait3A_151 = arith.constant 0 : i32
        %dma_wait3A_152 = arith.constant 0 : i32
        %dma_wait3A_153 = tpu.memref_slice %arg2[%dma_wait3A_151, %dma_wait3A_152] : memref<10000x128xf32, #tpu.memory_space<hbm>> -> memref<10000x128xf32, #tpu.memory_space<hbm>>
        tpu.wait_indirect_dma semaphore(%arg19 : memref<!tpu.dma_semaphore, #tpu.memory_space<semaphore_mem>>) src(%dma_wait3A_153 : memref<10000x128xf32, #tpu.memory_space<hbm>>) dst(%arg12 : memref<50x128xf32, #tpu.memory_space<vmem>>)
        %add3A_154 = arith.constant 4 : i32
        %add3A_155 = arith.addi %add3A_73, %add3A_154 : i32
        "tpu.region"() ({
          %run_scoped3A = tpu.sem_alloc : memref<!tpu.dma_semaphore, #tpu.memory_space<semaphore_mem>>
          %dma_start3A_165 = arith.constant 0 : i32
          %dma_start3A_166 = tpu.memref_slice %arg7[%add3A_155, %dma_start3A_165] : memref<40x50xi32, #tpu.memory_space<vmem>> -> memref<1x50xi32, #tpu.memory_space<vmem>>
          %dma_start3A_167 = tpu.memref_squeeze %dma_start3A_166 : memref<1x50xi32, #tpu.memory_space<vmem>> -> memref<50xi32, #tpu.memory_space<vmem>>
          %dma_start3A_168 = arith.constant 0 : i32
          %dma_start3A_169 = arith.constant 0 : i32
          %dma_start3A_170 = tpu.memref_slice %arg14[%dma_start3A_168, %dma_start3A_169] : memref<10240x128xf32, #tpu.memory_space<vmem_shared>> -> memref<10240x128xf32, #tpu.memory_space<vmem_shared>>
          tpu.enqueue_indirect_dma source(%arg12 : memref<50x128xf32, #tpu.memory_space<vmem>>) target(%dma_start3A_170 : memref<10240x128xf32, #tpu.memory_space<vmem_shared>>) offsets(%dma_start3A_167 : memref<50xi32, #tpu.memory_space<vmem>>) semaphore(%run_scoped3A : memref<!tpu.dma_semaphore, #tpu.memory_space<semaphore_mem>>) {add = true}
          %dma_wait3A_171 = arith.constant 0 : i32
          %dma_wait3A_172 = tpu.memref_slice %arg7[%add3A_155, %dma_wait3A_171] : memref<40x50xi32, #tpu.memory_space<vmem>> -> memref<1x50xi32, #tpu.memory_space<vmem>>
          %dma_wait3A_173 = tpu.memref_squeeze %dma_wait3A_172 : memref<1x50xi32, #tpu.memory_space<vmem>> -> memref<50xi32, #tpu.memory_space<vmem>>
          %dma_wait3A_174 = arith.constant 0 : i32
          %dma_wait3A_175 = arith.constant 0 : i32
          %dma_wait3A_176 = tpu.memref_slice %arg14[%dma_wait3A_174, %dma_wait3A_175] : memref<10240x128xf32, #tpu.memory_space<vmem_shared>> -> memref<10240x128xf32, #tpu.memory_space<vmem_shared>>
          tpu.wait_indirect_dma semaphore(%run_scoped3A : memref<!tpu.dma_semaphore, #tpu.memory_space<semaphore_mem>>) src(%arg12 : memref<50x128xf32, #tpu.memory_space<vmem>>) dst(%dma_wait3A_176 : memref<10240x128xf32, #tpu.memory_space<vmem_shared>>)
          tpu.yield
        }) : () -> ()
        %add3A_156 = arith.constant 4 : i32
        %add3A_157 = arith.addi %add3A_73, %add3A_156 : i32
        %add3A_158 = arith.constant 5 : i32
        %add3A_159 = arith.addi %add3A_157, %add3A_158 : i32
        %lt3A_160 = arith.constant 40 : i32
        %lt3A_161 = arith.cmpi slt, %add3A_159, %lt3A_160 : i32
        %convert_element_type3A_162 = arith.extui %lt3A_161 : i1 to i32
        %cond3A_163 = arith.constant 0 : i32
        %cond3A_164 = arith.cmpi ne, %convert_element_type3A_162, %cond3A_163 : i32
        scf.if %cond3A_164 {
          %add3A_165 = arith.constant 4 : i32
          %add3A_166 = arith.addi %add3A_73, %add3A_165 : i32
          %add3A_167 = arith.constant 5 : i32
          %add3A_168 = arith.addi %add3A_166, %add3A_167 : i32
          %dma_start3A_169 = arith.constant 0 : i32
          %dma_start3A_170 = tpu.memref_slice %arg6[%add3A_168, %dma_start3A_169] : memref<40x50xi32, #tpu.memory_space<vmem>> -> memref<1x50xi32, #tpu.memory_space<vmem>>
          %dma_start3A_171 = tpu.memref_squeeze %dma_start3A_170 : memref<1x50xi32, #tpu.memory_space<vmem>> -> memref<50xi32, #tpu.memory_space<vmem>>
          %dma_start3A_172 = arith.constant 0 : i32
          %dma_start3A_173 = arith.constant 0 : i32
          %dma_start3A_174 = tpu.memref_slice %arg2[%dma_start3A_172, %dma_start3A_173] : memref<10000x128xf32, #tpu.memory_space<hbm>> -> memref<10000x128xf32, #tpu.memory_space<hbm>>
          tpu.enqueue_indirect_dma source(%dma_start3A_174 : memref<10000x128xf32, #tpu.memory_space<hbm>>) target(%arg12 : memref<50x128xf32, #tpu.memory_space<vmem>>) offsets(%dma_start3A_171 : memref<50xi32, #tpu.memory_space<vmem>>) semaphore(%arg19 : memref<!tpu.dma_semaphore, #tpu.memory_space<semaphore_mem>>)
        } else {
        }
      }
      %scan3A_68 = arith.constant 8 : i32
    }
    %scan3A_19 = arith.constant 5 : i32
    %barrier3A_20 = arith.constant 0 : index
    tpu.barrier barrier_id(%barrier3A_20)
    %mul3A_21 = arith.constant 640 : i32
    %mul3A_22 = arith.muli %arg1, %mul3A_21 : i32
    %mul3A_23 = arith.constant 640 : i32
    %mul3A_24 = arith.muli %arg1, %mul3A_23 : i32
    "tpu.region"() ({
      %run_scoped3A = tpu.sem_alloc : memref<!tpu.dma_semaphore, #tpu.memory_space<semaphore_mem>>
      %dma_start3A = arith.constant 0 : i32
      %dma_start3A_25 = tpu.memref_slice %arg5[%arg0, %mul3A_24, %dma_start3A] : memref<2x10240x128xf32, #tpu.memory_space<hbm>> -> memref<1x640x128xf32, #tpu.memory_space<hbm>>
      %dma_start3A_26 = tpu.memref_squeeze %dma_start3A_25 : memref<1x640x128xf32, #tpu.memory_space<hbm>> -> memref<640x128xf32, #tpu.memory_space<hbm>>
      %dma_start3A_27 = arith.constant 0 : i32
      %dma_start3A_28 = tpu.memref_slice %arg14[%mul3A_22, %dma_start3A_27] : memref<10240x128xf32, #tpu.memory_space<vmem_shared>> -> memref<640x128xf32, #tpu.memory_space<vmem_shared>>
      tpu.enqueue_dma source(%dma_start3A_28 : memref<640x128xf32, #tpu.memory_space<vmem_shared>>) target(%dma_start3A_26 : memref<640x128xf32, #tpu.memory_space<hbm>>) target_semaphore(%run_scoped3A : memref<!tpu.dma_semaphore, #tpu.memory_space<semaphore_mem>>)
      %dma_wait3A = arith.constant 0 : i32
      %dma_wait3A_29 = tpu.memref_slice %arg5[%arg0, %mul3A_24, %dma_wait3A] : memref<2x10240x128xf32, #tpu.memory_space<hbm>> -> memref<1x640x128xf32, #tpu.memory_space<hbm>>
      %dma_wait3A_30 = tpu.memref_squeeze %dma_wait3A_29 : memref<1x640x128xf32, #tpu.memory_space<hbm>> -> memref<640x128xf32, #tpu.memory_space<hbm>>
      %dma_wait3A_31 = arith.constant 0 : i32
      %dma_wait3A_32 = tpu.memref_slice %arg14[%mul3A_22, %dma_wait3A_31] : memref<10240x128xf32, #tpu.memory_space<vmem_shared>> -> memref<640x128xf32, #tpu.memory_space<vmem_shared>>
      tpu.wait_dma2 semaphore(%run_scoped3A : memref<!tpu.dma_semaphore, #tpu.memory_space<semaphore_mem>>) src(%dma_wait3A_32 : memref<640x128xf32, #tpu.memory_space<vmem_shared>>) dst(%dma_wait3A_30 : memref<640x128xf32, #tpu.memory_space<hbm>>)
      tpu.yield
    }) : () -> ()
    return
  }
}

module attributes {stable_mosaic.version = 14 : i64} {
  func.func @_first_body(%arg0: i32, %arg1: memref<10000x128xf32, #tpu.memory_space<vmem>>, %arg2: memref<128x128xf32, #tpu.memory_space<vmem>>, %arg3: memref<128x128xf32, #tpu.memory_space<vmem>>, %arg4: memref<128xf32, #tpu.memory_space<vmem>>, %arg5: memref<2x10000x1xf32, #tpu.memory_space<vmem>>, %arg6: memref<10000x128xf32, #tpu.memory_space<vmem>>, %arg7: memref<10000x128xf32, #tpu.memory_space<vmem>>, %arg8: memref<10000x1xf32, #tpu.memory_space<vmem>>) attributes {dimension_semantics = [#tpu.dimension_semantics<arbitrary>], iteration_bounds = array<i64: 1>, scalar_prefetch = 0 : i64, scratch_operands = 0 : i64, tpu.core_type = #tpu.core_type<tc>, window_params = [{transform_indices = @transform_0, window_bounds = array<i64: 10000, 128>}, {pipeline_mode = #tpu.pipeline_mode<synchronous>, transform_indices = @transform_1, window_bounds = array<i64: 128, 128>}, {pipeline_mode = #tpu.pipeline_mode<synchronous>, transform_indices = @transform_2, window_bounds = array<i64: 128, 128>}, {pipeline_mode = #tpu.pipeline_mode<synchronous>, transform_indices = @transform_3, window_bounds = array<i64: 128>}, {transform_indices = @transform_4, window_bounds = array<i64: 2, 10000, 1>}, {transform_indices = @transform_5, window_bounds = array<i64: 10000, 128>}, {transform_indices = @transform_6, window_bounds = array<i64: 10000, 128>}, {transform_indices = @transform_7, window_bounds = array<i64: 10000, 1>}]} {
    %get3A = arith.constant 0 : index
    %get3A_0 = arith.constant 0 : index
    %get3A_1 = arith.constant 0 : index
    %get3A_2 = vector.load %arg5[%get3A, %get3A_0, %get3A_1] : memref<2x10000x1xf32, #tpu.memory_space<vmem>>, vector<1x10000x1xf32>
    %get3A_3 = vector.shape_cast %get3A_2 : vector<1x10000x1xf32> to vector<10000x1xf32>
    %get3A_4 = arith.constant 1 : index
    %get3A_5 = arith.constant 0 : index
    %get3A_6 = arith.constant 0 : index
    %get3A_7 = vector.load %arg5[%get3A_4, %get3A_5, %get3A_6] : memref<2x10000x1xf32, #tpu.memory_space<vmem>>, vector<1x10000x1xf32>
    %get3A_8 = vector.shape_cast %get3A_7 : vector<1x10000x1xf32> to vector<10000x1xf32>
    %add3A = arith.addf %get3A_3, %get3A_8 : vector<10000x1xf32>
    %max3A = arith.constant 1.000000e+00 : f32
    %max3A_9 = vector.broadcast %max3A : f32 to vector<10000x1xf32>
    %max3A_10 = arith.maximumf %add3A, %max3A_9 : vector<10000x1xf32>
    %rsqrt3A = math.rsqrt %max3A_10 : vector<10000x1xf32>
    %swap3A = arith.constant 0 : index
    %swap3A_11 = arith.constant 0 : index
    %swap3A_12 = vector.load %arg8[%swap3A, %swap3A_11] : memref<10000x1xf32, #tpu.memory_space<vmem>>, vector<10000x1xf32>
    tpu.vector_store %arg8[%swap3A, %swap3A_11], %rsqrt3A {strides = array<i32>} : memref<10000x1xf32, #tpu.memory_space<vmem>>, vector<10000x1xf32>,
    %get3A_13 = arith.constant 0 : index
    %get3A_14 = arith.constant 0 : index
    %get3A_15 = vector.load %arg1[%get3A_13, %get3A_14] : memref<10000x128xf32, #tpu.memory_space<vmem>>, vector<10000x128xf32>
    %get3A_16 = arith.constant 0 : index
    %get3A_17 = arith.constant 0 : index
    %get3A_18 = vector.load %arg2[%get3A_16, %get3A_17] : memref<128x128xf32, #tpu.memory_space<vmem>>, vector<128x128xf32>
    %dot_general3A = arith.constant dense<0.000000e+00> : vector<10000x128xf32>
    %dot_general3A_19 = tpu.matmul %get3A_15, %get3A_18, %dot_general3A {dimension_numbers = #tpu.dot_dimension_numbers<[1], [0], [0], [1], [0, 0, 1, 1], [], []>, transpose_lhs_hint = false} : vector<10000x128xf32>, vector<128x128xf32>, vector<10000x128xf32> -> vector<10000x128xf32>
    %get3A_20 = arith.constant 0 : index
    %get3A_21 = vector.load %arg4[%get3A_20] : memref<128xf32, #tpu.memory_space<vmem>>, vector<128xf32>
    %broadcast_in_dim3A = vector.shape_cast %get3A_21 : vector<128xf32> to vector<1x128xf32>
    %add3A_22 = vector.broadcast %broadcast_in_dim3A : vector<1x128xf32> to vector<10000x128xf32>
    %add3A_23 = arith.addf %dot_general3A_19, %add3A_22 : vector<10000x128xf32>
    %swap3A_24 = arith.constant 0 : index
    %swap3A_25 = arith.constant 0 : index
    %swap3A_26 = vector.load %arg6[%swap3A_24, %swap3A_25] : memref<10000x128xf32, #tpu.memory_space<vmem>>, vector<10000x128xf32>
    tpu.vector_store %arg6[%swap3A_24, %swap3A_25], %add3A_23 {strides = array<i32>} : memref<10000x128xf32, #tpu.memory_space<vmem>>, vector<10000x128xf32>,
    %get3A_27 = arith.constant 0 : index
    %get3A_28 = arith.constant 0 : index
    %get3A_29 = vector.load %arg3[%get3A_27, %get3A_28] : memref<128x128xf32, #tpu.memory_space<vmem>>, vector<128x128xf32>
    %dot_general3A_30 = arith.constant dense<0.000000e+00> : vector<10000x128xf32>
    %dot_general3A_31 = tpu.matmul %get3A_15, %get3A_29, %dot_general3A_30 {dimension_numbers = #tpu.dot_dimension_numbers<[1], [0], [0], [1], [0, 0, 1, 1], [], []>, transpose_lhs_hint = false} : vector<10000x128xf32>, vector<128x128xf32>, vector<10000x128xf32> -> vector<10000x128xf32>
    %mul3A = vector.broadcast %rsqrt3A : vector<10000x1xf32> to vector<10000x128xf32>
    %mul3A_32 = arith.mulf %dot_general3A_31, %mul3A : vector<10000x128xf32>
    %swap3A_33 = arith.constant 0 : index
    %swap3A_34 = arith.constant 0 : index
    %swap3A_35 = vector.load %arg7[%swap3A_33, %swap3A_34] : memref<10000x128xf32, #tpu.memory_space<vmem>>, vector<10000x128xf32>
    tpu.vector_store %arg7[%swap3A_33, %swap3A_34], %mul3A_32 {strides = array<i32>} : memref<10000x128xf32, #tpu.memory_space<vmem>>, vector<10000x128xf32>,
    return
  }
  func.func @transform_0(%arg0: i32) -> (i32, i32) {
    %c0_i32 = arith.constant 0 : i32
    %c0_i32_0 = arith.constant 0 : i32
    return %arg0, %c0_i32 : i32, i32
  }
  func.func @transform_1(%arg0: i32) -> (i32, i32) {
    %c0_i32 = arith.constant 0 : i32
    %c0_i32_0 = arith.constant 0 : i32
    %c0_i32_1 = arith.constant 0 : i32
    return %c0_i32, %c0_i32_0 : i32, i32
  }
  func.func @transform_2(%arg0: i32) -> (i32, i32) {
    %c0_i32 = arith.constant 0 : i32
    %c0_i32_0 = arith.constant 0 : i32
    %c0_i32_1 = arith.constant 0 : i32
    return %c0_i32, %c0_i32_0 : i32, i32
  }
  func.func @transform_3(%arg0: i32) -> i32 {
    %c0_i32 = arith.constant 0 : i32
    %c0_i32_0 = arith.constant 0 : i32
    return %c0_i32 : i32
  }
  func.func @transform_4(%arg0: i32) -> (i32, i32, i32) {
    %c0_i32 = arith.constant 0 : i32
    %c0_i32_0 = arith.constant 0 : i32
    %c0_i32_1 = arith.constant 0 : i32
    return %c0_i32, %arg0, %c0_i32_0 : i32, i32, i32
  }
  func.func @transform_5(%arg0: i32) -> (i32, i32) {
    %c0_i32 = arith.constant 0 : i32
    %c0_i32_0 = arith.constant 0 : i32
    return %arg0, %c0_i32 : i32, i32
  }
  func.func @transform_6(%arg0: i32) -> (i32, i32) {
    %c0_i32 = arith.constant 0 : i32
    %c0_i32_0 = arith.constant 0 : i32
    return %arg0, %c0_i32 : i32, i32
  }
  func.func @transform_7(%arg0: i32) -> (i32, i32) {
    %c0_i32 = arith.constant 0 : i32
    %c0_i32_0 = arith.constant 0 : i32
    return %arg0, %c0_i32 : i32, i32
  }
}

module attributes {stable_mosaic.version = 14 : i64} {
  func.func @_mid_body(%arg0: i32, %arg1: memref<10000x128xf32, #tpu.memory_space<vmem>>, %arg2: memref<2x10000x128xf32, #tpu.memory_space<vmem>>, %arg3: memref<10000x1xf32, #tpu.memory_space<vmem>>, %arg4: memref<128x128xf32, #tpu.memory_space<vmem>>, %arg5: memref<128x128xf32, #tpu.memory_space<vmem>>, %arg6: memref<128xf32, #tpu.memory_space<vmem>>, %arg7: memref<10000x128xf32, #tpu.memory_space<vmem>>, %arg8: memref<10000x128xf32, #tpu.memory_space<vmem>>) attributes {dimension_semantics = [#tpu.dimension_semantics<arbitrary>], iteration_bounds = array<i64: 1>, scalar_prefetch = 0 : i64, scratch_operands = 0 : i64, tpu.core_type = #tpu.core_type<tc>, window_params = [{transform_indices = @transform_0, window_bounds = array<i64: 10000, 128>}, {transform_indices = @transform_1, window_bounds = array<i64: 2, 10000, 128>}, {transform_indices = @transform_2, window_bounds = array<i64: 10000, 1>}, {pipeline_mode = #tpu.pipeline_mode<synchronous>, transform_indices = @transform_3, window_bounds = array<i64: 128, 128>}, {pipeline_mode = #tpu.pipeline_mode<synchronous>, transform_indices = @transform_4, window_bounds = array<i64: 128, 128>}, {pipeline_mode = #tpu.pipeline_mode<synchronous>, transform_indices = @transform_5, window_bounds = array<i64: 128>}, {transform_indices = @transform_6, window_bounds = array<i64: 10000, 128>}, {transform_indices = @transform_7, window_bounds = array<i64: 10000, 128>}]} {
    %get3A = arith.constant 0 : index
    %get3A_0 = arith.constant 0 : index
    %get3A_1 = vector.load %arg3[%get3A, %get3A_0] : memref<10000x1xf32, #tpu.memory_space<vmem>>, vector<10000x1xf32>
    %get3A_2 = arith.constant 0 : index
    %get3A_3 = arith.constant 0 : index
    %get3A_4 = vector.load %arg1[%get3A_2, %get3A_3] : memref<10000x128xf32, #tpu.memory_space<vmem>>, vector<10000x128xf32>
    %get3A_5 = arith.constant 0 : index
    %get3A_6 = arith.constant 0 : index
    %get3A_7 = arith.constant 0 : index
    %get3A_8 = vector.load %arg2[%get3A_5, %get3A_6, %get3A_7] : memref<2x10000x128xf32, #tpu.memory_space<vmem>>, vector<1x10000x128xf32>
    %get3A_9 = vector.shape_cast %get3A_8 : vector<1x10000x128xf32> to vector<10000x128xf32>
    %get3A_10 = arith.constant 1 : index
    %get3A_11 = arith.constant 0 : index
    %get3A_12 = arith.constant 0 : index
    %get3A_13 = vector.load %arg2[%get3A_10, %get3A_11, %get3A_12] : memref<2x10000x128xf32, #tpu.memory_space<vmem>>, vector<1x10000x128xf32>
    %get3A_14 = vector.shape_cast %get3A_13 : vector<1x10000x128xf32> to vector<10000x128xf32>
    %add3A = arith.addf %get3A_9, %get3A_14 : vector<10000x128xf32>
    %mul3A = vector.broadcast %get3A_1 : vector<10000x1xf32> to vector<10000x128xf32>
    %mul3A_15 = arith.mulf %add3A, %mul3A : vector<10000x128xf32>
    %sub3A = arith.subf %get3A_4, %mul3A_15 : vector<10000x128xf32>
    %tanh3A = math.tanh %sub3A : vector<10000x128xf32>
    %get3A_16 = arith.constant 0 : index
    %get3A_17 = arith.constant 0 : index
    %get3A_18 = vector.load %arg4[%get3A_16, %get3A_17] : memref<128x128xf32, #tpu.memory_space<vmem>>, vector<128x128xf32>
    %dot_general3A = arith.constant dense<0.000000e+00> : vector<10000x128xf32>
    %dot_general3A_19 = tpu.matmul %tanh3A, %get3A_18, %dot_general3A {dimension_numbers = #tpu.dot_dimension_numbers<[1], [0], [0], [1], [0, 0, 1, 1], [], []>, transpose_lhs_hint = false} : vector<10000x128xf32>, vector<128x128xf32>, vector<10000x128xf32> -> vector<10000x128xf32>
    %get3A_20 = arith.constant 0 : index
    %get3A_21 = vector.load %arg6[%get3A_20] : memref<128xf32, #tpu.memory_space<vmem>>, vector<128xf32>
    %broadcast_in_dim3A = vector.shape_cast %get3A_21 : vector<128xf32> to vector<1x128xf32>
    %add3A_22 = vector.broadcast %broadcast_in_dim3A : vector<1x128xf32> to vector<10000x128xf32>
    %add3A_23 = arith.addf %dot_general3A_19, %add3A_22 : vector<10000x128xf32>
    %swap3A = arith.constant 0 : index
    %swap3A_24 = arith.constant 0 : index
    %swap3A_25 = vector.load %arg7[%swap3A, %swap3A_24] : memref<10000x128xf32, #tpu.memory_space<vmem>>, vector<10000x128xf32>
    tpu.vector_store %arg7[%swap3A, %swap3A_24], %add3A_23 {strides = array<i32>} : memref<10000x128xf32, #tpu.memory_space<vmem>>, vector<10000x128xf32>,
    %get3A_26 = arith.constant 0 : index
    %get3A_27 = arith.constant 0 : index
    %get3A_28 = vector.load %arg5[%get3A_26, %get3A_27] : memref<128x128xf32, #tpu.memory_space<vmem>>, vector<128x128xf32>
    %dot_general3A_29 = arith.constant dense<0.000000e+00> : vector<10000x128xf32>
    %dot_general3A_30 = tpu.matmul %tanh3A, %get3A_28, %dot_general3A_29 {dimension_numbers = #tpu.dot_dimension_numbers<[1], [0], [0], [1], [0, 0, 1, 1], [], []>, transpose_lhs_hint = false} : vector<10000x128xf32>, vector<128x128xf32>, vector<10000x128xf32> -> vector<10000x128xf32>
    %mul3A_31 = vector.broadcast %get3A_1 : vector<10000x1xf32> to vector<10000x128xf32>
    %mul3A_32 = arith.mulf %dot_general3A_30, %mul3A_31 : vector<10000x128xf32>
    %swap3A_33 = arith.constant 0 : index
    %swap3A_34 = arith.constant 0 : index
    %swap3A_35 = vector.load %arg8[%swap3A_33, %swap3A_34] : memref<10000x128xf32, #tpu.memory_space<vmem>>, vector<10000x128xf32>
    tpu.vector_store %arg8[%swap3A_33, %swap3A_34], %mul3A_32 {strides = array<i32>} : memref<10000x128xf32, #tpu.memory_space<vmem>>, vector<10000x128xf32>,
    return
  }
  func.func @transform_0(%arg0: i32) -> (i32, i32) {
    %c0_i32 = arith.constant 0 : i32
    %c0_i32_0 = arith.constant 0 : i32
    return %arg0, %c0_i32 : i32, i32
  }
  func.func @transform_1(%arg0: i32) -> (i32, i32, i32) {
    %c0_i32 = arith.constant 0 : i32
    %c0_i32_0 = arith.constant 0 : i32
    %c0_i32_1 = arith.constant 0 : i32
    return %c0_i32, %arg0, %c0_i32_0 : i32, i32, i32
  }
  func.func @transform_2(%arg0: i32) -> (i32, i32) {
    %c0_i32 = arith.constant 0 : i32
    %c0_i32_0 = arith.constant 0 : i32
    return %arg0, %c0_i32 : i32, i32
  }
  func.func @transform_3(%arg0: i32) -> (i32, i32) {
    %c0_i32 = arith.constant 0 : i32
    %c0_i32_0 = arith.constant 0 : i32
    %c0_i32_1 = arith.constant 0 : i32
    return %c0_i32, %c0_i32_0 : i32, i32
  }
  func.func @transform_4(%arg0: i32) -> (i32, i32) {
    %c0_i32 = arith.constant 0 : i32
    %c0_i32_0 = arith.constant 0 : i32
    %c0_i32_1 = arith.constant 0 : i32
    return %c0_i32, %c0_i32_0 : i32, i32
  }
  func.func @transform_5(%arg0: i32) -> i32 {
    %c0_i32 = arith.constant 0 : i32
    %c0_i32_0 = arith.constant 0 : i32
    return %c0_i32 : i32
  }
  func.func @transform_6(%arg0: i32) -> (i32, i32) {
    %c0_i32 = arith.constant 0 : i32
    %c0_i32_0 = arith.constant 0 : i32
    return %arg0, %c0_i32 : i32, i32
  }
  func.func @transform_7(%arg0: i32) -> (i32, i32) {
    %c0_i32 = arith.constant 0 : i32
    %c0_i32_0 = arith.constant 0 : i32
    return %arg0, %c0_i32 : i32, i32
  }
}

module attributes {stable_mosaic.version = 14 : i64} {
  func.func @_final_body(%arg0: i32, %arg1: memref<10000x128xf32, #tpu.memory_space<vmem>>, %arg2: memref<2x10000x128xf32, #tpu.memory_space<vmem>>, %arg3: memref<10000x1xf32, #tpu.memory_space<vmem>>, %arg4: memref<10000x128xf32, #tpu.memory_space<vmem>>) attributes {dimension_semantics = [#tpu.dimension_semantics<arbitrary>], iteration_bounds = array<i64: 1>, scalar_prefetch = 0 : i64, scratch_operands = 0 : i64, tpu.core_type = #tpu.core_type<tc>, window_params = [{transform_indices = @transform_0, window_bounds = array<i64: 10000, 128>}, {transform_indices = @transform_1, window_bounds = array<i64: 2, 10000, 128>}, {transform_indices = @transform_2, window_bounds = array<i64: 10000, 1>}, {transform_indices = @transform_3, window_bounds = array<i64: 10000, 128>}]} {
    %get3A = arith.constant 0 : index
    %get3A_0 = arith.constant 0 : index
    %get3A_1 = vector.load %arg1[%get3A, %get3A_0] : memref<10000x128xf32, #tpu.memory_space<vmem>>, vector<10000x128xf32>
    %get3A_2 = arith.constant 0 : index
    %get3A_3 = arith.constant 0 : index
    %get3A_4 = arith.constant 0 : index
    %get3A_5 = vector.load %arg2[%get3A_2, %get3A_3, %get3A_4] : memref<2x10000x128xf32, #tpu.memory_space<vmem>>, vector<1x10000x128xf32>
    %get3A_6 = vector.shape_cast %get3A_5 : vector<1x10000x128xf32> to vector<10000x128xf32>
    %get3A_7 = arith.constant 1 : index
    %get3A_8 = arith.constant 0 : index
    %get3A_9 = arith.constant 0 : index
    %get3A_10 = vector.load %arg2[%get3A_7, %get3A_8, %get3A_9] : memref<2x10000x128xf32, #tpu.memory_space<vmem>>, vector<1x10000x128xf32>
    %get3A_11 = vector.shape_cast %get3A_10 : vector<1x10000x128xf32> to vector<10000x128xf32>
    %add3A = arith.addf %get3A_6, %get3A_11 : vector<10000x128xf32>
    %get3A_12 = arith.constant 0 : index
    %get3A_13 = arith.constant 0 : index
    %get3A_14 = vector.load %arg3[%get3A_12, %get3A_13] : memref<10000x1xf32, #tpu.memory_space<vmem>>, vector<10000x1xf32>
    %mul3A = vector.broadcast %get3A_14 : vector<10000x1xf32> to vector<10000x128xf32>
    %mul3A_15 = arith.mulf %add3A, %mul3A : vector<10000x128xf32>
    %sub3A = arith.subf %get3A_1, %mul3A_15 : vector<10000x128xf32>
    %swap3A = arith.constant 0 : index
    %swap3A_16 = arith.constant 0 : index
    %swap3A_17 = vector.load %arg4[%swap3A, %swap3A_16] : memref<10000x128xf32, #tpu.memory_space<vmem>>, vector<10000x128xf32>
    tpu.vector_store %arg4[%swap3A, %swap3A_16], %sub3A {strides = array<i32>} : memref<10000x128xf32, #tpu.memory_space<vmem>>, vector<10000x128xf32>,
    return
  }
  func.func @transform_0(%arg0: i32) -> (i32, i32) {
    %c0_i32 = arith.constant 0 : i32
    %c0_i32_0 = arith.constant 0 : i32
    return %arg0, %c0_i32 : i32, i32
  }
  func.func @transform_1(%arg0: i32) -> (i32, i32, i32) {
    %c0_i32 = arith.constant 0 : i32
    %c0_i32_0 = arith.constant 0 : i32
    %c0_i32_1 = arith.constant 0 : i32
    return %c0_i32, %arg0, %c0_i32_0 : i32, i32, i32
  }
  func.func @transform_2(%arg0: i32) -> (i32, i32) {
    %c0_i32 = arith.constant 0 : i32
    %c0_i32_0 = arith.constant 0 : i32
    return %arg0, %c0_i32 : i32, i32
  }
  func.func @transform_3(%arg0: i32) -> (i32, i32) {
    %c0_i32 = arith.constant 0 : i32
    %c0_i32_0 = arith.constant 0 : i32
    return %arg0, %c0_i32 : i32, i32
  }
}

</mosaic_0001>

<sc_bundles>
// kernel: kernel.10.cloned.1.call-start
scs
__scs_entry_jumppad:
0x0: {  	(pc) =	sbr.rel $0x88, $3  }
0x1: {  	(tag) =	ssettag $0x0;
	lr =	simm.s32 $0x1  }
0x2: {  	[smem:$0x3F96] =	sst lr;
	_ =	strace $0xD0000000  }
0x3: {  	_ = 	snop  }
0x4: {  	_ = 	snop  }
0x5: {  	_ = 	snop  }
0x6: {  	_ = 	snop  }
0x7: {  	_ = 	snop  }
__scs_overlays_trampoline_lowered:
0x8: {  	[smem:$0x3FA5] =	sst s0  }
0x9: {  	[smem:$0x3FA6] =	sst s1  }
0xa: {  	[smem:$0x3FA7] =	sst s2  }
0xb: {  	[smem:$0x3FA8] =	sst s3  }
0xc: {  	[smem:$0x3FA9] =	sst s4  }
0xd: {  	[smem:$0x3FAA] =	sst s5  }
0xe: {  	[smem:$0x3FAB] =	sst s6  }
0xf: {  	[smem:$0x3FAC] =	sst s7  }
0x10: {  	[smem:$0x3FAD] =	sst s8  }
0x11: {  	[smem:$0x3FAE] =	sst s9;
	s0 =	simm.s32 @!p0 $0x0  }
0x12: {  	s1 =	sld [smem:$0x3F94];
	s0 =	simm.s32 @p0 $0x1  }
0x13: {  	[smem:$0x3FAF] =	sst s0;
	s0 =	simm.s32 @!p1 $0x0  }
0x14: {  	s2 =	sld [smem:$0x3F93];
	s0 =	simm.s32 @p1 $0x1  }
0x15: {  	[smem:$0x3FB0] =	sst s0;
	s0 =	simm.s32 @!p2 $0x0  }
0x16: {  	s3 =	sld [smem:$0x3FDB];
	s0 =	simm.s32 @p2 $0x1  }
0x17: {  	s4 =	simm.s32 $0x1BF5;
	[smem:$0x3FB2] =	sst s0  }
0x18: {  	s0 =	sld [smem:$0x3F95];
	_ =	swait.ge [sflag:s4], $0x0  }
0x19: {  	s7 =	sld [smem:$0x3F96]  }
0x1a: {  	s8 =	sadd.s32 $0xFFFFE003, lr  }
0x1b: {  	s9 =	sadd.s32 $0xFFFFFEF7, lr;
	s5 =	simm.s32 $0xFFFFFFFF;
	p2 =	slt.u32 s8, $0xFFFFF086  }
0x1c: {  	p1 =	slt.u32 s9, $0xF7A;
	s5 =	simm.s32 @!p2 $0x0  }
0x1d: {  	s5 =	simm.s32 @p1 $0x1;
	p0 =	seq.s32 s7, s2  }
0x1e: {  	s7 =	smul.u32 @!p0 $0xF7A, s2;
	p2 =	seq.s32 @!p0 s5, $0x0  }
0x1f: {  	s9 =	smul.u32 $0xF7A, s1;
	s8 =	simm.s32 @!p0 $0x1BF5;
	p2 =	por !p2, p0  }
0x20: {  	[sflag:s8] =	ssyncset.s32 @!p0 $0xFFFFF086;
	s6 =	sadd.s32 @!p0 s3, s7;
	s7 =	simm.s32 @!p0 $0x108  }
0x21: {  	s3 =	sadd.s32 s3, s9;
	s6 =	sadd.s32 @!p0 $0x88, s6;
	s7 =	simm.s32 @p2 $0x1082  }
0x22: {  	[simem:s7], [sflag:s8] =	dma.local @!p0 [hbm:s6], $0xF7A  }
0x23: {  	s9 =	sor.u32 $0xD0000000, s2;
	s6 =	simm.s32 $0x108;
	_ =	swait.ge @!p0 [sflag:s8], $0x0  }
0x24: {  	s3 =	sadd.s32 $0x88, s3;
	s6 =	simm.s32 @!p1 $0x1082;
	[sflag:s4] =	ssyncset.s32 $0xFFFFF086  }
0x25: {  	[simem:s6], [sflag:s4] =	dma.local [hbm:s3], $0xF7A  }
0x26: {  	[smem:$0x3F96] =	sst s1;
	(tag) =	ssettag s2;
	_ =	strace s9  }
0x27: {  	s1 =	sld [smem:$0x3FA6]  }
0x28: {  	s2 =	sld [smem:$0x3FA7]  }
0x29: {  	s4 =	sld [smem:$0x3FA9]  }
0x2a: {  	p0 =	seq.s32 s5, $0x0;
	s5 =	sld [smem:$0x3FAA]  }
0x2b: {  	s6 =	sld [smem:$0x3FAB]  }
0x2c: {  	s7 =	sld [smem:$0x3FAC]  }
0x2d: {  	s3 =	simm.s32 $0x108;
	s8 =	sld [smem:$0x3FAD]  }
0x2e: {  	s3 =	simm.s32 @!p0 $0x1082;
	s9 =	sld [smem:$0x3FAE]  }
0x2f: {  	lr =	sadd.s32 s0, s3;
	s0 =	sld [smem:$0x3FA5]  }
0x30: {  	s3 =	sld [smem:$0x3FA8]  }
0x31: {  	[smem:$0x3FB1] =	sst s10  }
0x32: {  	s10 =	sld [smem:$0x3FAF];
	_ =	sdelay $0x3  }
0x33: {  	p0 =	seq.s32 s10, $0x1;
	s10 =	sld [smem:$0x3FB1];
	_ =	sdelay $0x3  }
0x34: {  	[smem:$0x3FB1] =	sst s10  }
0x35: {  	s10 =	sld [smem:$0x3FB0];
	_ =	sdelay $0x3  }
0x36: {  	p1 =	seq.s32 s10, $0x1;
	s10 =	sld [smem:$0x3FB1];
	_ =	sdelay $0x3  }
0x37: {  	[smem:$0x3FB1] =	sst s10  }
0x38: {  	s10 =	sld [smem:$0x3FB2]  }
0x39: {  	_ = 	snop;
	(pc) =	sbr.ind lr, $3  }
0x3a: {  	_ = 	snop  }
0x3b: {  	_ = 	snop  }
0x3c: {  	p2 =	seq.s32 s10, $0x1;
	s10 =	sld [smem:$0x3FB1]  }
0x3d: {  	_ =	shalt  }
0x3e: {  	_ =	shalt  }
0x3f: {  	_ =	shalt  }
0x40: {  	_ =	shalt  }
0x41: {  	_ =	shalt  }
0x42: {  	_ =	shalt  }
0x43: {  	_ =	shalt  }
0x44: {  	_ =	shalt  }
0x45: {  	_ =	shalt  }
0x46: {  	_ =	shalt  }
0x47: {  	_ =	shalt  }
0x48: {  	_ =	shalt  }
0x49: {  	_ =	shalt  }
0x4a: {  	_ =	shalt  }
0x4b: {  	_ =	shalt  }
0x4c: {  	_ =	shalt  }
0x4d: {  	_ =	shalt  }
0x4e: {  	_ =	shalt  }
0x4f: {  	_ =	shalt  }
0x50: {  	_ =	shalt  }
0x51: {  	_ =	shalt  }
0x52: {  	_ =	shalt  }
0x53: {  	_ =	shalt  }
0x54: {  	_ =	shalt  }
0x55: {  	_ =	shalt  }
0x56: {  	_ =	shalt  }
0x57: {  	_ =	shalt  }
0x58: {  	_ =	shalt  }
0x59: {  	_ =	shalt  }
0x5a: {  	_ =	shalt  }
0x5b: {  	_ =	shalt  }
0x5c: {  	_ =	shalt  }
0x5d: {  	_ =	shalt  }
0x5e: {  	_ =	shalt  }
0x5f: {  	_ =	shalt  }
0x60: {  	_ =	shalt  }
0x61: {  	_ =	shalt  }
0x62: {  	_ =	shalt  }
0x63: {  	_ =	shalt  }
0x64: {  	_ =	shalt  }
0x65: {  	_ =	shalt  }
0x66: {  	_ =	shalt  }
0x67: {  	_ =	shalt  }
0x68: {  	_ =	shalt  }
0x69: {  	_ =	shalt  }
0x6a: {  	_ =	shalt  }
0x6b: {  	_ =	shalt  }
0x6c: {  	_ =	shalt  }
0x6d: {  	_ =	shalt  }
0x6e: {  	_ =	shalt  }
0x6f: {  	_ =	shalt  }
0x70: {  	_ =	shalt  }
0x71: {  	_ =	shalt  }
0x72: {  	_ =	shalt  }
0x73: {  	_ =	shalt  }
0x74: {  	_ =	shalt  }
0x75: {  	_ =	shalt  }
0x76: {  	_ =	shalt  }
0x77: {  	_ =	shalt  }
0x78: {  	_ =	shalt  }
0x79: {  	_ =	shalt  }
0x7a: {  	_ =	shalt  }
0x7b: {  	_ =	shalt  }
0x7c: {  	_ =	shalt  }
0x7d: {  	_ =	shalt  }
0x7e: {  	_ =	shalt  }
0x7f: {  	_ =	shalt  }
0x80: {  	_ =	shalt  }
0x81: {  	_ =	shalt  }
0x82: {  	_ =	shalt  }
0x83: {  	_ =	shalt  }
0x84: {  	_ =	shalt  }
0x85: {  	_ =	shalt  }
0x86: {  	_ =	shalt  }
0x87: {  	_ =	shalt  }
.Lfunc_end0:
.L_simem_size_0:
called_computation_lowered:
.L_overlay_start_0:
0x88: {  	s2 =	sld [smem:$0x3FD9]  }
0x89: {  	s3 =	sld [smem:$0x3FFE];
	_ =	sdelay $0x1  }
0x8a: {  	s1 =	srdreg.scid  }
0x8b: {  	s0 =	sand.u32 $0x1, s1  }
0x8c: {  	s17 =	sshll.u32 s0, $0xA;
	s2 =	sadd.s32 s3, s2  }
0x8d: {  	s2 =	sadd.s32 s2, s17  }
0x8e: {  	[smem:$0x3FBD] =	sst s2  }
0x8f: {  	_ = 	snop  }
0x90: {  	s2 =	sld [smem:$0x3FD0];
	(tm) =	ssettm $0x1  }
0x91: {  	s18 =	sld [smem:$0x3FFB];
	_ =	sdelay $0x3  }
0x92: {  	_ =	strace s18  }
0x93: {  	s3 =	sld [smem:$0x3FFC];
	_ =	sdelay $0x3  }
0x94: {  	_ =	strace s3  }
0x95: {  	s3 =	sld [smem:$0x3FFD];
	_ =	sdelay $0x3  }
0x96: {  	_ =	strace s3  }
0x97: {  	_ =	strace $0x8FFFFFFF  }
0x98: {  	s19 =	sld [smem:$0x3FDB];
	_ =	sdelay $0x1  }
0x99: {  	s4 =	simm.s32 $_scs_section_size  }
0x9a: {  	s5 =	simm.s32 $_size__tile_overlayer_lowered;
	s6 =	simm.s32 $_tile_overlayer_lowered  }
0x9b: {  	s22 =	simm.s32 $0x1BFF;
	s21 =	sshll.u32 s6, $0x1;
	s3 =	sadd.s32 s4, s19  }
0x9c: {  	s7 =	simm.s32 $0x0;
	s20 =	sshll.u32 s5, $0x1;
	s5 =	sadd.s32 s21, s3  }
0x9d: {  	[timem:s7], [sflag:s22] =	dma.local [hbm:s5], s20  }
0x9e: {  	_ =	swait.ge [sflag:s22], s20  }
0x9f: {  	s4 =	ssub.s32 $0x0, s20;
	[sflag:s22] =	ssyncset.done $0x0  }
0xa0: {  	[sflag:s22] =	ssyncadd.s32 s4;
	_ =	sdelay $0x1  }
0xa1: {  	s23 =	simm.s32 $0x1B8B  }
0xa2: {  	_ =	swait.ge [sflag:s23], $0x1  }
0xa3: {  	[sflag:s23] =	ssyncset.done $0x0  }
0xa4: {  	s25 =	simm.s32 $0x1B8E;
	s24 =	sld [smem:$0x3FFE];
	[sflag:s23] =	ssyncadd.s32 $0xFFFFFFFF  }
0xa5: {  	s26 =	simm.s32 $execute0_lowered;
	[smem:$0x3FD2] =	sst s25  }
0xa6: {  	s5 =	sshll.u32 s26, $0x1;
	_ =	strace $0x80000046;
	[dreg:$0x1] =	wrdreg $0xFFFFFFFF  }
0xa7: {  	s28 =	simm.s32 $_size_execute0_lowered;
	s3 =	sadd.s32 s3, s5;
	[dreg:$0x0] =	wrdreg $0x0  }
0xa8: {  	s5 =	sshll.u32 s28, $0x1;
	[dreg:$0x2] =	wrdreg s3  }
0xa9: {  	[dreg:$0x3] =	wrdreg s5  }
0xaa: {  	[dreg:$0x4] =	wrdreg $0xC0  }
0xab: {  	_ =	task [dreg:s7], $0x5FFFF  }
0xac: {  	[dreg:$0x1] =	wrdreg $0xFFFFFFFF  }
0xad: {  	[dreg:$0x0] =	wrdreg $0x60  }
0xae: {  	[dreg:$0x2] =	wrdreg s2  }
0xaf: {  	[dreg:$0x3] =	wrdreg s24  }
0xb0: {  	[dreg:$0x4] =	wrdreg $0x80800  }
0xb1: {  	[dreg:$0x5] =	wrdreg $0x9  }
0xb2: {  	_ =	task.clear_ibuf [dreg:s7], $0x6FFFF;
	_ =	strace $0x90000046  }
0xb3: {  	s29 =	simm.s32 $0x9;
	_ =	strace $0x80000048  }
0xb4: {  	_ =	swait.ge [sflag:s29], $0x1  }
0xb5: {  	[sflag:s29] =	ssyncadd.s32 $0xFFFFFFFF  }
0xb6: {  	_ =	strace $0x90000048  }
0xb7: {  	_ =	sfence  }
0xb8: {  	s30 =	sld [smem:$0x0];
	_ =	sdelay $0x2  }
0xb9: {  	s31 =	sshll.u32 s1, $0xD;
	s1 =	sshrl.u32 s1, $0x2  }
0xba: {  	s3 =	sand.u32 $0x4000, s31;
	s1 =	sadd.s32 s1, s30  }
0xbb: {  	s0 =	sor.u32 s3, s0;
	s1 =	sshll.u32 s1, $0x11  }
0xbc: {  	s0 =	sor.u32 s1, s0  }
0xbd: {  	s0 =	sadd.s32 $0x8F2B, s0  }
0xbe: {  	[sflag:s0] =	ssyncadd.remote.s32 $0x1  }
0xbf: {  	_ =	sfence.sel $0xFFFF  }
0xc0: {  	[dreg:$0x0] =	wrdreg $0xFFFFFFFF;
	(pc) =	sbr.abs _section_cstart, $3  }
0xc1: {  	[dreg:$0x1] =	wrdreg $0xFFFFFFFF  }
0xc2: {  	_ =	task.clear_ibuf [dreg:s7], $0x2FFFF;
	_ =	strace $0x9FFFFFFF  }
0xc3: {  	(tm) =	ssettm $0x7FFFFFFF  }
tec
execute0_lowered:
.L_overlay_start_1:
0x0: {  	(tag) =	ssettag $0x1  }
0x1: {  	s4 =	rddreg [dreg:$0x0]  }
0x2: {  	s5 =	rddreg [dreg:$0x1]  }
0x3: {  	s2 =	rddreg [dreg:$0x2];
	s3 =	srdreg.scid  }
0x4: {  	s0 =	rddreg [dreg:$0x3];
	s1 =	stileid.u32  }
0x5: {  	s11 =	simm.s32 $0x80;
	s12 =	simm.s32 $0x8000;
	s6 =	sand.u32 $0x1, s3  }
0x6: {  	s3 =	simm.s32 $0x0;
	s7 =	sshll.u32 s1, $0xA;
	s10 =	sshll.u32 s1, $0xB  }
0x7: {  	s13 =	sshll.u32 s1, $0x6;
	s8 =	sshll.u32 s6, $0xE;
	[smem:$0x7FF] =	sst s3  }
0x8: {  	s9 =	ssub.s32 $0x2, s6;
	s31 =	sshll.u32 s6, $0xF;
	s4 =	sadd.s32 s4, s10  }
0x9: {  	s6 =	sor.u32 $0x4000, s7;
	s10 =	simm.s32 $0x4000;
	s8 =	sor.u32 s7, s8  }
0xa: {  	v0 =	vlaneseq.u32;
	s13 =	sor.u32 $0x1C01, s13;
	_ =	strace $0x80000047;
	s8 =	sshrl.u32 s8, $0x3  }
0xb: {  	v1 =	vimm.f32 $0.0e+00;
	v9 =	vimm.f32 $1.000000000e+00;
	v2 =	vor.u32 $0x10, v0;
	s30 =	sshrl.u32 s9, $0x1;
	s4 =	sadd.s32 s31, s4;
	s8 =	sadd.s32 s8, s5  }
0xc: {  	v3 =	vor.u32 $0x20, v0;
	v4 =	vor.u32 $0x30, v0;
	v5 =	vor.u32 $0x40, v0;
	s9 =	ssub.s32 s9, s30;
	s5 =	sadd.s32 s7, s2;
	s7 =	sadd.s32 $0x3000, s8  }
0xd: {  	v6 =	vor.u32 $0x50, v0;
	v7 =	vor.u32 $0x60, v0;
	v8 =	vor.u32 $0x70, v0;
	s8 =	smax.u32 s9, $0x1;
	s9 =	simm.s32 $0x1;
	s14 =	sshrl.u32 s5, $0x3  }
.LBB2_1:
0xe: {  	s15 =	simm.s32 $0x0;
	s16 =	simm.s32 $0x200  }
.LBB2_2:
0xf: {  	p0 =	sne.s32 s16, $0xFE00;
	[tilespmem:s15+$0x4070] =	vst v1  }
0x10: {  	[tilespmem:s15+$0x4000] =	vst v1  }
0x11: {  	[tilespmem:s15+$0x4010] =	vst v1  }
.Ltmp0:
0x12: {  	[tilespmem:s15+$0x4020] =	vst v1;
	(pc) =	sbr.rel @p0 .LBB2_2-.Ltmp0, $4  }
0x13: {  	[tilespmem:s15+$0x4030] =	vst v1  }
0x14: {  	[tilespmem:s15+$0x4040] =	vst v1  }
0x15: {  	[tilespmem:s15+$0x4050] =	vst v1  }
0x16: {  	[tilespmem:s15+$0x4060] =	vst v1;
	s15 =	sshra.s32 s16, $0x2;
	s16 =	sadd.s32 $0x200, s16  }
0x17: {  	[tilespmem:s15+$0x4070] =	vst v1  }
0x18: {  	[tilespmem:s15+$0x4000] =	vst v1  }
0x19: {  	[tilespmem:s15+$0x4010] =	vst v1  }
0x1a: {  	[tilespmem:s15+$0x4020] =	vst v1  }
0x1b: {  	[tilespmem:s15+$0x4030] =	vst v1  }
0x1c: {  	[tilespmem:s15+$0x4040] =	vst v1  }
0x1d: {  	[tilespmem:s15+$0x4050] =	vst v1  }
0x1e: {  	[tilespmem:s15+$0x4060] =	vst v1  }
0x1f: {  	[tilespmem:$0x8000] =	vst v0  }
0x20: {  	[tilespmem:$0x8010] =	vst v2  }
0x21: {  	[tilespmem:$0x8020] =	vst v3  }
0x22: {  	[tilespmem:$0x8030] =	vst v4  }
0x23: {  	[tilespmem:$0x8040] =	vst v5  }
0x24: {  	[tilespmem:$0x8050] =	vst v6  }
0x25: {  	[tilespmem:$0x8060] =	vst v7  }
0x26: {  	s15 =	simm.s32 $0x0;
	[tilespmem:$0x8070] =	vst v8  }
0x27: {  	[tilespmem:s15], [sflag:$0x1] =	stream.linear.gather [hbm4b:s4+s15], $0x4000, $0x38;
	[tilespmem:$0x8480] =	vst v63  }
0x28: {  	_ =	swait.ge [sflag:s9], $0x4000  }
0x29: {  	[sflag:s9] =	ssyncset.done $0x0  }
0x2a: {  	[sflag:s9] =	ssyncadd.s32 $0xFFFFC000  }
0x2b: {  	[spmem:s5] =	stream.linear.scatter [tilespmem:s6], [sflag:$0x1], $0x400, $0x38;
	[tilespmem:$0x8480] =	vst v63  }
0x2c: {  	_ =	swait.ge [sflag:s9], $0x400  }
0x2d: {  	[sflag:s9] =	ssyncset.done $0x0  }
0x2e: {  	[sflag:s9] =	ssyncadd.s32 $0xFFFFFC00  }
0x2f: {  	[bflag:$0x0] =	sbarrier.arrive $0xFFFF  }
.LBB2_4:
0x30: {  	s16 =	sshra.s32 s15, $0x2  }
0x31: {  	v10 =	vld [tilespmem:s16+$0x0];
	_ =	sdelay $0x7  }
0x32: {  	[tilespmem:v10+s10+$0x0] =	vst.idx.add.f32.msk $0xffff, v9  }
0x33: {  	v10 =	vld [tilespmem:s16+$0x10];
	_ =	sdelay $0x7  }
0x34: {  	[tilespmem:v10+s10+$0x0] =	vst.idx.add.f32.msk $0xffff, v9  }
0x35: {  	v10 =	vld [tilespmem:s16+$0x20];
	_ =	sdelay $0x7  }
0x36: {  	[tilespmem:v10+s10+$0x0] =	vst.idx.add.f32.msk $0xffff, v9  }
0x37: {  	v10 =	vld [tilespmem:s16+$0x30];
	_ =	sdelay $0x7  }
0x38: {  	[tilespmem:v10+s10+$0x0] =	vst.idx.add.f32.msk $0xffff, v9  }
0x39: {  	v10 =	vld [tilespmem:s16+$0x40];
	_ =	sdelay $0x7  }
0x3a: {  	[tilespmem:v10+s10+$0x0] =	vst.idx.add.f32.msk $0xffff, v9  }
0x3b: {  	v10 =	vld [tilespmem:s16+$0x50];
	_ =	sdelay $0x7  }
0x3c: {  	[tilespmem:v10+s10+$0x0] =	vst.idx.add.f32.msk $0xffff, v9  }
0x3d: {  	v10 =	vld [tilespmem:s16+$0x60];
	_ =	sdelay $0x7  }
0x3e: {  	[tilespmem:v10+s10+$0x0] =	vst.idx.add.f32.msk $0xffff, v9  }
0x3f: {  	v10 =	vld [tilespmem:s16+$0x70];
	_ =	sdelay $0x2  }
0x40: {  	p0 =	sne.s32 s15, $0xFE00  }
.Ltmp1:
0x41: {  	_ = 	snop;
	(pc) =	sbr.rel @p0 .LBB2_4-.Ltmp1, $2  }
0x42: {  	_ =	sdelay $0x2  }
0x43: {  	s15 =	sadd.s32 $0x200, s15;
	[tilespmem:v10+s10+$0x0] =	vst.idx.add.f32.msk $0xffff, v9  }
0x44: {  	[spmem:s2] =	stream.indirect.scatter.add.f32 [tilespmem:s10], [sflag:$0x1], $0x80, s12, s11, $0xb8;
	[tilespmem:$0x8480] =	vst v63  }
0x45: {  	_ =	swait.ge [sflag:s9], $0x4000  }
0x46: {  	s3 =	sadd.s32 $0x1, s3;
	[sflag:s9] =	ssyncset.done $0x0  }
0x47: {  	p0 =	sne.s32 s3, s8;
	[sflag:s9] =	ssyncadd.s32 $0xFFFFC000  }
.Ltmp2:
0x48: {  	[bflag:$0x0] =	sbarrier.arrive $0xFFFF;
	(pc) =	sbr.rel @p0 .LBB2_1-.Ltmp2, $4  }
0x49: {  	[hbm:s7], [sflag:s13] =	dma.local [spmem:s14], $0x80  }
0x4a: {  	_ =	swait.ge [sflag:s9], $0x80  }
0x4b: {  	[sflag:s9] =	ssyncset.done $0x0  }
0x4c: {  	[sflag:s9] =	ssyncadd.s32 $0xFFFFFF80  }
0x4d: {  	_ =	sfence.sel $0x180000  }
0x4e: {  	[bflag:$0x0] =	sbarrier.arrive $0xFFFF  }
0x4f: {  	p0 =	sne.s32 s1, $0x0;
	_ =	strace $0x90000047  }
0x50: {  	s0 =	sadd.s32 @!p0 $0x100000, s0;
	[bflag:$0x2] =	sbarrier.arrive $0xFFFF  }
0x51: {  	[sflag:s0] =	ssyncadd.tile.s32 @!p0 $0x1;
	_ =	shalt  }
.Lfunc_end2:
_tile_overlayer_lowered:
.L_overlay_start_2:
0x52: {  	(tag) =	ssettag $0x2  }
0x53: {  	s0 =	rddreg [dreg:$0x0];
	s2 =	stileid.u32  }
0x54: {  	s1 =	rddreg [dreg:$0x1];
	p0 =	sne.s32 s2, $0x0  }
0x55: {  	s3 =	rddreg [dreg:$0x2];
	[bflag:$0x3] =	sbarrier.arrive $0xFFFF;
	s2 =	simm.s32 @!p0 $0x1C01  }
0x56: {  	[timem:s3], [sflag:s2] =	dma.local @!p0 [hbm:s0], s1  }
0x57: {  	s0 =	simm.s32 @!p0 $0x1  }
0x58: {  	_ =	swait.ge @!p0 [sflag:s0], s1  }
0x59: {  	s1 =	ssub.s32 @!p0 $0x0, s1;
	[sflag:s0] =	ssyncset.done @!p0 $0x0  }
0x5a: {  	[sflag:s0] =	ssyncadd.s32 @!p0 s1  }
0x5b: {  	[bflag:$0x3] =	sbarrier.arrive $0xFFFF  }
0x5c: {  	_ =	shalt  }

// kernel: kernel.13.cloned.1.call-start
scs
__scs_entry_jumppad:
0x0: {  	(pc) =	sbr.rel $0x88, $3  }
0x1: {  	(tag) =	ssettag $0x0;
	lr =	simm.s32 $0x1  }
0x2: {  	[smem:$0x3F96] =	sst lr;
	_ =	strace $0xD0000000  }
0x3: {  	_ = 	snop  }
0x4: {  	_ = 	snop  }
0x5: {  	_ = 	snop  }
0x6: {  	_ = 	snop  }
0x7: {  	_ = 	snop  }
__scs_overlays_trampoline_lowered:
0x8: {  	[smem:$0x3FA5] =	sst s0  }
0x9: {  	[smem:$0x3FA6] =	sst s1  }
0xa: {  	[smem:$0x3FA7] =	sst s2  }
0xb: {  	[smem:$0x3FA8] =	sst s3  }
0xc: {  	[smem:$0x3FA9] =	sst s4  }
0xd: {  	[smem:$0x3FAA] =	sst s5  }
0xe: {  	[smem:$0x3FAB] =	sst s6  }
0xf: {  	[smem:$0x3FAC] =	sst s7  }
0x10: {  	[smem:$0x3FAD] =	sst s8  }
0x11: {  	[smem:$0x3FAE] =	sst s9;
	s0 =	simm.s32 @!p0 $0x0  }
0x12: {  	s1 =	sld [smem:$0x3F94];
	s0 =	simm.s32 @p0 $0x1  }
0x13: {  	[smem:$0x3FAF] =	sst s0;
	s0 =	simm.s32 @!p1 $0x0  }
0x14: {  	s2 =	sld [smem:$0x3F93];
	s0 =	simm.s32 @p1 $0x1  }
0x15: {  	[smem:$0x3FB0] =	sst s0;
	s0 =	simm.s32 @!p2 $0x0  }
0x16: {  	s3 =	sld [smem:$0x3FDB];
	s0 =	simm.s32 @p2 $0x1  }
0x17: {  	s4 =	simm.s32 $0x1BF5;
	[smem:$0x3FB2] =	sst s0  }
0x18: {  	s0 =	sld [smem:$0x3F95];
	_ =	swait.ge [sflag:s4], $0x0  }
0x19: {  	s7 =	sld [smem:$0x3F96]  }
0x1a: {  	s8 =	sadd.s32 $0xFFFFE003, lr  }
0x1b: {  	s9 =	sadd.s32 $0xFFFFFEF7, lr;
	s5 =	simm.s32 $0xFFFFFFFF;
	p2 =	slt.u32 s8, $0xFFFFF086  }
0x1c: {  	p1 =	slt.u32 s9, $0xF7A;
	s5 =	simm.s32 @!p2 $0x0  }
0x1d: {  	s5 =	simm.s32 @p1 $0x1;
	p0 =	seq.s32 s7, s2  }
0x1e: {  	s7 =	smul.u32 @!p0 $0xF7A, s2;
	p2 =	seq.s32 @!p0 s5, $0x0  }
0x1f: {  	s9 =	smul.u32 $0xF7A, s1;
	s8 =	simm.s32 @!p0 $0x1BF5;
	p2 =	por !p2, p0  }
0x20: {  	[sflag:s8] =	ssyncset.s32 @!p0 $0xFFFFF086;
	s6 =	sadd.s32 @!p0 s3, s7;
	s7 =	simm.s32 @!p0 $0x108  }
0x21: {  	s3 =	sadd.s32 s3, s9;
	s6 =	sadd.s32 @!p0 $0x88, s6;
	s7 =	simm.s32 @p2 $0x1082  }
0x22: {  	[simem:s7], [sflag:s8] =	dma.local @!p0 [hbm:s6], $0xF7A  }
0x23: {  	s9 =	sor.u32 $0xD0000000, s2;
	s6 =	simm.s32 $0x108;
	_ =	swait.ge @!p0 [sflag:s8], $0x0  }
0x24: {  	s3 =	sadd.s32 $0x88, s3;
	s6 =	simm.s32 @!p1 $0x1082;
	[sflag:s4] =	ssyncset.s32 $0xFFFFF086  }
0x25: {  	[simem:s6], [sflag:s4] =	dma.local [hbm:s3], $0xF7A  }
0x26: {  	[smem:$0x3F96] =	sst s1;
	(tag) =	ssettag s2;
	_ =	strace s9  }
0x27: {  	s1 =	sld [smem:$0x3FA6]  }
0x28: {  	s2 =	sld [smem:$0x3FA7]  }
0x29: {  	s4 =	sld [smem:$0x3FA9]  }
0x2a: {  	p0 =	seq.s32 s5, $0x0;
	s5 =	sld [smem:$0x3FAA]  }
0x2b: {  	s6 =	sld [smem:$0x3FAB]  }
0x2c: {  	s7 =	sld [smem:$0x3FAC]  }
0x2d: {  	s3 =	simm.s32 $0x108;
	s8 =	sld [smem:$0x3FAD]  }
0x2e: {  	s3 =	simm.s32 @!p0 $0x1082;
	s9 =	sld [smem:$0x3FAE]  }
0x2f: {  	lr =	sadd.s32 s0, s3;
	s0 =	sld [smem:$0x3FA5]  }
0x30: {  	s3 =	sld [smem:$0x3FA8]  }
0x31: {  	[smem:$0x3FB1] =	sst s10  }
0x32: {  	s10 =	sld [smem:$0x3FAF];
	_ =	sdelay $0x3  }
0x33: {  	p0 =	seq.s32 s10, $0x1;
	s10 =	sld [smem:$0x3FB1];
	_ =	sdelay $0x3  }
0x34: {  	[smem:$0x3FB1] =	sst s10  }
0x35: {  	s10 =	sld [smem:$0x3FB0];
	_ =	sdelay $0x3  }
0x36: {  	p1 =	seq.s32 s10, $0x1;
	s10 =	sld [smem:$0x3FB1];
	_ =	sdelay $0x3  }
0x37: {  	[smem:$0x3FB1] =	sst s10  }
0x38: {  	s10 =	sld [smem:$0x3FB2]  }
0x39: {  	_ = 	snop;
	(pc) =	sbr.ind lr, $3  }
0x3a: {  	_ = 	snop  }
0x3b: {  	_ = 	snop  }
0x3c: {  	p2 =	seq.s32 s10, $0x1;
	s10 =	sld [smem:$0x3FB1]  }
0x3d: {  	_ =	shalt  }
0x3e: {  	_ =	shalt  }
0x3f: {  	_ =	shalt  }
0x40: {  	_ =	shalt  }
0x41: {  	_ =	shalt  }
0x42: {  	_ =	shalt  }
0x43: {  	_ =	shalt  }
0x44: {  	_ =	shalt  }
0x45: {  	_ =	shalt  }
0x46: {  	_ =	shalt  }
0x47: {  	_ =	shalt  }
0x48: {  	_ =	shalt  }
0x49: {  	_ =	shalt  }
0x4a: {  	_ =	shalt  }
0x4b: {  	_ =	shalt  }
0x4c: {  	_ =	shalt  }
0x4d: {  	_ =	shalt  }
0x4e: {  	_ =	shalt  }
0x4f: {  	_ =	shalt  }
0x50: {  	_ =	shalt  }
0x51: {  	_ =	shalt  }
0x52: {  	_ =	shalt  }
0x53: {  	_ =	shalt  }
0x54: {  	_ =	shalt  }
0x55: {  	_ =	shalt  }
0x56: {  	_ =	shalt  }
0x57: {  	_ =	shalt  }
0x58: {  	_ =	shalt  }
0x59: {  	_ =	shalt  }
0x5a: {  	_ =	shalt  }
0x5b: {  	_ =	shalt  }
0x5c: {  	_ =	shalt  }
0x5d: {  	_ =	shalt  }
0x5e: {  	_ =	shalt  }
0x5f: {  	_ =	shalt  }
0x60: {  	_ =	shalt  }
0x61: {  	_ =	shalt  }
0x62: {  	_ =	shalt  }
0x63: {  	_ =	shalt  }
0x64: {  	_ =	shalt  }
0x65: {  	_ =	shalt  }
0x66: {  	_ =	shalt  }
0x67: {  	_ =	shalt  }
0x68: {  	_ =	shalt  }
0x69: {  	_ =	shalt  }
0x6a: {  	_ =	shalt  }
0x6b: {  	_ =	shalt  }
0x6c: {  	_ =	shalt  }
0x6d: {  	_ =	shalt  }
0x6e: {  	_ =	shalt  }
0x6f: {  	_ =	shalt  }
0x70: {  	_ =	shalt  }
0x71: {  	_ =	shalt  }
0x72: {  	_ =	shalt  }
0x73: {  	_ =	shalt  }
0x74: {  	_ =	shalt  }
0x75: {  	_ =	shalt  }
0x76: {  	_ =	shalt  }
0x77: {  	_ =	shalt  }
0x78: {  	_ =	shalt  }
0x79: {  	_ =	shalt  }
0x7a: {  	_ =	shalt  }
0x7b: {  	_ =	shalt  }
0x7c: {  	_ =	shalt  }
0x7d: {  	_ =	shalt  }
0x7e: {  	_ =	shalt  }
0x7f: {  	_ =	shalt  }
0x80: {  	_ =	shalt  }
0x81: {  	_ =	shalt  }
0x82: {  	_ =	shalt  }
0x83: {  	_ =	shalt  }
0x84: {  	_ =	shalt  }
0x85: {  	_ =	shalt  }
0x86: {  	_ =	shalt  }
0x87: {  	_ =	shalt  }
.Lfunc_end0:
.L_simem_size_0:
called_computation.1_lowered:
.L_overlay_start_0:
0x88: {  	s2 =	sld [smem:$0x3FD9]  }
0x89: {  	s3 =	sld [smem:$0x3FFE];
	_ =	sdelay $0x1  }
0x8a: {  	s1 =	srdreg.scid  }
0x8b: {  	s0 =	sand.u32 $0x1, s1  }
0x8c: {  	s17 =	sshll.u32 s0, $0xA;
	s2 =	sadd.s32 s3, s2  }
0x8d: {  	s2 =	sadd.s32 s2, s17  }
0x8e: {  	[smem:$0x3FBD] =	sst s2  }
0x8f: {  	_ = 	snop  }
0x90: {  	s2 =	sld [smem:$0x3FD0];
	(tm) =	ssettm $0x1  }
0x91: {  	s18 =	sld [smem:$0x3FFB];
	_ =	sdelay $0x3  }
0x92: {  	_ =	strace s18  }
0x93: {  	s3 =	sld [smem:$0x3FFC];
	_ =	sdelay $0x3  }
0x94: {  	_ =	strace s3  }
0x95: {  	s3 =	sld [smem:$0x3FFD];
	_ =	sdelay $0x3  }
0x96: {  	_ =	strace s3  }
0x97: {  	_ =	strace $0x8FFFFFFF  }
0x98: {  	s19 =	sld [smem:$0x3FDB];
	_ =	sdelay $0x1  }
0x99: {  	s4 =	simm.s32 $_scs_section_size  }
0x9a: {  	s5 =	simm.s32 $_size__tile_overlayer_lowered;
	s6 =	simm.s32 $_tile_overlayer_lowered  }
0x9b: {  	s22 =	simm.s32 $0x1BFF;
	s21 =	sshll.u32 s6, $0x1;
	s3 =	sadd.s32 s4, s19  }
0x9c: {  	s7 =	simm.s32 $0x0;
	s20 =	sshll.u32 s5, $0x1;
	s5 =	sadd.s32 s21, s3  }
0x9d: {  	[timem:s7], [sflag:s22] =	dma.local [hbm:s5], s20  }
0x9e: {  	_ =	swait.ge [sflag:s22], s20  }
0x9f: {  	s4 =	ssub.s32 $0x0, s20;
	[sflag:s22] =	ssyncset.done $0x0  }
0xa0: {  	[sflag:s22] =	ssyncadd.s32 s4;
	_ =	sdelay $0x1  }
0xa1: {  	s23 =	simm.s32 $0x1B8B  }
0xa2: {  	_ =	swait.ge [sflag:s23], $0x1  }
0xa3: {  	[sflag:s23] =	ssyncset.done $0x0  }
0xa4: {  	s25 =	simm.s32 $0x1B8E;
	s24 =	sld [smem:$0x3FFE];
	[sflag:s23] =	ssyncadd.s32 $0xFFFFFFFF  }
0xa5: {  	s26 =	simm.s32 $execute0_lowered;
	[smem:$0x3FD2] =	sst s25  }
0xa6: {  	s5 =	sshll.u32 s26, $0x1;
	_ =	strace $0x80000049;
	[dreg:$0x1] =	wrdreg $0xFFFFFFFF  }
0xa7: {  	s28 =	simm.s32 $_size_execute0_lowered;
	s3 =	sadd.s32 s3, s5;
	[dreg:$0x0] =	wrdreg $0x0  }
0xa8: {  	s5 =	sshll.u32 s28, $0x1;
	[dreg:$0x2] =	wrdreg s3  }
0xa9: {  	[dreg:$0x3] =	wrdreg s5  }
0xaa: {  	[dreg:$0x4] =	wrdreg $0xC0  }
0xab: {  	_ =	task [dreg:s7], $0x5FFFF  }
0xac: {  	[dreg:$0x1] =	wrdreg $0xFFFFFFFF  }
0xad: {  	[dreg:$0x0] =	wrdreg $0x60  }
0xae: {  	[dreg:$0x2] =	wrdreg s2  }
0xaf: {  	[dreg:$0x3] =	wrdreg s24  }
0xb0: {  	[dreg:$0x4] =	wrdreg $0xBC000  }
0xb1: {  	[dreg:$0x5] =	wrdreg $0x9  }
0xb2: {  	_ =	task.clear_ibuf [dreg:s7], $0x6FFFF;
	_ =	strace $0x90000049  }
0xb3: {  	s29 =	simm.s32 $0x9;
	_ =	strace $0x8000004B  }
0xb4: {  	_ =	swait.ge [sflag:s29], $0x1  }
0xb5: {  	[sflag:s29] =	ssyncadd.s32 $0xFFFFFFFF  }
0xb6: {  	_ =	strace $0x9000004B  }
0xb7: {  	_ =	sfence  }
0xb8: {  	s30 =	sld [smem:$0x0];
	_ =	sdelay $0x2  }
0xb9: {  	s31 =	sshll.u32 s1, $0xD;
	s1 =	sshrl.u32 s1, $0x2  }
0xba: {  	s3 =	sand.u32 $0x4000, s31;
	s1 =	sadd.s32 s1, s30  }
0xbb: {  	s0 =	sor.u32 s3, s0;
	s1 =	sshll.u32 s1, $0x11  }
0xbc: {  	s0 =	sor.u32 s1, s0  }
0xbd: {  	s0 =	sadd.s32 $0x8F2B, s0  }
0xbe: {  	[sflag:s0] =	ssyncadd.remote.s32 $0x1  }
0xbf: {  	_ =	sfence.sel $0xFFFF  }
0xc0: {  	[dreg:$0x0] =	wrdreg $0xFFFFFFFF;
	(pc) =	sbr.abs _section_cstart, $3  }
0xc1: {  	[dreg:$0x1] =	wrdreg $0xFFFFFFFF  }
0xc2: {  	_ =	task.clear_ibuf [dreg:s7], $0x2FFFF;
	_ =	strace $0x9FFFFFFF  }
0xc3: {  	(tm) =	ssettm $0x7FFFFFFF  }
tec
execute0_lowered:
.L_overlay_start_1:
0x0: {  	(tag) =	ssettag $0x1  }
0x1: {  	s0 =	rddreg [dreg:$0x0]  }
0x2: {  	s1 =	rddreg [dreg:$0x1]  }
0x3: {  	s2 =	srdreg.scid;
	s9 =	stileid.u32  }
0x4: {  	s3 =	rddreg [dreg:$0x2];
	s10 =	simm.s32 $0x0;
	s7 =	smul.u32 $0x50000, s9  }
0x5: {  	s2 =	sand.u32 $0x1, s2;
	s5 =	smul.u32 $0x14000, s9;
	[smem:$0x7FF] =	sst s10  }
0x6: {  	s4 =	smul.u32 $0x140000, s2;
	_ =	strace $0x8000004A;
	s7 =	sshrl.u32 s7, $0x2  }
0x7: {  	s30 =	ssub.s32 $0x2, s2;
	s2 =	sshll.u32 s2, $0x4;
	s7 =	sadd.s32 s7, s3  }
0x8: {  	s2 =	sor.u32 s9, s2;
	s9 =	sadd.s32 $0x1000, s7;
	[dreg:$0x5] =	wrdreg s7  }
0x9: {  	s11 =	sadd.s32 $0x1800, s7;
	[dreg:$0x9] =	wrdreg s9  }
0xa: {  	s12 =	sadd.s32 $0x2000, s7;
	[dreg:$0xa] =	wrdreg s11  }
0xb: {  	s13 =	sadd.s32 $0x2800, s7;
	[dreg:$0xb] =	wrdreg s12  }
0xc: {  	s14 =	sadd.s32 $0x3000, s7;
	[dreg:$0xc] =	wrdreg s13  }
0xd: {  	s15 =	sadd.s32 $0x3800, s7;
	[dreg:$0xd] =	wrdreg s14  }
0xe: {  	s16 =	sadd.s32 $0x4000, s7;
	[dreg:$0xe] =	wrdreg s15  }
0xf: {  	s17 =	sadd.s32 $0x4800, s7;
	[dreg:$0xf] =	wrdreg s16  }
0x10: {  	s18 =	sadd.s32 $0x5000, s7;
	[dreg:$0x10] =	wrdreg s17  }
0x11: {  	s19 =	sadd.s32 $0x5800, s7;
	[dreg:$0x11] =	wrdreg s18  }
0x12: {  	s20 =	sadd.s32 $0x6000, s7;
	[dreg:$0x12] =	wrdreg s19  }
0x13: {  	s6 =	sadd.s32 $0x4000, s1;
	s21 =	sadd.s32 $0x6800, s7;
	[dreg:$0x13] =	wrdreg s20  }
0x14: {  	s8 =	sshrl.u32 s30, $0x1;
	s22 =	sadd.s32 $0x7000, s7;
	[dreg:$0x14] =	wrdreg s21  }
0x15: {  	s4 =	sadd.s32 s5, s4;
	s23 =	sadd.s32 $0x7800, s7;
	[dreg:$0x15] =	wrdreg s22  }
0x16: {  	s5 =	sadd.s32 $0x1D000, s1;
	s24 =	sadd.s32 $0x8000, s7;
	[dreg:$0x16] =	wrdreg s23  }
0x17: {  	s4 =	sshrl.u32 s4, $0x3;
	s25 =	sadd.s32 $0x8800, s7;
	[dreg:$0x17] =	wrdreg s24  }
0x18: {  	s26 =	sadd.s32 $0x9000, s7;
	s1 =	sadd.s32 s4, s1;
	[dreg:$0x18] =	wrdreg s25  }
0x19: {  	s4 =	ssub.s32 s30, s8;
	[dreg:$0x19] =	wrdreg s26;
	s30 =	sadd.s32 $0x9800, s7  }
0x1a: {  	s9 =	sadd.s32 $0xB000, s7;
	[dreg:$0x1a] =	wrdreg s30  }
0x1b: {  	s11 =	sadd.s32 $0xB800, s7;
	[dreg:$0x1d] =	wrdreg s9  }
0x1c: {  	s12 =	sadd.s32 $0xC000, s7;
	[dreg:$0x1e] =	wrdreg s11  }
0x1d: {  	s13 =	sadd.s32 $0xC800, s7;
	[dreg:$0x1f] =	wrdreg s12  }
0x1e: {  	s14 =	sadd.s32 $0xD000, s7;
	[smem:$0x7EF] =	sst s13  }
0x1f: {  	s15 =	sadd.s32 $0xD800, s7;
	[smem:$0x7F0] =	sst s14  }
0x20: {  	s16 =	sadd.s32 $0xE000, s7;
	[smem:$0x7F1] =	sst s15  }
0x21: {  	s17 =	sadd.s32 $0xE800, s7;
	[smem:$0x7F2] =	sst s16  }
0x22: {  	s18 =	sadd.s32 $0xF000, s7;
	[smem:$0x7F3] =	sst s17  }
0x23: {  	s19 =	sadd.s32 $0xF800, s7;
	[smem:$0x7F4] =	sst s18  }
0x24: {  	s20 =	sadd.s32 $0x10000, s7;
	[smem:$0x7F5] =	sst s19  }
0x25: {  	s21 =	sadd.s32 $0x10800, s7;
	[smem:$0x7F6] =	sst s20  }
0x26: {  	s28 =	simm.s32 $0x6;
	s22 =	sadd.s32 $0x11000, s7;
	[smem:$0x7F7] =	sst s21  }
0x27: {  	s29 =	simm.s32 $0x7;
	s23 =	sadd.s32 $0x11800, s7;
	[smem:$0x7F8] =	sst s22  }
0x28: {  	s31 =	simm.s32 $0x32;
	s24 =	sadd.s32 $0x12000, s7;
	[smem:$0x7F9] =	sst s23  }
0x29: {  	s8 =	smul.u32 $0x6400, s2;
	s25 =	sadd.s32 $0x12800, s7;
	[smem:$0x7FA] =	sst s24  }
0x2a: {  	s26 =	sadd.s32 $0x13000, s7;
	s1 =	sadd.s32 $0x36000, s1;
	[smem:$0x7FB] =	sst s25  }
0x2b: {  	s2 =	smax.u32 s4, $0x1;
	s4 =	sadd.s32 $0x800, s7;
	[smem:$0x7FC] =	sst s26  }
0x2c: {  	s30 =	sadd.s32 $0x13800, s7;
	s26 =	simm.s32 $0xB400;
	s9 =	simm.s32 $0x4400  }
0x2d: {  	s11 =	simm.s32 $0x6000;
	s12 =	simm.s32 $0x180;
	s13 =	simm.s32 $0x7C00  }
0x2e: {  	s14 =	simm.s32 $0x200;
	s15 =	simm.s32 $0x9800;
	s16 =	simm.s32 $0x1  }
0x2f: {  	s17 =	simm.s32 $0x2;
	s18 =	simm.s32 $0x3;
	[dreg:$0x6] =	wrdreg s1  }
0x30: {  	s19 =	simm.s32 $0x4;
	s20 =	simm.s32 $0x5;
	[dreg:$0x7] =	wrdreg s2  }
0x31: {  	s21 =	simm.s32 $0x2580;
	s22 =	simm.s32 $0x2600;
	[dreg:$0x8] =	wrdreg s4  }
0x32: {  	s23 =	simm.s32 $0x2680;
	s2 =	sadd.s32 $0xA000, s7;
	[smem:$0x7FD] =	sst s30  }
0x33: {  	s24 =	simm.s32 $0x2700;
	s4 =	sadd.s32 $0xA800, s7;
	[dreg:$0x1b] =	wrdreg s2  }
0x34: {  	v0 =	vimm.f32 $0.0e+00;
	s25 =	simm.s32 $0x2780;
	s1 =	simm.s32 $0x2800;
	[dreg:$0x1c] =	wrdreg s4  }
.LBB2_1:
0x35: {  	s2 =	simm.s32 $0x0;
	s4 =	simm.s32 $0x200  }
.LBB2_2:
0x36: {  	p0 =	sne.s32 s4, $0x1E00;
	[tilespmem:s2+$0xB470] =	vst v0  }
0x37: {  	[tilespmem:s2+$0xB400] =	vst v0  }
0x38: {  	[tilespmem:s2+$0xB410] =	vst v0  }
.Ltmp0:
0x39: {  	[tilespmem:s2+$0xB420] =	vst v0;
	(pc) =	sbr.rel @p0 .LBB2_2-.Ltmp0, $4  }
0x3a: {  	[tilespmem:s2+$0xB430] =	vst v0  }
0x3b: {  	[tilespmem:s2+$0xB440] =	vst v0  }
0x3c: {  	[tilespmem:s2+$0xB450] =	vst v0  }
0x3d: {  	[tilespmem:s2+$0xB460] =	vst v0;
	s2 =	sshra.s32 s4, $0x2;
	s4 =	sadd.s32 $0x200, s4  }
0x3e: {  	[tilespmem:s2+$0xB470] =	vst v0  }
0x3f: {  	[tilespmem:s2+$0xB400] =	vst v0  }
0x40: {  	[tilespmem:s2+$0xB410] =	vst v0  }
0x41: {  	[tilespmem:s2+$0xB420] =	vst v0  }
0x42: {  	[tilespmem:s2+$0xB430] =	vst v0  }
0x43: {  	[tilespmem:s2+$0xB440] =	vst v0  }
0x44: {  	[dreg:$0x4] =	wrdreg s10;
	[tilespmem:s2+$0xB450] =	vst v0  }
0x45: {  	[tilespmem:s2+$0xB460] =	vst v0;
	s10 =	rddreg [dreg:$0x9]  }
0x46: {  	[spmem:s7] =	stream.linear.scatter [tilespmem:s26], [sflag:$0x6], $0x800, $0x38;
	[tilespmem:$0x1FC00] =	vst v63  }
0x47: {  	s7 =	rddreg [dreg:$0x8]  }
0x48: {  	[spmem:s7] =	stream.linear.scatter [tilespmem:s26], [sflag:$0x6], $0x800, $0x38;
	[tilespmem:$0x1FC00] =	vst v63  }
0x49: {  	s30 =	rddreg [dreg:$0xa]  }
0x4a: {  	[spmem:s10] =	stream.linear.scatter [tilespmem:s26], [sflag:$0x6], $0x800, $0x38;
	[tilespmem:$0x1FC00] =	vst v63  }
0x4b: {  	s4 =	rddreg [dreg:$0xb]  }
0x4c: {  	[spmem:s30] =	stream.linear.scatter [tilespmem:s26], [sflag:$0x6], $0x800, $0x38;
	[tilespmem:$0x1FC00] =	vst v63  }
0x4d: {  	s7 =	rddreg [dreg:$0xc]  }
0x4e: {  	[spmem:s4] =	stream.linear.scatter [tilespmem:s26], [sflag:$0x6], $0x800, $0x38;
	[tilespmem:$0x1FC00] =	vst v63  }
0x4f: {  	s10 =	rddreg [dreg:$0xd]  }
0x50: {  	[spmem:s7] =	stream.linear.scatter [tilespmem:s26], [sflag:$0x6], $0x800, $0x38;
	[tilespmem:$0x1FC00] =	vst v63  }
0x51: {  	s30 =	rddreg [dreg:$0xe]  }
0x52: {  	[spmem:s10] =	stream.linear.scatter [tilespmem:s26], [sflag:$0x6], $0x800, $0x38;
	[tilespmem:$0x1FC00] =	vst v63  }
0x53: {  	s4 =	rddreg [dreg:$0xf]  }
0x54: {  	[spmem:s30] =	stream.linear.scatter [tilespmem:s26], [sflag:$0x6], $0x800, $0x38;
	[tilespmem:$0x1FC00] =	vst v63  }
0x55: {  	s7 =	rddreg [dreg:$0x10]  }
0x56: {  	[spmem:s4] =	stream.linear.scatter [tilespmem:s26], [sflag:$0x6], $0x800, $0x38;
	[tilespmem:$0x1FC00] =	vst v63  }
0x57: {  	s10 =	rddreg [dreg:$0x11]  }
0x58: {  	[spmem:s7] =	stream.linear.scatter [tilespmem:s26], [sflag:$0x6], $0x800, $0x38;
	[tilespmem:$0x1FC00] =	vst v63  }
0x59: {  	s30 =	rddreg [dreg:$0x12]  }
0x5a: {  	[spmem:s10] =	stream.linear.scatter [tilespmem:s26], [sflag:$0x6], $0x800, $0x38;
	[tilespmem:$0x1FC00] =	vst v63  }
0x5b: {  	s4 =	rddreg [dreg:$0x13]  }
0x5c: {  	[spmem:s30] =	stream.linear.scatter [tilespmem:s26], [sflag:$0x6], $0x800, $0x38;
	[tilespmem:$0x1FC00] =	vst v63  }
0x5d: {  	s7 =	rddreg [dreg:$0x14]  }
0x5e: {  	[spmem:s4] =	stream.linear.scatter [tilespmem:s26], [sflag:$0x6], $0x800, $0x38;
	[tilespmem:$0x1FC00] =	vst v63  }
0x5f: {  	s10 =	rddreg [dreg:$0x15]  }
0x60: {  	[spmem:s7] =	stream.linear.scatter [tilespmem:s26], [sflag:$0x6], $0x800, $0x38;
	[tilespmem:$0x1FC00] =	vst v63  }
0x61: {  	s30 =	rddreg [dreg:$0x16]  }
0x62: {  	[spmem:s10] =	stream.linear.scatter [tilespmem:s26], [sflag:$0x6], $0x800, $0x38;
	[tilespmem:$0x1FC00] =	vst v63  }
0x63: {  	s4 =	rddreg [dreg:$0x17]  }
0x64: {  	[spmem:s30] =	stream.linear.scatter [tilespmem:s26], [sflag:$0x6], $0x800, $0x38;
	[tilespmem:$0x1FC00] =	vst v63  }
0x65: {  	s7 =	rddreg [dreg:$0x18]  }
0x66: {  	[spmem:s4] =	stream.linear.scatter [tilespmem:s26], [sflag:$0x6], $0x800, $0x38;
	[tilespmem:$0x1FC00] =	vst v63  }
0x67: {  	s10 =	rddreg [dreg:$0x19]  }
0x68: {  	[spmem:s7] =	stream.linear.scatter [tilespmem:s26], [sflag:$0x6], $0x800, $0x38;
	[tilespmem:$0x1FC00] =	vst v63  }
0x69: {  	s30 =	rddreg [dreg:$0x1a]  }
0x6a: {  	[spmem:s10] =	stream.linear.scatter [tilespmem:s26], [sflag:$0x6], $0x800, $0x38;
	[tilespmem:$0x1FC00] =	vst v63  }
0x6b: {  	s4 =	rddreg [dreg:$0x1b]  }
0x6c: {  	[spmem:s30] =	stream.linear.scatter [tilespmem:s26], [sflag:$0x6], $0x800, $0x38;
	[tilespmem:$0x1FC00] =	vst v63  }
0x6d: {  	s7 =	rddreg [dreg:$0x1c]  }
0x6e: {  	[spmem:s4] =	stream.linear.scatter [tilespmem:s26], [sflag:$0x6], $0x800, $0x38;
	[tilespmem:$0x1FC00] =	vst v63  }
0x6f: {  	s10 =	rddreg [dreg:$0x1d]  }
0x70: {  	[spmem:s7] =	stream.linear.scatter [tilespmem:s26], [sflag:$0x6], $0x800, $0x38;
	[tilespmem:$0x1FC00] =	vst v63  }
0x71: {  	s30 =	rddreg [dreg:$0x1e]  }
0x72: {  	[spmem:s10] =	stream.linear.scatter [tilespmem:s26], [sflag:$0x6], $0x800, $0x38;
	[tilespmem:$0x1FC00] =	vst v63  }
0x73: {  	s4 =	rddreg [dreg:$0x1f]  }
0x74: {  	[spmem:s30] =	stream.linear.scatter [tilespmem:s26], [sflag:$0x6], $0x800, $0x38;
	[tilespmem:$0x1FC00] =	vst v63  }
0x75: {  	s7 =	sld [smem:$0x7EF]  }
0x76: {  	[spmem:s4] =	stream.linear.scatter [tilespmem:s26], [sflag:$0x6], $0x800, $0x38;
	[tilespmem:$0x1FC00] =	vst v63  }
0x77: {  	s10 =	sld [smem:$0x7F0]  }
0x78: {  	[spmem:s7] =	stream.linear.scatter [tilespmem:s26], [sflag:$0x6], $0x800, $0x38;
	[tilespmem:$0x1FC00] =	vst v63  }
0x79: {  	s30 =	sld [smem:$0x7F1]  }
0x7a: {  	[spmem:s10] =	stream.linear.scatter [tilespmem:s26], [sflag:$0x6], $0x800, $0x38;
	[tilespmem:$0x1FC00] =	vst v63  }
0x7b: {  	s4 =	sld [smem:$0x7F2]  }
0x7c: {  	[spmem:s30] =	stream.linear.scatter [tilespmem:s26], [sflag:$0x6], $0x800, $0x38;
	[tilespmem:$0x1FC00] =	vst v63  }
0x7d: {  	s7 =	sld [smem:$0x7F3]  }
0x7e: {  	[spmem:s4] =	stream.linear.scatter [tilespmem:s26], [sflag:$0x6], $0x800, $0x38;
	[tilespmem:$0x1FC00] =	vst v63  }
0x7f: {  	s10 =	sld [smem:$0x7F4]  }
0x80: {  	[spmem:s7] =	stream.linear.scatter [tilespmem:s26], [sflag:$0x6], $0x800, $0x38;
	[tilespmem:$0x1FC00] =	vst v63  }
0x81: {  	s30 =	sld [smem:$0x7F5]  }
0x82: {  	[spmem:s10] =	stream.linear.scatter [tilespmem:s26], [sflag:$0x6], $0x800, $0x38;
	[tilespmem:$0x1FC00] =	vst v63  }
0x83: {  	s4 =	sld [smem:$0x7F6]  }
0x84: {  	[spmem:s30] =	stream.linear.scatter [tilespmem:s26], [sflag:$0x6], $0x800, $0x38;
	[tilespmem:$0x1FC00] =	vst v63  }
0x85: {  	s7 =	sld [smem:$0x7F7]  }
0x86: {  	[spmem:s4] =	stream.linear.scatter [tilespmem:s26], [sflag:$0x6], $0x800, $0x38;
	[tilespmem:$0x1FC00] =	vst v63  }
0x87: {  	s10 =	sld [smem:$0x7F8]  }
0x88: {  	[spmem:s7] =	stream.linear.scatter [tilespmem:s26], [sflag:$0x6], $0x800, $0x38;
	[tilespmem:$0x1FC00] =	vst v63  }
0x89: {  	s30 =	sld [smem:$0x7F9]  }
0x8a: {  	[spmem:s10] =	stream.linear.scatter [tilespmem:s26], [sflag:$0x6], $0x800, $0x38;
	[tilespmem:$0x1FC00] =	vst v63  }
0x8b: {  	s4 =	sld [smem:$0x7FA]  }
0x8c: {  	[spmem:s30] =	stream.linear.scatter [tilespmem:s26], [sflag:$0x6], $0x800, $0x38;
	[tilespmem:$0x1FC00] =	vst v63  }
0x8d: {  	s7 =	sld [smem:$0x7FB]  }
0x8e: {  	[spmem:s4] =	stream.linear.scatter [tilespmem:s26], [sflag:$0x6], $0x800, $0x38;
	[tilespmem:$0x1FC00] =	vst v63  }
0x8f: {  	s10 =	sld [smem:$0x7FC]  }
0x90: {  	[spmem:s7] =	stream.linear.scatter [tilespmem:s26], [sflag:$0x6], $0x800, $0x38;
	[tilespmem:$0x1FC00] =	vst v63  }
0x91: {  	s30 =	sld [smem:$0x7FD]  }
0x92: {  	[spmem:s10] =	stream.linear.scatter [tilespmem:s26], [sflag:$0x6], $0x800, $0x38;
	[tilespmem:$0x1FC00] =	vst v63  }
0x93: {  	_ = 	snop  }
0x94: {  	[spmem:s30] =	stream.linear.scatter [tilespmem:s26], [sflag:$0x6], $0x800, $0x38;
	[tilespmem:$0x1FC00] =	vst v63  }
0x95: {  	_ =	swait.ge [sflag:s28], $0x800  }
0x96: {  	s2 =	simm.s32 $0x27;
	[sflag:s28] =	ssyncset.done $0x0  }
.LBB2_4:
0x97: {  	p0 =	sne.s32 s2, $0x1;
	s2 =	sadd.s32 $0xFFFFFFFF, s2;
	[sflag:s28] =	ssyncadd.s32 $0xFFFFF800  }
.Ltmp1:
0x98: {  	(pc) =	sbr.rel @p0 .LBB2_4-.Ltmp1, $3  }
0x99: {  	_ =	sdelay $0x1  }
0x9a: {  	_ =	swait.ge [sflag:s28], $0x800  }
0x9b: {  	[sflag:s28] =	ssyncset.done $0x0  }
0x9c: {  	[sflag:s28] =	ssyncadd.s32 $0xFFFFF800  }
0x9d: {  	s7 =	simm.s32 $0x0;
	s4 =	simm.s32 $0x0;
	[bflag:$0x0] =	sbarrier.arrive $0xFFFF  }
.LBB2_6:
0x9e: {  	s2 =	smul.u32 $0x1400, s4;
	_ =	sdelay $0x1  }
0x9f: {  	s2 =	sadd.s32 s8, s2  }
0xa0: {  	s2 =	sshrl.u32 s2, $0x3  }
0xa1: {  	s30 =	sadd.s32 s5, s2  }
0xa2: {  	[tilespmem:s7], [sflag:$0x7] =	stream.linear.gather [hbm4b:s30+s7], $0x1400, $0x38;
	[tilespmem:$0x1FC00] =	vst v63  }
0xa3: {  	_ =	swait.ge [sflag:s29], $0x1400  }
0xa4: {  	[sflag:s29] =	ssyncset.done $0x0  }
0xa5: {  	s10 =	simm.s32 $0x1400;
	s2 =	sadd.s32 s6, s2;
	[sflag:s29] =	ssyncadd.s32 $0xFFFFEC00  }
0xa6: {  	[tilespmem:s10], [sflag:$0x7] =	stream.linear.gather [hbm4b:s2+s7], $0x1400, $0x38;
	[tilespmem:$0x1FC00] =	vst v63  }
0xa7: {  	_ =	swait.ge [sflag:s29], $0x1400  }
0xa8: {  	[sflag:s29] =	ssyncset.done $0x0  }
0xa9: {  	[sflag:s29] =	ssyncadd.s32 $0xFFFFEC00  }
0xaa: {  	[tilespmem:s1], [sflag:$0x1] =	stream.indirect.gather [hbm4b:s0+s31], $0x80, s7, s31, $0xb8;
	[tilespmem:$0x1FC00] =	vst v63  }
0xab: {  	s10 =	simm.s32 $0x80  }
0xac: {  	[tilespmem:s9], [sflag:$0x2] =	stream.indirect.gather [hbm4b:s0+s31], $0x80, s10, s31, $0xb8;
	[tilespmem:$0x1FC00] =	vst v63  }
0xad: {  	s10 =	simm.s32 $0x100  }
0xae: {  	[tilespmem:s11], [sflag:$0x3] =	stream.indirect.gather [hbm4b:s0+s31], $0x80, s10, s31, $0xb8;
	[tilespmem:$0x1FC00] =	vst v63  }
0xaf: {  	_ = 	snop  }
0xb0: {  	[tilespmem:s13], [sflag:$0x4] =	stream.indirect.gather [hbm4b:s0+s31], $0x80, s12, s31, $0xb8;
	[tilespmem:$0x1FC00] =	vst v63  }
0xb1: {  	_ = 	snop  }
0xb2: {  	[tilespmem:s15], [sflag:$0x5] =	stream.indirect.gather [hbm4b:s0+s31], $0x80, s14, s31, $0xb8;
	[tilespmem:$0x1FC00] =	vst v63  }
0xb3: {  	_ =	swait.ge [sflag:s16], $0x1900  }
0xb4: {  	[sflag:s16] =	ssyncset.done $0x0  }
0xb5: {  	s10 =	simm.s32 $0x1400;
	[sflag:s16] =	ssyncadd.s32 $0xFFFFE700  }
0xb6: {  	[spmem:s3] =	stream.indirect.scatter.add.f32 [tilespmem:s1], [sflag:$0x7], $0x80, s10, s31, $0xb8;
	[tilespmem:$0x1FC00] =	vst v63  }
0xb7: {  	_ =	swait.ge [sflag:s29], $0x1900  }
0xb8: {  	[sflag:s29] =	ssyncset.done $0x0  }
0xb9: {  	s10 =	simm.s32 $0x280;
	[sflag:s29] =	ssyncadd.s32 $0xFFFFE700  }
0xba: {  	[tilespmem:s1], [sflag:$0x1] =	stream.indirect.gather [hbm4b:s0+s31], $0x80, s10, s31, $0xb8;
	[tilespmem:$0x1FC00] =	vst v63  }
0xbb: {  	_ =	swait.ge [sflag:s17], $0x1900  }
0xbc: {  	[sflag:s17] =	ssyncset.done $0x0  }
0xbd: {  	s10 =	simm.s32 $0x1480;
	[sflag:s17] =	ssyncadd.s32 $0xFFFFE700  }
0xbe: {  	[spmem:s3] =	stream.indirect.scatter.add.f32 [tilespmem:s9], [sflag:$0x7], $0x80, s10, s31, $0xb8;
	[tilespmem:$0x1FC00] =	vst v63  }
0xbf: {  	_ =	swait.ge [sflag:s29], $0x1900  }
0xc0: {  	[sflag:s29] =	ssyncset.done $0x0  }
0xc1: {  	s10 =	simm.s32 $0x300;
	[sflag:s29] =	ssyncadd.s32 $0xFFFFE700  }
0xc2: {  	[tilespmem:s9], [sflag:$0x2] =	stream.indirect.gather [hbm4b:s0+s31], $0x80, s10, s31, $0xb8;
	[tilespmem:$0x1FC00] =	vst v63  }
0xc3: {  	_ =	swait.ge [sflag:s18], $0x1900  }
0xc4: {  	[sflag:s18] =	ssyncset.done $0x0  }
0xc5: {  	s10 =	simm.s32 $0x1500;
	[sflag:s18] =	ssyncadd.s32 $0xFFFFE700  }
0xc6: {  	[spmem:s3] =	stream.indirect.scatter.add.f32 [tilespmem:s11], [sflag:$0x7], $0x80, s10, s31, $0xb8;
	[tilespmem:$0x1FC00] =	vst v63  }
0xc7: {  	_ =	swait.ge [sflag:s29], $0x1900  }
0xc8: {  	[sflag:s29] =	ssyncset.done $0x0  }
0xc9: {  	s10 =	simm.s32 $0x380;
	[sflag:s29] =	ssyncadd.s32 $0xFFFFE700  }
0xca: {  	[tilespmem:s11], [sflag:$0x3] =	stream.indirect.gather [hbm4b:s0+s31], $0x80, s10, s31, $0xb8;
	[tilespmem:$0x1FC00] =	vst v63  }
0xcb: {  	_ =	swait.ge [sflag:s19], $0x1900  }
0xcc: {  	[sflag:s19] =	ssyncset.done $0x0  }
0xcd: {  	s10 =	simm.s32 $0x1580;
	[sflag:s19] =	ssyncadd.s32 $0xFFFFE700  }
0xce: {  	[spmem:s3] =	stream.indirect.scatter.add.f32 [tilespmem:s13], [sflag:$0x7], $0x80, s10, s31, $0xb8;
	[tilespmem:$0x1FC00] =	vst v63  }
0xcf: {  	_ =	swait.ge [sflag:s29], $0x1900  }
0xd0: {  	[sflag:s29] =	ssyncset.done $0x0  }
0xd1: {  	s10 =	simm.s32 $0x400;
	[sflag:s29] =	ssyncadd.s32 $0xFFFFE700  }
0xd2: {  	[tilespmem:s13], [sflag:$0x4] =	stream.indirect.gather [hbm4b:s0+s31], $0x80, s10, s31, $0xb8;
	[tilespmem:$0x1FC00] =	vst v63  }
0xd3: {  	_ =	swait.ge [sflag:s20], $0x1900  }
0xd4: {  	[sflag:s20] =	ssyncset.done $0x0  }
0xd5: {  	s10 =	simm.s32 $0x1600;
	[sflag:s20] =	ssyncadd.s32 $0xFFFFE700  }
0xd6: {  	[spmem:s3] =	stream.indirect.scatter.add.f32 [tilespmem:s15], [sflag:$0x7], $0x80, s10, s31, $0xb8;
	[tilespmem:$0x1FC00] =	vst v63  }
0xd7: {  	_ =	swait.ge [sflag:s29], $0x1900  }
0xd8: {  	[sflag:s29] =	ssyncset.done $0x0  }
0xd9: {  	s30 =	simm.s32 $0xA00;
	s2 =	simm.s32 $0x480;
	[sflag:s29] =	ssyncadd.s32 $0xFFFFE700  }
.LBB2_7:
0xda: {  	[tilespmem:s15], [sflag:$0x5] =	stream.indirect.gather [hbm4b:s0+s31], $0x80, s2, s31, $0xb8;
	[tilespmem:$0x1FC00] =	vst v63  }
0xdb: {  	s2 =	smov.u32 s30  }
0xdc: {  	p0 =	sne.s32 s30, $0x3C00;
	s30 =	sadd.s32 $0xA00, s30;
	_ =	swait.ge [sflag:s16], $0x1900  }
0xdd: {  	s2 =	sshra.s32 s2, $0x2;
	[sflag:s16] =	ssyncset.done $0x0  }
0xde: {  	s10 =	sadd.s32 $0x1400, s2;
	[sflag:s16] =	ssyncadd.s32 $0xFFFFE700  }
0xdf: {  	[spmem:s3] =	stream.indirect.scatter.add.f32 [tilespmem:s1], [sflag:$0x7], $0x80, s10, s31, $0xb8;
	[tilespmem:$0x1FC00] =	vst v63  }
0xe0: {  	_ =	swait.ge [sflag:s29], $0x1900  }
0xe1: {  	[sflag:s29] =	ssyncset.done $0x0  }
0xe2: {  	s10 =	sadd.s32 $0x280, s2;
	[sflag:s29] =	ssyncadd.s32 $0xFFFFE700  }
0xe3: {  	[tilespmem:s1], [sflag:$0x1] =	stream.indirect.gather [hbm4b:s0+s31], $0x80, s10, s31, $0xb8;
	[tilespmem:$0x1FC00] =	vst v63  }
0xe4: {  	_ =	swait.ge [sflag:s17], $0x1900  }
0xe5: {  	[sflag:s17] =	ssyncset.done $0x0  }
0xe6: {  	s10 =	sadd.s32 $0x1480, s2;
	[sflag:s17] =	ssyncadd.s32 $0xFFFFE700  }
0xe7: {  	[spmem:s3] =	stream.indirect.scatter.add.f32 [tilespmem:s9], [sflag:$0x7], $0x80, s10, s31, $0xb8;
	[tilespmem:$0x1FC00] =	vst v63  }
0xe8: {  	_ =	swait.ge [sflag:s29], $0x1900  }
0xe9: {  	[sflag:s29] =	ssyncset.done $0x0  }
0xea: {  	s10 =	sadd.s32 $0x300, s2;
	[sflag:s29] =	ssyncadd.s32 $0xFFFFE700  }
0xeb: {  	[tilespmem:s9], [sflag:$0x2] =	stream.indirect.gather [hbm4b:s0+s31], $0x80, s10, s31, $0xb8;
	[tilespmem:$0x1FC00] =	vst v63  }
0xec: {  	_ =	swait.ge [sflag:s18], $0x1900  }
0xed: {  	[sflag:s18] =	ssyncset.done $0x0  }
0xee: {  	s10 =	sadd.s32 $0x1500, s2;
	[sflag:s18] =	ssyncadd.s32 $0xFFFFE700  }
0xef: {  	[spmem:s3] =	stream.indirect.scatter.add.f32 [tilespmem:s11], [sflag:$0x7], $0x80, s10, s31, $0xb8;
	[tilespmem:$0x1FC00] =	vst v63  }
0xf0: {  	_ =	swait.ge [sflag:s29], $0x1900  }
0xf1: {  	[sflag:s29] =	ssyncset.done $0x0  }
0xf2: {  	s10 =	sadd.s32 $0x380, s2;
	[sflag:s29] =	ssyncadd.s32 $0xFFFFE700  }
0xf3: {  	[tilespmem:s11], [sflag:$0x3] =	stream.indirect.gather [hbm4b:s0+s31], $0x80, s10, s31, $0xb8;
	[tilespmem:$0x1FC00] =	vst v63  }
0xf4: {  	_ =	swait.ge [sflag:s19], $0x1900  }
0xf5: {  	[sflag:s19] =	ssyncset.done $0x0  }
0xf6: {  	s10 =	sadd.s32 $0x1580, s2;
	[sflag:s19] =	ssyncadd.s32 $0xFFFFE700  }
0xf7: {  	[spmem:s3] =	stream.indirect.scatter.add.f32 [tilespmem:s13], [sflag:$0x7], $0x80, s10, s31, $0xb8;
	[tilespmem:$0x1FC00] =	vst v63  }
0xf8: {  	_ =	swait.ge [sflag:s29], $0x1900  }
0xf9: {  	[sflag:s29] =	ssyncset.done $0x0  }
0xfa: {  	s10 =	sadd.s32 $0x400, s2;
	[sflag:s29] =	ssyncadd.s32 $0xFFFFE700  }
0xfb: {  	[tilespmem:s13], [sflag:$0x4] =	stream.indirect.gather [hbm4b:s0+s31], $0x80, s10, s31, $0xb8;
	[tilespmem:$0x1FC00] =	vst v63  }
0xfc: {  	_ =	swait.ge [sflag:s20], $0x1900  }
0xfd: {  	[sflag:s20] =	ssyncset.done $0x0  }
.Ltmp2:
0xfe: {  	s10 =	sadd.s32 $0x1600, s2;
	[sflag:s20] =	ssyncadd.s32 $0xFFFFE700;
	(pc) =	sbr.rel @p0 .LBB2_7-.Ltmp2, $4  }
0xff: {  	[spmem:s3] =	stream.indirect.scatter.add.f32 [tilespmem:s15], [sflag:$0x7], $0x80, s10, s31, $0xb8;
	[tilespmem:$0x1FC00] =	vst v63  }
0x100: {  	_ =	swait.ge [sflag:s29], $0x1900  }
0x101: {  	[sflag:s29] =	ssyncset.done $0x0  }
0x102: {  	s2 =	sadd.s32 $0x480, s2;
	[sflag:s29] =	ssyncadd.s32 $0xFFFFE700  }
0x103: {  	[tilespmem:s15], [sflag:$0x5] =	stream.indirect.gather [hbm4b:s0+s31], $0x80, s2, s31, $0xb8;
	[tilespmem:$0x1FC00] =	vst v63  }
0x104: {  	_ =	swait.ge [sflag:s16], $0x1900  }
0x105: {  	[sflag:s16] =	ssyncset.done $0x0  }
0x106: {  	[sflag:s16] =	ssyncadd.s32 $0xFFFFE700  }
0x107: {  	[spmem:s3] =	stream.indirect.scatter.add.f32 [tilespmem:s1], [sflag:$0x7], $0x80, s21, s31, $0xb8;
	[tilespmem:$0x1FC00] =	vst v63  }
0x108: {  	_ =	swait.ge [sflag:s29], $0x1900  }
0x109: {  	[sflag:s29] =	ssyncset.done $0x0  }
0x10a: {  	[sflag:s29] =	ssyncadd.s32 $0xFFFFE700  }
0x10b: {  	_ =	swait.ge [sflag:s17], $0x1900  }
0x10c: {  	[sflag:s17] =	ssyncset.done $0x0  }
0x10d: {  	[sflag:s17] =	ssyncadd.s32 $0xFFFFE700  }
0x10e: {  	[spmem:s3] =	stream.indirect.scatter.add.f32 [tilespmem:s9], [sflag:$0x7], $0x80, s22, s31, $0xb8;
	[tilespmem:$0x1FC00] =	vst v63  }
0x10f: {  	_ =	swait.ge [sflag:s29], $0x1900  }
0x110: {  	[sflag:s29] =	ssyncset.done $0x0  }
0x111: {  	[sflag:s29] =	ssyncadd.s32 $0xFFFFE700  }
0x112: {  	_ =	swait.ge [sflag:s18], $0x1900  }
0x113: {  	[sflag:s18] =	ssyncset.done $0x0  }
0x114: {  	[sflag:s18] =	ssyncadd.s32 $0xFFFFE700  }
0x115: {  	[spmem:s3] =	stream.indirect.scatter.add.f32 [tilespmem:s11], [sflag:$0x7], $0x80, s23, s31, $0xb8;
	[tilespmem:$0x1FC00] =	vst v63  }
0x116: {  	_ =	swait.ge [sflag:s29], $0x1900  }
0x117: {  	[sflag:s29] =	ssyncset.done $0x0  }
0x118: {  	[sflag:s29] =	ssyncadd.s32 $0xFFFFE700  }
0x119: {  	_ =	swait.ge [sflag:s19], $0x1900  }
0x11a: {  	[sflag:s19] =	ssyncset.done $0x0  }
0x11b: {  	[sflag:s19] =	ssyncadd.s32 $0xFFFFE700  }
0x11c: {  	[spmem:s3] =	stream.indirect.scatter.add.f32 [tilespmem:s13], [sflag:$0x7], $0x80, s24, s31, $0xb8;
	[tilespmem:$0x1FC00] =	vst v63  }
0x11d: {  	_ =	swait.ge [sflag:s29], $0x1900  }
0x11e: {  	[sflag:s29] =	ssyncset.done $0x0  }
0x11f: {  	[sflag:s29] =	ssyncadd.s32 $0xFFFFE700  }
0x120: {  	s4 =	sadd.s32 $0x1, s4;
	_ =	swait.ge [sflag:s20], $0x1900  }
0x121: {  	p0 =	sne.s32 s4, $0x5;
	[sflag:s20] =	ssyncset.done $0x0  }
.Ltmp3:
0x122: {  	[sflag:s20] =	ssyncadd.s32 $0xFFFFE700;
	(pc) =	sbr.rel @p0 .LBB2_6-.Ltmp3, $4  }
0x123: {  	[spmem:s3] =	stream.indirect.scatter.add.f32 [tilespmem:s15], [sflag:$0x7], $0x80, s25, s31, $0xb8;
	[tilespmem:$0x1FC00] =	vst v63  }
0x124: {  	_ =	swait.ge [sflag:s29], $0x1900  }
0x125: {  	[sflag:s29] =	ssyncset.done $0x0  }
0x126: {  	[sflag:s29] =	ssyncadd.s32 $0xFFFFE700  }
0x127: {  	s2 =	stileid.u32;
	[bflag:$0x0] =	sbarrier.arrive $0xFFFF  }
0x128: {  	s2 =	sshll.u32 s2, $0x6;
	s7 =	rddreg [dreg:$0x5]  }
0x129: {  	s10 =	rddreg [dreg:$0x6];
	s2 =	sor.u32 $0x1C07, s2;
	s4 =	sshrl.u32 s7, $0x3  }
0x12a: {  	[hbm:s10], [sflag:s2] =	dma.local [spmem:s4], $0x2800  }
0x12b: {  	_ =	swait.ge [sflag:s29], $0x2800  }
0x12c: {  	s4 =	rddreg [dreg:$0x4]  }
0x12d: {  	s30 =	rddreg [dreg:$0x7];
	s10 =	sadd.s32 $0x1, s4  }
0x12e: {  	p0 =	sne.s32 s10, s30  }
.Ltmp4:
0x12f: {  	_ = 	snop;
	(pc) =	sbr.rel @p0 .LBB2_1-.Ltmp4, $3  }
0x130: {  	_ =	sdelay $0x1  }
0x131: {  	[sflag:s29] =	ssyncset.done $0x0  }
0x132: {  	[sflag:s29] =	ssyncadd.s32 $0xFFFFD800  }
0x133: {  	_ =	sfence.sel $0x180000  }
0x134: {  	[bflag:$0x0] =	sbarrier.arrive $0xFFFF  }
0x135: {  	_ =	strace $0x9000004A  }
0x136: {  	s0 =	stileid.u32;
	[bflag:$0x2] =	sbarrier.arrive $0xFFFF  }
0x137: {  	p0 =	sne.s32 s0, $0x0;
	s0 =	rddreg [dreg:$0x3]  }
0x138: {  	s0 =	sadd.s32 @!p0 $0x100000, s0  }
0x139: {  	[sflag:s0] =	ssyncadd.tile.s32 @!p0 $0x1;
	_ =	shalt  }
.Lfunc_end2:
_tile_overlayer_lowered:
.L_overlay_start_2:
0x13a: {  	(tag) =	ssettag $0x2  }
0x13b: {  	s0 =	rddreg [dreg:$0x0];
	s2 =	stileid.u32  }
0x13c: {  	s1 =	rddreg [dreg:$0x1];
	p0 =	sne.s32 s2, $0x0  }
0x13d: {  	s3 =	rddreg [dreg:$0x2];
	[bflag:$0x3] =	sbarrier.arrive $0xFFFF;
	s2 =	simm.s32 @!p0 $0x1C07  }
0x13e: {  	[timem:s3], [sflag:s2] =	dma.local @!p0 [hbm:s0], s1  }
0x13f: {  	s0 =	simm.s32 @!p0 $0x7  }
0x140: {  	_ =	swait.ge @!p0 [sflag:s0], s1  }
0x141: {  	s1 =	ssub.s32 @!p0 $0x0, s1;
	[sflag:s0] =	ssyncset.done @!p0 $0x0  }
0x142: {  	[sflag:s0] =	ssyncadd.s32 @!p0 s1  }
0x143: {  	[bflag:$0x3] =	sbarrier.arrive $0xFFFF  }
0x144: {  	_ =	shalt  }

// kernel: kernel.16.cloned.1.call-start
scs
__scs_entry_jumppad:
0x0: {  	(pc) =	sbr.rel $0x88, $3  }
0x1: {  	(tag) =	ssettag $0x0;
	lr =	simm.s32 $0x1  }
0x2: {  	[smem:$0x3F96] =	sst lr;
	_ =	strace $0xD0000000  }
0x3: {  	_ = 	snop  }
0x4: {  	_ = 	snop  }
0x5: {  	_ = 	snop  }
0x6: {  	_ = 	snop  }
0x7: {  	_ = 	snop  }
__scs_overlays_trampoline_lowered:
0x8: {  	[smem:$0x3FA5] =	sst s0  }
0x9: {  	[smem:$0x3FA6] =	sst s1  }
0xa: {  	[smem:$0x3FA7] =	sst s2  }
0xb: {  	[smem:$0x3FA8] =	sst s3  }
0xc: {  	[smem:$0x3FA9] =	sst s4  }
0xd: {  	[smem:$0x3FAA] =	sst s5  }
0xe: {  	[smem:$0x3FAB] =	sst s6  }
0xf: {  	[smem:$0x3FAC] =	sst s7  }
0x10: {  	[smem:$0x3FAD] =	sst s8  }
0x11: {  	[smem:$0x3FAE] =	sst s9;
	s0 =	simm.s32 @!p0 $0x0  }
0x12: {  	s1 =	sld [smem:$0x3F94];
	s0 =	simm.s32 @p0 $0x1  }
0x13: {  	[smem:$0x3FAF] =	sst s0;
	s0 =	simm.s32 @!p1 $0x0  }
0x14: {  	s2 =	sld [smem:$0x3F93];
	s0 =	simm.s32 @p1 $0x1  }
0x15: {  	[smem:$0x3FB0] =	sst s0;
	s0 =	simm.s32 @!p2 $0x0  }
0x16: {  	s3 =	sld [smem:$0x3FDB];
	s0 =	simm.s32 @p2 $0x1  }
0x17: {  	s4 =	simm.s32 $0x1BF5;
	[smem:$0x3FB2] =	sst s0  }
0x18: {  	s0 =	sld [smem:$0x3F95];
	_ =	swait.ge [sflag:s4], $0x0  }
0x19: {  	s7 =	sld [smem:$0x3F96]  }
0x1a: {  	s8 =	sadd.s32 $0xFFFFE003, lr  }
0x1b: {  	s9 =	sadd.s32 $0xFFFFFEF7, lr;
	s5 =	simm.s32 $0xFFFFFFFF;
	p2 =	slt.u32 s8, $0xFFFFF086  }
0x1c: {  	p1 =	slt.u32 s9, $0xF7A;
	s5 =	simm.s32 @!p2 $0x0  }
0x1d: {  	s5 =	simm.s32 @p1 $0x1;
	p0 =	seq.s32 s7, s2  }
0x1e: {  	s7 =	smul.u32 @!p0 $0xF7A, s2;
	p2 =	seq.s32 @!p0 s5, $0x0  }
0x1f: {  	s9 =	smul.u32 $0xF7A, s1;
	s8 =	simm.s32 @!p0 $0x1BF5;
	p2 =	por !p2, p0  }
0x20: {  	[sflag:s8] =	ssyncset.s32 @!p0 $0xFFFFF086;
	s6 =	sadd.s32 @!p0 s3, s7;
	s7 =	simm.s32 @!p0 $0x108  }
0x21: {  	s3 =	sadd.s32 s3, s9;
	s6 =	sadd.s32 @!p0 $0x88, s6;
	s7 =	simm.s32 @p2 $0x1082  }
0x22: {  	[simem:s7], [sflag:s8] =	dma.local @!p0 [hbm:s6], $0xF7A  }
0x23: {  	s9 =	sor.u32 $0xD0000000, s2;
	s6 =	simm.s32 $0x108;
	_ =	swait.ge @!p0 [sflag:s8], $0x0  }
0x24: {  	s3 =	sadd.s32 $0x88, s3;
	s6 =	simm.s32 @!p1 $0x1082;
	[sflag:s4] =	ssyncset.s32 $0xFFFFF086  }
0x25: {  	[simem:s6], [sflag:s4] =	dma.local [hbm:s3], $0xF7A  }
0x26: {  	[smem:$0x3F96] =	sst s1;
	(tag) =	ssettag s2;
	_ =	strace s9  }
0x27: {  	s1 =	sld [smem:$0x3FA6]  }
0x28: {  	s2 =	sld [smem:$0x3FA7]  }
0x29: {  	s4 =	sld [smem:$0x3FA9]  }
0x2a: {  	p0 =	seq.s32 s5, $0x0;
	s5 =	sld [smem:$0x3FAA]  }
0x2b: {  	s6 =	sld [smem:$0x3FAB]  }
0x2c: {  	s7 =	sld [smem:$0x3FAC]  }
0x2d: {  	s3 =	simm.s32 $0x108;
	s8 =	sld [smem:$0x3FAD]  }
0x2e: {  	s3 =	simm.s32 @!p0 $0x1082;
	s9 =	sld [smem:$0x3FAE]  }
0x2f: {  	lr =	sadd.s32 s0, s3;
	s0 =	sld [smem:$0x3FA5]  }
0x30: {  	s3 =	sld [smem:$0x3FA8]  }
0x31: {  	[smem:$0x3FB1] =	sst s10  }
0x32: {  	s10 =	sld [smem:$0x3FAF];
	_ =	sdelay $0x3  }
0x33: {  	p0 =	seq.s32 s10, $0x1;
	s10 =	sld [smem:$0x3FB1];
	_ =	sdelay $0x3  }
0x34: {  	[smem:$0x3FB1] =	sst s10  }
0x35: {  	s10 =	sld [smem:$0x3FB0];
	_ =	sdelay $0x3  }
0x36: {  	p1 =	seq.s32 s10, $0x1;
	s10 =	sld [smem:$0x3FB1];
	_ =	sdelay $0x3  }
0x37: {  	[smem:$0x3FB1] =	sst s10  }
0x38: {  	s10 =	sld [smem:$0x3FB2]  }
0x39: {  	_ = 	snop;
	(pc) =	sbr.ind lr, $3  }
0x3a: {  	_ = 	snop  }
0x3b: {  	_ = 	snop  }
0x3c: {  	p2 =	seq.s32 s10, $0x1;
	s10 =	sld [smem:$0x3FB1]  }
0x3d: {  	_ =	shalt  }
0x3e: {  	_ =	shalt  }
0x3f: {  	_ =	shalt  }
0x40: {  	_ =	shalt  }
0x41: {  	_ =	shalt  }
0x42: {  	_ =	shalt  }
0x43: {  	_ =	shalt  }
0x44: {  	_ =	shalt  }
0x45: {  	_ =	shalt  }
0x46: {  	_ =	shalt  }
0x47: {  	_ =	shalt  }
0x48: {  	_ =	shalt  }
0x49: {  	_ =	shalt  }
0x4a: {  	_ =	shalt  }
0x4b: {  	_ =	shalt  }
0x4c: {  	_ =	shalt  }
0x4d: {  	_ =	shalt  }
0x4e: {  	_ =	shalt  }
0x4f: {  	_ =	shalt  }
0x50: {  	_ =	shalt  }
0x51: {  	_ =	shalt  }
0x52: {  	_ =	shalt  }
0x53: {  	_ =	shalt  }
0x54: {  	_ =	shalt  }
0x55: {  	_ =	shalt  }
0x56: {  	_ =	shalt  }
0x57: {  	_ =	shalt  }
0x58: {  	_ =	shalt  }
0x59: {  	_ =	shalt  }
0x5a: {  	_ =	shalt  }
0x5b: {  	_ =	shalt  }
0x5c: {  	_ =	shalt  }
0x5d: {  	_ =	shalt  }
0x5e: {  	_ =	shalt  }
0x5f: {  	_ =	shalt  }
0x60: {  	_ =	shalt  }
0x61: {  	_ =	shalt  }
0x62: {  	_ =	shalt  }
0x63: {  	_ =	shalt  }
0x64: {  	_ =	shalt  }
0x65: {  	_ =	shalt  }
0x66: {  	_ =	shalt  }
0x67: {  	_ =	shalt  }
0x68: {  	_ =	shalt  }
0x69: {  	_ =	shalt  }
0x6a: {  	_ =	shalt  }
0x6b: {  	_ =	shalt  }
0x6c: {  	_ =	shalt  }
0x6d: {  	_ =	shalt  }
0x6e: {  	_ =	shalt  }
0x6f: {  	_ =	shalt  }
0x70: {  	_ =	shalt  }
0x71: {  	_ =	shalt  }
0x72: {  	_ =	shalt  }
0x73: {  	_ =	shalt  }
0x74: {  	_ =	shalt  }
0x75: {  	_ =	shalt  }
0x76: {  	_ =	shalt  }
0x77: {  	_ =	shalt  }
0x78: {  	_ =	shalt  }
0x79: {  	_ =	shalt  }
0x7a: {  	_ =	shalt  }
0x7b: {  	_ =	shalt  }
0x7c: {  	_ =	shalt  }
0x7d: {  	_ =	shalt  }
0x7e: {  	_ =	shalt  }
0x7f: {  	_ =	shalt  }
0x80: {  	_ =	shalt  }
0x81: {  	_ =	shalt  }
0x82: {  	_ =	shalt  }
0x83: {  	_ =	shalt  }
0x84: {  	_ =	shalt  }
0x85: {  	_ =	shalt  }
0x86: {  	_ =	shalt  }
0x87: {  	_ =	shalt  }
.Lfunc_end0:
.L_simem_size_0:
called_computation.2_lowered:
.L_overlay_start_0:
0x88: {  	s2 =	sld [smem:$0x3FD9]  }
0x89: {  	s3 =	sld [smem:$0x3FFE];
	_ =	sdelay $0x1  }
0x8a: {  	s1 =	srdreg.scid  }
0x8b: {  	s0 =	sand.u32 $0x1, s1  }
0x8c: {  	s17 =	sshll.u32 s0, $0xA;
	s2 =	sadd.s32 s3, s2  }
0x8d: {  	s2 =	sadd.s32 s2, s17  }
0x8e: {  	[smem:$0x3FBD] =	sst s2  }
0x8f: {  	_ = 	snop  }
0x90: {  	s2 =	sld [smem:$0x3FD0];
	(tm) =	ssettm $0x1  }
0x91: {  	s18 =	sld [smem:$0x3FFB];
	_ =	sdelay $0x3  }
0x92: {  	_ =	strace s18  }
0x93: {  	s3 =	sld [smem:$0x3FFC];
	_ =	sdelay $0x3  }
0x94: {  	_ =	strace s3  }
0x95: {  	s3 =	sld [smem:$0x3FFD];
	_ =	sdelay $0x3  }
0x96: {  	_ =	strace s3  }
0x97: {  	_ =	strace $0x8FFFFFFF  }
0x98: {  	s19 =	sld [smem:$0x3FDB];
	_ =	sdelay $0x1  }
0x99: {  	s4 =	simm.s32 $_scs_section_size  }
0x9a: {  	s5 =	simm.s32 $_size__tile_overlayer_lowered;
	s6 =	simm.s32 $_tile_overlayer_lowered  }
0x9b: {  	s22 =	simm.s32 $0x1BFF;
	s21 =	sshll.u32 s6, $0x1;
	s3 =	sadd.s32 s4, s19  }
0x9c: {  	s7 =	simm.s32 $0x0;
	s20 =	sshll.u32 s5, $0x1;
	s5 =	sadd.s32 s21, s3  }
0x9d: {  	[timem:s7], [sflag:s22] =	dma.local [hbm:s5], s20  }
0x9e: {  	_ =	swait.ge [sflag:s22], s20  }
0x9f: {  	s4 =	ssub.s32 $0x0, s20;
	[sflag:s22] =	ssyncset.done $0x0  }
0xa0: {  	[sflag:s22] =	ssyncadd.s32 s4;
	_ =	sdelay $0x1  }
0xa1: {  	s23 =	simm.s32 $0x1B8B  }
0xa2: {  	_ =	swait.ge [sflag:s23], $0x1  }
0xa3: {  	[sflag:s23] =	ssyncset.done $0x0  }
0xa4: {  	s25 =	simm.s32 $0x1B8E;
	s24 =	sld [smem:$0x3FFE];
	[sflag:s23] =	ssyncadd.s32 $0xFFFFFFFF  }
0xa5: {  	s26 =	simm.s32 $execute0_lowered;
	[smem:$0x3FD2] =	sst s25  }
0xa6: {  	s5 =	sshll.u32 s26, $0x1;
	_ =	strace $0x8000004C;
	[dreg:$0x1] =	wrdreg $0xFFFFFFFF  }
0xa7: {  	s28 =	simm.s32 $_size_execute0_lowered;
	s3 =	sadd.s32 s3, s5;
	[dreg:$0x0] =	wrdreg $0x0  }
0xa8: {  	s5 =	sshll.u32 s28, $0x1;
	[dreg:$0x2] =	wrdreg s3  }
0xa9: {  	[dreg:$0x3] =	wrdreg s5  }
0xaa: {  	[dreg:$0x4] =	wrdreg $0xC0  }
0xab: {  	_ =	task [dreg:s7], $0x5FFFF  }
0xac: {  	[dreg:$0x1] =	wrdreg $0xFFFFFFFF  }
0xad: {  	[dreg:$0x0] =	wrdreg $0x60  }
0xae: {  	[dreg:$0x2] =	wrdreg s2  }
0xaf: {  	[dreg:$0x3] =	wrdreg s24  }
0xb0: {  	[dreg:$0x4] =	wrdreg $0xBC000  }
0xb1: {  	[dreg:$0x5] =	wrdreg $0x9  }
0xb2: {  	_ =	task.clear_ibuf [dreg:s7], $0x6FFFF;
	_ =	strace $0x9000004C  }
0xb3: {  	s29 =	simm.s32 $0x9;
	_ =	strace $0x8000004E  }
0xb4: {  	_ =	swait.ge [sflag:s29], $0x1  }
0xb5: {  	[sflag:s29] =	ssyncadd.s32 $0xFFFFFFFF  }
0xb6: {  	_ =	strace $0x9000004E  }
0xb7: {  	_ =	sfence  }
0xb8: {  	s30 =	sld [smem:$0x0];
	_ =	sdelay $0x2  }
0xb9: {  	s31 =	sshll.u32 s1, $0xD;
	s1 =	sshrl.u32 s1, $0x2  }
0xba: {  	s3 =	sand.u32 $0x4000, s31;
	s1 =	sadd.s32 s1, s30  }
0xbb: {  	s0 =	sor.u32 s3, s0;
	s1 =	sshll.u32 s1, $0x11  }
0xbc: {  	s0 =	sor.u32 s1, s0  }
0xbd: {  	s0 =	sadd.s32 $0x8F2B, s0  }
0xbe: {  	[sflag:s0] =	ssyncadd.remote.s32 $0x1  }
0xbf: {  	_ =	sfence.sel $0xFFFF  }
0xc0: {  	[dreg:$0x0] =	wrdreg $0xFFFFFFFF;
	(pc) =	sbr.abs _section_cstart, $3  }
0xc1: {  	[dreg:$0x1] =	wrdreg $0xFFFFFFFF  }
0xc2: {  	_ =	task.clear_ibuf [dreg:s7], $0x2FFFF;
	_ =	strace $0x9FFFFFFF  }
0xc3: {  	(tm) =	ssettm $0x7FFFFFFF  }
tec
execute0_lowered:
.L_overlay_start_1:
0x0: {  	(tag) =	ssettag $0x1  }
0x1: {  	s0 =	rddreg [dreg:$0x0]  }
0x2: {  	s1 =	rddreg [dreg:$0x1]  }
0x3: {  	s2 =	srdreg.scid;
	s9 =	stileid.u32  }
0x4: {  	s3 =	rddreg [dreg:$0x2];
	s10 =	simm.s32 $0x0;
	s7 =	smul.u32 $0x50000, s9  }
0x5: {  	s2 =	sand.u32 $0x1, s2;
	s5 =	smul.u32 $0x14000, s9;
	[smem:$0x7FF] =	sst s10  }
0x6: {  	s4 =	smul.u32 $0x140000, s2;
	_ =	strace $0x8000004D;
	s7 =	sshrl.u32 s7, $0x2  }
0x7: {  	s30 =	ssub.s32 $0x2, s2;
	s2 =	sshll.u32 s2, $0x4;
	s7 =	sadd.s32 s7, s3  }
0x8: {  	s2 =	sor.u32 s9, s2;
	s9 =	sadd.s32 $0x1000, s7;
	[dreg:$0x5] =	wrdreg s7  }
0x9: {  	s11 =	sadd.s32 $0x1800, s7;
	[dreg:$0x9] =	wrdreg s9  }
0xa: {  	s12 =	sadd.s32 $0x2000, s7;
	[dreg:$0xa] =	wrdreg s11  }
0xb: {  	s13 =	sadd.s32 $0x2800, s7;
	[dreg:$0xb] =	wrdreg s12  }
0xc: {  	s14 =	sadd.s32 $0x3000, s7;
	[dreg:$0xc] =	wrdreg s13  }
0xd: {  	s15 =	sadd.s32 $0x3800, s7;
	[dreg:$0xd] =	wrdreg s14  }
0xe: {  	s16 =	sadd.s32 $0x4000, s7;
	[dreg:$0xe] =	wrdreg s15  }
0xf: {  	s17 =	sadd.s32 $0x4800, s7;
	[dreg:$0xf] =	wrdreg s16  }
0x10: {  	s18 =	sadd.s32 $0x5000, s7;
	[dreg:$0x10] =	wrdreg s17  }
0x11: {  	s19 =	sadd.s32 $0x5800, s7;
	[dreg:$0x11] =	wrdreg s18  }
0x12: {  	s20 =	sadd.s32 $0x6000, s7;
	[dreg:$0x12] =	wrdreg s19  }
0x13: {  	s6 =	sadd.s32 $0x4000, s1;
	s21 =	sadd.s32 $0x6800, s7;
	[dreg:$0x13] =	wrdreg s20  }
0x14: {  	s8 =	sshrl.u32 s30, $0x1;
	s22 =	sadd.s32 $0x7000, s7;
	[dreg:$0x14] =	wrdreg s21  }
0x15: {  	s4 =	sadd.s32 s5, s4;
	s23 =	sadd.s32 $0x7800, s7;
	[dreg:$0x15] =	wrdreg s22  }
0x16: {  	s5 =	sadd.s32 $0x1D000, s1;
	s24 =	sadd.s32 $0x8000, s7;
	[dreg:$0x16] =	wrdreg s23  }
0x17: {  	s4 =	sshrl.u32 s4, $0x3;
	s25 =	sadd.s32 $0x8800, s7;
	[dreg:$0x17] =	wrdreg s24  }
0x18: {  	s26 =	sadd.s32 $0x9000, s7;
	s1 =	sadd.s32 s4, s1;
	[dreg:$0x18] =	wrdreg s25  }
0x19: {  	s4 =	ssub.s32 s30, s8;
	[dreg:$0x19] =	wrdreg s26;
	s30 =	sadd.s32 $0x9800, s7  }
0x1a: {  	s9 =	sadd.s32 $0xB000, s7;
	[dreg:$0x1a] =	wrdreg s30  }
0x1b: {  	s11 =	sadd.s32 $0xB800, s7;
	[dreg:$0x1d] =	wrdreg s9  }
0x1c: {  	s12 =	sadd.s32 $0xC000, s7;
	[dreg:$0x1e] =	wrdreg s11  }
0x1d: {  	s13 =	sadd.s32 $0xC800, s7;
	[dreg:$0x1f] =	wrdreg s12  }
0x1e: {  	s14 =	sadd.s32 $0xD000, s7;
	[smem:$0x7EF] =	sst s13  }
0x1f: {  	s15 =	sadd.s32 $0xD800, s7;
	[smem:$0x7F0] =	sst s14  }
0x20: {  	s16 =	sadd.s32 $0xE000, s7;
	[smem:$0x7F1] =	sst s15  }
0x21: {  	s17 =	sadd.s32 $0xE800, s7;
	[smem:$0x7F2] =	sst s16  }
0x22: {  	s18 =	sadd.s32 $0xF000, s7;
	[smem:$0x7F3] =	sst s17  }
0x23: {  	s19 =	sadd.s32 $0xF800, s7;
	[smem:$0x7F4] =	sst s18  }
0x24: {  	s20 =	sadd.s32 $0x10000, s7;
	[smem:$0x7F5] =	sst s19  }
0x25: {  	s21 =	sadd.s32 $0x10800, s7;
	[smem:$0x7F6] =	sst s20  }
0x26: {  	s28 =	simm.s32 $0x6;
	s22 =	sadd.s32 $0x11000, s7;
	[smem:$0x7F7] =	sst s21  }
0x27: {  	s29 =	simm.s32 $0x7;
	s23 =	sadd.s32 $0x11800, s7;
	[smem:$0x7F8] =	sst s22  }
0x28: {  	s31 =	simm.s32 $0x32;
	s24 =	sadd.s32 $0x12000, s7;
	[smem:$0x7F9] =	sst s23  }
0x29: {  	s8 =	smul.u32 $0x6400, s2;
	s25 =	sadd.s32 $0x12800, s7;
	[smem:$0x7FA] =	sst s24  }
0x2a: {  	s26 =	sadd.s32 $0x13000, s7;
	s1 =	sadd.s32 $0x36000, s1;
	[smem:$0x7FB] =	sst s25  }
0x2b: {  	s2 =	smax.u32 s4, $0x1;
	s4 =	sadd.s32 $0x800, s7;
	[smem:$0x7FC] =	sst s26  }
0x2c: {  	s30 =	sadd.s32 $0x13800, s7;
	s26 =	simm.s32 $0xB400;
	s9 =	simm.s32 $0x4400  }
0x2d: {  	s11 =	simm.s32 $0x6000;
	s12 =	simm.s32 $0x180;
	s13 =	simm.s32 $0x7C00  }
0x2e: {  	s14 =	simm.s32 $0x200;
	s15 =	simm.s32 $0x9800;
	s16 =	simm.s32 $0x1  }
0x2f: {  	s17 =	simm.s32 $0x2;
	s18 =	simm.s32 $0x3;
	[dreg:$0x6] =	wrdreg s1  }
0x30: {  	s19 =	simm.s32 $0x4;
	s20 =	simm.s32 $0x5;
	[dreg:$0x7] =	wrdreg s2  }
0x31: {  	s21 =	simm.s32 $0x2580;
	s22 =	simm.s32 $0x2600;
	[dreg:$0x8] =	wrdreg s4  }
0x32: {  	s23 =	simm.s32 $0x2680;
	s2 =	sadd.s32 $0xA000, s7;
	[smem:$0x7FD] =	sst s30  }
0x33: {  	s24 =	simm.s32 $0x2700;
	s4 =	sadd.s32 $0xA800, s7;
	[dreg:$0x1b] =	wrdreg s2  }
0x34: {  	v0 =	vimm.f32 $0.0e+00;
	s25 =	simm.s32 $0x2780;
	s1 =	simm.s32 $0x2800;
	[dreg:$0x1c] =	wrdreg s4  }
.LBB2_1:
0x35: {  	s2 =	simm.s32 $0x0;
	s4 =	simm.s32 $0x200  }
.LBB2_2:
0x36: {  	p0 =	sne.s32 s4, $0x1E00;
	[tilespmem:s2+$0xB470] =	vst v0  }
0x37: {  	[tilespmem:s2+$0xB400] =	vst v0  }
0x38: {  	[tilespmem:s2+$0xB410] =	vst v0  }
.Ltmp0:
0x39: {  	[tilespmem:s2+$0xB420] =	vst v0;
	(pc) =	sbr.rel @p0 .LBB2_2-.Ltmp0, $4  }
0x3a: {  	[tilespmem:s2+$0xB430] =	vst v0  }
0x3b: {  	[tilespmem:s2+$0xB440] =	vst v0  }
0x3c: {  	[tilespmem:s2+$0xB450] =	vst v0  }
0x3d: {  	[tilespmem:s2+$0xB460] =	vst v0;
	s2 =	sshra.s32 s4, $0x2;
	s4 =	sadd.s32 $0x200, s4  }
0x3e: {  	[tilespmem:s2+$0xB470] =	vst v0  }
0x3f: {  	[tilespmem:s2+$0xB400] =	vst v0  }
0x40: {  	[tilespmem:s2+$0xB410] =	vst v0  }
0x41: {  	[tilespmem:s2+$0xB420] =	vst v0  }
0x42: {  	[tilespmem:s2+$0xB430] =	vst v0  }
0x43: {  	[tilespmem:s2+$0xB440] =	vst v0  }
0x44: {  	[dreg:$0x4] =	wrdreg s10;
	[tilespmem:s2+$0xB450] =	vst v0  }
0x45: {  	[tilespmem:s2+$0xB460] =	vst v0;
	s10 =	rddreg [dreg:$0x9]  }
0x46: {  	[spmem:s7] =	stream.linear.scatter [tilespmem:s26], [sflag:$0x6], $0x800, $0x38;
	[tilespmem:$0x1FC00] =	vst v63  }
0x47: {  	s7 =	rddreg [dreg:$0x8]  }
0x48: {  	[spmem:s7] =	stream.linear.scatter [tilespmem:s26], [sflag:$0x6], $0x800, $0x38;
	[tilespmem:$0x1FC00] =	vst v63  }
0x49: {  	s30 =	rddreg [dreg:$0xa]  }
0x4a: {  	[spmem:s10] =	stream.linear.scatter [tilespmem:s26], [sflag:$0x6], $0x800, $0x38;
	[tilespmem:$0x1FC00] =	vst v63  }
0x4b: {  	s4 =	rddreg [dreg:$0xb]  }
0x4c: {  	[spmem:s30] =	stream.linear.scatter [tilespmem:s26], [sflag:$0x6], $0x800, $0x38;
	[tilespmem:$0x1FC00] =	vst v63  }
0x4d: {  	s7 =	rddreg [dreg:$0xc]  }
0x4e: {  	[spmem:s4] =	stream.linear.scatter [tilespmem:s26], [sflag:$0x6], $0x800, $0x38;
	[tilespmem:$0x1FC00] =	vst v63  }
0x4f: {  	s10 =	rddreg [dreg:$0xd]  }
0x50: {  	[spmem:s7] =	stream.linear.scatter [tilespmem:s26], [sflag:$0x6], $0x800, $0x38;
	[tilespmem:$0x1FC00] =	vst v63  }
0x51: {  	s30 =	rddreg [dreg:$0xe]  }
0x52: {  	[spmem:s10] =	stream.linear.scatter [tilespmem:s26], [sflag:$0x6], $0x800, $0x38;
	[tilespmem:$0x1FC00] =	vst v63  }
0x53: {  	s4 =	rddreg [dreg:$0xf]  }
0x54: {  	[spmem:s30] =	stream.linear.scatter [tilespmem:s26], [sflag:$0x6], $0x800, $0x38;
	[tilespmem:$0x1FC00] =	vst v63  }
0x55: {  	s7 =	rddreg [dreg:$0x10]  }
0x56: {  	[spmem:s4] =	stream.linear.scatter [tilespmem:s26], [sflag:$0x6], $0x800, $0x38;
	[tilespmem:$0x1FC00] =	vst v63  }
0x57: {  	s10 =	rddreg [dreg:$0x11]  }
0x58: {  	[spmem:s7] =	stream.linear.scatter [tilespmem:s26], [sflag:$0x6], $0x800, $0x38;
	[tilespmem:$0x1FC00] =	vst v63  }
0x59: {  	s30 =	rddreg [dreg:$0x12]  }
0x5a: {  	[spmem:s10] =	stream.linear.scatter [tilespmem:s26], [sflag:$0x6], $0x800, $0x38;
	[tilespmem:$0x1FC00] =	vst v63  }
0x5b: {  	s4 =	rddreg [dreg:$0x13]  }
0x5c: {  	[spmem:s30] =	stream.linear.scatter [tilespmem:s26], [sflag:$0x6], $0x800, $0x38;
	[tilespmem:$0x1FC00] =	vst v63  }
0x5d: {  	s7 =	rddreg [dreg:$0x14]  }
0x5e: {  	[spmem:s4] =	stream.linear.scatter [tilespmem:s26], [sflag:$0x6], $0x800, $0x38;
	[tilespmem:$0x1FC00] =	vst v63  }
0x5f: {  	s10 =	rddreg [dreg:$0x15]  }
0x60: {  	[spmem:s7] =	stream.linear.scatter [tilespmem:s26], [sflag:$0x6], $0x800, $0x38;
	[tilespmem:$0x1FC00] =	vst v63  }
0x61: {  	s30 =	rddreg [dreg:$0x16]  }
0x62: {  	[spmem:s10] =	stream.linear.scatter [tilespmem:s26], [sflag:$0x6], $0x800, $0x38;
	[tilespmem:$0x1FC00] =	vst v63  }
0x63: {  	s4 =	rddreg [dreg:$0x17]  }
0x64: {  	[spmem:s30] =	stream.linear.scatter [tilespmem:s26], [sflag:$0x6], $0x800, $0x38;
	[tilespmem:$0x1FC00] =	vst v63  }
0x65: {  	s7 =	rddreg [dreg:$0x18]  }
0x66: {  	[spmem:s4] =	stream.linear.scatter [tilespmem:s26], [sflag:$0x6], $0x800, $0x38;
	[tilespmem:$0x1FC00] =	vst v63  }
0x67: {  	s10 =	rddreg [dreg:$0x19]  }
0x68: {  	[spmem:s7] =	stream.linear.scatter [tilespmem:s26], [sflag:$0x6], $0x800, $0x38;
	[tilespmem:$0x1FC00] =	vst v63  }
0x69: {  	s30 =	rddreg [dreg:$0x1a]  }
0x6a: {  	[spmem:s10] =	stream.linear.scatter [tilespmem:s26], [sflag:$0x6], $0x800, $0x38;
	[tilespmem:$0x1FC00] =	vst v63  }
0x6b: {  	s4 =	rddreg [dreg:$0x1b]  }
0x6c: {  	[spmem:s30] =	stream.linear.scatter [tilespmem:s26], [sflag:$0x6], $0x800, $0x38;
	[tilespmem:$0x1FC00] =	vst v63  }
0x6d: {  	s7 =	rddreg [dreg:$0x1c]  }
0x6e: {  	[spmem:s4] =	stream.linear.scatter [tilespmem:s26], [sflag:$0x6], $0x800, $0x38;
	[tilespmem:$0x1FC00] =	vst v63  }
0x6f: {  	s10 =	rddreg [dreg:$0x1d]  }
0x70: {  	[spmem:s7] =	stream.linear.scatter [tilespmem:s26], [sflag:$0x6], $0x800, $0x38;
	[tilespmem:$0x1FC00] =	vst v63  }
0x71: {  	s30 =	rddreg [dreg:$0x1e]  }
0x72: {  	[spmem:s10] =	stream.linear.scatter [tilespmem:s26], [sflag:$0x6], $0x800, $0x38;
	[tilespmem:$0x1FC00] =	vst v63  }
0x73: {  	s4 =	rddreg [dreg:$0x1f]  }
0x74: {  	[spmem:s30] =	stream.linear.scatter [tilespmem:s26], [sflag:$0x6], $0x800, $0x38;
	[tilespmem:$0x1FC00] =	vst v63  }
0x75: {  	s7 =	sld [smem:$0x7EF]  }
0x76: {  	[spmem:s4] =	stream.linear.scatter [tilespmem:s26], [sflag:$0x6], $0x800, $0x38;
	[tilespmem:$0x1FC00] =	vst v63  }
0x77: {  	s10 =	sld [smem:$0x7F0]  }
0x78: {  	[spmem:s7] =	stream.linear.scatter [tilespmem:s26], [sflag:$0x6], $0x800, $0x38;
	[tilespmem:$0x1FC00] =	vst v63  }
0x79: {  	s30 =	sld [smem:$0x7F1]  }
0x7a: {  	[spmem:s10] =	stream.linear.scatter [tilespmem:s26], [sflag:$0x6], $0x800, $0x38;
	[tilespmem:$0x1FC00] =	vst v63  }
0x7b: {  	s4 =	sld [smem:$0x7F2]  }
0x7c: {  	[spmem:s30] =	stream.linear.scatter [tilespmem:s26], [sflag:$0x6], $0x800, $0x38;
	[tilespmem:$0x1FC00] =	vst v63  }
0x7d: {  	s7 =	sld [smem:$0x7F3]  }
0x7e: {  	[spmem:s4] =	stream.linear.scatter [tilespmem:s26], [sflag:$0x6], $0x800, $0x38;
	[tilespmem:$0x1FC00] =	vst v63  }
0x7f: {  	s10 =	sld [smem:$0x7F4]  }
0x80: {  	[spmem:s7] =	stream.linear.scatter [tilespmem:s26], [sflag:$0x6], $0x800, $0x38;
	[tilespmem:$0x1FC00] =	vst v63  }
0x81: {  	s30 =	sld [smem:$0x7F5]  }
0x82: {  	[spmem:s10] =	stream.linear.scatter [tilespmem:s26], [sflag:$0x6], $0x800, $0x38;
	[tilespmem:$0x1FC00] =	vst v63  }
0x83: {  	s4 =	sld [smem:$0x7F6]  }
0x84: {  	[spmem:s30] =	stream.linear.scatter [tilespmem:s26], [sflag:$0x6], $0x800, $0x38;
	[tilespmem:$0x1FC00] =	vst v63  }
0x85: {  	s7 =	sld [smem:$0x7F7]  }
0x86: {  	[spmem:s4] =	stream.linear.scatter [tilespmem:s26], [sflag:$0x6], $0x800, $0x38;
	[tilespmem:$0x1FC00] =	vst v63  }
0x87: {  	s10 =	sld [smem:$0x7F8]  }
0x88: {  	[spmem:s7] =	stream.linear.scatter [tilespmem:s26], [sflag:$0x6], $0x800, $0x38;
	[tilespmem:$0x1FC00] =	vst v63  }
0x89: {  	s30 =	sld [smem:$0x7F9]  }
0x8a: {  	[spmem:s10] =	stream.linear.scatter [tilespmem:s26], [sflag:$0x6], $0x800, $0x38;
	[tilespmem:$0x1FC00] =	vst v63  }
0x8b: {  	s4 =	sld [smem:$0x7FA]  }
0x8c: {  	[spmem:s30] =	stream.linear.scatter [tilespmem:s26], [sflag:$0x6], $0x800, $0x38;
	[tilespmem:$0x1FC00] =	vst v63  }
0x8d: {  	s7 =	sld [smem:$0x7FB]  }
0x8e: {  	[spmem:s4] =	stream.linear.scatter [tilespmem:s26], [sflag:$0x6], $0x800, $0x38;
	[tilespmem:$0x1FC00] =	vst v63  }
0x8f: {  	s10 =	sld [smem:$0x7FC]  }
0x90: {  	[spmem:s7] =	stream.linear.scatter [tilespmem:s26], [sflag:$0x6], $0x800, $0x38;
	[tilespmem:$0x1FC00] =	vst v63  }
0x91: {  	s30 =	sld [smem:$0x7FD]  }
0x92: {  	[spmem:s10] =	stream.linear.scatter [tilespmem:s26], [sflag:$0x6], $0x800, $0x38;
	[tilespmem:$0x1FC00] =	vst v63  }
0x93: {  	_ = 	snop  }
0x94: {  	[spmem:s30] =	stream.linear.scatter [tilespmem:s26], [sflag:$0x6], $0x800, $0x38;
	[tilespmem:$0x1FC00] =	vst v63  }
0x95: {  	_ =	swait.ge [sflag:s28], $0x800  }
0x96: {  	s2 =	simm.s32 $0x27;
	[sflag:s28] =	ssyncset.done $0x0  }
.LBB2_4:
0x97: {  	p0 =	sne.s32 s2, $0x1;
	s2 =	sadd.s32 $0xFFFFFFFF, s2;
	[sflag:s28] =	ssyncadd.s32 $0xFFFFF800  }
.Ltmp1:
0x98: {  	(pc) =	sbr.rel @p0 .LBB2_4-.Ltmp1, $3  }
0x99: {  	_ =	sdelay $0x1  }
0x9a: {  	_ =	swait.ge [sflag:s28], $0x800  }
0x9b: {  	[sflag:s28] =	ssyncset.done $0x0  }
0x9c: {  	[sflag:s28] =	ssyncadd.s32 $0xFFFFF800  }
0x9d: {  	s7 =	simm.s32 $0x0;
	s4 =	simm.s32 $0x0;
	[bflag:$0x0] =	sbarrier.arrive $0xFFFF  }
.LBB2_6:
0x9e: {  	s2 =	smul.u32 $0x1400, s4;
	_ =	sdelay $0x1  }
0x9f: {  	s2 =	sadd.s32 s8, s2  }
0xa0: {  	s2 =	sshrl.u32 s2, $0x3  }
0xa1: {  	s30 =	sadd.s32 s5, s2  }
0xa2: {  	[tilespmem:s7], [sflag:$0x7] =	stream.linear.gather [hbm4b:s30+s7], $0x1400, $0x38;
	[tilespmem:$0x1FC00] =	vst v63  }
0xa3: {  	_ =	swait.ge [sflag:s29], $0x1400  }
0xa4: {  	[sflag:s29] =	ssyncset.done $0x0  }
0xa5: {  	s10 =	simm.s32 $0x1400;
	s2 =	sadd.s32 s6, s2;
	[sflag:s29] =	ssyncadd.s32 $0xFFFFEC00  }
0xa6: {  	[tilespmem:s10], [sflag:$0x7] =	stream.linear.gather [hbm4b:s2+s7], $0x1400, $0x38;
	[tilespmem:$0x1FC00] =	vst v63  }
0xa7: {  	_ =	swait.ge [sflag:s29], $0x1400  }
0xa8: {  	[sflag:s29] =	ssyncset.done $0x0  }
0xa9: {  	[sflag:s29] =	ssyncadd.s32 $0xFFFFEC00  }
0xaa: {  	[tilespmem:s1], [sflag:$0x1] =	stream.indirect.gather [hbm4b:s0+s31], $0x80, s7, s31, $0xb8;
	[tilespmem:$0x1FC00] =	vst v63  }
0xab: {  	s10 =	simm.s32 $0x80  }
0xac: {  	[tilespmem:s9], [sflag:$0x2] =	stream.indirect.gather [hbm4b:s0+s31], $0x80, s10, s31, $0xb8;
	[tilespmem:$0x1FC00] =	vst v63  }
0xad: {  	s10 =	simm.s32 $0x100  }
0xae: {  	[tilespmem:s11], [sflag:$0x3] =	stream.indirect.gather [hbm4b:s0+s31], $0x80, s10, s31, $0xb8;
	[tilespmem:$0x1FC00] =	vst v63  }
0xaf: {  	_ = 	snop  }
0xb0: {  	[tilespmem:s13], [sflag:$0x4] =	stream.indirect.gather [hbm4b:s0+s31], $0x80, s12, s31, $0xb8;
	[tilespmem:$0x1FC00] =	vst v63  }
0xb1: {  	_ = 	snop  }
0xb2: {  	[tilespmem:s15], [sflag:$0x5] =	stream.indirect.gather [hbm4b:s0+s31], $0x80, s14, s31, $0xb8;
	[tilespmem:$0x1FC00] =	vst v63  }
0xb3: {  	_ =	swait.ge [sflag:s16], $0x1900  }
0xb4: {  	[sflag:s16] =	ssyncset.done $0x0  }
0xb5: {  	s10 =	simm.s32 $0x1400;
	[sflag:s16] =	ssyncadd.s32 $0xFFFFE700  }
0xb6: {  	[spmem:s3] =	stream.indirect.scatter.add.f32 [tilespmem:s1], [sflag:$0x7], $0x80, s10, s31, $0xb8;
	[tilespmem:$0x1FC00] =	vst v63  }
0xb7: {  	_ =	swait.ge [sflag:s29], $0x1900  }
0xb8: {  	[sflag:s29] =	ssyncset.done $0x0  }
0xb9: {  	s10 =	simm.s32 $0x280;
	[sflag:s29] =	ssyncadd.s32 $0xFFFFE700  }
0xba: {  	[tilespmem:s1], [sflag:$0x1] =	stream.indirect.gather [hbm4b:s0+s31], $0x80, s10, s31, $0xb8;
	[tilespmem:$0x1FC00] =	vst v63  }
0xbb: {  	_ =	swait.ge [sflag:s17], $0x1900  }
0xbc: {  	[sflag:s17] =	ssyncset.done $0x0  }
0xbd: {  	s10 =	simm.s32 $0x1480;
	[sflag:s17] =	ssyncadd.s32 $0xFFFFE700  }
0xbe: {  	[spmem:s3] =	stream.indirect.scatter.add.f32 [tilespmem:s9], [sflag:$0x7], $0x80, s10, s31, $0xb8;
	[tilespmem:$0x1FC00] =	vst v63  }
0xbf: {  	_ =	swait.ge [sflag:s29], $0x1900  }
0xc0: {  	[sflag:s29] =	ssyncset.done $0x0  }
0xc1: {  	s10 =	simm.s32 $0x300;
	[sflag:s29] =	ssyncadd.s32 $0xFFFFE700  }
0xc2: {  	[tilespmem:s9], [sflag:$0x2] =	stream.indirect.gather [hbm4b:s0+s31], $0x80, s10, s31, $0xb8;
	[tilespmem:$0x1FC00] =	vst v63  }
0xc3: {  	_ =	swait.ge [sflag:s18], $0x1900  }
0xc4: {  	[sflag:s18] =	ssyncset.done $0x0  }
0xc5: {  	s10 =	simm.s32 $0x1500;
	[sflag:s18] =	ssyncadd.s32 $0xFFFFE700  }
0xc6: {  	[spmem:s3] =	stream.indirect.scatter.add.f32 [tilespmem:s11], [sflag:$0x7], $0x80, s10, s31, $0xb8;
	[tilespmem:$0x1FC00] =	vst v63  }
0xc7: {  	_ =	swait.ge [sflag:s29], $0x1900  }
0xc8: {  	[sflag:s29] =	ssyncset.done $0x0  }
0xc9: {  	s10 =	simm.s32 $0x380;
	[sflag:s29] =	ssyncadd.s32 $0xFFFFE700  }
0xca: {  	[tilespmem:s11], [sflag:$0x3] =	stream.indirect.gather [hbm4b:s0+s31], $0x80, s10, s31, $0xb8;
	[tilespmem:$0x1FC00] =	vst v63  }
0xcb: {  	_ =	swait.ge [sflag:s19], $0x1900  }
0xcc: {  	[sflag:s19] =	ssyncset.done $0x0  }
0xcd: {  	s10 =	simm.s32 $0x1580;
	[sflag:s19] =	ssyncadd.s32 $0xFFFFE700  }
0xce: {  	[spmem:s3] =	stream.indirect.scatter.add.f32 [tilespmem:s13], [sflag:$0x7], $0x80, s10, s31, $0xb8;
	[tilespmem:$0x1FC00] =	vst v63  }
0xcf: {  	_ =	swait.ge [sflag:s29], $0x1900  }
0xd0: {  	[sflag:s29] =	ssyncset.done $0x0  }
0xd1: {  	s10 =	simm.s32 $0x400;
	[sflag:s29] =	ssyncadd.s32 $0xFFFFE700  }
0xd2: {  	[tilespmem:s13], [sflag:$0x4] =	stream.indirect.gather [hbm4b:s0+s31], $0x80, s10, s31, $0xb8;
	[tilespmem:$0x1FC00] =	vst v63  }
0xd3: {  	_ =	swait.ge [sflag:s20], $0x1900  }
0xd4: {  	[sflag:s20] =	ssyncset.done $0x0  }
0xd5: {  	s10 =	simm.s32 $0x1600;
	[sflag:s20] =	ssyncadd.s32 $0xFFFFE700  }
0xd6: {  	[spmem:s3] =	stream.indirect.scatter.add.f32 [tilespmem:s15], [sflag:$0x7], $0x80, s10, s31, $0xb8;
	[tilespmem:$0x1FC00] =	vst v63  }
0xd7: {  	_ =	swait.ge [sflag:s29], $0x1900  }
0xd8: {  	[sflag:s29] =	ssyncset.done $0x0  }
0xd9: {  	s30 =	simm.s32 $0xA00;
	s2 =	simm.s32 $0x480;
	[sflag:s29] =	ssyncadd.s32 $0xFFFFE700  }
.LBB2_7:
0xda: {  	[tilespmem:s15], [sflag:$0x5] =	stream.indirect.gather [hbm4b:s0+s31], $0x80, s2, s31, $0xb8;
	[tilespmem:$0x1FC00] =	vst v63  }
0xdb: {  	s2 =	smov.u32 s30  }
0xdc: {  	p0 =	sne.s32 s30, $0x3C00;
	s30 =	sadd.s32 $0xA00, s30;
	_ =	swait.ge [sflag:s16], $0x1900  }
0xdd: {  	s2 =	sshra.s32 s2, $0x2;
	[sflag:s16] =	ssyncset.done $0x0  }
0xde: {  	s10 =	sadd.s32 $0x1400, s2;
	[sflag:s16] =	ssyncadd.s32 $0xFFFFE700  }
0xdf: {  	[spmem:s3] =	stream.indirect.scatter.add.f32 [tilespmem:s1], [sflag:$0x7], $0x80, s10, s31, $0xb8;
	[tilespmem:$0x1FC00] =	vst v63  }
0xe0: {  	_ =	swait.ge [sflag:s29], $0x1900  }
0xe1: {  	[sflag:s29] =	ssyncset.done $0x0  }
0xe2: {  	s10 =	sadd.s32 $0x280, s2;
	[sflag:s29] =	ssyncadd.s32 $0xFFFFE700  }
0xe3: {  	[tilespmem:s1], [sflag:$0x1] =	stream.indirect.gather [hbm4b:s0+s31], $0x80, s10, s31, $0xb8;
	[tilespmem:$0x1FC00] =	vst v63  }
0xe4: {  	_ =	swait.ge [sflag:s17], $0x1900  }
0xe5: {  	[sflag:s17] =	ssyncset.done $0x0  }
0xe6: {  	s10 =	sadd.s32 $0x1480, s2;
	[sflag:s17] =	ssyncadd.s32 $0xFFFFE700  }
0xe7: {  	[spmem:s3] =	stream.indirect.scatter.add.f32 [tilespmem:s9], [sflag:$0x7], $0x80, s10, s31, $0xb8;
	[tilespmem:$0x1FC00] =	vst v63  }
0xe8: {  	_ =	swait.ge [sflag:s29], $0x1900  }
0xe9: {  	[sflag:s29] =	ssyncset.done $0x0  }
0xea: {  	s10 =	sadd.s32 $0x300, s2;
	[sflag:s29] =	ssyncadd.s32 $0xFFFFE700  }
0xeb: {  	[tilespmem:s9], [sflag:$0x2] =	stream.indirect.gather [hbm4b:s0+s31], $0x80, s10, s31, $0xb8;
	[tilespmem:$0x1FC00] =	vst v63  }
0xec: {  	_ =	swait.ge [sflag:s18], $0x1900  }
0xed: {  	[sflag:s18] =	ssyncset.done $0x0  }
0xee: {  	s10 =	sadd.s32 $0x1500, s2;
	[sflag:s18] =	ssyncadd.s32 $0xFFFFE700  }
0xef: {  	[spmem:s3] =	stream.indirect.scatter.add.f32 [tilespmem:s11], [sflag:$0x7], $0x80, s10, s31, $0xb8;
	[tilespmem:$0x1FC00] =	vst v63  }
0xf0: {  	_ =	swait.ge [sflag:s29], $0x1900  }
0xf1: {  	[sflag:s29] =	ssyncset.done $0x0  }
0xf2: {  	s10 =	sadd.s32 $0x380, s2;
	[sflag:s29] =	ssyncadd.s32 $0xFFFFE700  }
0xf3: {  	[tilespmem:s11], [sflag:$0x3] =	stream.indirect.gather [hbm4b:s0+s31], $0x80, s10, s31, $0xb8;
	[tilespmem:$0x1FC00] =	vst v63  }
0xf4: {  	_ =	swait.ge [sflag:s19], $0x1900  }
0xf5: {  	[sflag:s19] =	ssyncset.done $0x0  }
0xf6: {  	s10 =	sadd.s32 $0x1580, s2;
	[sflag:s19] =	ssyncadd.s32 $0xFFFFE700  }
0xf7: {  	[spmem:s3] =	stream.indirect.scatter.add.f32 [tilespmem:s13], [sflag:$0x7], $0x80, s10, s31, $0xb8;
	[tilespmem:$0x1FC00] =	vst v63  }
0xf8: {  	_ =	swait.ge [sflag:s29], $0x1900  }
0xf9: {  	[sflag:s29] =	ssyncset.done $0x0  }
0xfa: {  	s10 =	sadd.s32 $0x400, s2;
	[sflag:s29] =	ssyncadd.s32 $0xFFFFE700  }
0xfb: {  	[tilespmem:s13], [sflag:$0x4] =	stream.indirect.gather [hbm4b:s0+s31], $0x80, s10, s31, $0xb8;
	[tilespmem:$0x1FC00] =	vst v63  }
0xfc: {  	_ =	swait.ge [sflag:s20], $0x1900  }
0xfd: {  	[sflag:s20] =	ssyncset.done $0x0  }
.Ltmp2:
0xfe: {  	s10 =	sadd.s32 $0x1600, s2;
	[sflag:s20] =	ssyncadd.s32 $0xFFFFE700;
	(pc) =	sbr.rel @p0 .LBB2_7-.Ltmp2, $4  }
0xff: {  	[spmem:s3] =	stream.indirect.scatter.add.f32 [tilespmem:s15], [sflag:$0x7], $0x80, s10, s31, $0xb8;
	[tilespmem:$0x1FC00] =	vst v63  }
0x100: {  	_ =	swait.ge [sflag:s29], $0x1900  }
0x101: {  	[sflag:s29] =	ssyncset.done $0x0  }
0x102: {  	s2 =	sadd.s32 $0x480, s2;
	[sflag:s29] =	ssyncadd.s32 $0xFFFFE700  }
0x103: {  	[tilespmem:s15], [sflag:$0x5] =	stream.indirect.gather [hbm4b:s0+s31], $0x80, s2, s31, $0xb8;
	[tilespmem:$0x1FC00] =	vst v63  }
0x104: {  	_ =	swait.ge [sflag:s16], $0x1900  }
0x105: {  	[sflag:s16] =	ssyncset.done $0x0  }
0x106: {  	[sflag:s16] =	ssyncadd.s32 $0xFFFFE700  }
0x107: {  	[spmem:s3] =	stream.indirect.scatter.add.f32 [tilespmem:s1], [sflag:$0x7], $0x80, s21, s31, $0xb8;
	[tilespmem:$0x1FC00] =	vst v63  }
0x108: {  	_ =	swait.ge [sflag:s29], $0x1900  }
0x109: {  	[sflag:s29] =	ssyncset.done $0x0  }
0x10a: {  	[sflag:s29] =	ssyncadd.s32 $0xFFFFE700  }
0x10b: {  	_ =	swait.ge [sflag:s17], $0x1900  }
0x10c: {  	[sflag:s17] =	ssyncset.done $0x0  }
0x10d: {  	[sflag:s17] =	ssyncadd.s32 $0xFFFFE700  }
0x10e: {  	[spmem:s3] =	stream.indirect.scatter.add.f32 [tilespmem:s9], [sflag:$0x7], $0x80, s22, s31, $0xb8;
	[tilespmem:$0x1FC00] =	vst v63  }
0x10f: {  	_ =	swait.ge [sflag:s29], $0x1900  }
0x110: {  	[sflag:s29] =	ssyncset.done $0x0  }
0x111: {  	[sflag:s29] =	ssyncadd.s32 $0xFFFFE700  }
0x112: {  	_ =	swait.ge [sflag:s18], $0x1900  }
0x113: {  	[sflag:s18] =	ssyncset.done $0x0  }
0x114: {  	[sflag:s18] =	ssyncadd.s32 $0xFFFFE700  }
0x115: {  	[spmem:s3] =	stream.indirect.scatter.add.f32 [tilespmem:s11], [sflag:$0x7], $0x80, s23, s31, $0xb8;
	[tilespmem:$0x1FC00] =	vst v63  }
0x116: {  	_ =	swait.ge [sflag:s29], $0x1900  }
0x117: {  	[sflag:s29] =	ssyncset.done $0x0  }
0x118: {  	[sflag:s29] =	ssyncadd.s32 $0xFFFFE700  }
0x119: {  	_ =	swait.ge [sflag:s19], $0x1900  }
0x11a: {  	[sflag:s19] =	ssyncset.done $0x0  }
0x11b: {  	[sflag:s19] =	ssyncadd.s32 $0xFFFFE700  }
0x11c: {  	[spmem:s3] =	stream.indirect.scatter.add.f32 [tilespmem:s13], [sflag:$0x7], $0x80, s24, s31, $0xb8;
	[tilespmem:$0x1FC00] =	vst v63  }
0x11d: {  	_ =	swait.ge [sflag:s29], $0x1900  }
0x11e: {  	[sflag:s29] =	ssyncset.done $0x0  }
0x11f: {  	[sflag:s29] =	ssyncadd.s32 $0xFFFFE700  }
0x120: {  	s4 =	sadd.s32 $0x1, s4;
	_ =	swait.ge [sflag:s20], $0x1900  }
0x121: {  	p0 =	sne.s32 s4, $0x5;
	[sflag:s20] =	ssyncset.done $0x0  }
.Ltmp3:
0x122: {  	[sflag:s20] =	ssyncadd.s32 $0xFFFFE700;
	(pc) =	sbr.rel @p0 .LBB2_6-.Ltmp3, $4  }
0x123: {  	[spmem:s3] =	stream.indirect.scatter.add.f32 [tilespmem:s15], [sflag:$0x7], $0x80, s25, s31, $0xb8;
	[tilespmem:$0x1FC00] =	vst v63  }
0x124: {  	_ =	swait.ge [sflag:s29], $0x1900  }
0x125: {  	[sflag:s29] =	ssyncset.done $0x0  }
0x126: {  	[sflag:s29] =	ssyncadd.s32 $0xFFFFE700  }
0x127: {  	s2 =	stileid.u32;
	[bflag:$0x0] =	sbarrier.arrive $0xFFFF  }
0x128: {  	s2 =	sshll.u32 s2, $0x6;
	s7 =	rddreg [dreg:$0x5]  }
0x129: {  	s10 =	rddreg [dreg:$0x6];
	s2 =	sor.u32 $0x1C07, s2;
	s4 =	sshrl.u32 s7, $0x3  }
0x12a: {  	[hbm:s10], [sflag:s2] =	dma.local [spmem:s4], $0x2800  }
0x12b: {  	_ =	swait.ge [sflag:s29], $0x2800  }
0x12c: {  	s4 =	rddreg [dreg:$0x4]  }
0x12d: {  	s30 =	rddreg [dreg:$0x7];
	s10 =	sadd.s32 $0x1, s4  }
0x12e: {  	p0 =	sne.s32 s10, s30  }
.Ltmp4:
0x12f: {  	_ = 	snop;
	(pc) =	sbr.rel @p0 .LBB2_1-.Ltmp4, $3  }
0x130: {  	_ =	sdelay $0x1  }
0x131: {  	[sflag:s29] =	ssyncset.done $0x0  }
0x132: {  	[sflag:s29] =	ssyncadd.s32 $0xFFFFD800  }
0x133: {  	_ =	sfence.sel $0x180000  }
0x134: {  	[bflag:$0x0] =	sbarrier.arrive $0xFFFF  }
0x135: {  	_ =	strace $0x9000004D  }
0x136: {  	s0 =	stileid.u32;
	[bflag:$0x2] =	sbarrier.arrive $0xFFFF  }
0x137: {  	p0 =	sne.s32 s0, $0x0;
	s0 =	rddreg [dreg:$0x3]  }
0x138: {  	s0 =	sadd.s32 @!p0 $0x100000, s0  }
0x139: {  	[sflag:s0] =	ssyncadd.tile.s32 @!p0 $0x1;
	_ =	shalt  }
.Lfunc_end2:
_tile_overlayer_lowered:
.L_overlay_start_2:
0x13a: {  	(tag) =	ssettag $0x2  }
0x13b: {  	s0 =	rddreg [dreg:$0x0];
	s2 =	stileid.u32  }
0x13c: {  	s1 =	rddreg [dreg:$0x1];
	p0 =	sne.s32 s2, $0x0  }
0x13d: {  	s3 =	rddreg [dreg:$0x2];
	[bflag:$0x3] =	sbarrier.arrive $0xFFFF;
	s2 =	simm.s32 @!p0 $0x1C07  }
0x13e: {  	[timem:s3], [sflag:s2] =	dma.local @!p0 [hbm:s0], s1  }
0x13f: {  	s0 =	simm.s32 @!p0 $0x7  }
0x140: {  	_ =	swait.ge @!p0 [sflag:s0], s1  }
0x141: {  	s1 =	ssub.s32 @!p0 $0x0, s1;
	[sflag:s0] =	ssyncset.done @!p0 $0x0  }
0x142: {  	[sflag:s0] =	ssyncadd.s32 @!p0 s1  }
0x143: {  	[bflag:$0x3] =	sbarrier.arrive $0xFFFF  }
0x144: {  	_ =	shalt  }

// kernel: kernel.19.cloned.1.call-start
scs
__scs_entry_jumppad:
0x0: {  	(pc) =	sbr.rel $0x88, $3  }
0x1: {  	(tag) =	ssettag $0x0;
	lr =	simm.s32 $0x1  }
0x2: {  	[smem:$0x3F96] =	sst lr;
	_ =	strace $0xD0000000  }
0x3: {  	_ = 	snop  }
0x4: {  	_ = 	snop  }
0x5: {  	_ = 	snop  }
0x6: {  	_ = 	snop  }
0x7: {  	_ = 	snop  }
__scs_overlays_trampoline_lowered:
0x8: {  	[smem:$0x3FA5] =	sst s0  }
0x9: {  	[smem:$0x3FA6] =	sst s1  }
0xa: {  	[smem:$0x3FA7] =	sst s2  }
0xb: {  	[smem:$0x3FA8] =	sst s3  }
0xc: {  	[smem:$0x3FA9] =	sst s4  }
0xd: {  	[smem:$0x3FAA] =	sst s5  }
0xe: {  	[smem:$0x3FAB] =	sst s6  }
0xf: {  	[smem:$0x3FAC] =	sst s7  }
0x10: {  	[smem:$0x3FAD] =	sst s8  }
0x11: {  	[smem:$0x3FAE] =	sst s9;
	s0 =	simm.s32 @!p0 $0x0  }
0x12: {  	s1 =	sld [smem:$0x3F94];
	s0 =	simm.s32 @p0 $0x1  }
0x13: {  	[smem:$0x3FAF] =	sst s0;
	s0 =	simm.s32 @!p1 $0x0  }
0x14: {  	s2 =	sld [smem:$0x3F93];
	s0 =	simm.s32 @p1 $0x1  }
0x15: {  	[smem:$0x3FB0] =	sst s0;
	s0 =	simm.s32 @!p2 $0x0  }
0x16: {  	s3 =	sld [smem:$0x3FDB];
	s0 =	simm.s32 @p2 $0x1  }
0x17: {  	s4 =	simm.s32 $0x1BF5;
	[smem:$0x3FB2] =	sst s0  }
0x18: {  	s0 =	sld [smem:$0x3F95];
	_ =	swait.ge [sflag:s4], $0x0  }
0x19: {  	s7 =	sld [smem:$0x3F96]  }
0x1a: {  	s8 =	sadd.s32 $0xFFFFE003, lr  }
0x1b: {  	s9 =	sadd.s32 $0xFFFFFEF7, lr;
	s5 =	simm.s32 $0xFFFFFFFF;
	p2 =	slt.u32 s8, $0xFFFFF086  }
0x1c: {  	p1 =	slt.u32 s9, $0xF7A;
	s5 =	simm.s32 @!p2 $0x0  }
0x1d: {  	s5 =	simm.s32 @p1 $0x1;
	p0 =	seq.s32 s7, s2  }
0x1e: {  	s7 =	smul.u32 @!p0 $0xF7A, s2;
	p2 =	seq.s32 @!p0 s5, $0x0  }
0x1f: {  	s9 =	smul.u32 $0xF7A, s1;
	s8 =	simm.s32 @!p0 $0x1BF5;
	p2 =	por !p2, p0  }
0x20: {  	[sflag:s8] =	ssyncset.s32 @!p0 $0xFFFFF086;
	s6 =	sadd.s32 @!p0 s3, s7;
	s7 =	simm.s32 @!p0 $0x108  }
0x21: {  	s3 =	sadd.s32 s3, s9;
	s6 =	sadd.s32 @!p0 $0x88, s6;
	s7 =	simm.s32 @p2 $0x1082  }
0x22: {  	[simem:s7], [sflag:s8] =	dma.local @!p0 [hbm:s6], $0xF7A  }
0x23: {  	s9 =	sor.u32 $0xD0000000, s2;
	s6 =	simm.s32 $0x108;
	_ =	swait.ge @!p0 [sflag:s8], $0x0  }
0x24: {  	s3 =	sadd.s32 $0x88, s3;
	s6 =	simm.s32 @!p1 $0x1082;
	[sflag:s4] =	ssyncset.s32 $0xFFFFF086  }
0x25: {  	[simem:s6], [sflag:s4] =	dma.local [hbm:s3], $0xF7A  }
0x26: {  	[smem:$0x3F96] =	sst s1;
	(tag) =	ssettag s2;
	_ =	strace s9  }
0x27: {  	s1 =	sld [smem:$0x3FA6]  }
0x28: {  	s2 =	sld [smem:$0x3FA7]  }
0x29: {  	s4 =	sld [smem:$0x3FA9]  }
0x2a: {  	p0 =	seq.s32 s5, $0x0;
	s5 =	sld [smem:$0x3FAA]  }
0x2b: {  	s6 =	sld [smem:$0x3FAB]  }
0x2c: {  	s7 =	sld [smem:$0x3FAC]  }
0x2d: {  	s3 =	simm.s32 $0x108;
	s8 =	sld [smem:$0x3FAD]  }
0x2e: {  	s3 =	simm.s32 @!p0 $0x1082;
	s9 =	sld [smem:$0x3FAE]  }
0x2f: {  	lr =	sadd.s32 s0, s3;
	s0 =	sld [smem:$0x3FA5]  }
0x30: {  	s3 =	sld [smem:$0x3FA8]  }
0x31: {  	[smem:$0x3FB1] =	sst s10  }
0x32: {  	s10 =	sld [smem:$0x3FAF];
	_ =	sdelay $0x3  }
0x33: {  	p0 =	seq.s32 s10, $0x1;
	s10 =	sld [smem:$0x3FB1];
	_ =	sdelay $0x3  }
0x34: {  	[smem:$0x3FB1] =	sst s10  }
0x35: {  	s10 =	sld [smem:$0x3FB0];
	_ =	sdelay $0x3  }
0x36: {  	p1 =	seq.s32 s10, $0x1;
	s10 =	sld [smem:$0x3FB1];
	_ =	sdelay $0x3  }
0x37: {  	[smem:$0x3FB1] =	sst s10  }
0x38: {  	s10 =	sld [smem:$0x3FB2]  }
0x39: {  	_ = 	snop;
	(pc) =	sbr.ind lr, $3  }
0x3a: {  	_ = 	snop  }
0x3b: {  	_ = 	snop  }
0x3c: {  	p2 =	seq.s32 s10, $0x1;
	s10 =	sld [smem:$0x3FB1]  }
0x3d: {  	_ =	shalt  }
0x3e: {  	_ =	shalt  }
0x3f: {  	_ =	shalt  }
0x40: {  	_ =	shalt  }
0x41: {  	_ =	shalt  }
0x42: {  	_ =	shalt  }
0x43: {  	_ =	shalt  }
0x44: {  	_ =	shalt  }
0x45: {  	_ =	shalt  }
0x46: {  	_ =	shalt  }
0x47: {  	_ =	shalt  }
0x48: {  	_ =	shalt  }
0x49: {  	_ =	shalt  }
0x4a: {  	_ =	shalt  }
0x4b: {  	_ =	shalt  }
0x4c: {  	_ =	shalt  }
0x4d: {  	_ =	shalt  }
0x4e: {  	_ =	shalt  }
0x4f: {  	_ =	shalt  }
0x50: {  	_ =	shalt  }
0x51: {  	_ =	shalt  }
0x52: {  	_ =	shalt  }
0x53: {  	_ =	shalt  }
0x54: {  	_ =	shalt  }
0x55: {  	_ =	shalt  }
0x56: {  	_ =	shalt  }
0x57: {  	_ =	shalt  }
0x58: {  	_ =	shalt  }
0x59: {  	_ =	shalt  }
0x5a: {  	_ =	shalt  }
0x5b: {  	_ =	shalt  }
0x5c: {  	_ =	shalt  }
0x5d: {  	_ =	shalt  }
0x5e: {  	_ =	shalt  }
0x5f: {  	_ =	shalt  }
0x60: {  	_ =	shalt  }
0x61: {  	_ =	shalt  }
0x62: {  	_ =	shalt  }
0x63: {  	_ =	shalt  }
0x64: {  	_ =	shalt  }
0x65: {  	_ =	shalt  }
0x66: {  	_ =	shalt  }
0x67: {  	_ =	shalt  }
0x68: {  	_ =	shalt  }
0x69: {  	_ =	shalt  }
0x6a: {  	_ =	shalt  }
0x6b: {  	_ =	shalt  }
0x6c: {  	_ =	shalt  }
0x6d: {  	_ =	shalt  }
0x6e: {  	_ =	shalt  }
0x6f: {  	_ =	shalt  }
0x70: {  	_ =	shalt  }
0x71: {  	_ =	shalt  }
0x72: {  	_ =	shalt  }
0x73: {  	_ =	shalt  }
0x74: {  	_ =	shalt  }
0x75: {  	_ =	shalt  }
0x76: {  	_ =	shalt  }
0x77: {  	_ =	shalt  }
0x78: {  	_ =	shalt  }
0x79: {  	_ =	shalt  }
0x7a: {  	_ =	shalt  }
0x7b: {  	_ =	shalt  }
0x7c: {  	_ =	shalt  }
0x7d: {  	_ =	shalt  }
0x7e: {  	_ =	shalt  }
0x7f: {  	_ =	shalt  }
0x80: {  	_ =	shalt  }
0x81: {  	_ =	shalt  }
0x82: {  	_ =	shalt  }
0x83: {  	_ =	shalt  }
0x84: {  	_ =	shalt  }
0x85: {  	_ =	shalt  }
0x86: {  	_ =	shalt  }
0x87: {  	_ =	shalt  }
.Lfunc_end0:
.L_simem_size_0:
called_computation.3_lowered:
.L_overlay_start_0:
0x88: {  	s2 =	sld [smem:$0x3FD9]  }
0x89: {  	s3 =	sld [smem:$0x3FFE];
	_ =	sdelay $0x1  }
0x8a: {  	s1 =	srdreg.scid  }
0x8b: {  	s0 =	sand.u32 $0x1, s1  }
0x8c: {  	s17 =	sshll.u32 s0, $0xA;
	s2 =	sadd.s32 s3, s2  }
0x8d: {  	s2 =	sadd.s32 s2, s17  }
0x8e: {  	[smem:$0x3FBD] =	sst s2  }
0x8f: {  	_ = 	snop  }
0x90: {  	s2 =	sld [smem:$0x3FD0];
	(tm) =	ssettm $0x1  }
0x91: {  	s18 =	sld [smem:$0x3FFB];
	_ =	sdelay $0x3  }
0x92: {  	_ =	strace s18  }
0x93: {  	s3 =	sld [smem:$0x3FFC];
	_ =	sdelay $0x3  }
0x94: {  	_ =	strace s3  }
0x95: {  	s3 =	sld [smem:$0x3FFD];
	_ =	sdelay $0x3  }
0x96: {  	_ =	strace s3  }
0x97: {  	_ =	strace $0x8FFFFFFF  }
0x98: {  	s19 =	sld [smem:$0x3FDB];
	_ =	sdelay $0x1  }
0x99: {  	s4 =	simm.s32 $_scs_section_size  }
0x9a: {  	s5 =	simm.s32 $_size__tile_overlayer_lowered;
	s6 =	simm.s32 $_tile_overlayer_lowered  }
0x9b: {  	s22 =	simm.s32 $0x1BFF;
	s21 =	sshll.u32 s6, $0x1;
	s3 =	sadd.s32 s4, s19  }
0x9c: {  	s7 =	simm.s32 $0x0;
	s20 =	sshll.u32 s5, $0x1;
	s5 =	sadd.s32 s21, s3  }
0x9d: {  	[timem:s7], [sflag:s22] =	dma.local [hbm:s5], s20  }
0x9e: {  	_ =	swait.ge [sflag:s22], s20  }
0x9f: {  	s4 =	ssub.s32 $0x0, s20;
	[sflag:s22] =	ssyncset.done $0x0  }
0xa0: {  	[sflag:s22] =	ssyncadd.s32 s4;
	_ =	sdelay $0x1  }
0xa1: {  	s23 =	simm.s32 $0x1B8B  }
0xa2: {  	_ =	swait.ge [sflag:s23], $0x1  }
0xa3: {  	[sflag:s23] =	ssyncset.done $0x0  }
0xa4: {  	s25 =	simm.s32 $0x1B8E;
	s24 =	sld [smem:$0x3FFE];
	[sflag:s23] =	ssyncadd.s32 $0xFFFFFFFF  }
0xa5: {  	s26 =	simm.s32 $execute0_lowered;
	[smem:$0x3FD2] =	sst s25  }
0xa6: {  	s5 =	sshll.u32 s26, $0x1;
	_ =	strace $0x8000004F;
	[dreg:$0x1] =	wrdreg $0xFFFFFFFF  }
0xa7: {  	s28 =	simm.s32 $_size_execute0_lowered;
	s3 =	sadd.s32 s3, s5;
	[dreg:$0x0] =	wrdreg $0x0  }
0xa8: {  	s5 =	sshll.u32 s28, $0x1;
	[dreg:$0x2] =	wrdreg s3  }
0xa9: {  	[dreg:$0x3] =	wrdreg s5  }
0xaa: {  	[dreg:$0x4] =	wrdreg $0xC0  }
0xab: {  	_ =	task [dreg:s7], $0x5FFFF  }
0xac: {  	[dreg:$0x1] =	wrdreg $0xFFFFFFFF  }
0xad: {  	[dreg:$0x0] =	wrdreg $0x60  }
0xae: {  	[dreg:$0x2] =	wrdreg s2  }
0xaf: {  	[dreg:$0x3] =	wrdreg s24  }
0xb0: {  	[dreg:$0x4] =	wrdreg $0xBC000  }
0xb1: {  	[dreg:$0x5] =	wrdreg $0x9  }
0xb2: {  	_ =	task.clear_ibuf [dreg:s7], $0x6FFFF;
	_ =	strace $0x9000004F  }
0xb3: {  	s29 =	simm.s32 $0x9;
	_ =	strace $0x80000051  }
0xb4: {  	_ =	swait.ge [sflag:s29], $0x1  }
0xb5: {  	[sflag:s29] =	ssyncadd.s32 $0xFFFFFFFF  }
0xb6: {  	_ =	strace $0x90000051  }
0xb7: {  	_ =	sfence  }
0xb8: {  	s30 =	sld [smem:$0x0];
	_ =	sdelay $0x2  }
0xb9: {  	s31 =	sshll.u32 s1, $0xD;
	s1 =	sshrl.u32 s1, $0x2  }
0xba: {  	s3 =	sand.u32 $0x4000, s31;
	s1 =	sadd.s32 s1, s30  }
0xbb: {  	s0 =	sor.u32 s3, s0;
	s1 =	sshll.u32 s1, $0x11  }
0xbc: {  	s0 =	sor.u32 s1, s0  }
0xbd: {  	s0 =	sadd.s32 $0x8F2B, s0  }
0xbe: {  	[sflag:s0] =	ssyncadd.remote.s32 $0x1  }
0xbf: {  	_ =	sfence.sel $0xFFFF  }
0xc0: {  	[dreg:$0x0] =	wrdreg $0xFFFFFFFF;
	(pc) =	sbr.abs _section_cstart, $3  }
0xc1: {  	[dreg:$0x1] =	wrdreg $0xFFFFFFFF  }
0xc2: {  	_ =	task.clear_ibuf [dreg:s7], $0x2FFFF;
	_ =	strace $0x9FFFFFFF  }
0xc3: {  	(tm) =	ssettm $0x7FFFFFFF  }
tec
execute0_lowered:
.L_overlay_start_1:
0x0: {  	(tag) =	ssettag $0x1  }
0x1: {  	s0 =	rddreg [dreg:$0x0]  }
0x2: {  	s1 =	rddreg [dreg:$0x1]  }
0x3: {  	s2 =	srdreg.scid;
	s9 =	stileid.u32  }
0x4: {  	s3 =	rddreg [dreg:$0x2];
	s10 =	simm.s32 $0x0;
	s7 =	smul.u32 $0x50000, s9  }
0x5: {  	s2 =	sand.u32 $0x1, s2;
	s5 =	smul.u32 $0x14000, s9;
	[smem:$0x7FF] =	sst s10  }
0x6: {  	s4 =	smul.u32 $0x140000, s2;
	_ =	strace $0x80000050;
	s7 =	sshrl.u32 s7, $0x2  }
0x7: {  	s30 =	ssub.s32 $0x2, s2;
	s2 =	sshll.u32 s2, $0x4;
	s7 =	sadd.s32 s7, s3  }
0x8: {  	s2 =	sor.u32 s9, s2;
	s9 =	sadd.s32 $0x1000, s7;
	[dreg:$0x5] =	wrdreg s7  }
0x9: {  	s11 =	sadd.s32 $0x1800, s7;
	[dreg:$0x9] =	wrdreg s9  }
0xa: {  	s12 =	sadd.s32 $0x2000, s7;
	[dreg:$0xa] =	wrdreg s11  }
0xb: {  	s13 =	sadd.s32 $0x2800, s7;
	[dreg:$0xb] =	wrdreg s12  }
0xc: {  	s14 =	sadd.s32 $0x3000, s7;
	[dreg:$0xc] =	wrdreg s13  }
0xd: {  	s15 =	sadd.s32 $0x3800, s7;
	[dreg:$0xd] =	wrdreg s14  }
0xe: {  	s16 =	sadd.s32 $0x4000, s7;
	[dreg:$0xe] =	wrdreg s15  }
0xf: {  	s17 =	sadd.s32 $0x4800, s7;
	[dreg:$0xf] =	wrdreg s16  }
0x10: {  	s18 =	sadd.s32 $0x5000, s7;
	[dreg:$0x10] =	wrdreg s17  }
0x11: {  	s19 =	sadd.s32 $0x5800, s7;
	[dreg:$0x11] =	wrdreg s18  }
0x12: {  	s20 =	sadd.s32 $0x6000, s7;
	[dreg:$0x12] =	wrdreg s19  }
0x13: {  	s6 =	sadd.s32 $0x4000, s1;
	s21 =	sadd.s32 $0x6800, s7;
	[dreg:$0x13] =	wrdreg s20  }
0x14: {  	s8 =	sshrl.u32 s30, $0x1;
	s22 =	sadd.s32 $0x7000, s7;
	[dreg:$0x14] =	wrdreg s21  }
0x15: {  	s4 =	sadd.s32 s5, s4;
	s23 =	sadd.s32 $0x7800, s7;
	[dreg:$0x15] =	wrdreg s22  }
0x16: {  	s5 =	sadd.s32 $0x1D000, s1;
	s24 =	sadd.s32 $0x8000, s7;
	[dreg:$0x16] =	wrdreg s23  }
0x17: {  	s4 =	sshrl.u32 s4, $0x3;
	s25 =	sadd.s32 $0x8800, s7;
	[dreg:$0x17] =	wrdreg s24  }
0x18: {  	s26 =	sadd.s32 $0x9000, s7;
	s1 =	sadd.s32 s4, s1;
	[dreg:$0x18] =	wrdreg s25  }
0x19: {  	s4 =	ssub.s32 s30, s8;
	[dreg:$0x19] =	wrdreg s26;
	s30 =	sadd.s32 $0x9800, s7  }
0x1a: {  	s9 =	sadd.s32 $0xB000, s7;
	[dreg:$0x1a] =	wrdreg s30  }
0x1b: {  	s11 =	sadd.s32 $0xB800, s7;
	[dreg:$0x1d] =	wrdreg s9  }
0x1c: {  	s12 =	sadd.s32 $0xC000, s7;
	[dreg:$0x1e] =	wrdreg s11  }
0x1d: {  	s13 =	sadd.s32 $0xC800, s7;
	[dreg:$0x1f] =	wrdreg s12  }
0x1e: {  	s14 =	sadd.s32 $0xD000, s7;
	[smem:$0x7EF] =	sst s13  }
0x1f: {  	s15 =	sadd.s32 $0xD800, s7;
	[smem:$0x7F0] =	sst s14  }
0x20: {  	s16 =	sadd.s32 $0xE000, s7;
	[smem:$0x7F1] =	sst s15  }
0x21: {  	s17 =	sadd.s32 $0xE800, s7;
	[smem:$0x7F2] =	sst s16  }
0x22: {  	s18 =	sadd.s32 $0xF000, s7;
	[smem:$0x7F3] =	sst s17  }
0x23: {  	s19 =	sadd.s32 $0xF800, s7;
	[smem:$0x7F4] =	sst s18  }
0x24: {  	s20 =	sadd.s32 $0x10000, s7;
	[smem:$0x7F5] =	sst s19  }
0x25: {  	s21 =	sadd.s32 $0x10800, s7;
	[smem:$0x7F6] =	sst s20  }
0x26: {  	s28 =	simm.s32 $0x6;
	s22 =	sadd.s32 $0x11000, s7;
	[smem:$0x7F7] =	sst s21  }
0x27: {  	s29 =	simm.s32 $0x7;
	s23 =	sadd.s32 $0x11800, s7;
	[smem:$0x7F8] =	sst s22  }
0x28: {  	s31 =	simm.s32 $0x32;
	s24 =	sadd.s32 $0x12000, s7;
	[smem:$0x7F9] =	sst s23  }
0x29: {  	s8 =	smul.u32 $0x6400, s2;
	s25 =	sadd.s32 $0x12800, s7;
	[smem:$0x7FA] =	sst s24  }
0x2a: {  	s26 =	sadd.s32 $0x13000, s7;
	s1 =	sadd.s32 $0x36000, s1;
	[smem:$0x7FB] =	sst s25  }
0x2b: {  	s2 =	smax.u32 s4, $0x1;
	s4 =	sadd.s32 $0x800, s7;
	[smem:$0x7FC] =	sst s26  }
0x2c: {  	s30 =	sadd.s32 $0x13800, s7;
	s26 =	simm.s32 $0xB400;
	s9 =	simm.s32 $0x4400  }
0x2d: {  	s11 =	simm.s32 $0x6000;
	s12 =	simm.s32 $0x180;
	s13 =	simm.s32 $0x7C00  }
0x2e: {  	s14 =	simm.s32 $0x200;
	s15 =	simm.s32 $0x9800;
	s16 =	simm.s32 $0x1  }
0x2f: {  	s17 =	simm.s32 $0x2;
	s18 =	simm.s32 $0x3;
	[dreg:$0x6] =	wrdreg s1  }
0x30: {  	s19 =	simm.s32 $0x4;
	s20 =	simm.s32 $0x5;
	[dreg:$0x7] =	wrdreg s2  }
0x31: {  	s21 =	simm.s32 $0x2580;
	s22 =	simm.s32 $0x2600;
	[dreg:$0x8] =	wrdreg s4  }
0x32: {  	s23 =	simm.s32 $0x2680;
	s2 =	sadd.s32 $0xA000, s7;
	[smem:$0x7FD] =	sst s30  }
0x33: {  	s24 =	simm.s32 $0x2700;
	s4 =	sadd.s32 $0xA800, s7;
	[dreg:$0x1b] =	wrdreg s2  }
0x34: {  	v0 =	vimm.f32 $0.0e+00;
	s25 =	simm.s32 $0x2780;
	s1 =	simm.s32 $0x2800;
	[dreg:$0x1c] =	wrdreg s4  }
.LBB2_1:
0x35: {  	s2 =	simm.s32 $0x0;
	s4 =	simm.s32 $0x200  }
.LBB2_2:
0x36: {  	p0 =	sne.s32 s4, $0x1E00;
	[tilespmem:s2+$0xB470] =	vst v0  }
0x37: {  	[tilespmem:s2+$0xB400] =	vst v0  }
0x38: {  	[tilespmem:s2+$0xB410] =	vst v0  }
.Ltmp0:
0x39: {  	[tilespmem:s2+$0xB420] =	vst v0;
	(pc) =	sbr.rel @p0 .LBB2_2-.Ltmp0, $4  }
0x3a: {  	[tilespmem:s2+$0xB430] =	vst v0  }
0x3b: {  	[tilespmem:s2+$0xB440] =	vst v0  }
0x3c: {  	[tilespmem:s2+$0xB450] =	vst v0  }
0x3d: {  	[tilespmem:s2+$0xB460] =	vst v0;
	s2 =	sshra.s32 s4, $0x2;
	s4 =	sadd.s32 $0x200, s4  }
0x3e: {  	[tilespmem:s2+$0xB470] =	vst v0  }
0x3f: {  	[tilespmem:s2+$0xB400] =	vst v0  }
0x40: {  	[tilespmem:s2+$0xB410] =	vst v0  }
0x41: {  	[tilespmem:s2+$0xB420] =	vst v0  }
0x42: {  	[tilespmem:s2+$0xB430] =	vst v0  }
0x43: {  	[tilespmem:s2+$0xB440] =	vst v0  }
0x44: {  	[dreg:$0x4] =	wrdreg s10;
	[tilespmem:s2+$0xB450] =	vst v0  }
0x45: {  	[tilespmem:s2+$0xB460] =	vst v0;
	s10 =	rddreg [dreg:$0x9]  }
0x46: {  	[spmem:s7] =	stream.linear.scatter [tilespmem:s26], [sflag:$0x6], $0x800, $0x38;
	[tilespmem:$0x1FC00] =	vst v63  }
0x47: {  	s7 =	rddreg [dreg:$0x8]  }
0x48: {  	[spmem:s7] =	stream.linear.scatter [tilespmem:s26], [sflag:$0x6], $0x800, $0x38;
	[tilespmem:$0x1FC00] =	vst v63  }
0x49: {  	s30 =	rddreg [dreg:$0xa]  }
0x4a: {  	[spmem:s10] =	stream.linear.scatter [tilespmem:s26], [sflag:$0x6], $0x800, $0x38;
	[tilespmem:$0x1FC00] =	vst v63  }
0x4b: {  	s4 =	rddreg [dreg:$0xb]  }
0x4c: {  	[spmem:s30] =	stream.linear.scatter [tilespmem:s26], [sflag:$0x6], $0x800, $0x38;
	[tilespmem:$0x1FC00] =	vst v63  }
0x4d: {  	s7 =	rddreg [dreg:$0xc]  }
0x4e: {  	[spmem:s4] =	stream.linear.scatter [tilespmem:s26], [sflag:$0x6], $0x800, $0x38;
	[tilespmem:$0x1FC00] =	vst v63  }
0x4f: {  	s10 =	rddreg [dreg:$0xd]  }
0x50: {  	[spmem:s7] =	stream.linear.scatter [tilespmem:s26], [sflag:$0x6], $0x800, $0x38;
	[tilespmem:$0x1FC00] =	vst v63  }
0x51: {  	s30 =	rddreg [dreg:$0xe]  }
0x52: {  	[spmem:s10] =	stream.linear.scatter [tilespmem:s26], [sflag:$0x6], $0x800, $0x38;
	[tilespmem:$0x1FC00] =	vst v63  }
0x53: {  	s4 =	rddreg [dreg:$0xf]  }
0x54: {  	[spmem:s30] =	stream.linear.scatter [tilespmem:s26], [sflag:$0x6], $0x800, $0x38;
	[tilespmem:$0x1FC00] =	vst v63  }
0x55: {  	s7 =	rddreg [dreg:$0x10]  }
0x56: {  	[spmem:s4] =	stream.linear.scatter [tilespmem:s26], [sflag:$0x6], $0x800, $0x38;
	[tilespmem:$0x1FC00] =	vst v63  }
0x57: {  	s10 =	rddreg [dreg:$0x11]  }
0x58: {  	[spmem:s7] =	stream.linear.scatter [tilespmem:s26], [sflag:$0x6], $0x800, $0x38;
	[tilespmem:$0x1FC00] =	vst v63  }
0x59: {  	s30 =	rddreg [dreg:$0x12]  }
0x5a: {  	[spmem:s10] =	stream.linear.scatter [tilespmem:s26], [sflag:$0x6], $0x800, $0x38;
	[tilespmem:$0x1FC00] =	vst v63  }
0x5b: {  	s4 =	rddreg [dreg:$0x13]  }
0x5c: {  	[spmem:s30] =	stream.linear.scatter [tilespmem:s26], [sflag:$0x6], $0x800, $0x38;
	[tilespmem:$0x1FC00] =	vst v63  }
0x5d: {  	s7 =	rddreg [dreg:$0x14]  }
0x5e: {  	[spmem:s4] =	stream.linear.scatter [tilespmem:s26], [sflag:$0x6], $0x800, $0x38;
	[tilespmem:$0x1FC00] =	vst v63  }
0x5f: {  	s10 =	rddreg [dreg:$0x15]  }
0x60: {  	[spmem:s7] =	stream.linear.scatter [tilespmem:s26], [sflag:$0x6], $0x800, $0x38;
	[tilespmem:$0x1FC00] =	vst v63  }
0x61: {  	s30 =	rddreg [dreg:$0x16]  }
0x62: {  	[spmem:s10] =	stream.linear.scatter [tilespmem:s26], [sflag:$0x6], $0x800, $0x38;
	[tilespmem:$0x1FC00] =	vst v63  }
0x63: {  	s4 =	rddreg [dreg:$0x17]  }
0x64: {  	[spmem:s30] =	stream.linear.scatter [tilespmem:s26], [sflag:$0x6], $0x800, $0x38;
	[tilespmem:$0x1FC00] =	vst v63  }
0x65: {  	s7 =	rddreg [dreg:$0x18]  }
0x66: {  	[spmem:s4] =	stream.linear.scatter [tilespmem:s26], [sflag:$0x6], $0x800, $0x38;
	[tilespmem:$0x1FC00] =	vst v63  }
0x67: {  	s10 =	rddreg [dreg:$0x19]  }
0x68: {  	[spmem:s7] =	stream.linear.scatter [tilespmem:s26], [sflag:$0x6], $0x800, $0x38;
	[tilespmem:$0x1FC00] =	vst v63  }
0x69: {  	s30 =	rddreg [dreg:$0x1a]  }
0x6a: {  	[spmem:s10] =	stream.linear.scatter [tilespmem:s26], [sflag:$0x6], $0x800, $0x38;
	[tilespmem:$0x1FC00] =	vst v63  }
0x6b: {  	s4 =	rddreg [dreg:$0x1b]  }
0x6c: {  	[spmem:s30] =	stream.linear.scatter [tilespmem:s26], [sflag:$0x6], $0x800, $0x38;
	[tilespmem:$0x1FC00] =	vst v63  }
0x6d: {  	s7 =	rddreg [dreg:$0x1c]  }
0x6e: {  	[spmem:s4] =	stream.linear.scatter [tilespmem:s26], [sflag:$0x6], $0x800, $0x38;
	[tilespmem:$0x1FC00] =	vst v63  }
0x6f: {  	s10 =	rddreg [dreg:$0x1d]  }
0x70: {  	[spmem:s7] =	stream.linear.scatter [tilespmem:s26], [sflag:$0x6], $0x800, $0x38;
	[tilespmem:$0x1FC00] =	vst v63  }
0x71: {  	s30 =	rddreg [dreg:$0x1e]  }
0x72: {  	[spmem:s10] =	stream.linear.scatter [tilespmem:s26], [sflag:$0x6], $0x800, $0x38;
	[tilespmem:$0x1FC00] =	vst v63  }
0x73: {  	s4 =	rddreg [dreg:$0x1f]  }
0x74: {  	[spmem:s30] =	stream.linear.scatter [tilespmem:s26], [sflag:$0x6], $0x800, $0x38;
	[tilespmem:$0x1FC00] =	vst v63  }
0x75: {  	s7 =	sld [smem:$0x7EF]  }
0x76: {  	[spmem:s4] =	stream.linear.scatter [tilespmem:s26], [sflag:$0x6], $0x800, $0x38;
	[tilespmem:$0x1FC00] =	vst v63  }
0x77: {  	s10 =	sld [smem:$0x7F0]  }
0x78: {  	[spmem:s7] =	stream.linear.scatter [tilespmem:s26], [sflag:$0x6], $0x800, $0x38;
	[tilespmem:$0x1FC00] =	vst v63  }
0x79: {  	s30 =	sld [smem:$0x7F1]  }
0x7a: {  	[spmem:s10] =	stream.linear.scatter [tilespmem:s26], [sflag:$0x6], $0x800, $0x38;
	[tilespmem:$0x1FC00] =	vst v63  }
0x7b: {  	s4 =	sld [smem:$0x7F2]  }
0x7c: {  	[spmem:s30] =	stream.linear.scatter [tilespmem:s26], [sflag:$0x6], $0x800, $0x38;
	[tilespmem:$0x1FC00] =	vst v63  }
0x7d: {  	s7 =	sld [smem:$0x7F3]  }
0x7e: {  	[spmem:s4] =	stream.linear.scatter [tilespmem:s26], [sflag:$0x6], $0x800, $0x38;
	[tilespmem:$0x1FC00] =	vst v63  }
0x7f: {  	s10 =	sld [smem:$0x7F4]  }
0x80: {  	[spmem:s7] =	stream.linear.scatter [tilespmem:s26], [sflag:$0x6], $0x800, $0x38;
	[tilespmem:$0x1FC00] =	vst v63  }
0x81: {  	s30 =	sld [smem:$0x7F5]  }
0x82: {  	[spmem:s10] =	stream.linear.scatter [tilespmem:s26], [sflag:$0x6], $0x800, $0x38;
	[tilespmem:$0x1FC00] =	vst v63  }
0x83: {  	s4 =	sld [smem:$0x7F6]  }
0x84: {  	[spmem:s30] =	stream.linear.scatter [tilespmem:s26], [sflag:$0x6], $0x800, $0x38;
	[tilespmem:$0x1FC00] =	vst v63  }
0x85: {  	s7 =	sld [smem:$0x7F7]  }
0x86: {  	[spmem:s4] =	stream.linear.scatter [tilespmem:s26], [sflag:$0x6], $0x800, $0x38;
	[tilespmem:$0x1FC00] =	vst v63  }
0x87: {  	s10 =	sld [smem:$0x7F8]  }
0x88: {  	[spmem:s7] =	stream.linear.scatter [tilespmem:s26], [sflag:$0x6], $0x800, $0x38;
	[tilespmem:$0x1FC00] =	vst v63  }
0x89: {  	s30 =	sld [smem:$0x7F9]  }
0x8a: {  	[spmem:s10] =	stream.linear.scatter [tilespmem:s26], [sflag:$0x6], $0x800, $0x38;
	[tilespmem:$0x1FC00] =	vst v63  }
0x8b: {  	s4 =	sld [smem:$0x7FA]  }
0x8c: {  	[spmem:s30] =	stream.linear.scatter [tilespmem:s26], [sflag:$0x6], $0x800, $0x38;
	[tilespmem:$0x1FC00] =	vst v63  }
0x8d: {  	s7 =	sld [smem:$0x7FB]  }
0x8e: {  	[spmem:s4] =	stream.linear.scatter [tilespmem:s26], [sflag:$0x6], $0x800, $0x38;
	[tilespmem:$0x1FC00] =	vst v63  }
0x8f: {  	s10 =	sld [smem:$0x7FC]  }
0x90: {  	[spmem:s7] =	stream.linear.scatter [tilespmem:s26], [sflag:$0x6], $0x800, $0x38;
	[tilespmem:$0x1FC00] =	vst v63  }
0x91: {  	s30 =	sld [smem:$0x7FD]  }
0x92: {  	[spmem:s10] =	stream.linear.scatter [tilespmem:s26], [sflag:$0x6], $0x800, $0x38;
	[tilespmem:$0x1FC00] =	vst v63  }
0x93: {  	_ = 	snop  }
0x94: {  	[spmem:s30] =	stream.linear.scatter [tilespmem:s26], [sflag:$0x6], $0x800, $0x38;
	[tilespmem:$0x1FC00] =	vst v63  }
0x95: {  	_ =	swait.ge [sflag:s28], $0x800  }
0x96: {  	s2 =	simm.s32 $0x27;
	[sflag:s28] =	ssyncset.done $0x0  }
.LBB2_4:
0x97: {  	p0 =	sne.s32 s2, $0x1;
	s2 =	sadd.s32 $0xFFFFFFFF, s2;
	[sflag:s28] =	ssyncadd.s32 $0xFFFFF800  }
.Ltmp1:
0x98: {  	(pc) =	sbr.rel @p0 .LBB2_4-.Ltmp1, $3  }
0x99: {  	_ =	sdelay $0x1  }
0x9a: {  	_ =	swait.ge [sflag:s28], $0x800  }
0x9b: {  	[sflag:s28] =	ssyncset.done $0x0  }
0x9c: {  	[sflag:s28] =	ssyncadd.s32 $0xFFFFF800  }
0x9d: {  	s7 =	simm.s32 $0x0;
	s4 =	simm.s32 $0x0;
	[bflag:$0x0] =	sbarrier.arrive $0xFFFF  }
.LBB2_6:
0x9e: {  	s2 =	smul.u32 $0x1400, s4;
	_ =	sdelay $0x1  }
0x9f: {  	s2 =	sadd.s32 s8, s2  }
0xa0: {  	s2 =	sshrl.u32 s2, $0x3  }
0xa1: {  	s30 =	sadd.s32 s5, s2  }
0xa2: {  	[tilespmem:s7], [sflag:$0x7] =	stream.linear.gather [hbm4b:s30+s7], $0x1400, $0x38;
	[tilespmem:$0x1FC00] =	vst v63  }
0xa3: {  	_ =	swait.ge [sflag:s29], $0x1400  }
0xa4: {  	[sflag:s29] =	ssyncset.done $0x0  }
0xa5: {  	s10 =	simm.s32 $0x1400;
	s2 =	sadd.s32 s6, s2;
	[sflag:s29] =	ssyncadd.s32 $0xFFFFEC00  }
0xa6: {  	[tilespmem:s10], [sflag:$0x7] =	stream.linear.gather [hbm4b:s2+s7], $0x1400, $0x38;
	[tilespmem:$0x1FC00] =	vst v63  }
0xa7: {  	_ =	swait.ge [sflag:s29], $0x1400  }
0xa8: {  	[sflag:s29] =	ssyncset.done $0x0  }
0xa9: {  	[sflag:s29] =	ssyncadd.s32 $0xFFFFEC00  }
0xaa: {  	[tilespmem:s1], [sflag:$0x1] =	stream.indirect.gather [hbm4b:s0+s31], $0x80, s7, s31, $0xb8;
	[tilespmem:$0x1FC00] =	vst v63  }
0xab: {  	s10 =	simm.s32 $0x80  }
0xac: {  	[tilespmem:s9], [sflag:$0x2] =	stream.indirect.gather [hbm4b:s0+s31], $0x80, s10, s31, $0xb8;
	[tilespmem:$0x1FC00] =	vst v63  }
0xad: {  	s10 =	simm.s32 $0x100  }
0xae: {  	[tilespmem:s11], [sflag:$0x3] =	stream.indirect.gather [hbm4b:s0+s31], $0x80, s10, s31, $0xb8;
	[tilespmem:$0x1FC00] =	vst v63  }
0xaf: {  	_ = 	snop  }
0xb0: {  	[tilespmem:s13], [sflag:$0x4] =	stream.indirect.gather [hbm4b:s0+s31], $0x80, s12, s31, $0xb8;
	[tilespmem:$0x1FC00] =	vst v63  }
0xb1: {  	_ = 	snop  }
0xb2: {  	[tilespmem:s15], [sflag:$0x5] =	stream.indirect.gather [hbm4b:s0+s31], $0x80, s14, s31, $0xb8;
	[tilespmem:$0x1FC00] =	vst v63  }
0xb3: {  	_ =	swait.ge [sflag:s16], $0x1900  }
0xb4: {  	[sflag:s16] =	ssyncset.done $0x0  }
0xb5: {  	s10 =	simm.s32 $0x1400;
	[sflag:s16] =	ssyncadd.s32 $0xFFFFE700  }
0xb6: {  	[spmem:s3] =	stream.indirect.scatter.add.f32 [tilespmem:s1], [sflag:$0x7], $0x80, s10, s31, $0xb8;
	[tilespmem:$0x1FC00] =	vst v63  }
0xb7: {  	_ =	swait.ge [sflag:s29], $0x1900  }
0xb8: {  	[sflag:s29] =	ssyncset.done $0x0  }
0xb9: {  	s10 =	simm.s32 $0x280;
	[sflag:s29] =	ssyncadd.s32 $0xFFFFE700  }
0xba: {  	[tilespmem:s1], [sflag:$0x1] =	stream.indirect.gather [hbm4b:s0+s31], $0x80, s10, s31, $0xb8;
	[tilespmem:$0x1FC00] =	vst v63  }
0xbb: {  	_ =	swait.ge [sflag:s17], $0x1900  }
0xbc: {  	[sflag:s17] =	ssyncset.done $0x0  }
0xbd: {  	s10 =	simm.s32 $0x1480;
	[sflag:s17] =	ssyncadd.s32 $0xFFFFE700  }
0xbe: {  	[spmem:s3] =	stream.indirect.scatter.add.f32 [tilespmem:s9], [sflag:$0x7], $0x80, s10, s31, $0xb8;
	[tilespmem:$0x1FC00] =	vst v63  }
0xbf: {  	_ =	swait.ge [sflag:s29], $0x1900  }
0xc0: {  	[sflag:s29] =	ssyncset.done $0x0  }
0xc1: {  	s10 =	simm.s32 $0x300;
	[sflag:s29] =	ssyncadd.s32 $0xFFFFE700  }
0xc2: {  	[tilespmem:s9], [sflag:$0x2] =	stream.indirect.gather [hbm4b:s0+s31], $0x80, s10, s31, $0xb8;
	[tilespmem:$0x1FC00] =	vst v63  }
0xc3: {  	_ =	swait.ge [sflag:s18], $0x1900  }
0xc4: {  	[sflag:s18] =	ssyncset.done $0x0  }
0xc5: {  	s10 =	simm.s32 $0x1500;
	[sflag:s18] =	ssyncadd.s32 $0xFFFFE700  }
0xc6: {  	[spmem:s3] =	stream.indirect.scatter.add.f32 [tilespmem:s11], [sflag:$0x7], $0x80, s10, s31, $0xb8;
	[tilespmem:$0x1FC00] =	vst v63  }
0xc7: {  	_ =	swait.ge [sflag:s29], $0x1900  }
0xc8: {  	[sflag:s29] =	ssyncset.done $0x0  }
0xc9: {  	s10 =	simm.s32 $0x380;
	[sflag:s29] =	ssyncadd.s32 $0xFFFFE700  }
0xca: {  	[tilespmem:s11], [sflag:$0x3] =	stream.indirect.gather [hbm4b:s0+s31], $0x80, s10, s31, $0xb8;
	[tilespmem:$0x1FC00] =	vst v63  }
0xcb: {  	_ =	swait.ge [sflag:s19], $0x1900  }
0xcc: {  	[sflag:s19] =	ssyncset.done $0x0  }
0xcd: {  	s10 =	simm.s32 $0x1580;
	[sflag:s19] =	ssyncadd.s32 $0xFFFFE700  }
0xce: {  	[spmem:s3] =	stream.indirect.scatter.add.f32 [tilespmem:s13], [sflag:$0x7], $0x80, s10, s31, $0xb8;
	[tilespmem:$0x1FC00] =	vst v63  }
0xcf: {  	_ =	swait.ge [sflag:s29], $0x1900  }
0xd0: {  	[sflag:s29] =	ssyncset.done $0x0  }
0xd1: {  	s10 =	simm.s32 $0x400;
	[sflag:s29] =	ssyncadd.s32 $0xFFFFE700  }
0xd2: {  	[tilespmem:s13], [sflag:$0x4] =	stream.indirect.gather [hbm4b:s0+s31], $0x80, s10, s31, $0xb8;
	[tilespmem:$0x1FC00] =	vst v63  }
0xd3: {  	_ =	swait.ge [sflag:s20], $0x1900  }
0xd4: {  	[sflag:s20] =	ssyncset.done $0x0  }
0xd5: {  	s10 =	simm.s32 $0x1600;
	[sflag:s20] =	ssyncadd.s32 $0xFFFFE700  }
0xd6: {  	[spmem:s3] =	stream.indirect.scatter.add.f32 [tilespmem:s15], [sflag:$0x7], $0x80, s10, s31, $0xb8;
	[tilespmem:$0x1FC00] =	vst v63  }
0xd7: {  	_ =	swait.ge [sflag:s29], $0x1900  }
0xd8: {  	[sflag:s29] =	ssyncset.done $0x0  }
0xd9: {  	s30 =	simm.s32 $0xA00;
	s2 =	simm.s32 $0x480;
	[sflag:s29] =	ssyncadd.s32 $0xFFFFE700  }
.LBB2_7:
0xda: {  	[tilespmem:s15], [sflag:$0x5] =	stream.indirect.gather [hbm4b:s0+s31], $0x80, s2, s31, $0xb8;
	[tilespmem:$0x1FC00] =	vst v63  }
0xdb: {  	s2 =	smov.u32 s30  }
0xdc: {  	p0 =	sne.s32 s30, $0x3C00;
	s30 =	sadd.s32 $0xA00, s30;
	_ =	swait.ge [sflag:s16], $0x1900  }
0xdd: {  	s2 =	sshra.s32 s2, $0x2;
	[sflag:s16] =	ssyncset.done $0x0  }
0xde: {  	s10 =	sadd.s32 $0x1400, s2;
	[sflag:s16] =	ssyncadd.s32 $0xFFFFE700  }
0xdf: {  	[spmem:s3] =	stream.indirect.scatter.add.f32 [tilespmem:s1], [sflag:$0x7], $0x80, s10, s31, $0xb8;
	[tilespmem:$0x1FC00] =	vst v63  }
0xe0: {  	_ =	swait.ge [sflag:s29], $0x1900  }
0xe1: {  	[sflag:s29] =	ssyncset.done $0x0  }
0xe2: {  	s10 =	sadd.s32 $0x280, s2;
	[sflag:s29] =	ssyncadd.s32 $0xFFFFE700  }
0xe3: {  	[tilespmem:s1], [sflag:$0x1] =	stream.indirect.gather [hbm4b:s0+s31], $0x80, s10, s31, $0xb8;
	[tilespmem:$0x1FC00] =	vst v63  }
0xe4: {  	_ =	swait.ge [sflag:s17], $0x1900  }
0xe5: {  	[sflag:s17] =	ssyncset.done $0x0  }
0xe6: {  	s10 =	sadd.s32 $0x1480, s2;
	[sflag:s17] =	ssyncadd.s32 $0xFFFFE700  }
0xe7: {  	[spmem:s3] =	stream.indirect.scatter.add.f32 [tilespmem:s9], [sflag:$0x7], $0x80, s10, s31, $0xb8;
	[tilespmem:$0x1FC00] =	vst v63  }
0xe8: {  	_ =	swait.ge [sflag:s29], $0x1900  }
0xe9: {  	[sflag:s29] =	ssyncset.done $0x0  }
0xea: {  	s10 =	sadd.s32 $0x300, s2;
	[sflag:s29] =	ssyncadd.s32 $0xFFFFE700  }
0xeb: {  	[tilespmem:s9], [sflag:$0x2] =	stream.indirect.gather [hbm4b:s0+s31], $0x80, s10, s31, $0xb8;
	[tilespmem:$0x1FC00] =	vst v63  }
0xec: {  	_ =	swait.ge [sflag:s18], $0x1900  }
0xed: {  	[sflag:s18] =	ssyncset.done $0x0  }
0xee: {  	s10 =	sadd.s32 $0x1500, s2;
	[sflag:s18] =	ssyncadd.s32 $0xFFFFE700  }
0xef: {  	[spmem:s3] =	stream.indirect.scatter.add.f32 [tilespmem:s11], [sflag:$0x7], $0x80, s10, s31, $0xb8;
	[tilespmem:$0x1FC00] =	vst v63  }
0xf0: {  	_ =	swait.ge [sflag:s29], $0x1900  }
0xf1: {  	[sflag:s29] =	ssyncset.done $0x0  }
0xf2: {  	s10 =	sadd.s32 $0x380, s2;
	[sflag:s29] =	ssyncadd.s32 $0xFFFFE700  }
0xf3: {  	[tilespmem:s11], [sflag:$0x3] =	stream.indirect.gather [hbm4b:s0+s31], $0x80, s10, s31, $0xb8;
	[tilespmem:$0x1FC00] =	vst v63  }
0xf4: {  	_ =	swait.ge [sflag:s19], $0x1900  }
0xf5: {  	[sflag:s19] =	ssyncset.done $0x0  }
0xf6: {  	s10 =	sadd.s32 $0x1580, s2;
	[sflag:s19] =	ssyncadd.s32 $0xFFFFE700  }
0xf7: {  	[spmem:s3] =	stream.indirect.scatter.add.f32 [tilespmem:s13], [sflag:$0x7], $0x80, s10, s31, $0xb8;
	[tilespmem:$0x1FC00] =	vst v63  }
0xf8: {  	_ =	swait.ge [sflag:s29], $0x1900  }
0xf9: {  	[sflag:s29] =	ssyncset.done $0x0  }
0xfa: {  	s10 =	sadd.s32 $0x400, s2;
	[sflag:s29] =	ssyncadd.s32 $0xFFFFE700  }
0xfb: {  	[tilespmem:s13], [sflag:$0x4] =	stream.indirect.gather [hbm4b:s0+s31], $0x80, s10, s31, $0xb8;
	[tilespmem:$0x1FC00] =	vst v63  }
0xfc: {  	_ =	swait.ge [sflag:s20], $0x1900  }
0xfd: {  	[sflag:s20] =	ssyncset.done $0x0  }
.Ltmp2:
0xfe: {  	s10 =	sadd.s32 $0x1600, s2;
	[sflag:s20] =	ssyncadd.s32 $0xFFFFE700;
	(pc) =	sbr.rel @p0 .LBB2_7-.Ltmp2, $4  }
0xff: {  	[spmem:s3] =	stream.indirect.scatter.add.f32 [tilespmem:s15], [sflag:$0x7], $0x80, s10, s31, $0xb8;
	[tilespmem:$0x1FC00] =	vst v63  }
0x100: {  	_ =	swait.ge [sflag:s29], $0x1900  }
0x101: {  	[sflag:s29] =	ssyncset.done $0x0  }
0x102: {  	s2 =	sadd.s32 $0x480, s2;
	[sflag:s29] =	ssyncadd.s32 $0xFFFFE700  }
0x103: {  	[tilespmem:s15], [sflag:$0x5] =	stream.indirect.gather [hbm4b:s0+s31], $0x80, s2, s31, $0xb8;
	[tilespmem:$0x1FC00] =	vst v63  }
0x104: {  	_ =	swait.ge [sflag:s16], $0x1900  }
0x105: {  	[sflag:s16] =	ssyncset.done $0x0  }
0x106: {  	[sflag:s16] =	ssyncadd.s32 $0xFFFFE700  }
0x107: {  	[spmem:s3] =	stream.indirect.scatter.add.f32 [tilespmem:s1], [sflag:$0x7], $0x80, s21, s31, $0xb8;
	[tilespmem:$0x1FC00] =	vst v63  }
0x108: {  	_ =	swait.ge [sflag:s29], $0x1900  }
0x109: {  	[sflag:s29] =	ssyncset.done $0x0  }
0x10a: {  	[sflag:s29] =	ssyncadd.s32 $0xFFFFE700  }
0x10b: {  	_ =	swait.ge [sflag:s17], $0x1900  }
0x10c: {  	[sflag:s17] =	ssyncset.done $0x0  }
0x10d: {  	[sflag:s17] =	ssyncadd.s32 $0xFFFFE700  }
0x10e: {  	[spmem:s3] =	stream.indirect.scatter.add.f32 [tilespmem:s9], [sflag:$0x7], $0x80, s22, s31, $0xb8;
	[tilespmem:$0x1FC00] =	vst v63  }
0x10f: {  	_ =	swait.ge [sflag:s29], $0x1900  }
0x110: {  	[sflag:s29] =	ssyncset.done $0x0  }
0x111: {  	[sflag:s29] =	ssyncadd.s32 $0xFFFFE700  }
0x112: {  	_ =	swait.ge [sflag:s18], $0x1900  }
0x113: {  	[sflag:s18] =	ssyncset.done $0x0  }
0x114: {  	[sflag:s18] =	ssyncadd.s32 $0xFFFFE700  }
0x115: {  	[spmem:s3] =	stream.indirect.scatter.add.f32 [tilespmem:s11], [sflag:$0x7], $0x80, s23, s31, $0xb8;
	[tilespmem:$0x1FC00] =	vst v63  }
0x116: {  	_ =	swait.ge [sflag:s29], $0x1900  }
0x117: {  	[sflag:s29] =	ssyncset.done $0x0  }
0x118: {  	[sflag:s29] =	ssyncadd.s32 $0xFFFFE700  }
0x119: {  	_ =	swait.ge [sflag:s19], $0x1900  }
0x11a: {  	[sflag:s19] =	ssyncset.done $0x0  }
0x11b: {  	[sflag:s19] =	ssyncadd.s32 $0xFFFFE700  }
0x11c: {  	[spmem:s3] =	stream.indirect.scatter.add.f32 [tilespmem:s13], [sflag:$0x7], $0x80, s24, s31, $0xb8;
	[tilespmem:$0x1FC00] =	vst v63  }
0x11d: {  	_ =	swait.ge [sflag:s29], $0x1900  }
0x11e: {  	[sflag:s29] =	ssyncset.done $0x0  }
0x11f: {  	[sflag:s29] =	ssyncadd.s32 $0xFFFFE700  }
0x120: {  	s4 =	sadd.s32 $0x1, s4;
	_ =	swait.ge [sflag:s20], $0x1900  }
0x121: {  	p0 =	sne.s32 s4, $0x5;
	[sflag:s20] =	ssyncset.done $0x0  }
.Ltmp3:
0x122: {  	[sflag:s20] =	ssyncadd.s32 $0xFFFFE700;
	(pc) =	sbr.rel @p0 .LBB2_6-.Ltmp3, $4  }
0x123: {  	[spmem:s3] =	stream.indirect.scatter.add.f32 [tilespmem:s15], [sflag:$0x7], $0x80, s25, s31, $0xb8;
	[tilespmem:$0x1FC00] =	vst v63  }
0x124: {  	_ =	swait.ge [sflag:s29], $0x1900  }
0x125: {  	[sflag:s29] =	ssyncset.done $0x0  }
0x126: {  	[sflag:s29] =	ssyncadd.s32 $0xFFFFE700  }
0x127: {  	s2 =	stileid.u32;
	[bflag:$0x0] =	sbarrier.arrive $0xFFFF  }
0x128: {  	s2 =	sshll.u32 s2, $0x6;
	s7 =	rddreg [dreg:$0x5]  }
0x129: {  	s10 =	rddreg [dreg:$0x6];
	s2 =	sor.u32 $0x1C07, s2;
	s4 =	sshrl.u32 s7, $0x3  }
0x12a: {  	[hbm:s10], [sflag:s2] =	dma.local [spmem:s4], $0x2800  }
0x12b: {  	_ =	swait.ge [sflag:s29], $0x2800  }
0x12c: {  	s4 =	rddreg [dreg:$0x4]  }
0x12d: {  	s30 =	rddreg [dreg:$0x7];
	s10 =	sadd.s32 $0x1, s4  }
0x12e: {  	p0 =	sne.s32 s10, s30  }
.Ltmp4:
0x12f: {  	_ = 	snop;
	(pc) =	sbr.rel @p0 .LBB2_1-.Ltmp4, $3  }
0x130: {  	_ =	sdelay $0x1  }
0x131: {  	[sflag:s29] =	ssyncset.done $0x0  }
0x132: {  	[sflag:s29] =	ssyncadd.s32 $0xFFFFD800  }
0x133: {  	_ =	sfence.sel $0x180000  }
0x134: {  	[bflag:$0x0] =	sbarrier.arrive $0xFFFF  }
0x135: {  	_ =	strace $0x90000050  }
0x136: {  	s0 =	stileid.u32;
	[bflag:$0x2] =	sbarrier.arrive $0xFFFF  }
0x137: {  	p0 =	sne.s32 s0, $0x0;
	s0 =	rddreg [dreg:$0x3]  }
0x138: {  	s0 =	sadd.s32 @!p0 $0x100000, s0  }
0x139: {  	[sflag:s0] =	ssyncadd.tile.s32 @!p0 $0x1;
	_ =	shalt  }
.Lfunc_end2:
_tile_overlayer_lowered:
.L_overlay_start_2:
0x13a: {  	(tag) =	ssettag $0x2  }
0x13b: {  	s0 =	rddreg [dreg:$0x0];
	s2 =	stileid.u32  }
0x13c: {  	s1 =	rddreg [dreg:$0x1];
	p0 =	sne.s32 s2, $0x0  }
0x13d: {  	s3 =	rddreg [dreg:$0x2];
	[bflag:$0x3] =	sbarrier.arrive $0xFFFF;
	s2 =	simm.s32 @!p0 $0x1C07  }
0x13e: {  	[timem:s3], [sflag:s2] =	dma.local @!p0 [hbm:s0], s1  }
0x13f: {  	s0 =	simm.s32 @!p0 $0x7  }
0x140: {  	_ =	swait.ge @!p0 [sflag:s0], s1  }
0x141: {  	s1 =	ssub.s32 @!p0 $0x0, s1;
	[sflag:s0] =	ssyncset.done @!p0 $0x0  }
0x142: {  	[sflag:s0] =	ssyncadd.s32 @!p0 s1  }
0x143: {  	[bflag:$0x3] =	sbarrier.arrive $0xFFFF  }
0x144: {  	_ =	shalt  }

</sc_bundles>
